<compile_context>
chip_gen: v7x
topology: tpu7x:2x2x1
jax: 0.10.2.dev20260603
libtpu: 0.0.44.dev20260713+nightly
codegen_flags: <defaults>
</compile_context>

<pallas_src>
import functools

import jax
import jax.numpy as jnp
from jax import lax
from jax.experimental import pallas as pl
from jax.experimental.pallas import tpu as pltpu
from jax.experimental.pallas import tpu_sc as plsc

NU = 20000
NI = 30000
NN = 50000
D = 64
H = 32
E = 800000
NC = 2
NS = 16
L = 16
CH = 128
NCHK = E // CH
NBK = 49
GS = 5
RS = 8
RPT = NN // NS
ZR = 125

_mesh = plsc.VectorSubcoreMesh(
    core_axis_name="c", subcore_axis_name="s", num_cores=NC, num_subcores=NS)


@functools.partial(
    pl.kernel,
    out_type=jax.ShapeDtypeStruct((NN, D), jnp.float32),
    mesh=_mesh,
    scratch_types=[
        pltpu.VMEM_SHARED((NN, H), jnp.float32),
        pltpu.VMEM((2, 1024), jnp.int32),
        pltpu.VMEM((2, 1024), jnp.float32),
        pltpu.VMEM((RS, CH), jnp.int32),
        pltpu.VMEM((GS, CH, H), jnp.float32),
        pltpu.SemaphoreType.DMA,
        pltpu.SemaphoreType.DMA,
        pltpu.SemaphoreType.DMA,
        pltpu.SemaphoreType.DMA,
        pltpu.SemaphoreType.DMA,
    ],
    compiler_params=pltpu.CompilerParams(use_tc_tiling_on_sc=False,
                                         needs_layout_passes=False),
)
def _sc_segment_sum(table, col1, row1, val1, out, acc, colv, valv, rowx,
                    ring, lsem, gsem0, gsem1, rsem, ssem):
    c = lax.axis_index("c")
    s = lax.axis_index("s")
    rbase = s * RPT

    def zero_body(i, carry):
        ring[0, i, pl.ds(0, L)] = jnp.zeros((L,), jnp.float32)
        ring[0, i, pl.ds(L, L)] = jnp.zeros((L,), jnp.float32)
        return carry

    lax.fori_loop(0, ZR, zero_body, 0)
    for z in range(RPT // ZR):
        pltpu.async_copy(ring.at[0, pl.ds(0, ZR)],
                         acc.at[pl.ds(rbase + z * ZR, ZR)], ssem)
    for z in range(RPT // ZR):
        pltpu.make_async_copy(ring.at[0, pl.ds(0, ZR)],
                              acc.at[pl.ds(rbase, ZR)], ssem).wait()
    plsc.subcore_barrier()

    cpt = jnp.where(s < 10, 391, 390)
    ebase = (s * 390 + jnp.minimum(s, 10)) * CH

    def fire_block_loads(b, slot, short):
        base = ebase + b * 1024

        @pl.when(jnp.logical_not(short))
        def _():
            pltpu.async_copy(col1.at[pl.ds(base, 1024)], colv.at[slot], lsem)
            pltpu.async_copy(val1.at[pl.ds(base, 1024)], valv.at[slot], lsem)

        @pl.when(short)
        def _():
            pltpu.async_copy(col1.at[pl.ds(base, 768)],
                             colv.at[slot, pl.ds(0, 768)], lsem)
            pltpu.async_copy(val1.at[pl.ds(base, 768)],
                             valv.at[slot, pl.ds(0, 768)], lsem)

    def wait_block_loads(short):
        @pl.when(jnp.logical_not(short))
        def _():
            for _ in range(2):
                pltpu.make_async_copy(col1.at[pl.ds(0, 1024)], colv.at[0],
                                      lsem).wait()

        @pl.when(short)
        def _():
            for _ in range(2):
                pltpu.make_async_copy(col1.at[pl.ds(0, 768)],
                                      colv.at[0, pl.ds(0, 768)], lsem).wait()

    def fire_gather(t):
        jn = t & 7
        sbn = (t >> 3) & 1
        slotn = lax.rem(t, GS)
        for k in range(CH // L):
            v = colv[sbn, pl.ds(jn * CH + k * L, L)]
            colv[sbn, pl.ds(jn * CH + k * L, L)] = v + (v + c)
        @pl.when((t & 1) == 0)
        def _():
            pltpu.async_copy(table.at[colv.at[sbn, pl.ds(jn * CH, CH)]],
                             ring.at[slotn], gsem0)

        @pl.when((t & 1) == 1)
        def _():
            pltpu.async_copy(table.at[colv.at[sbn, pl.ds(jn * CH, CH)]],
                             ring.at[slotn], gsem1)
        pltpu.async_copy(row1.at[pl.ds(ebase + t * CH, CH)],
                         rowx.at[t & (RS - 1)], rsem)

    def wait_chunk(sem):
        pltpu.make_async_copy(table.at[pl.ds(0, CH)], ring.at[0], sem).wait()

    def wait_gather(q):
        @pl.when((q & 1) == 0)
        def _():
            wait_chunk(gsem0)

        @pl.when((q & 1) == 1)
        def _():
            wait_chunk(gsem1)

    def wait_rowload():
        pltpu.make_async_copy(row1.at[pl.ds(0, CH)], rowx.at[0], rsem).wait()

    fire_block_loads(0, 0, jnp.bool_(False))
    wait_block_loads(jnp.bool_(False))
    fire_block_loads(1, 1, jnp.bool_(False))
    for t in range(3):
        fire_gather(t)

    def chunk_body(q, carry):
        j = q & 7
        b = q >> 3
        sb = b & 1
        slot = lax.rem(q, GS)

        @pl.when((j == 5) & (b + 1 < NBK))
        def _():
            wait_block_loads((s == 15) & (b + 1 == NBK - 1))

        @pl.when((q >= 2) & (q + 3 < cpt))
        def _():
            wait_chunk(ssem)
            fire_gather(q + 3)

        @pl.when((q < 2) & (q + 3 < cpt))
        def _():
            fire_gather(q + 3)

        wait_gather(q)

        @pl.when((j == 2) & (b >= 1) & (b + 1 < NBK))
        def _():
            fire_block_loads(b + 1, (b + 1) & 1,
                             (s == 15) & (b + 1 == NBK - 1))

        @plsc.parallel_loop(0, CH, step=L)
        def _scale(e0):
            vv = valv[sb, pl.ds(j * CH + e0, L)]
            for m in range(L):
                sv = vv[m]
                g0 = ring[slot, e0 + m, pl.ds(0, L)]
                ring[slot, e0 + m, pl.ds(0, L)] = g0 * sv
                g1 = ring[slot, e0 + m, pl.ds(L, L)]
                ring[slot, e0 + m, pl.ds(L, L)] = g1 * sv

        wait_rowload()
        pltpu.async_copy(ring.at[slot], acc.at[rowx.at[q & (RS - 1)]], ssem,
                         add=True)
        return carry

    lax.fori_loop(0, cpt, chunk_body, 0)
    for _ in range(GS):
        wait_chunk(ssem)
    plsc.subcore_barrier()
    pltpu.sync_copy(acc.at[pl.ds(rbase, RPT)],
                    out.at[pl.ds(rbase, RPT), pl.ds(c * H, H)])


ROWS_TC = 2000


def _tc_dense_body(emb_ref, side_ref, w1_ref, b1_ref, w2_ref, b2_ref, out_ref):
    emb = emb_ref[...]
    side = side_ref[...]
    s1 = jnp.dot(side, w1_ref[...], preferred_element_type=jnp.float32)
    s1 = s1 + b1_ref[...]
    s1 = jnp.where(s1 >= 0, s1, 0.01 * s1)
    s2 = jnp.dot(emb * side, w2_ref[...], preferred_element_type=jnp.float32)
    s2 = s2 + b2_ref[...]
    s2 = jnp.where(s2 >= 0, s2, 0.01 * s2)
    o = s1 + s2
    ss = jnp.dot(o * o, jnp.ones((D, 1), jnp.float32),
                 preferred_element_type=jnp.float32,
                 precision=lax.Precision.HIGHEST)
    inv = 1.0 / jnp.maximum(jnp.sqrt(ss), 1e-12)
    o = o * inv
    out_ref[:, 0:D] = emb
    out_ref[:, D:2 * D] = o


def _tc_dense(n_rows, row_off):
    return pl.pallas_call(
        _tc_dense_body,
        grid=(n_rows // ROWS_TC,),
        in_specs=[
            pl.BlockSpec((ROWS_TC, D), lambda i: (i, 0)),
            pl.BlockSpec((ROWS_TC, D), lambda i, o=row_off: (i + o, 0)),
            pl.BlockSpec((D, D), lambda i: (0, 0)),
            pl.BlockSpec((1, D), lambda i: (0, 0)),
            pl.BlockSpec((D, D), lambda i: (0, 0)),
            pl.BlockSpec((1, D), lambda i: (0, 0)),
        ],
        out_specs=pl.BlockSpec((ROWS_TC, 2 * D), lambda i: (i, 0)),
        out_shape=jax.ShapeDtypeStruct((n_rows, 2 * D), jnp.float32),
    )


_tc_users = _tc_dense(NU, 0)
_tc_items = _tc_dense(NI, NU // ROWS_TC)


def kernel(user_embedding, item_embedding, adj_row, adj_col, adj_val,
           W_gc_1, b_gc_1, W_bi_1, b_bi_1):
    ego = jnp.concatenate([user_embedding, item_embedding], axis=0)
    table = ego.reshape(2 * NN, H)
    side = _sc_segment_sum(table, adj_col.astype(jnp.int32),
                           adj_row.astype(jnp.int32),
                           adj_val.astype(jnp.float32))
    u_out = _tc_users(user_embedding, side, W_gc_1, b_gc_1, W_bi_1, b_bi_1)
    i_out = _tc_items(item_embedding, side, W_gc_1, b_gc_1, W_bi_1, b_bi_1)
    return (u_out, i_out)

# --- scband reference (transcript-rebuilt; emitter-appended) ---
"""Pipeline reference for scband-gcn-13795434954860 (READ-ONLY COPY).

The authoritative reference and input builder live on the scoring server;
editing this copy changes nothing except your own understanding.
"""

import jax, jax.numpy as jnp
import numpy as np

N_USERS = 20000
N_ITEMS = 30000
N_NODES = N_USERS + N_ITEMS
N_EDGES = 800000
EMB_DIM = 64


def setup_inputs(seed: int = 0) -> dict:
    key = jax.random.key(seed)
    ks = jax.random.split(key, 9)
    user_embedding = jax.random.normal(ks[0], (N_USERS, EMB_DIM), dtype=jnp.float32) * 0.1
    item_embedding = jax.random.normal(ks[1], (N_ITEMS, EMB_DIM), dtype=jnp.float32) * 0.1
    adj_row = jax.random.randint(ks[2], (N_EDGES,), 0, N_NODES, dtype=jnp.int64 if jax.config.jax_enable_x64 else jnp.int32)
    adj_col = jax.random.randint(ks[3], (N_EDGES,), 0, N_NODES, dtype=jnp.int64 if jax.config.jax_enable_x64 else jnp.int32)
    adj_val = jax.random.uniform(ks[4], (N_EDGES,), dtype=jnp.float32) * (1.0 / 16.0)
    W_gc_1 = jax.random.normal(ks[5], (EMB_DIM, EMB_DIM), dtype=jnp.float32) * 0.1
    b_gc_1 = jax.random.normal(ks[6], (1, EMB_DIM), dtype=jnp.float32) * 0.1
    W_bi_1 = jax.random.normal(ks[7], (EMB_DIM, EMB_DIM), dtype=jnp.float32) * 0.1
    b_bi_1 = jax.random.normal(ks[8], (1, EMB_DIM), dtype=jnp.float32) * 0.1
    return {
        'user_embedding': user_embedding,
        'item_embedding': item_embedding,
        'adj_row': adj_row,
        'adj_col': adj_col,
        'adj_val': adj_val,
        'W_gc_1': W_gc_1,
        'b_gc_1': b_gc_1,
        'W_bi_1': W_bi_1,
        'b_bi_1': b_bi_1,
    }


def reference(user_embedding, item_embedding, adj_row, adj_col, adj_val, W_gc_1, b_gc_1, W_bi_1, b_bi_1):
    # ego embeddings = concat of user and item tables
    ego_embeddings = jnp.concatenate([user_embedding, item_embedding], axis=0)
    # sparse matmul: side = A_hat @ ego  (COO: row <- sum over col of val * ego[col])
    gathered = ego_embeddings[adj_col] * adj_val[:, None]
    side_embeddings = jax.ops.segment_sum(gathered, adj_row, num_segments=N_NODES)
    # GCN transform branch
    sum_embeddings = jax.nn.leaky_relu(side_embeddings @ W_gc_1 + b_gc_1, negative_slope=0.01)
    # bi-interaction branch
    bi_embeddings = ego_embeddings * side_embeddings
    bi_embeddings = jax.nn.leaky_relu(bi_embeddings @ W_bi_1 + b_bi_1, negative_slope=0.01)
    ego_out = sum_embeddings + bi_embeddings
    # F.normalize(p=2, dim=1) with eps=1e-12
    norms = jnp.sqrt(jnp.sum(ego_out * ego_out, axis=1, keepdims=True))
    norm_embeddings = ego_out / jnp.maximum(norms, 1e-12)
    all_embeddings = jnp.concatenate([ego_embeddings, norm_embeddings], axis=1)
    u_g_embeddings = all_embeddings[:N_USERS]
    i_g_embeddings = all_embeddings[N_USERS:]
    return (u_g_embeddings, i_g_embeddings)

if __name__ == "__main__":
    import jax
    _d = setup_inputs()
    print(jax.jit(kernel)(*tuple(_d.values())))

</pallas_src>

<mosaic_0001>
#map = affine_map<(d0, d1) -> (0, 0)>
#map1 = affine_map<(d0, d1) -> (0)>
module attributes {stable_mosaic.version = 14 : i64} {
  func.func @_sc_segment_sum(%arg0: i32, %arg1: i32, %arg2: memref<100000x32xf32, #tpu.memory_space<hbm>>, %arg3: memref<800000xi32, #tpu.memory_space<hbm>>, %arg4: memref<800000xi32, #tpu.memory_space<hbm>>, %arg5: memref<800000xf32, #tpu.memory_space<hbm>>, %arg6: memref<50000x64xf32, #tpu.memory_space<hbm>>, %arg7: memref<50000x32xf32, #tpu.memory_space<vmem_shared>>, %arg8: memref<2x1024xi32, #tpu.memory_space<vmem>>, %arg9: memref<2x1024xf32, #tpu.memory_space<vmem>>, %arg10: memref<8x128xi32, #tpu.memory_space<vmem>>, %arg11: memref<5x128x32xf32, #tpu.memory_space<vmem>>, %arg12: memref<!tpu.dma_semaphore, #tpu.memory_space<semaphore_mem>>, %arg13: memref<!tpu.dma_semaphore, #tpu.memory_space<semaphore_mem>>, %arg14: memref<!tpu.dma_semaphore, #tpu.memory_space<semaphore_mem>>, %arg15: memref<!tpu.dma_semaphore, #tpu.memory_space<semaphore_mem>>, %arg16: memref<!tpu.dma_semaphore, #tpu.memory_space<semaphore_mem>>) attributes {dimension_semantics = [#tpu.dimension_semantics<core_parallel>, #tpu.dimension_semantics<subcore_parallel>], iteration_bounds = array<i64: 2, 16>, scalar_prefetch = 0 : i64, scratch_operands = 10 : i64, tpu.core_type = #tpu.core_type<sc_vector_subcore>, window_params = [{transform_indices = #map}, {transform_indices = #map1}, {transform_indices = #map1}, {transform_indices = #map1}, {transform_indices = #map}]} {
    %mul3A = arith.constant 3125 : i32
    %mul3A_0 = arith.muli %arg1, %mul3A : i32
    %scan3A = arith.constant 0 : i32
    %scan3A_1 = arith.constant 0 : i32
    %scan3A_2 = arith.constant 125 : i32
    %scan3A_3 = arith.addi %scan3A_1, %scan3A_2 : i32
    %scan3A_4 = arith.constant 1 : i32
    scf.for %scan3A_1156 = %scan3A_1 to %scan3A_3 step %scan3A_4  : i32 {
      %broadcast_in_dim3A = arith.constant 0.000000e+00 : f32
      %broadcast_in_dim3A_1157 = vector.broadcast %broadcast_in_dim3A : f32 to vector<16xf32>
      %swap3A_1158 = arith.constant 0 : i32
      %swap3A_1159 = arith.index_cast %swap3A_1158 : i32 to index
      %swap3A_1160 = arith.index_cast %scan3A_1156 : i32 to index
      %swap3A_1161 = arith.constant 0 : index
      %swap3A_1162 = tpu.vector_load %arg11[%swap3A_1159, %swap3A_1160, %swap3A_1161] {strides = array<i32>} : memref<5x128x32xf32, #tpu.memory_space<vmem>>, vector<16xf32>,
      tpu.vector_store %arg11[%swap3A_1159, %swap3A_1160, %swap3A_1161], %broadcast_in_dim3A_1157 {strides = array<i32>} : memref<5x128x32xf32, #tpu.memory_space<vmem>>, vector<16xf32>,
      %broadcast_in_dim3A_1163 = arith.constant 0.000000e+00 : f32
      %broadcast_in_dim3A_1164 = vector.broadcast %broadcast_in_dim3A_1163 : f32 to vector<16xf32>
      %swap3A_1165 = arith.constant 0 : i32
      %swap3A_1166 = arith.index_cast %swap3A_1165 : i32 to index
      %swap3A_1167 = arith.index_cast %scan3A_1156 : i32 to index
      %swap3A_1168 = arith.constant 16 : index
      %swap3A_1169 = tpu.vector_load %arg11[%swap3A_1166, %swap3A_1167, %swap3A_1168] {strides = array<i32>} : memref<5x128x32xf32, #tpu.memory_space<vmem>>, vector<16xf32>,
      tpu.vector_store %arg11[%swap3A_1166, %swap3A_1167, %swap3A_1168], %broadcast_in_dim3A_1164 {strides = array<i32>} : memref<5x128x32xf32, #tpu.memory_space<vmem>>, vector<16xf32>,
    }
    %scan3A_5 = arith.constant 125 : i32
    %add3A = arith.constant 0 : i32
    %add3A_6 = arith.addi %mul3A_0, %add3A : i32
    %dma_start3A = arith.constant 0 : i32
    %dma_start3A_7 = arith.constant 0 : i32
    %dma_start3A_8 = arith.constant 0 : i32
    %dma_start3A_9 = tpu.memref_slice %arg11[%dma_start3A, %dma_start3A_7, %dma_start3A_8] : memref<5x128x32xf32, #tpu.memory_space<vmem>> -> memref<1x125x32xf32, #tpu.memory_space<vmem>>
    %dma_start3A_10 = tpu.memref_squeeze %dma_start3A_9 : memref<1x125x32xf32, #tpu.memory_space<vmem>> -> memref<125x32xf32, #tpu.memory_space<vmem>>
    %dma_start3A_11 = arith.constant 0 : i32
    %dma_start3A_12 = tpu.memref_slice %arg7[%add3A_6, %dma_start3A_11] : memref<50000x32xf32, #tpu.memory_space<vmem_shared>> -> memref<125x32xf32, #tpu.memory_space<vmem_shared>>
    %dma_start3A_13 = arith.constant 0 : i32
    %dma_start3A_14 = tpu.memref_slice %arg7[%add3A_6, %dma_start3A_13] : memref<50000x32xf32, #tpu.memory_space<vmem_shared>> -> memref<125x32xf32, #tpu.memory_space<vmem_shared>>
    %dma_start3A_15 = arith.constant 0 : i32
    %dma_start3A_16 = arith.constant 0 : i32
    %dma_start3A_17 = tpu.memref_slice %arg11[%dma_start3A, %dma_start3A_15, %dma_start3A_16] : memref<5x128x32xf32, #tpu.memory_space<vmem>> -> memref<1x125x32xf32, #tpu.memory_space<vmem>>
    %dma_start3A_18 = tpu.memref_squeeze %dma_start3A_17 : memref<1x125x32xf32, #tpu.memory_space<vmem>> -> memref<125x32xf32, #tpu.memory_space<vmem>>
    tpu.enqueue_dma source(%dma_start3A_18 : memref<125x32xf32, #tpu.memory_space<vmem>>) target(%dma_start3A_14 : memref<125x32xf32, #tpu.memory_space<vmem_shared>>) target_semaphore(%arg16 : memref<!tpu.dma_semaphore, #tpu.memory_space<semaphore_mem>>)
    %add3A_19 = arith.constant 125 : i32
    %add3A_20 = arith.addi %mul3A_0, %add3A_19 : i32
    %dma_start3A_21 = arith.constant 0 : i32
    %dma_start3A_22 = arith.constant 0 : i32
    %dma_start3A_23 = arith.constant 0 : i32
    %dma_start3A_24 = tpu.memref_slice %arg11[%dma_start3A_21, %dma_start3A_22, %dma_start3A_23] : memref<5x128x32xf32, #tpu.memory_space<vmem>> -> memref<1x125x32xf32, #tpu.memory_space<vmem>>
    %dma_start3A_25 = tpu.memref_squeeze %dma_start3A_24 : memref<1x125x32xf32, #tpu.memory_space<vmem>> -> memref<125x32xf32, #tpu.memory_space<vmem>>
    %dma_start3A_26 = arith.constant 0 : i32
    %dma_start3A_27 = tpu.memref_slice %arg7[%add3A_20, %dma_start3A_26] : memref<50000x32xf32, #tpu.memory_space<vmem_shared>> -> memref<125x32xf32, #tpu.memory_space<vmem_shared>>
    %dma_start3A_28 = arith.constant 0 : i32
    %dma_start3A_29 = tpu.memref_slice %arg7[%add3A_20, %dma_start3A_28] : memref<50000x32xf32, #tpu.memory_space<vmem_shared>> -> memref<125x32xf32, #tpu.memory_space<vmem_shared>>
    %dma_start3A_30 = arith.constant 0 : i32
    %dma_start3A_31 = arith.constant 0 : i32
    %dma_start3A_32 = tpu.memref_slice %arg11[%dma_start3A_21, %dma_start3A_30, %dma_start3A_31] : memref<5x128x32xf32, #tpu.memory_space<vmem>> -> memref<1x125x32xf32, #tpu.memory_space<vmem>>
    %dma_start3A_33 = tpu.memref_squeeze %dma_start3A_32 : memref<1x125x32xf32, #tpu.memory_space<vmem>> -> memref<125x32xf32, #tpu.memory_space<vmem>>
    tpu.enqueue_dma source(%dma_start3A_33 : memref<125x32xf32, #tpu.memory_space<vmem>>) target(%dma_start3A_29 : memref<125x32xf32, #tpu.memory_space<vmem_shared>>) target_semaphore(%arg16 : memref<!tpu.dma_semaphore, #tpu.memory_space<semaphore_mem>>)
    %add3A_34 = arith.constant 250 : i32
    %add3A_35 = arith.addi %mul3A_0, %add3A_34 : i32
    %dma_start3A_36 = arith.constant 0 : i32
    %dma_start3A_37 = arith.constant 0 : i32
    %dma_start3A_38 = arith.constant 0 : i32
    %dma_start3A_39 = tpu.memref_slice %arg11[%dma_start3A_36, %dma_start3A_37, %dma_start3A_38] : memref<5x128x32xf32, #tpu.memory_space<vmem>> -> memref<1x125x32xf32, #tpu.memory_space<vmem>>
    %dma_start3A_40 = tpu.memref_squeeze %dma_start3A_39 : memref<1x125x32xf32, #tpu.memory_space<vmem>> -> memref<125x32xf32, #tpu.memory_space<vmem>>
    %dma_start3A_41 = arith.constant 0 : i32
    %dma_start3A_42 = tpu.memref_slice %arg7[%add3A_35, %dma_start3A_41] : memref<50000x32xf32, #tpu.memory_space<vmem_shared>> -> memref<125x32xf32, #tpu.memory_space<vmem_shared>>
    %dma_start3A_43 = arith.constant 0 : i32
    %dma_start3A_44 = tpu.memref_slice %arg7[%add3A_35, %dma_start3A_43] : memref<50000x32xf32, #tpu.memory_space<vmem_shared>> -> memref<125x32xf32, #tpu.memory_space<vmem_shared>>
    %dma_start3A_45 = arith.constant 0 : i32
    %dma_start3A_46 = arith.constant 0 : i32
    %dma_start3A_47 = tpu.memref_slice %arg11[%dma_start3A_36, %dma_start3A_45, %dma_start3A_46] : memref<5x128x32xf32, #tpu.memory_space<vmem>> -> memref<1x125x32xf32, #tpu.memory_space<vmem>>
    %dma_start3A_48 = tpu.memref_squeeze %dma_start3A_47 : memref<1x125x32xf32, #tpu.memory_space<vmem>> -> memref<125x32xf32, #tpu.memory_space<vmem>>
    tpu.enqueue_dma source(%dma_start3A_48 : memref<125x32xf32, #tpu.memory_space<vmem>>) target(%dma_start3A_44 : memref<125x32xf32, #tpu.memory_space<vmem_shared>>) target_semaphore(%arg16 : memref<!tpu.dma_semaphore, #tpu.memory_space<semaphore_mem>>)
    %add3A_49 = arith.constant 375 : i32
    %add3A_50 = arith.addi %mul3A_0, %add3A_49 : i32
    %dma_start3A_51 = arith.constant 0 : i32
    %dma_start3A_52 = arith.constant 0 : i32
    %dma_start3A_53 = arith.constant 0 : i32
    %dma_start3A_54 = tpu.memref_slice %arg11[%dma_start3A_51, %dma_start3A_52, %dma_start3A_53] : memref<5x128x32xf32, #tpu.memory_space<vmem>> -> memref<1x125x32xf32, #tpu.memory_space<vmem>>
    %dma_start3A_55 = tpu.memref_squeeze %dma_start3A_54 : memref<1x125x32xf32, #tpu.memory_space<vmem>> -> memref<125x32xf32, #tpu.memory_space<vmem>>
    %dma_start3A_56 = arith.constant 0 : i32
    %dma_start3A_57 = tpu.memref_slice %arg7[%add3A_50, %dma_start3A_56] : memref<50000x32xf32, #tpu.memory_space<vmem_shared>> -> memref<125x32xf32, #tpu.memory_space<vmem_shared>>
    %dma_start3A_58 = arith.constant 0 : i32
    %dma_start3A_59 = tpu.memref_slice %arg7[%add3A_50, %dma_start3A_58] : memref<50000x32xf32, #tpu.memory_space<vmem_shared>> -> memref<125x32xf32, #tpu.memory_space<vmem_shared>>
    %dma_start3A_60 = arith.constant 0 : i32
    %dma_start3A_61 = arith.constant 0 : i32
    %dma_start3A_62 = tpu.memref_slice %arg11[%dma_start3A_51, %dma_start3A_60, %dma_start3A_61] : memref<5x128x32xf32, #tpu.memory_space<vmem>> -> memref<1x125x32xf32, #tpu.memory_space<vmem>>
    %dma_start3A_63 = tpu.memref_squeeze %dma_start3A_62 : memref<1x125x32xf32, #tpu.memory_space<vmem>> -> memref<125x32xf32, #tpu.memory_space<vmem>>
    tpu.enqueue_dma source(%dma_start3A_63 : memref<125x32xf32, #tpu.memory_space<vmem>>) target(%dma_start3A_59 : memref<125x32xf32, #tpu.memory_space<vmem_shared>>) target_semaphore(%arg16 : memref<!tpu.dma_semaphore, #tpu.memory_space<semaphore_mem>>)
    %add3A_64 = arith.constant 500 : i32
    %add3A_65 = arith.addi %mul3A_0, %add3A_64 : i32
    %dma_start3A_66 = arith.constant 0 : i32
    %dma_start3A_67 = arith.constant 0 : i32
    %dma_start3A_68 = arith.constant 0 : i32
    %dma_start3A_69 = tpu.memref_slice %arg11[%dma_start3A_66, %dma_start3A_67, %dma_start3A_68] : memref<5x128x32xf32, #tpu.memory_space<vmem>> -> memref<1x125x32xf32, #tpu.memory_space<vmem>>
    %dma_start3A_70 = tpu.memref_squeeze %dma_start3A_69 : memref<1x125x32xf32, #tpu.memory_space<vmem>> -> memref<125x32xf32, #tpu.memory_space<vmem>>
    %dma_start3A_71 = arith.constant 0 : i32
    %dma_start3A_72 = tpu.memref_slice %arg7[%add3A_65, %dma_start3A_71] : memref<50000x32xf32, #tpu.memory_space<vmem_shared>> -> memref<125x32xf32, #tpu.memory_space<vmem_shared>>
    %dma_start3A_73 = arith.constant 0 : i32
    %dma_start3A_74 = tpu.memref_slice %arg7[%add3A_65, %dma_start3A_73] : memref<50000x32xf32, #tpu.memory_space<vmem_shared>> -> memref<125x32xf32, #tpu.memory_space<vmem_shared>>
    %dma_start3A_75 = arith.constant 0 : i32
    %dma_start3A_76 = arith.constant 0 : i32
    %dma_start3A_77 = tpu.memref_slice %arg11[%dma_start3A_66, %dma_start3A_75, %dma_start3A_76] : memref<5x128x32xf32, #tpu.memory_space<vmem>> -> memref<1x125x32xf32, #tpu.memory_space<vmem>>
    %dma_start3A_78 = tpu.memref_squeeze %dma_start3A_77 : memref<1x125x32xf32, #tpu.memory_space<vmem>> -> memref<125x32xf32, #tpu.memory_space<vmem>>
    tpu.enqueue_dma source(%dma_start3A_78 : memref<125x32xf32, #tpu.memory_space<vmem>>) target(%dma_start3A_74 : memref<125x32xf32, #tpu.memory_space<vmem_shared>>) target_semaphore(%arg16 : memref<!tpu.dma_semaphore, #tpu.memory_space<semaphore_mem>>)
    %add3A_79 = arith.constant 625 : i32
    %add3A_80 = arith.addi %mul3A_0, %add3A_79 : i32
    %dma_start3A_81 = arith.constant 0 : i32
    %dma_start3A_82 = arith.constant 0 : i32
    %dma_start3A_83 = arith.constant 0 : i32
    %dma_start3A_84 = tpu.memref_slice %arg11[%dma_start3A_81, %dma_start3A_82, %dma_start3A_83] : memref<5x128x32xf32, #tpu.memory_space<vmem>> -> memref<1x125x32xf32, #tpu.memory_space<vmem>>
    %dma_start3A_85 = tpu.memref_squeeze %dma_start3A_84 : memref<1x125x32xf32, #tpu.memory_space<vmem>> -> memref<125x32xf32, #tpu.memory_space<vmem>>
    %dma_start3A_86 = arith.constant 0 : i32
    %dma_start3A_87 = tpu.memref_slice %arg7[%add3A_80, %dma_start3A_86] : memref<50000x32xf32, #tpu.memory_space<vmem_shared>> -> memref<125x32xf32, #tpu.memory_space<vmem_shared>>
    %dma_start3A_88 = arith.constant 0 : i32
    %dma_start3A_89 = tpu.memref_slice %arg7[%add3A_80, %dma_start3A_88] : memref<50000x32xf32, #tpu.memory_space<vmem_shared>> -> memref<125x32xf32, #tpu.memory_space<vmem_shared>>
    %dma_start3A_90 = arith.constant 0 : i32
    %dma_start3A_91 = arith.constant 0 : i32
    %dma_start3A_92 = tpu.memref_slice %arg11[%dma_start3A_81, %dma_start3A_90, %dma_start3A_91] : memref<5x128x32xf32, #tpu.memory_space<vmem>> -> memref<1x125x32xf32, #tpu.memory_space<vmem>>
    %dma_start3A_93 = tpu.memref_squeeze %dma_start3A_92 : memref<1x125x32xf32, #tpu.memory_space<vmem>> -> memref<125x32xf32, #tpu.memory_space<vmem>>
    tpu.enqueue_dma source(%dma_start3A_93 : memref<125x32xf32, #tpu.memory_space<vmem>>) target(%dma_start3A_89 : memref<125x32xf32, #tpu.memory_space<vmem_shared>>) target_semaphore(%arg16 : memref<!tpu.dma_semaphore, #tpu.memory_space<semaphore_mem>>)
    %add3A_94 = arith.constant 750 : i32
    %add3A_95 = arith.addi %mul3A_0, %add3A_94 : i32
    %dma_start3A_96 = arith.constant 0 : i32
    %dma_start3A_97 = arith.constant 0 : i32
    %dma_start3A_98 = arith.constant 0 : i32
    %dma_start3A_99 = tpu.memref_slice %arg11[%dma_start3A_96, %dma_start3A_97, %dma_start3A_98] : memref<5x128x32xf32, #tpu.memory_space<vmem>> -> memref<1x125x32xf32, #tpu.memory_space<vmem>>
    %dma_start3A_100 = tpu.memref_squeeze %dma_start3A_99 : memref<1x125x32xf32, #tpu.memory_space<vmem>> -> memref<125x32xf32, #tpu.memory_space<vmem>>
    %dma_start3A_101 = arith.constant 0 : i32
    %dma_start3A_102 = tpu.memref_slice %arg7[%add3A_95, %dma_start3A_101] : memref<50000x32xf32, #tpu.memory_space<vmem_shared>> -> memref<125x32xf32, #tpu.memory_space<vmem_shared>>
    %dma_start3A_103 = arith.constant 0 : i32
    %dma_start3A_104 = tpu.memref_slice %arg7[%add3A_95, %dma_start3A_103] : memref<50000x32xf32, #tpu.memory_space<vmem_shared>> -> memref<125x32xf32, #tpu.memory_space<vmem_shared>>
    %dma_start3A_105 = arith.constant 0 : i32
    %dma_start3A_106 = arith.constant 0 : i32
    %dma_start3A_107 = tpu.memref_slice %arg11[%dma_start3A_96, %dma_start3A_105, %dma_start3A_106] : memref<5x128x32xf32, #tpu.memory_space<vmem>> -> memref<1x125x32xf32, #tpu.memory_space<vmem>>
    %dma_start3A_108 = tpu.memref_squeeze %dma_start3A_107 : memref<1x125x32xf32, #tpu.memory_space<vmem>> -> memref<125x32xf32, #tpu.memory_space<vmem>>
    tpu.enqueue_dma source(%dma_start3A_108 : memref<125x32xf32, #tpu.memory_space<vmem>>) target(%dma_start3A_104 : memref<125x32xf32, #tpu.memory_space<vmem_shared>>) target_semaphore(%arg16 : memref<!tpu.dma_semaphore, #tpu.memory_space<semaphore_mem>>)
    %add3A_109 = arith.constant 875 : i32
    %add3A_110 = arith.addi %mul3A_0, %add3A_109 : i32
    %dma_start3A_111 = arith.constant 0 : i32
    %dma_start3A_112 = arith.constant 0 : i32
    %dma_start3A_113 = arith.constant 0 : i32
    %dma_start3A_114 = tpu.memref_slice %arg11[%dma_start3A_111, %dma_start3A_112, %dma_start3A_113] : memref<5x128x32xf32, #tpu.memory_space<vmem>> -> memref<1x125x32xf32, #tpu.memory_space<vmem>>
    %dma_start3A_115 = tpu.memref_squeeze %dma_start3A_114 : memref<1x125x32xf32, #tpu.memory_space<vmem>> -> memref<125x32xf32, #tpu.memory_space<vmem>>
    %dma_start3A_116 = arith.constant 0 : i32
    %dma_start3A_117 = tpu.memref_slice %arg7[%add3A_110, %dma_start3A_116] : memref<50000x32xf32, #tpu.memory_space<vmem_shared>> -> memref<125x32xf32, #tpu.memory_space<vmem_shared>>
    %dma_start3A_118 = arith.constant 0 : i32
    %dma_start3A_119 = tpu.memref_slice %arg7[%add3A_110, %dma_start3A_118] : memref<50000x32xf32, #tpu.memory_space<vmem_shared>> -> memref<125x32xf32, #tpu.memory_space<vmem_shared>>
    %dma_start3A_120 = arith.constant 0 : i32
    %dma_start3A_121 = arith.constant 0 : i32
    %dma_start3A_122 = tpu.memref_slice %arg11[%dma_start3A_111, %dma_start3A_120, %dma_start3A_121] : memref<5x128x32xf32, #tpu.memory_space<vmem>> -> memref<1x125x32xf32, #tpu.memory_space<vmem>>
    %dma_start3A_123 = tpu.memref_squeeze %dma_start3A_122 : memref<1x125x32xf32, #tpu.memory_space<vmem>> -> memref<125x32xf32, #tpu.memory_space<vmem>>
    tpu.enqueue_dma source(%dma_start3A_123 : memref<125x32xf32, #tpu.memory_space<vmem>>) target(%dma_start3A_119 : memref<125x32xf32, #tpu.memory_space<vmem_shared>>) target_semaphore(%arg16 : memref<!tpu.dma_semaphore, #tpu.memory_space<semaphore_mem>>)
    %add3A_124 = arith.constant 1000 : i32
    %add3A_125 = arith.addi %mul3A_0, %add3A_124 : i32
    %dma_start3A_126 = arith.constant 0 : i32
    %dma_start3A_127 = arith.constant 0 : i32
    %dma_start3A_128 = arith.constant 0 : i32
    %dma_start3A_129 = tpu.memref_slice %arg11[%dma_start3A_126, %dma_start3A_127, %dma_start3A_128] : memref<5x128x32xf32, #tpu.memory_space<vmem>> -> memref<1x125x32xf32, #tpu.memory_space<vmem>>
    %dma_start3A_130 = tpu.memref_squeeze %dma_start3A_129 : memref<1x125x32xf32, #tpu.memory_space<vmem>> -> memref<125x32xf32, #tpu.memory_space<vmem>>
    %dma_start3A_131 = arith.constant 0 : i32
    %dma_start3A_132 = tpu.memref_slice %arg7[%add3A_125, %dma_start3A_131] : memref<50000x32xf32, #tpu.memory_space<vmem_shared>> -> memref<125x32xf32, #tpu.memory_space<vmem_shared>>
    %dma_start3A_133 = arith.constant 0 : i32
    %dma_start3A_134 = tpu.memref_slice %arg7[%add3A_125, %dma_start3A_133] : memref<50000x32xf32, #tpu.memory_space<vmem_shared>> -> memref<125x32xf32, #tpu.memory_space<vmem_shared>>
    %dma_start3A_135 = arith.constant 0 : i32
    %dma_start3A_136 = arith.constant 0 : i32
    %dma_start3A_137 = tpu.memref_slice %arg11[%dma_start3A_126, %dma_start3A_135, %dma_start3A_136] : memref<5x128x32xf32, #tpu.memory_space<vmem>> -> memref<1x125x32xf32, #tpu.memory_space<vmem>>
    %dma_start3A_138 = tpu.memref_squeeze %dma_start3A_137 : memref<1x125x32xf32, #tpu.memory_space<vmem>> -> memref<125x32xf32, #tpu.memory_space<vmem>>
    tpu.enqueue_dma source(%dma_start3A_138 : memref<125x32xf32, #tpu.memory_space<vmem>>) target(%dma_start3A_134 : memref<125x32xf32, #tpu.memory_space<vmem_shared>>) target_semaphore(%arg16 : memref<!tpu.dma_semaphore, #tpu.memory_space<semaphore_mem>>)
    %add3A_139 = arith.constant 1125 : i32
    %add3A_140 = arith.addi %mul3A_0, %add3A_139 : i32
    %dma_start3A_141 = arith.constant 0 : i32
    %dma_start3A_142 = arith.constant 0 : i32
    %dma_start3A_143 = arith.constant 0 : i32
    %dma_start3A_144 = tpu.memref_slice %arg11[%dma_start3A_141, %dma_start3A_142, %dma_start3A_143] : memref<5x128x32xf32, #tpu.memory_space<vmem>> -> memref<1x125x32xf32, #tpu.memory_space<vmem>>
    %dma_start3A_145 = tpu.memref_squeeze %dma_start3A_144 : memref<1x125x32xf32, #tpu.memory_space<vmem>> -> memref<125x32xf32, #tpu.memory_space<vmem>>
    %dma_start3A_146 = arith.constant 0 : i32
    %dma_start3A_147 = tpu.memref_slice %arg7[%add3A_140, %dma_start3A_146] : memref<50000x32xf32, #tpu.memory_space<vmem_shared>> -> memref<125x32xf32, #tpu.memory_space<vmem_shared>>
    %dma_start3A_148 = arith.constant 0 : i32
    %dma_start3A_149 = tpu.memref_slice %arg7[%add3A_140, %dma_start3A_148] : memref<50000x32xf32, #tpu.memory_space<vmem_shared>> -> memref<125x32xf32, #tpu.memory_space<vmem_shared>>
    %dma_start3A_150 = arith.constant 0 : i32
    %dma_start3A_151 = arith.constant 0 : i32
    %dma_start3A_152 = tpu.memref_slice %arg11[%dma_start3A_141, %dma_start3A_150, %dma_start3A_151] : memref<5x128x32xf32, #tpu.memory_space<vmem>> -> memref<1x125x32xf32, #tpu.memory_space<vmem>>
    %dma_start3A_153 = tpu.memref_squeeze %dma_start3A_152 : memref<1x125x32xf32, #tpu.memory_space<vmem>> -> memref<125x32xf32, #tpu.memory_space<vmem>>
    tpu.enqueue_dma source(%dma_start3A_153 : memref<125x32xf32, #tpu.memory_space<vmem>>) target(%dma_start3A_149 : memref<125x32xf32, #tpu.memory_space<vmem_shared>>) target_semaphore(%arg16 : memref<!tpu.dma_semaphore, #tpu.memory_space<semaphore_mem>>)
    %add3A_154 = arith.constant 1250 : i32
    %add3A_155 = arith.addi %mul3A_0, %add3A_154 : i32
    %dma_start3A_156 = arith.constant 0 : i32
    %dma_start3A_157 = arith.constant 0 : i32
    %dma_start3A_158 = arith.constant 0 : i32
    %dma_start3A_159 = tpu.memref_slice %arg11[%dma_start3A_156, %dma_start3A_157, %dma_start3A_158] : memref<5x128x32xf32, #tpu.memory_space<vmem>> -> memref<1x125x32xf32, #tpu.memory_space<vmem>>
    %dma_start3A_160 = tpu.memref_squeeze %dma_start3A_159 : memref<1x125x32xf32, #tpu.memory_space<vmem>> -> memref<125x32xf32, #tpu.memory_space<vmem>>
    %dma_start3A_161 = arith.constant 0 : i32
    %dma_start3A_162 = tpu.memref_slice %arg7[%add3A_155, %dma_start3A_161] : memref<50000x32xf32, #tpu.memory_space<vmem_shared>> -> memref<125x32xf32, #tpu.memory_space<vmem_shared>>
    %dma_start3A_163 = arith.constant 0 : i32
    %dma_start3A_164 = tpu.memref_slice %arg7[%add3A_155, %dma_start3A_163] : memref<50000x32xf32, #tpu.memory_space<vmem_shared>> -> memref<125x32xf32, #tpu.memory_space<vmem_shared>>
    %dma_start3A_165 = arith.constant 0 : i32
    %dma_start3A_166 = arith.constant 0 : i32
    %dma_start3A_167 = tpu.memref_slice %arg11[%dma_start3A_156, %dma_start3A_165, %dma_start3A_166] : memref<5x128x32xf32, #tpu.memory_space<vmem>> -> memref<1x125x32xf32, #tpu.memory_space<vmem>>
    %dma_start3A_168 = tpu.memref_squeeze %dma_start3A_167 : memref<1x125x32xf32, #tpu.memory_space<vmem>> -> memref<125x32xf32, #tpu.memory_space<vmem>>
    tpu.enqueue_dma source(%dma_start3A_168 : memref<125x32xf32, #tpu.memory_space<vmem>>) target(%dma_start3A_164 : memref<125x32xf32, #tpu.memory_space<vmem_shared>>) target_semaphore(%arg16 : memref<!tpu.dma_semaphore, #tpu.memory_space<semaphore_mem>>)
    %add3A_169 = arith.constant 1375 : i32
    %add3A_170 = arith.addi %mul3A_0, %add3A_169 : i32
    %dma_start3A_171 = arith.constant 0 : i32
    %dma_start3A_172 = arith.constant 0 : i32
    %dma_start3A_173 = arith.constant 0 : i32
    %dma_start3A_174 = tpu.memref_slice %arg11[%dma_start3A_171, %dma_start3A_172, %dma_start3A_173] : memref<5x128x32xf32, #tpu.memory_space<vmem>> -> memref<1x125x32xf32, #tpu.memory_space<vmem>>
    %dma_start3A_175 = tpu.memref_squeeze %dma_start3A_174 : memref<1x125x32xf32, #tpu.memory_space<vmem>> -> memref<125x32xf32, #tpu.memory_space<vmem>>
    %dma_start3A_176 = arith.constant 0 : i32
    %dma_start3A_177 = tpu.memref_slice %arg7[%add3A_170, %dma_start3A_176] : memref<50000x32xf32, #tpu.memory_space<vmem_shared>> -> memref<125x32xf32, #tpu.memory_space<vmem_shared>>
    %dma_start3A_178 = arith.constant 0 : i32
    %dma_start3A_179 = tpu.memref_slice %arg7[%add3A_170, %dma_start3A_178] : memref<50000x32xf32, #tpu.memory_space<vmem_shared>> -> memref<125x32xf32, #tpu.memory_space<vmem_shared>>
    %dma_start3A_180 = arith.constant 0 : i32
    %dma_start3A_181 = arith.constant 0 : i32
    %dma_start3A_182 = tpu.memref_slice %arg11[%dma_start3A_171, %dma_start3A_180, %dma_start3A_181] : memref<5x128x32xf32, #tpu.memory_space<vmem>> -> memref<1x125x32xf32, #tpu.memory_space<vmem>>
    %dma_start3A_183 = tpu.memref_squeeze %dma_start3A_182 : memref<1x125x32xf32, #tpu.memory_space<vmem>> -> memref<125x32xf32, #tpu.memory_space<vmem>>
    tpu.enqueue_dma source(%dma_start3A_183 : memref<125x32xf32, #tpu.memory_space<vmem>>) target(%dma_start3A_179 : memref<125x32xf32, #tpu.memory_space<vmem_shared>>) target_semaphore(%arg16 : memref<!tpu.dma_semaphore, #tpu.memory_space<semaphore_mem>>)
    %add3A_184 = arith.constant 1500 : i32
    %add3A_185 = arith.addi %mul3A_0, %add3A_184 : i32
    %dma_start3A_186 = arith.constant 0 : i32
    %dma_start3A_187 = arith.constant 0 : i32
    %dma_start3A_188 = arith.constant 0 : i32
    %dma_start3A_189 = tpu.memref_slice %arg11[%dma_start3A_186, %dma_start3A_187, %dma_start3A_188] : memref<5x128x32xf32, #tpu.memory_space<vmem>> -> memref<1x125x32xf32, #tpu.memory_space<vmem>>
    %dma_start3A_190 = tpu.memref_squeeze %dma_start3A_189 : memref<1x125x32xf32, #tpu.memory_space<vmem>> -> memref<125x32xf32, #tpu.memory_space<vmem>>
    %dma_start3A_191 = arith.constant 0 : i32
    %dma_start3A_192 = tpu.memref_slice %arg7[%add3A_185, %dma_start3A_191] : memref<50000x32xf32, #tpu.memory_space<vmem_shared>> -> memref<125x32xf32, #tpu.memory_space<vmem_shared>>
    %dma_start3A_193 = arith.constant 0 : i32
    %dma_start3A_194 = tpu.memref_slice %arg7[%add3A_185, %dma_start3A_193] : memref<50000x32xf32, #tpu.memory_space<vmem_shared>> -> memref<125x32xf32, #tpu.memory_space<vmem_shared>>
    %dma_start3A_195 = arith.constant 0 : i32
    %dma_start3A_196 = arith.constant 0 : i32
    %dma_start3A_197 = tpu.memref_slice %arg11[%dma_start3A_186, %dma_start3A_195, %dma_start3A_196] : memref<5x128x32xf32, #tpu.memory_space<vmem>> -> memref<1x125x32xf32, #tpu.memory_space<vmem>>
    %dma_start3A_198 = tpu.memref_squeeze %dma_start3A_197 : memref<1x125x32xf32, #tpu.memory_space<vmem>> -> memref<125x32xf32, #tpu.memory_space<vmem>>
    tpu.enqueue_dma source(%dma_start3A_198 : memref<125x32xf32, #tpu.memory_space<vmem>>) target(%dma_start3A_194 : memref<125x32xf32, #tpu.memory_space<vmem_shared>>) target_semaphore(%arg16 : memref<!tpu.dma_semaphore, #tpu.memory_space<semaphore_mem>>)
    %add3A_199 = arith.constant 1625 : i32
    %add3A_200 = arith.addi %mul3A_0, %add3A_199 : i32
    %dma_start3A_201 = arith.constant 0 : i32
    %dma_start3A_202 = arith.constant 0 : i32
    %dma_start3A_203 = arith.constant 0 : i32
    %dma_start3A_204 = tpu.memref_slice %arg11[%dma_start3A_201, %dma_start3A_202, %dma_start3A_203] : memref<5x128x32xf32, #tpu.memory_space<vmem>> -> memref<1x125x32xf32, #tpu.memory_space<vmem>>
    %dma_start3A_205 = tpu.memref_squeeze %dma_start3A_204 : memref<1x125x32xf32, #tpu.memory_space<vmem>> -> memref<125x32xf32, #tpu.memory_space<vmem>>
    %dma_start3A_206 = arith.constant 0 : i32
    %dma_start3A_207 = tpu.memref_slice %arg7[%add3A_200, %dma_start3A_206] : memref<50000x32xf32, #tpu.memory_space<vmem_shared>> -> memref<125x32xf32, #tpu.memory_space<vmem_shared>>
    %dma_start3A_208 = arith.constant 0 : i32
    %dma_start3A_209 = tpu.memref_slice %arg7[%add3A_200, %dma_start3A_208] : memref<50000x32xf32, #tpu.memory_space<vmem_shared>> -> memref<125x32xf32, #tpu.memory_space<vmem_shared>>
    %dma_start3A_210 = arith.constant 0 : i32
    %dma_start3A_211 = arith.constant 0 : i32
    %dma_start3A_212 = tpu.memref_slice %arg11[%dma_start3A_201, %dma_start3A_210, %dma_start3A_211] : memref<5x128x32xf32, #tpu.memory_space<vmem>> -> memref<1x125x32xf32, #tpu.memory_space<vmem>>
    %dma_start3A_213 = tpu.memref_squeeze %dma_start3A_212 : memref<1x125x32xf32, #tpu.memory_space<vmem>> -> memref<125x32xf32, #tpu.memory_space<vmem>>
    tpu.enqueue_dma source(%dma_start3A_213 : memref<125x32xf32, #tpu.memory_space<vmem>>) target(%dma_start3A_209 : memref<125x32xf32, #tpu.memory_space<vmem_shared>>) target_semaphore(%arg16 : memref<!tpu.dma_semaphore, #tpu.memory_space<semaphore_mem>>)
    %add3A_214 = arith.constant 1750 : i32
    %add3A_215 = arith.addi %mul3A_0, %add3A_214 : i32
    %dma_start3A_216 = arith.constant 0 : i32
    %dma_start3A_217 = arith.constant 0 : i32
    %dma_start3A_218 = arith.constant 0 : i32
    %dma_start3A_219 = tpu.memref_slice %arg11[%dma_start3A_216, %dma_start3A_217, %dma_start3A_218] : memref<5x128x32xf32, #tpu.memory_space<vmem>> -> memref<1x125x32xf32, #tpu.memory_space<vmem>>
    %dma_start3A_220 = tpu.memref_squeeze %dma_start3A_219 : memref<1x125x32xf32, #tpu.memory_space<vmem>> -> memref<125x32xf32, #tpu.memory_space<vmem>>
    %dma_start3A_221 = arith.constant 0 : i32
    %dma_start3A_222 = tpu.memref_slice %arg7[%add3A_215, %dma_start3A_221] : memref<50000x32xf32, #tpu.memory_space<vmem_shared>> -> memref<125x32xf32, #tpu.memory_space<vmem_shared>>
    %dma_start3A_223 = arith.constant 0 : i32
    %dma_start3A_224 = tpu.memref_slice %arg7[%add3A_215, %dma_start3A_223] : memref<50000x32xf32, #tpu.memory_space<vmem_shared>> -> memref<125x32xf32, #tpu.memory_space<vmem_shared>>
    %dma_start3A_225 = arith.constant 0 : i32
    %dma_start3A_226 = arith.constant 0 : i32
    %dma_start3A_227 = tpu.memref_slice %arg11[%dma_start3A_216, %dma_start3A_225, %dma_start3A_226] : memref<5x128x32xf32, #tpu.memory_space<vmem>> -> memref<1x125x32xf32, #tpu.memory_space<vmem>>
    %dma_start3A_228 = tpu.memref_squeeze %dma_start3A_227 : memref<1x125x32xf32, #tpu.memory_space<vmem>> -> memref<125x32xf32, #tpu.memory_space<vmem>>
    tpu.enqueue_dma source(%dma_start3A_228 : memref<125x32xf32, #tpu.memory_space<vmem>>) target(%dma_start3A_224 : memref<125x32xf32, #tpu.memory_space<vmem_shared>>) target_semaphore(%arg16 : memref<!tpu.dma_semaphore, #tpu.memory_space<semaphore_mem>>)
    %add3A_229 = arith.constant 1875 : i32
    %add3A_230 = arith.addi %mul3A_0, %add3A_229 : i32
    %dma_start3A_231 = arith.constant 0 : i32
    %dma_start3A_232 = arith.constant 0 : i32
    %dma_start3A_233 = arith.constant 0 : i32
    %dma_start3A_234 = tpu.memref_slice %arg11[%dma_start3A_231, %dma_start3A_232, %dma_start3A_233] : memref<5x128x32xf32, #tpu.memory_space<vmem>> -> memref<1x125x32xf32, #tpu.memory_space<vmem>>
    %dma_start3A_235 = tpu.memref_squeeze %dma_start3A_234 : memref<1x125x32xf32, #tpu.memory_space<vmem>> -> memref<125x32xf32, #tpu.memory_space<vmem>>
    %dma_start3A_236 = arith.constant 0 : i32
    %dma_start3A_237 = tpu.memref_slice %arg7[%add3A_230, %dma_start3A_236] : memref<50000x32xf32, #tpu.memory_space<vmem_shared>> -> memref<125x32xf32, #tpu.memory_space<vmem_shared>>
    %dma_start3A_238 = arith.constant 0 : i32
    %dma_start3A_239 = tpu.memref_slice %arg7[%add3A_230, %dma_start3A_238] : memref<50000x32xf32, #tpu.memory_space<vmem_shared>> -> memref<125x32xf32, #tpu.memory_space<vmem_shared>>
    %dma_start3A_240 = arith.constant 0 : i32
    %dma_start3A_241 = arith.constant 0 : i32
    %dma_start3A_242 = tpu.memref_slice %arg11[%dma_start3A_231, %dma_start3A_240, %dma_start3A_241] : memref<5x128x32xf32, #tpu.memory_space<vmem>> -> memref<1x125x32xf32, #tpu.memory_space<vmem>>
    %dma_start3A_243 = tpu.memref_squeeze %dma_start3A_242 : memref<1x125x32xf32, #tpu.memory_space<vmem>> -> memref<125x32xf32, #tpu.memory_space<vmem>>
    tpu.enqueue_dma source(%dma_start3A_243 : memref<125x32xf32, #tpu.memory_space<vmem>>) target(%dma_start3A_239 : memref<125x32xf32, #tpu.memory_space<vmem_shared>>) target_semaphore(%arg16 : memref<!tpu.dma_semaphore, #tpu.memory_space<semaphore_mem>>)
    %add3A_244 = arith.constant 2000 : i32
    %add3A_245 = arith.addi %mul3A_0, %add3A_244 : i32
    %dma_start3A_246 = arith.constant 0 : i32
    %dma_start3A_247 = arith.constant 0 : i32
    %dma_start3A_248 = arith.constant 0 : i32
    %dma_start3A_249 = tpu.memref_slice %arg11[%dma_start3A_246, %dma_start3A_247, %dma_start3A_248] : memref<5x128x32xf32, #tpu.memory_space<vmem>> -> memref<1x125x32xf32, #tpu.memory_space<vmem>>
    %dma_start3A_250 = tpu.memref_squeeze %dma_start3A_249 : memref<1x125x32xf32, #tpu.memory_space<vmem>> -> memref<125x32xf32, #tpu.memory_space<vmem>>
    %dma_start3A_251 = arith.constant 0 : i32
    %dma_start3A_252 = tpu.memref_slice %arg7[%add3A_245, %dma_start3A_251] : memref<50000x32xf32, #tpu.memory_space<vmem_shared>> -> memref<125x32xf32, #tpu.memory_space<vmem_shared>>
    %dma_start3A_253 = arith.constant 0 : i32
    %dma_start3A_254 = tpu.memref_slice %arg7[%add3A_245, %dma_start3A_253] : memref<50000x32xf32, #tpu.memory_space<vmem_shared>> -> memref<125x32xf32, #tpu.memory_space<vmem_shared>>
    %dma_start3A_255 = arith.constant 0 : i32
    %dma_start3A_256 = arith.constant 0 : i32
    %dma_start3A_257 = tpu.memref_slice %arg11[%dma_start3A_246, %dma_start3A_255, %dma_start3A_256] : memref<5x128x32xf32, #tpu.memory_space<vmem>> -> memref<1x125x32xf32, #tpu.memory_space<vmem>>
    %dma_start3A_258 = tpu.memref_squeeze %dma_start3A_257 : memref<1x125x32xf32, #tpu.memory_space<vmem>> -> memref<125x32xf32, #tpu.memory_space<vmem>>
    tpu.enqueue_dma source(%dma_start3A_258 : memref<125x32xf32, #tpu.memory_space<vmem>>) target(%dma_start3A_254 : memref<125x32xf32, #tpu.memory_space<vmem_shared>>) target_semaphore(%arg16 : memref<!tpu.dma_semaphore, #tpu.memory_space<semaphore_mem>>)
    %add3A_259 = arith.constant 2125 : i32
    %add3A_260 = arith.addi %mul3A_0, %add3A_259 : i32
    %dma_start3A_261 = arith.constant 0 : i32
    %dma_start3A_262 = arith.constant 0 : i32
    %dma_start3A_263 = arith.constant 0 : i32
    %dma_start3A_264 = tpu.memref_slice %arg11[%dma_start3A_261, %dma_start3A_262, %dma_start3A_263] : memref<5x128x32xf32, #tpu.memory_space<vmem>> -> memref<1x125x32xf32, #tpu.memory_space<vmem>>
    %dma_start3A_265 = tpu.memref_squeeze %dma_start3A_264 : memref<1x125x32xf32, #tpu.memory_space<vmem>> -> memref<125x32xf32, #tpu.memory_space<vmem>>
    %dma_start3A_266 = arith.constant 0 : i32
    %dma_start3A_267 = tpu.memref_slice %arg7[%add3A_260, %dma_start3A_266] : memref<50000x32xf32, #tpu.memory_space<vmem_shared>> -> memref<125x32xf32, #tpu.memory_space<vmem_shared>>
    %dma_start3A_268 = arith.constant 0 : i32
    %dma_start3A_269 = tpu.memref_slice %arg7[%add3A_260, %dma_start3A_268] : memref<50000x32xf32, #tpu.memory_space<vmem_shared>> -> memref<125x32xf32, #tpu.memory_space<vmem_shared>>
    %dma_start3A_270 = arith.constant 0 : i32
    %dma_start3A_271 = arith.constant 0 : i32
    %dma_start3A_272 = tpu.memref_slice %arg11[%dma_start3A_261, %dma_start3A_270, %dma_start3A_271] : memref<5x128x32xf32, #tpu.memory_space<vmem>> -> memref<1x125x32xf32, #tpu.memory_space<vmem>>
    %dma_start3A_273 = tpu.memref_squeeze %dma_start3A_272 : memref<1x125x32xf32, #tpu.memory_space<vmem>> -> memref<125x32xf32, #tpu.memory_space<vmem>>
    tpu.enqueue_dma source(%dma_start3A_273 : memref<125x32xf32, #tpu.memory_space<vmem>>) target(%dma_start3A_269 : memref<125x32xf32, #tpu.memory_space<vmem_shared>>) target_semaphore(%arg16 : memref<!tpu.dma_semaphore, #tpu.memory_space<semaphore_mem>>)
    %add3A_274 = arith.constant 2250 : i32
    %add3A_275 = arith.addi %mul3A_0, %add3A_274 : i32
    %dma_start3A_276 = arith.constant 0 : i32
    %dma_start3A_277 = arith.constant 0 : i32
    %dma_start3A_278 = arith.constant 0 : i32
    %dma_start3A_279 = tpu.memref_slice %arg11[%dma_start3A_276, %dma_start3A_277, %dma_start3A_278] : memref<5x128x32xf32, #tpu.memory_space<vmem>> -> memref<1x125x32xf32, #tpu.memory_space<vmem>>
    %dma_start3A_280 = tpu.memref_squeeze %dma_start3A_279 : memref<1x125x32xf32, #tpu.memory_space<vmem>> -> memref<125x32xf32, #tpu.memory_space<vmem>>
    %dma_start3A_281 = arith.constant 0 : i32
    %dma_start3A_282 = tpu.memref_slice %arg7[%add3A_275, %dma_start3A_281] : memref<50000x32xf32, #tpu.memory_space<vmem_shared>> -> memref<125x32xf32, #tpu.memory_space<vmem_shared>>
    %dma_start3A_283 = arith.constant 0 : i32
    %dma_start3A_284 = tpu.memref_slice %arg7[%add3A_275, %dma_start3A_283] : memref<50000x32xf32, #tpu.memory_space<vmem_shared>> -> memref<125x32xf32, #tpu.memory_space<vmem_shared>>
    %dma_start3A_285 = arith.constant 0 : i32
    %dma_start3A_286 = arith.constant 0 : i32
    %dma_start3A_287 = tpu.memref_slice %arg11[%dma_start3A_276, %dma_start3A_285, %dma_start3A_286] : memref<5x128x32xf32, #tpu.memory_space<vmem>> -> memref<1x125x32xf32, #tpu.memory_space<vmem>>
    %dma_start3A_288 = tpu.memref_squeeze %dma_start3A_287 : memref<1x125x32xf32, #tpu.memory_space<vmem>> -> memref<125x32xf32, #tpu.memory_space<vmem>>
    tpu.enqueue_dma source(%dma_start3A_288 : memref<125x32xf32, #tpu.memory_space<vmem>>) target(%dma_start3A_284 : memref<125x32xf32, #tpu.memory_space<vmem_shared>>) target_semaphore(%arg16 : memref<!tpu.dma_semaphore, #tpu.memory_space<semaphore_mem>>)
    %add3A_289 = arith.constant 2375 : i32
    %add3A_290 = arith.addi %mul3A_0, %add3A_289 : i32
    %dma_start3A_291 = arith.constant 0 : i32
    %dma_start3A_292 = arith.constant 0 : i32
    %dma_start3A_293 = arith.constant 0 : i32
    %dma_start3A_294 = tpu.memref_slice %arg11[%dma_start3A_291, %dma_start3A_292, %dma_start3A_293] : memref<5x128x32xf32, #tpu.memory_space<vmem>> -> memref<1x125x32xf32, #tpu.memory_space<vmem>>
    %dma_start3A_295 = tpu.memref_squeeze %dma_start3A_294 : memref<1x125x32xf32, #tpu.memory_space<vmem>> -> memref<125x32xf32, #tpu.memory_space<vmem>>
    %dma_start3A_296 = arith.constant 0 : i32
    %dma_start3A_297 = tpu.memref_slice %arg7[%add3A_290, %dma_start3A_296] : memref<50000x32xf32, #tpu.memory_space<vmem_shared>> -> memref<125x32xf32, #tpu.memory_space<vmem_shared>>
    %dma_start3A_298 = arith.constant 0 : i32
    %dma_start3A_299 = tpu.memref_slice %arg7[%add3A_290, %dma_start3A_298] : memref<50000x32xf32, #tpu.memory_space<vmem_shared>> -> memref<125x32xf32, #tpu.memory_space<vmem_shared>>
    %dma_start3A_300 = arith.constant 0 : i32
    %dma_start3A_301 = arith.constant 0 : i32
    %dma_start3A_302 = tpu.memref_slice %arg11[%dma_start3A_291, %dma_start3A_300, %dma_start3A_301] : memref<5x128x32xf32, #tpu.memory_space<vmem>> -> memref<1x125x32xf32, #tpu.memory_space<vmem>>
    %dma_start3A_303 = tpu.memref_squeeze %dma_start3A_302 : memref<1x125x32xf32, #tpu.memory_space<vmem>> -> memref<125x32xf32, #tpu.memory_space<vmem>>
    tpu.enqueue_dma source(%dma_start3A_303 : memref<125x32xf32, #tpu.memory_space<vmem>>) target(%dma_start3A_299 : memref<125x32xf32, #tpu.memory_space<vmem_shared>>) target_semaphore(%arg16 : memref<!tpu.dma_semaphore, #tpu.memory_space<semaphore_mem>>)
    %add3A_304 = arith.constant 2500 : i32
    %add3A_305 = arith.addi %mul3A_0, %add3A_304 : i32
    %dma_start3A_306 = arith.constant 0 : i32
    %dma_start3A_307 = arith.constant 0 : i32
    %dma_start3A_308 = arith.constant 0 : i32
    %dma_start3A_309 = tpu.memref_slice %arg11[%dma_start3A_306, %dma_start3A_307, %dma_start3A_308] : memref<5x128x32xf32, #tpu.memory_space<vmem>> -> memref<1x125x32xf32, #tpu.memory_space<vmem>>
    %dma_start3A_310 = tpu.memref_squeeze %dma_start3A_309 : memref<1x125x32xf32, #tpu.memory_space<vmem>> -> memref<125x32xf32, #tpu.memory_space<vmem>>
    %dma_start3A_311 = arith.constant 0 : i32
    %dma_start3A_312 = tpu.memref_slice %arg7[%add3A_305, %dma_start3A_311] : memref<50000x32xf32, #tpu.memory_space<vmem_shared>> -> memref<125x32xf32, #tpu.memory_space<vmem_shared>>
    %dma_start3A_313 = arith.constant 0 : i32
    %dma_start3A_314 = tpu.memref_slice %arg7[%add3A_305, %dma_start3A_313] : memref<50000x32xf32, #tpu.memory_space<vmem_shared>> -> memref<125x32xf32, #tpu.memory_space<vmem_shared>>
    %dma_start3A_315 = arith.constant 0 : i32
    %dma_start3A_316 = arith.constant 0 : i32
    %dma_start3A_317 = tpu.memref_slice %arg11[%dma_start3A_306, %dma_start3A_315, %dma_start3A_316] : memref<5x128x32xf32, #tpu.memory_space<vmem>> -> memref<1x125x32xf32, #tpu.memory_space<vmem>>
    %dma_start3A_318 = tpu.memref_squeeze %dma_start3A_317 : memref<1x125x32xf32, #tpu.memory_space<vmem>> -> memref<125x32xf32, #tpu.memory_space<vmem>>
    tpu.enqueue_dma source(%dma_start3A_318 : memref<125x32xf32, #tpu.memory_space<vmem>>) target(%dma_start3A_314 : memref<125x32xf32, #tpu.memory_space<vmem_shared>>) target_semaphore(%arg16 : memref<!tpu.dma_semaphore, #tpu.memory_space<semaphore_mem>>)
    %add3A_319 = arith.constant 2625 : i32
    %add3A_320 = arith.addi %mul3A_0, %add3A_319 : i32
    %dma_start3A_321 = arith.constant 0 : i32
    %dma_start3A_322 = arith.constant 0 : i32
    %dma_start3A_323 = arith.constant 0 : i32
    %dma_start3A_324 = tpu.memref_slice %arg11[%dma_start3A_321, %dma_start3A_322, %dma_start3A_323] : memref<5x128x32xf32, #tpu.memory_space<vmem>> -> memref<1x125x32xf32, #tpu.memory_space<vmem>>
    %dma_start3A_325 = tpu.memref_squeeze %dma_start3A_324 : memref<1x125x32xf32, #tpu.memory_space<vmem>> -> memref<125x32xf32, #tpu.memory_space<vmem>>
    %dma_start3A_326 = arith.constant 0 : i32
    %dma_start3A_327 = tpu.memref_slice %arg7[%add3A_320, %dma_start3A_326] : memref<50000x32xf32, #tpu.memory_space<vmem_shared>> -> memref<125x32xf32, #tpu.memory_space<vmem_shared>>
    %dma_start3A_328 = arith.constant 0 : i32
    %dma_start3A_329 = tpu.memref_slice %arg7[%add3A_320, %dma_start3A_328] : memref<50000x32xf32, #tpu.memory_space<vmem_shared>> -> memref<125x32xf32, #tpu.memory_space<vmem_shared>>
    %dma_start3A_330 = arith.constant 0 : i32
    %dma_start3A_331 = arith.constant 0 : i32
    %dma_start3A_332 = tpu.memref_slice %arg11[%dma_start3A_321, %dma_start3A_330, %dma_start3A_331] : memref<5x128x32xf32, #tpu.memory_space<vmem>> -> memref<1x125x32xf32, #tpu.memory_space<vmem>>
    %dma_start3A_333 = tpu.memref_squeeze %dma_start3A_332 : memref<1x125x32xf32, #tpu.memory_space<vmem>> -> memref<125x32xf32, #tpu.memory_space<vmem>>
    tpu.enqueue_dma source(%dma_start3A_333 : memref<125x32xf32, #tpu.memory_space<vmem>>) target(%dma_start3A_329 : memref<125x32xf32, #tpu.memory_space<vmem_shared>>) target_semaphore(%arg16 : memref<!tpu.dma_semaphore, #tpu.memory_space<semaphore_mem>>)
    %add3A_334 = arith.constant 2750 : i32
    %add3A_335 = arith.addi %mul3A_0, %add3A_334 : i32
    %dma_start3A_336 = arith.constant 0 : i32
    %dma_start3A_337 = arith.constant 0 : i32
    %dma_start3A_338 = arith.constant 0 : i32
    %dma_start3A_339 = tpu.memref_slice %arg11[%dma_start3A_336, %dma_start3A_337, %dma_start3A_338] : memref<5x128x32xf32, #tpu.memory_space<vmem>> -> memref<1x125x32xf32, #tpu.memory_space<vmem>>
    %dma_start3A_340 = tpu.memref_squeeze %dma_start3A_339 : memref<1x125x32xf32, #tpu.memory_space<vmem>> -> memref<125x32xf32, #tpu.memory_space<vmem>>
    %dma_start3A_341 = arith.constant 0 : i32
    %dma_start3A_342 = tpu.memref_slice %arg7[%add3A_335, %dma_start3A_341] : memref<50000x32xf32, #tpu.memory_space<vmem_shared>> -> memref<125x32xf32, #tpu.memory_space<vmem_shared>>
    %dma_start3A_343 = arith.constant 0 : i32
    %dma_start3A_344 = tpu.memref_slice %arg7[%add3A_335, %dma_start3A_343] : memref<50000x32xf32, #tpu.memory_space<vmem_shared>> -> memref<125x32xf32, #tpu.memory_space<vmem_shared>>
    %dma_start3A_345 = arith.constant 0 : i32
    %dma_start3A_346 = arith.constant 0 : i32
    %dma_start3A_347 = tpu.memref_slice %arg11[%dma_start3A_336, %dma_start3A_345, %dma_start3A_346] : memref<5x128x32xf32, #tpu.memory_space<vmem>> -> memref<1x125x32xf32, #tpu.memory_space<vmem>>
    %dma_start3A_348 = tpu.memref_squeeze %dma_start3A_347 : memref<1x125x32xf32, #tpu.memory_space<vmem>> -> memref<125x32xf32, #tpu.memory_space<vmem>>
    tpu.enqueue_dma source(%dma_start3A_348 : memref<125x32xf32, #tpu.memory_space<vmem>>) target(%dma_start3A_344 : memref<125x32xf32, #tpu.memory_space<vmem_shared>>) target_semaphore(%arg16 : memref<!tpu.dma_semaphore, #tpu.memory_space<semaphore_mem>>)
    %add3A_349 = arith.constant 2875 : i32
    %add3A_350 = arith.addi %mul3A_0, %add3A_349 : i32
    %dma_start3A_351 = arith.constant 0 : i32
    %dma_start3A_352 = arith.constant 0 : i32
    %dma_start3A_353 = arith.constant 0 : i32
    %dma_start3A_354 = tpu.memref_slice %arg11[%dma_start3A_351, %dma_start3A_352, %dma_start3A_353] : memref<5x128x32xf32, #tpu.memory_space<vmem>> -> memref<1x125x32xf32, #tpu.memory_space<vmem>>
    %dma_start3A_355 = tpu.memref_squeeze %dma_start3A_354 : memref<1x125x32xf32, #tpu.memory_space<vmem>> -> memref<125x32xf32, #tpu.memory_space<vmem>>
    %dma_start3A_356 = arith.constant 0 : i32
    %dma_start3A_357 = tpu.memref_slice %arg7[%add3A_350, %dma_start3A_356] : memref<50000x32xf32, #tpu.memory_space<vmem_shared>> -> memref<125x32xf32, #tpu.memory_space<vmem_shared>>
    %dma_start3A_358 = arith.constant 0 : i32
    %dma_start3A_359 = tpu.memref_slice %arg7[%add3A_350, %dma_start3A_358] : memref<50000x32xf32, #tpu.memory_space<vmem_shared>> -> memref<125x32xf32, #tpu.memory_space<vmem_shared>>
    %dma_start3A_360 = arith.constant 0 : i32
    %dma_start3A_361 = arith.constant 0 : i32
    %dma_start3A_362 = tpu.memref_slice %arg11[%dma_start3A_351, %dma_start3A_360, %dma_start3A_361] : memref<5x128x32xf32, #tpu.memory_space<vmem>> -> memref<1x125x32xf32, #tpu.memory_space<vmem>>
    %dma_start3A_363 = tpu.memref_squeeze %dma_start3A_362 : memref<1x125x32xf32, #tpu.memory_space<vmem>> -> memref<125x32xf32, #tpu.memory_space<vmem>>
    tpu.enqueue_dma source(%dma_start3A_363 : memref<125x32xf32, #tpu.memory_space<vmem>>) target(%dma_start3A_359 : memref<125x32xf32, #tpu.memory_space<vmem_shared>>) target_semaphore(%arg16 : memref<!tpu.dma_semaphore, #tpu.memory_space<semaphore_mem>>)
    %add3A_364 = arith.constant 3000 : i32
    %add3A_365 = arith.addi %mul3A_0, %add3A_364 : i32
    %dma_start3A_366 = arith.constant 0 : i32
    %dma_start3A_367 = arith.constant 0 : i32
    %dma_start3A_368 = arith.constant 0 : i32
    %dma_start3A_369 = tpu.memref_slice %arg11[%dma_start3A_366, %dma_start3A_367, %dma_start3A_368] : memref<5x128x32xf32, #tpu.memory_space<vmem>> -> memref<1x125x32xf32, #tpu.memory_space<vmem>>
    %dma_start3A_370 = tpu.memref_squeeze %dma_start3A_369 : memref<1x125x32xf32, #tpu.memory_space<vmem>> -> memref<125x32xf32, #tpu.memory_space<vmem>>
    %dma_start3A_371 = arith.constant 0 : i32
    %dma_start3A_372 = tpu.memref_slice %arg7[%add3A_365, %dma_start3A_371] : memref<50000x32xf32, #tpu.memory_space<vmem_shared>> -> memref<125x32xf32, #tpu.memory_space<vmem_shared>>
    %dma_start3A_373 = arith.constant 0 : i32
    %dma_start3A_374 = tpu.memref_slice %arg7[%add3A_365, %dma_start3A_373] : memref<50000x32xf32, #tpu.memory_space<vmem_shared>> -> memref<125x32xf32, #tpu.memory_space<vmem_shared>>
    %dma_start3A_375 = arith.constant 0 : i32
    %dma_start3A_376 = arith.constant 0 : i32
    %dma_start3A_377 = tpu.memref_slice %arg11[%dma_start3A_366, %dma_start3A_375, %dma_start3A_376] : memref<5x128x32xf32, #tpu.memory_space<vmem>> -> memref<1x125x32xf32, #tpu.memory_space<vmem>>
    %dma_start3A_378 = tpu.memref_squeeze %dma_start3A_377 : memref<1x125x32xf32, #tpu.memory_space<vmem>> -> memref<125x32xf32, #tpu.memory_space<vmem>>
    tpu.enqueue_dma source(%dma_start3A_378 : memref<125x32xf32, #tpu.memory_space<vmem>>) target(%dma_start3A_374 : memref<125x32xf32, #tpu.memory_space<vmem_shared>>) target_semaphore(%arg16 : memref<!tpu.dma_semaphore, #tpu.memory_space<semaphore_mem>>)
    %dma_wait3A = arith.constant 0 : i32
    %dma_wait3A_379 = arith.constant 0 : i32
    %dma_wait3A_380 = arith.constant 0 : i32
    %dma_wait3A_381 = tpu.memref_slice %arg11[%dma_wait3A, %dma_wait3A_379, %dma_wait3A_380] : memref<5x128x32xf32, #tpu.memory_space<vmem>> -> memref<1x125x32xf32, #tpu.memory_space<vmem>>
    %dma_wait3A_382 = tpu.memref_squeeze %dma_wait3A_381 : memref<1x125x32xf32, #tpu.memory_space<vmem>> -> memref<125x32xf32, #tpu.memory_space<vmem>>
    %dma_wait3A_383 = arith.constant 0 : i32
    %dma_wait3A_384 = tpu.memref_slice %arg7[%mul3A_0, %dma_wait3A_383] : memref<50000x32xf32, #tpu.memory_space<vmem_shared>> -> memref<125x32xf32, #tpu.memory_space<vmem_shared>>
    %dma_wait3A_385 = arith.constant 0 : i32
    %dma_wait3A_386 = tpu.memref_slice %arg7[%mul3A_0, %dma_wait3A_385] : memref<50000x32xf32, #tpu.memory_space<vmem_shared>> -> memref<125x32xf32, #tpu.memory_space<vmem_shared>>
    %dma_wait3A_387 = arith.constant 0 : i32
    %dma_wait3A_388 = arith.constant 0 : i32
    %dma_wait3A_389 = tpu.memref_slice %arg11[%dma_wait3A, %dma_wait3A_387, %dma_wait3A_388] : memref<5x128x32xf32, #tpu.memory_space<vmem>> -> memref<1x125x32xf32, #tpu.memory_space<vmem>>
    %dma_wait3A_390 = tpu.memref_squeeze %dma_wait3A_389 : memref<1x125x32xf32, #tpu.memory_space<vmem>> -> memref<125x32xf32, #tpu.memory_space<vmem>>
    tpu.wait_dma2 semaphore(%arg16 : memref<!tpu.dma_semaphore, #tpu.memory_space<semaphore_mem>>) src(%dma_wait3A_390 : memref<125x32xf32, #tpu.memory_space<vmem>>) dst(%dma_wait3A_386 : memref<125x32xf32, #tpu.memory_space<vmem_shared>>)
    %dma_wait3A_391 = arith.constant 0 : i32
    %dma_wait3A_392 = arith.constant 0 : i32
    %dma_wait3A_393 = arith.constant 0 : i32
    %dma_wait3A_394 = tpu.memref_slice %arg11[%dma_wait3A_391, %dma_wait3A_392, %dma_wait3A_393] : memref<5x128x32xf32, #tpu.memory_space<vmem>> -> memref<1x125x32xf32, #tpu.memory_space<vmem>>
    %dma_wait3A_395 = tpu.memref_squeeze %dma_wait3A_394 : memref<1x125x32xf32, #tpu.memory_space<vmem>> -> memref<125x32xf32, #tpu.memory_space<vmem>>
    %dma_wait3A_396 = arith.constant 0 : i32
    %dma_wait3A_397 = tpu.memref_slice %arg7[%mul3A_0, %dma_wait3A_396] : memref<50000x32xf32, #tpu.memory_space<vmem_shared>> -> memref<125x32xf32, #tpu.memory_space<vmem_shared>>
    %dma_wait3A_398 = arith.constant 0 : i32
    %dma_wait3A_399 = tpu.memref_slice %arg7[%mul3A_0, %dma_wait3A_398] : memref<50000x32xf32, #tpu.memory_space<vmem_shared>> -> memref<125x32xf32, #tpu.memory_space<vmem_shared>>
    %dma_wait3A_400 = arith.constant 0 : i32
    %dma_wait3A_401 = arith.constant 0 : i32
    %dma_wait3A_402 = tpu.memref_slice %arg11[%dma_wait3A_391, %dma_wait3A_400, %dma_wait3A_401] : memref<5x128x32xf32, #tpu.memory_space<vmem>> -> memref<1x125x32xf32, #tpu.memory_space<vmem>>
    %dma_wait3A_403 = tpu.memref_squeeze %dma_wait3A_402 : memref<1x125x32xf32, #tpu.memory_space<vmem>> -> memref<125x32xf32, #tpu.memory_space<vmem>>
    tpu.wait_dma2 semaphore(%arg16 : memref<!tpu.dma_semaphore, #tpu.memory_space<semaphore_mem>>) src(%dma_wait3A_403 : memref<125x32xf32, #tpu.memory_space<vmem>>) dst(%dma_wait3A_399 : memref<125x32xf32, #tpu.memory_space<vmem_shared>>)
    %dma_wait3A_404 = arith.constant 0 : i32
    %dma_wait3A_405 = arith.constant 0 : i32
    %dma_wait3A_406 = arith.constant 0 : i32
    %dma_wait3A_407 = tpu.memref_slice %arg11[%dma_wait3A_404, %dma_wait3A_405, %dma_wait3A_406] : memref<5x128x32xf32, #tpu.memory_space<vmem>> -> memref<1x125x32xf32, #tpu.memory_space<vmem>>
    %dma_wait3A_408 = tpu.memref_squeeze %dma_wait3A_407 : memref<1x125x32xf32, #tpu.memory_space<vmem>> -> memref<125x32xf32, #tpu.memory_space<vmem>>
    %dma_wait3A_409 = arith.constant 0 : i32
    %dma_wait3A_410 = tpu.memref_slice %arg7[%mul3A_0, %dma_wait3A_409] : memref<50000x32xf32, #tpu.memory_space<vmem_shared>> -> memref<125x32xf32, #tpu.memory_space<vmem_shared>>
    %dma_wait3A_411 = arith.constant 0 : i32
    %dma_wait3A_412 = tpu.memref_slice %arg7[%mul3A_0, %dma_wait3A_411] : memref<50000x32xf32, #tpu.memory_space<vmem_shared>> -> memref<125x32xf32, #tpu.memory_space<vmem_shared>>
    %dma_wait3A_413 = arith.constant 0 : i32
    %dma_wait3A_414 = arith.constant 0 : i32
    %dma_wait3A_415 = tpu.memref_slice %arg11[%dma_wait3A_404, %dma_wait3A_413, %dma_wait3A_414] : memref<5x128x32xf32, #tpu.memory_space<vmem>> -> memref<1x125x32xf32, #tpu.memory_space<vmem>>
    %dma_wait3A_416 = tpu.memref_squeeze %dma_wait3A_415 : memref<1x125x32xf32, #tpu.memory_space<vmem>> -> memref<125x32xf32, #tpu.memory_space<vmem>>
    tpu.wait_dma2 semaphore(%arg16 : memref<!tpu.dma_semaphore, #tpu.memory_space<semaphore_mem>>) src(%dma_wait3A_416 : memref<125x32xf32, #tpu.memory_space<vmem>>) dst(%dma_wait3A_412 : memref<125x32xf32, #tpu.memory_space<vmem_shared>>)
    %dma_wait3A_417 = arith.constant 0 : i32
    %dma_wait3A_418 = arith.constant 0 : i32
    %dma_wait3A_419 = arith.constant 0 : i32
    %dma_wait3A_420 = tpu.memref_slice %arg11[%dma_wait3A_417, %dma_wait3A_418, %dma_wait3A_419] : memref<5x128x32xf32, #tpu.memory_space<vmem>> -> memref<1x125x32xf32, #tpu.memory_space<vmem>>
    %dma_wait3A_421 = tpu.memref_squeeze %dma_wait3A_420 : memref<1x125x32xf32, #tpu.memory_space<vmem>> -> memref<125x32xf32, #tpu.memory_space<vmem>>
    %dma_wait3A_422 = arith.constant 0 : i32
    %dma_wait3A_423 = tpu.memref_slice %arg7[%mul3A_0, %dma_wait3A_422] : memref<50000x32xf32, #tpu.memory_space<vmem_shared>> -> memref<125x32xf32, #tpu.memory_space<vmem_shared>>
    %dma_wait3A_424 = arith.constant 0 : i32
    %dma_wait3A_425 = tpu.memref_slice %arg7[%mul3A_0, %dma_wait3A_424] : memref<50000x32xf32, #tpu.memory_space<vmem_shared>> -> memref<125x32xf32, #tpu.memory_space<vmem_shared>>
    %dma_wait3A_426 = arith.constant 0 : i32
    %dma_wait3A_427 = arith.constant 0 : i32
    %dma_wait3A_428 = tpu.memref_slice %arg11[%dma_wait3A_417, %dma_wait3A_426, %dma_wait3A_427] : memref<5x128x32xf32, #tpu.memory_space<vmem>> -> memref<1x125x32xf32, #tpu.memory_space<vmem>>
    %dma_wait3A_429 = tpu.memref_squeeze %dma_wait3A_428 : memref<1x125x32xf32, #tpu.memory_space<vmem>> -> memref<125x32xf32, #tpu.memory_space<vmem>>
    tpu.wait_dma2 semaphore(%arg16 : memref<!tpu.dma_semaphore, #tpu.memory_space<semaphore_mem>>) src(%dma_wait3A_429 : memref<125x32xf32, #tpu.memory_space<vmem>>) dst(%dma_wait3A_425 : memref<125x32xf32, #tpu.memory_space<vmem_shared>>)
    %dma_wait3A_430 = arith.constant 0 : i32
    %dma_wait3A_431 = arith.constant 0 : i32
    %dma_wait3A_432 = arith.constant 0 : i32
    %dma_wait3A_433 = tpu.memref_slice %arg11[%dma_wait3A_430, %dma_wait3A_431, %dma_wait3A_432] : memref<5x128x32xf32, #tpu.memory_space<vmem>> -> memref<1x125x32xf32, #tpu.memory_space<vmem>>
    %dma_wait3A_434 = tpu.memref_squeeze %dma_wait3A_433 : memref<1x125x32xf32, #tpu.memory_space<vmem>> -> memref<125x32xf32, #tpu.memory_space<vmem>>
    %dma_wait3A_435 = arith.constant 0 : i32
    %dma_wait3A_436 = tpu.memref_slice %arg7[%mul3A_0, %dma_wait3A_435] : memref<50000x32xf32, #tpu.memory_space<vmem_shared>> -> memref<125x32xf32, #tpu.memory_space<vmem_shared>>
    %dma_wait3A_437 = arith.constant 0 : i32
    %dma_wait3A_438 = tpu.memref_slice %arg7[%mul3A_0, %dma_wait3A_437] : memref<50000x32xf32, #tpu.memory_space<vmem_shared>> -> memref<125x32xf32, #tpu.memory_space<vmem_shared>>
    %dma_wait3A_439 = arith.constant 0 : i32
    %dma_wait3A_440 = arith.constant 0 : i32
    %dma_wait3A_441 = tpu.memref_slice %arg11[%dma_wait3A_430, %dma_wait3A_439, %dma_wait3A_440] : memref<5x128x32xf32, #tpu.memory_space<vmem>> -> memref<1x125x32xf32, #tpu.memory_space<vmem>>
    %dma_wait3A_442 = tpu.memref_squeeze %dma_wait3A_441 : memref<1x125x32xf32, #tpu.memory_space<vmem>> -> memref<125x32xf32, #tpu.memory_space<vmem>>
    tpu.wait_dma2 semaphore(%arg16 : memref<!tpu.dma_semaphore, #tpu.memory_space<semaphore_mem>>) src(%dma_wait3A_442 : memref<125x32xf32, #tpu.memory_space<vmem>>) dst(%dma_wait3A_438 : memref<125x32xf32, #tpu.memory_space<vmem_shared>>)
    %dma_wait3A_443 = arith.constant 0 : i32
    %dma_wait3A_444 = arith.constant 0 : i32
    %dma_wait3A_445 = arith.constant 0 : i32
    %dma_wait3A_446 = tpu.memref_slice %arg11[%dma_wait3A_443, %dma_wait3A_444, %dma_wait3A_445] : memref<5x128x32xf32, #tpu.memory_space<vmem>> -> memref<1x125x32xf32, #tpu.memory_space<vmem>>
    %dma_wait3A_447 = tpu.memref_squeeze %dma_wait3A_446 : memref<1x125x32xf32, #tpu.memory_space<vmem>> -> memref<125x32xf32, #tpu.memory_space<vmem>>
    %dma_wait3A_448 = arith.constant 0 : i32
    %dma_wait3A_449 = tpu.memref_slice %arg7[%mul3A_0, %dma_wait3A_448] : memref<50000x32xf32, #tpu.memory_space<vmem_shared>> -> memref<125x32xf32, #tpu.memory_space<vmem_shared>>
    %dma_wait3A_450 = arith.constant 0 : i32
    %dma_wait3A_451 = tpu.memref_slice %arg7[%mul3A_0, %dma_wait3A_450] : memref<50000x32xf32, #tpu.memory_space<vmem_shared>> -> memref<125x32xf32, #tpu.memory_space<vmem_shared>>
    %dma_wait3A_452 = arith.constant 0 : i32
    %dma_wait3A_453 = arith.constant 0 : i32
    %dma_wait3A_454 = tpu.memref_slice %arg11[%dma_wait3A_443, %dma_wait3A_452, %dma_wait3A_453] : memref<5x128x32xf32, #tpu.memory_space<vmem>> -> memref<1x125x32xf32, #tpu.memory_space<vmem>>
    %dma_wait3A_455 = tpu.memref_squeeze %dma_wait3A_454 : memref<1x125x32xf32, #tpu.memory_space<vmem>> -> memref<125x32xf32, #tpu.memory_space<vmem>>
    tpu.wait_dma2 semaphore(%arg16 : memref<!tpu.dma_semaphore, #tpu.memory_space<semaphore_mem>>) src(%dma_wait3A_455 : memref<125x32xf32, #tpu.memory_space<vmem>>) dst(%dma_wait3A_451 : memref<125x32xf32, #tpu.memory_space<vmem_shared>>)
    %dma_wait3A_456 = arith.constant 0 : i32
    %dma_wait3A_457 = arith.constant 0 : i32
    %dma_wait3A_458 = arith.constant 0 : i32
    %dma_wait3A_459 = tpu.memref_slice %arg11[%dma_wait3A_456, %dma_wait3A_457, %dma_wait3A_458] : memref<5x128x32xf32, #tpu.memory_space<vmem>> -> memref<1x125x32xf32, #tpu.memory_space<vmem>>
    %dma_wait3A_460 = tpu.memref_squeeze %dma_wait3A_459 : memref<1x125x32xf32, #tpu.memory_space<vmem>> -> memref<125x32xf32, #tpu.memory_space<vmem>>
    %dma_wait3A_461 = arith.constant 0 : i32
    %dma_wait3A_462 = tpu.memref_slice %arg7[%mul3A_0, %dma_wait3A_461] : memref<50000x32xf32, #tpu.memory_space<vmem_shared>> -> memref<125x32xf32, #tpu.memory_space<vmem_shared>>
    %dma_wait3A_463 = arith.constant 0 : i32
    %dma_wait3A_464 = tpu.memref_slice %arg7[%mul3A_0, %dma_wait3A_463] : memref<50000x32xf32, #tpu.memory_space<vmem_shared>> -> memref<125x32xf32, #tpu.memory_space<vmem_shared>>
    %dma_wait3A_465 = arith.constant 0 : i32
    %dma_wait3A_466 = arith.constant 0 : i32
    %dma_wait3A_467 = tpu.memref_slice %arg11[%dma_wait3A_456, %dma_wait3A_465, %dma_wait3A_466] : memref<5x128x32xf32, #tpu.memory_space<vmem>> -> memref<1x125x32xf32, #tpu.memory_space<vmem>>
    %dma_wait3A_468 = tpu.memref_squeeze %dma_wait3A_467 : memref<1x125x32xf32, #tpu.memory_space<vmem>> -> memref<125x32xf32, #tpu.memory_space<vmem>>
    tpu.wait_dma2 semaphore(%arg16 : memref<!tpu.dma_semaphore, #tpu.memory_space<semaphore_mem>>) src(%dma_wait3A_468 : memref<125x32xf32, #tpu.memory_space<vmem>>) dst(%dma_wait3A_464 : memref<125x32xf32, #tpu.memory_space<vmem_shared>>)
    %dma_wait3A_469 = arith.constant 0 : i32
    %dma_wait3A_470 = arith.constant 0 : i32
    %dma_wait3A_471 = arith.constant 0 : i32
    %dma_wait3A_472 = tpu.memref_slice %arg11[%dma_wait3A_469, %dma_wait3A_470, %dma_wait3A_471] : memref<5x128x32xf32, #tpu.memory_space<vmem>> -> memref<1x125x32xf32, #tpu.memory_space<vmem>>
    %dma_wait3A_473 = tpu.memref_squeeze %dma_wait3A_472 : memref<1x125x32xf32, #tpu.memory_space<vmem>> -> memref<125x32xf32, #tpu.memory_space<vmem>>
    %dma_wait3A_474 = arith.constant 0 : i32
    %dma_wait3A_475 = tpu.memref_slice %arg7[%mul3A_0, %dma_wait3A_474] : memref<50000x32xf32, #tpu.memory_space<vmem_shared>> -> memref<125x32xf32, #tpu.memory_space<vmem_shared>>
    %dma_wait3A_476 = arith.constant 0 : i32
    %dma_wait3A_477 = tpu.memref_slice %arg7[%mul3A_0, %dma_wait3A_476] : memref<50000x32xf32, #tpu.memory_space<vmem_shared>> -> memref<125x32xf32, #tpu.memory_space<vmem_shared>>
    %dma_wait3A_478 = arith.constant 0 : i32
    %dma_wait3A_479 = arith.constant 0 : i32
    %dma_wait3A_480 = tpu.memref_slice %arg11[%dma_wait3A_469, %dma_wait3A_478, %dma_wait3A_479] : memref<5x128x32xf32, #tpu.memory_space<vmem>> -> memref<1x125x32xf32, #tpu.memory_space<vmem>>
    %dma_wait3A_481 = tpu.memref_squeeze %dma_wait3A_480 : memref<1x125x32xf32, #tpu.memory_space<vmem>> -> memref<125x32xf32, #tpu.memory_space<vmem>>
    tpu.wait_dma2 semaphore(%arg16 : memref<!tpu.dma_semaphore, #tpu.memory_space<semaphore_mem>>) src(%dma_wait3A_481 : memref<125x32xf32, #tpu.memory_space<vmem>>) dst(%dma_wait3A_477 : memref<125x32xf32, #tpu.memory_space<vmem_shared>>)
    %dma_wait3A_482 = arith.constant 0 : i32
    %dma_wait3A_483 = arith.constant 0 : i32
    %dma_wait3A_484 = arith.constant 0 : i32
    %dma_wait3A_485 = tpu.memref_slice %arg11[%dma_wait3A_482, %dma_wait3A_483, %dma_wait3A_484] : memref<5x128x32xf32, #tpu.memory_space<vmem>> -> memref<1x125x32xf32, #tpu.memory_space<vmem>>
    %dma_wait3A_486 = tpu.memref_squeeze %dma_wait3A_485 : memref<1x125x32xf32, #tpu.memory_space<vmem>> -> memref<125x32xf32, #tpu.memory_space<vmem>>
    %dma_wait3A_487 = arith.constant 0 : i32
    %dma_wait3A_488 = tpu.memref_slice %arg7[%mul3A_0, %dma_wait3A_487] : memref<50000x32xf32, #tpu.memory_space<vmem_shared>> -> memref<125x32xf32, #tpu.memory_space<vmem_shared>>
    %dma_wait3A_489 = arith.constant 0 : i32
    %dma_wait3A_490 = tpu.memref_slice %arg7[%mul3A_0, %dma_wait3A_489] : memref<50000x32xf32, #tpu.memory_space<vmem_shared>> -> memref<125x32xf32, #tpu.memory_space<vmem_shared>>
    %dma_wait3A_491 = arith.constant 0 : i32
    %dma_wait3A_492 = arith.constant 0 : i32
    %dma_wait3A_493 = tpu.memref_slice %arg11[%dma_wait3A_482, %dma_wait3A_491, %dma_wait3A_492] : memref<5x128x32xf32, #tpu.memory_space<vmem>> -> memref<1x125x32xf32, #tpu.memory_space<vmem>>
    %dma_wait3A_494 = tpu.memref_squeeze %dma_wait3A_493 : memref<1x125x32xf32, #tpu.memory_space<vmem>> -> memref<125x32xf32, #tpu.memory_space<vmem>>
    tpu.wait_dma2 semaphore(%arg16 : memref<!tpu.dma_semaphore, #tpu.memory_space<semaphore_mem>>) src(%dma_wait3A_494 : memref<125x32xf32, #tpu.memory_space<vmem>>) dst(%dma_wait3A_490 : memref<125x32xf32, #tpu.memory_space<vmem_shared>>)
    %dma_wait3A_495 = arith.constant 0 : i32
    %dma_wait3A_496 = arith.constant 0 : i32
    %dma_wait3A_497 = arith.constant 0 : i32
    %dma_wait3A_498 = tpu.memref_slice %arg11[%dma_wait3A_495, %dma_wait3A_496, %dma_wait3A_497] : memref<5x128x32xf32, #tpu.memory_space<vmem>> -> memref<1x125x32xf32, #tpu.memory_space<vmem>>
    %dma_wait3A_499 = tpu.memref_squeeze %dma_wait3A_498 : memref<1x125x32xf32, #tpu.memory_space<vmem>> -> memref<125x32xf32, #tpu.memory_space<vmem>>
    %dma_wait3A_500 = arith.constant 0 : i32
    %dma_wait3A_501 = tpu.memref_slice %arg7[%mul3A_0, %dma_wait3A_500] : memref<50000x32xf32, #tpu.memory_space<vmem_shared>> -> memref<125x32xf32, #tpu.memory_space<vmem_shared>>
    %dma_wait3A_502 = arith.constant 0 : i32
    %dma_wait3A_503 = tpu.memref_slice %arg7[%mul3A_0, %dma_wait3A_502] : memref<50000x32xf32, #tpu.memory_space<vmem_shared>> -> memref<125x32xf32, #tpu.memory_space<vmem_shared>>
    %dma_wait3A_504 = arith.constant 0 : i32
    %dma_wait3A_505 = arith.constant 0 : i32
    %dma_wait3A_506 = tpu.memref_slice %arg11[%dma_wait3A_495, %dma_wait3A_504, %dma_wait3A_505] : memref<5x128x32xf32, #tpu.memory_space<vmem>> -> memref<1x125x32xf32, #tpu.memory_space<vmem>>
    %dma_wait3A_507 = tpu.memref_squeeze %dma_wait3A_506 : memref<1x125x32xf32, #tpu.memory_space<vmem>> -> memref<125x32xf32, #tpu.memory_space<vmem>>
    tpu.wait_dma2 semaphore(%arg16 : memref<!tpu.dma_semaphore, #tpu.memory_space<semaphore_mem>>) src(%dma_wait3A_507 : memref<125x32xf32, #tpu.memory_space<vmem>>) dst(%dma_wait3A_503 : memref<125x32xf32, #tpu.memory_space<vmem_shared>>)
    %dma_wait3A_508 = arith.constant 0 : i32
    %dma_wait3A_509 = arith.constant 0 : i32
    %dma_wait3A_510 = arith.constant 0 : i32
    %dma_wait3A_511 = tpu.memref_slice %arg11[%dma_wait3A_508, %dma_wait3A_509, %dma_wait3A_510] : memref<5x128x32xf32, #tpu.memory_space<vmem>> -> memref<1x125x32xf32, #tpu.memory_space<vmem>>
    %dma_wait3A_512 = tpu.memref_squeeze %dma_wait3A_511 : memref<1x125x32xf32, #tpu.memory_space<vmem>> -> memref<125x32xf32, #tpu.memory_space<vmem>>
    %dma_wait3A_513 = arith.constant 0 : i32
    %dma_wait3A_514 = tpu.memref_slice %arg7[%mul3A_0, %dma_wait3A_513] : memref<50000x32xf32, #tpu.memory_space<vmem_shared>> -> memref<125x32xf32, #tpu.memory_space<vmem_shared>>
    %dma_wait3A_515 = arith.constant 0 : i32
    %dma_wait3A_516 = tpu.memref_slice %arg7[%mul3A_0, %dma_wait3A_515] : memref<50000x32xf32, #tpu.memory_space<vmem_shared>> -> memref<125x32xf32, #tpu.memory_space<vmem_shared>>
    %dma_wait3A_517 = arith.constant 0 : i32
    %dma_wait3A_518 = arith.constant 0 : i32
    %dma_wait3A_519 = tpu.memref_slice %arg11[%dma_wait3A_508, %dma_wait3A_517, %dma_wait3A_518] : memref<5x128x32xf32, #tpu.memory_space<vmem>> -> memref<1x125x32xf32, #tpu.memory_space<vmem>>
    %dma_wait3A_520 = tpu.memref_squeeze %dma_wait3A_519 : memref<1x125x32xf32, #tpu.memory_space<vmem>> -> memref<125x32xf32, #tpu.memory_space<vmem>>
    tpu.wait_dma2 semaphore(%arg16 : memref<!tpu.dma_semaphore, #tpu.memory_space<semaphore_mem>>) src(%dma_wait3A_520 : memref<125x32xf32, #tpu.memory_space<vmem>>) dst(%dma_wait3A_516 : memref<125x32xf32, #tpu.memory_space<vmem_shared>>)
    %dma_wait3A_521 = arith.constant 0 : i32
    %dma_wait3A_522 = arith.constant 0 : i32
    %dma_wait3A_523 = arith.constant 0 : i32
    %dma_wait3A_524 = tpu.memref_slice %arg11[%dma_wait3A_521, %dma_wait3A_522, %dma_wait3A_523] : memref<5x128x32xf32, #tpu.memory_space<vmem>> -> memref<1x125x32xf32, #tpu.memory_space<vmem>>
    %dma_wait3A_525 = tpu.memref_squeeze %dma_wait3A_524 : memref<1x125x32xf32, #tpu.memory_space<vmem>> -> memref<125x32xf32, #tpu.memory_space<vmem>>
    %dma_wait3A_526 = arith.constant 0 : i32
    %dma_wait3A_527 = tpu.memref_slice %arg7[%mul3A_0, %dma_wait3A_526] : memref<50000x32xf32, #tpu.memory_space<vmem_shared>> -> memref<125x32xf32, #tpu.memory_space<vmem_shared>>
    %dma_wait3A_528 = arith.constant 0 : i32
    %dma_wait3A_529 = tpu.memref_slice %arg7[%mul3A_0, %dma_wait3A_528] : memref<50000x32xf32, #tpu.memory_space<vmem_shared>> -> memref<125x32xf32, #tpu.memory_space<vmem_shared>>
    %dma_wait3A_530 = arith.constant 0 : i32
    %dma_wait3A_531 = arith.constant 0 : i32
    %dma_wait3A_532 = tpu.memref_slice %arg11[%dma_wait3A_521, %dma_wait3A_530, %dma_wait3A_531] : memref<5x128x32xf32, #tpu.memory_space<vmem>> -> memref<1x125x32xf32, #tpu.memory_space<vmem>>
    %dma_wait3A_533 = tpu.memref_squeeze %dma_wait3A_532 : memref<1x125x32xf32, #tpu.memory_space<vmem>> -> memref<125x32xf32, #tpu.memory_space<vmem>>
    tpu.wait_dma2 semaphore(%arg16 : memref<!tpu.dma_semaphore, #tpu.memory_space<semaphore_mem>>) src(%dma_wait3A_533 : memref<125x32xf32, #tpu.memory_space<vmem>>) dst(%dma_wait3A_529 : memref<125x32xf32, #tpu.memory_space<vmem_shared>>)
    %dma_wait3A_534 = arith.constant 0 : i32
    %dma_wait3A_535 = arith.constant 0 : i32
    %dma_wait3A_536 = arith.constant 0 : i32
    %dma_wait3A_537 = tpu.memref_slice %arg11[%dma_wait3A_534, %dma_wait3A_535, %dma_wait3A_536] : memref<5x128x32xf32, #tpu.memory_space<vmem>> -> memref<1x125x32xf32, #tpu.memory_space<vmem>>
    %dma_wait3A_538 = tpu.memref_squeeze %dma_wait3A_537 : memref<1x125x32xf32, #tpu.memory_space<vmem>> -> memref<125x32xf32, #tpu.memory_space<vmem>>
    %dma_wait3A_539 = arith.constant 0 : i32
    %dma_wait3A_540 = tpu.memref_slice %arg7[%mul3A_0, %dma_wait3A_539] : memref<50000x32xf32, #tpu.memory_space<vmem_shared>> -> memref<125x32xf32, #tpu.memory_space<vmem_shared>>
    %dma_wait3A_541 = arith.constant 0 : i32
    %dma_wait3A_542 = tpu.memref_slice %arg7[%mul3A_0, %dma_wait3A_541] : memref<50000x32xf32, #tpu.memory_space<vmem_shared>> -> memref<125x32xf32, #tpu.memory_space<vmem_shared>>
    %dma_wait3A_543 = arith.constant 0 : i32
    %dma_wait3A_544 = arith.constant 0 : i32
    %dma_wait3A_545 = tpu.memref_slice %arg11[%dma_wait3A_534, %dma_wait3A_543, %dma_wait3A_544] : memref<5x128x32xf32, #tpu.memory_space<vmem>> -> memref<1x125x32xf32, #tpu.memory_space<vmem>>
    %dma_wait3A_546 = tpu.memref_squeeze %dma_wait3A_545 : memref<1x125x32xf32, #tpu.memory_space<vmem>> -> memref<125x32xf32, #tpu.memory_space<vmem>>
    tpu.wait_dma2 semaphore(%arg16 : memref<!tpu.dma_semaphore, #tpu.memory_space<semaphore_mem>>) src(%dma_wait3A_546 : memref<125x32xf32, #tpu.memory_space<vmem>>) dst(%dma_wait3A_542 : memref<125x32xf32, #tpu.memory_space<vmem_shared>>)
    %dma_wait3A_547 = arith.constant 0 : i32
    %dma_wait3A_548 = arith.constant 0 : i32
    %dma_wait3A_549 = arith.constant 0 : i32
    %dma_wait3A_550 = tpu.memref_slice %arg11[%dma_wait3A_547, %dma_wait3A_548, %dma_wait3A_549] : memref<5x128x32xf32, #tpu.memory_space<vmem>> -> memref<1x125x32xf32, #tpu.memory_space<vmem>>
    %dma_wait3A_551 = tpu.memref_squeeze %dma_wait3A_550 : memref<1x125x32xf32, #tpu.memory_space<vmem>> -> memref<125x32xf32, #tpu.memory_space<vmem>>
    %dma_wait3A_552 = arith.constant 0 : i32
    %dma_wait3A_553 = tpu.memref_slice %arg7[%mul3A_0, %dma_wait3A_552] : memref<50000x32xf32, #tpu.memory_space<vmem_shared>> -> memref<125x32xf32, #tpu.memory_space<vmem_shared>>
    %dma_wait3A_554 = arith.constant 0 : i32
    %dma_wait3A_555 = tpu.memref_slice %arg7[%mul3A_0, %dma_wait3A_554] : memref<50000x32xf32, #tpu.memory_space<vmem_shared>> -> memref<125x32xf32, #tpu.memory_space<vmem_shared>>
    %dma_wait3A_556 = arith.constant 0 : i32
    %dma_wait3A_557 = arith.constant 0 : i32
    %dma_wait3A_558 = tpu.memref_slice %arg11[%dma_wait3A_547, %dma_wait3A_556, %dma_wait3A_557] : memref<5x128x32xf32, #tpu.memory_space<vmem>> -> memref<1x125x32xf32, #tpu.memory_space<vmem>>
    %dma_wait3A_559 = tpu.memref_squeeze %dma_wait3A_558 : memref<1x125x32xf32, #tpu.memory_space<vmem>> -> memref<125x32xf32, #tpu.memory_space<vmem>>
    tpu.wait_dma2 semaphore(%arg16 : memref<!tpu.dma_semaphore, #tpu.memory_space<semaphore_mem>>) src(%dma_wait3A_559 : memref<125x32xf32, #tpu.memory_space<vmem>>) dst(%dma_wait3A_555 : memref<125x32xf32, #tpu.memory_space<vmem_shared>>)
    %dma_wait3A_560 = arith.constant 0 : i32
    %dma_wait3A_561 = arith.constant 0 : i32
    %dma_wait3A_562 = arith.constant 0 : i32
    %dma_wait3A_563 = tpu.memref_slice %arg11[%dma_wait3A_560, %dma_wait3A_561, %dma_wait3A_562] : memref<5x128x32xf32, #tpu.memory_space<vmem>> -> memref<1x125x32xf32, #tpu.memory_space<vmem>>
    %dma_wait3A_564 = tpu.memref_squeeze %dma_wait3A_563 : memref<1x125x32xf32, #tpu.memory_space<vmem>> -> memref<125x32xf32, #tpu.memory_space<vmem>>
    %dma_wait3A_565 = arith.constant 0 : i32
    %dma_wait3A_566 = tpu.memref_slice %arg7[%mul3A_0, %dma_wait3A_565] : memref<50000x32xf32, #tpu.memory_space<vmem_shared>> -> memref<125x32xf32, #tpu.memory_space<vmem_shared>>
    %dma_wait3A_567 = arith.constant 0 : i32
    %dma_wait3A_568 = tpu.memref_slice %arg7[%mul3A_0, %dma_wait3A_567] : memref<50000x32xf32, #tpu.memory_space<vmem_shared>> -> memref<125x32xf32, #tpu.memory_space<vmem_shared>>
    %dma_wait3A_569 = arith.constant 0 : i32
    %dma_wait3A_570 = arith.constant 0 : i32
    %dma_wait3A_571 = tpu.memref_slice %arg11[%dma_wait3A_560, %dma_wait3A_569, %dma_wait3A_570] : memref<5x128x32xf32, #tpu.memory_space<vmem>> -> memref<1x125x32xf32, #tpu.memory_space<vmem>>
    %dma_wait3A_572 = tpu.memref_squeeze %dma_wait3A_571 : memref<1x125x32xf32, #tpu.memory_space<vmem>> -> memref<125x32xf32, #tpu.memory_space<vmem>>
    tpu.wait_dma2 semaphore(%arg16 : memref<!tpu.dma_semaphore, #tpu.memory_space<semaphore_mem>>) src(%dma_wait3A_572 : memref<125x32xf32, #tpu.memory_space<vmem>>) dst(%dma_wait3A_568 : memref<125x32xf32, #tpu.memory_space<vmem_shared>>)
    %dma_wait3A_573 = arith.constant 0 : i32
    %dma_wait3A_574 = arith.constant 0 : i32
    %dma_wait3A_575 = arith.constant 0 : i32
    %dma_wait3A_576 = tpu.memref_slice %arg11[%dma_wait3A_573, %dma_wait3A_574, %dma_wait3A_575] : memref<5x128x32xf32, #tpu.memory_space<vmem>> -> memref<1x125x32xf32, #tpu.memory_space<vmem>>
    %dma_wait3A_577 = tpu.memref_squeeze %dma_wait3A_576 : memref<1x125x32xf32, #tpu.memory_space<vmem>> -> memref<125x32xf32, #tpu.memory_space<vmem>>
    %dma_wait3A_578 = arith.constant 0 : i32
    %dma_wait3A_579 = tpu.memref_slice %arg7[%mul3A_0, %dma_wait3A_578] : memref<50000x32xf32, #tpu.memory_space<vmem_shared>> -> memref<125x32xf32, #tpu.memory_space<vmem_shared>>
    %dma_wait3A_580 = arith.constant 0 : i32
    %dma_wait3A_581 = tpu.memref_slice %arg7[%mul3A_0, %dma_wait3A_580] : memref<50000x32xf32, #tpu.memory_space<vmem_shared>> -> memref<125x32xf32, #tpu.memory_space<vmem_shared>>
    %dma_wait3A_582 = arith.constant 0 : i32
    %dma_wait3A_583 = arith.constant 0 : i32
    %dma_wait3A_584 = tpu.memref_slice %arg11[%dma_wait3A_573, %dma_wait3A_582, %dma_wait3A_583] : memref<5x128x32xf32, #tpu.memory_space<vmem>> -> memref<1x125x32xf32, #tpu.memory_space<vmem>>
    %dma_wait3A_585 = tpu.memref_squeeze %dma_wait3A_584 : memref<1x125x32xf32, #tpu.memory_space<vmem>> -> memref<125x32xf32, #tpu.memory_space<vmem>>
    tpu.wait_dma2 semaphore(%arg16 : memref<!tpu.dma_semaphore, #tpu.memory_space<semaphore_mem>>) src(%dma_wait3A_585 : memref<125x32xf32, #tpu.memory_space<vmem>>) dst(%dma_wait3A_581 : memref<125x32xf32, #tpu.memory_space<vmem_shared>>)
    %dma_wait3A_586 = arith.constant 0 : i32
    %dma_wait3A_587 = arith.constant 0 : i32
    %dma_wait3A_588 = arith.constant 0 : i32
    %dma_wait3A_589 = tpu.memref_slice %arg11[%dma_wait3A_586, %dma_wait3A_587, %dma_wait3A_588] : memref<5x128x32xf32, #tpu.memory_space<vmem>> -> memref<1x125x32xf32, #tpu.memory_space<vmem>>
    %dma_wait3A_590 = tpu.memref_squeeze %dma_wait3A_589 : memref<1x125x32xf32, #tpu.memory_space<vmem>> -> memref<125x32xf32, #tpu.memory_space<vmem>>
    %dma_wait3A_591 = arith.constant 0 : i32
    %dma_wait3A_592 = tpu.memref_slice %arg7[%mul3A_0, %dma_wait3A_591] : memref<50000x32xf32, #tpu.memory_space<vmem_shared>> -> memref<125x32xf32, #tpu.memory_space<vmem_shared>>
    %dma_wait3A_593 = arith.constant 0 : i32
    %dma_wait3A_594 = tpu.memref_slice %arg7[%mul3A_0, %dma_wait3A_593] : memref<50000x32xf32, #tpu.memory_space<vmem_shared>> -> memref<125x32xf32, #tpu.memory_space<vmem_shared>>
    %dma_wait3A_595 = arith.constant 0 : i32
    %dma_wait3A_596 = arith.constant 0 : i32
    %dma_wait3A_597 = tpu.memref_slice %arg11[%dma_wait3A_586, %dma_wait3A_595, %dma_wait3A_596] : memref<5x128x32xf32, #tpu.memory_space<vmem>> -> memref<1x125x32xf32, #tpu.memory_space<vmem>>
    %dma_wait3A_598 = tpu.memref_squeeze %dma_wait3A_597 : memref<1x125x32xf32, #tpu.memory_space<vmem>> -> memref<125x32xf32, #tpu.memory_space<vmem>>
    tpu.wait_dma2 semaphore(%arg16 : memref<!tpu.dma_semaphore, #tpu.memory_space<semaphore_mem>>) src(%dma_wait3A_598 : memref<125x32xf32, #tpu.memory_space<vmem>>) dst(%dma_wait3A_594 : memref<125x32xf32, #tpu.memory_space<vmem_shared>>)
    %dma_wait3A_599 = arith.constant 0 : i32
    %dma_wait3A_600 = arith.constant 0 : i32
    %dma_wait3A_601 = arith.constant 0 : i32
    %dma_wait3A_602 = tpu.memref_slice %arg11[%dma_wait3A_599, %dma_wait3A_600, %dma_wait3A_601] : memref<5x128x32xf32, #tpu.memory_space<vmem>> -> memref<1x125x32xf32, #tpu.memory_space<vmem>>
    %dma_wait3A_603 = tpu.memref_squeeze %dma_wait3A_602 : memref<1x125x32xf32, #tpu.memory_space<vmem>> -> memref<125x32xf32, #tpu.memory_space<vmem>>
    %dma_wait3A_604 = arith.constant 0 : i32
    %dma_wait3A_605 = tpu.memref_slice %arg7[%mul3A_0, %dma_wait3A_604] : memref<50000x32xf32, #tpu.memory_space<vmem_shared>> -> memref<125x32xf32, #tpu.memory_space<vmem_shared>>
    %dma_wait3A_606 = arith.constant 0 : i32
    %dma_wait3A_607 = tpu.memref_slice %arg7[%mul3A_0, %dma_wait3A_606] : memref<50000x32xf32, #tpu.memory_space<vmem_shared>> -> memref<125x32xf32, #tpu.memory_space<vmem_shared>>
    %dma_wait3A_608 = arith.constant 0 : i32
    %dma_wait3A_609 = arith.constant 0 : i32
    %dma_wait3A_610 = tpu.memref_slice %arg11[%dma_wait3A_599, %dma_wait3A_608, %dma_wait3A_609] : memref<5x128x32xf32, #tpu.memory_space<vmem>> -> memref<1x125x32xf32, #tpu.memory_space<vmem>>
    %dma_wait3A_611 = tpu.memref_squeeze %dma_wait3A_610 : memref<1x125x32xf32, #tpu.memory_space<vmem>> -> memref<125x32xf32, #tpu.memory_space<vmem>>
    tpu.wait_dma2 semaphore(%arg16 : memref<!tpu.dma_semaphore, #tpu.memory_space<semaphore_mem>>) src(%dma_wait3A_611 : memref<125x32xf32, #tpu.memory_space<vmem>>) dst(%dma_wait3A_607 : memref<125x32xf32, #tpu.memory_space<vmem_shared>>)
    %dma_wait3A_612 = arith.constant 0 : i32
    %dma_wait3A_613 = arith.constant 0 : i32
    %dma_wait3A_614 = arith.constant 0 : i32
    %dma_wait3A_615 = tpu.memref_slice %arg11[%dma_wait3A_612, %dma_wait3A_613, %dma_wait3A_614] : memref<5x128x32xf32, #tpu.memory_space<vmem>> -> memref<1x125x32xf32, #tpu.memory_space<vmem>>
    %dma_wait3A_616 = tpu.memref_squeeze %dma_wait3A_615 : memref<1x125x32xf32, #tpu.memory_space<vmem>> -> memref<125x32xf32, #tpu.memory_space<vmem>>
    %dma_wait3A_617 = arith.constant 0 : i32
    %dma_wait3A_618 = tpu.memref_slice %arg7[%mul3A_0, %dma_wait3A_617] : memref<50000x32xf32, #tpu.memory_space<vmem_shared>> -> memref<125x32xf32, #tpu.memory_space<vmem_shared>>
    %dma_wait3A_619 = arith.constant 0 : i32
    %dma_wait3A_620 = tpu.memref_slice %arg7[%mul3A_0, %dma_wait3A_619] : memref<50000x32xf32, #tpu.memory_space<vmem_shared>> -> memref<125x32xf32, #tpu.memory_space<vmem_shared>>
    %dma_wait3A_621 = arith.constant 0 : i32
    %dma_wait3A_622 = arith.constant 0 : i32
    %dma_wait3A_623 = tpu.memref_slice %arg11[%dma_wait3A_612, %dma_wait3A_621, %dma_wait3A_622] : memref<5x128x32xf32, #tpu.memory_space<vmem>> -> memref<1x125x32xf32, #tpu.memory_space<vmem>>
    %dma_wait3A_624 = tpu.memref_squeeze %dma_wait3A_623 : memref<1x125x32xf32, #tpu.memory_space<vmem>> -> memref<125x32xf32, #tpu.memory_space<vmem>>
    tpu.wait_dma2 semaphore(%arg16 : memref<!tpu.dma_semaphore, #tpu.memory_space<semaphore_mem>>) src(%dma_wait3A_624 : memref<125x32xf32, #tpu.memory_space<vmem>>) dst(%dma_wait3A_620 : memref<125x32xf32, #tpu.memory_space<vmem_shared>>)
    %dma_wait3A_625 = arith.constant 0 : i32
    %dma_wait3A_626 = arith.constant 0 : i32
    %dma_wait3A_627 = arith.constant 0 : i32
    %dma_wait3A_628 = tpu.memref_slice %arg11[%dma_wait3A_625, %dma_wait3A_626, %dma_wait3A_627] : memref<5x128x32xf32, #tpu.memory_space<vmem>> -> memref<1x125x32xf32, #tpu.memory_space<vmem>>
    %dma_wait3A_629 = tpu.memref_squeeze %dma_wait3A_628 : memref<1x125x32xf32, #tpu.memory_space<vmem>> -> memref<125x32xf32, #tpu.memory_space<vmem>>
    %dma_wait3A_630 = arith.constant 0 : i32
    %dma_wait3A_631 = tpu.memref_slice %arg7[%mul3A_0, %dma_wait3A_630] : memref<50000x32xf32, #tpu.memory_space<vmem_shared>> -> memref<125x32xf32, #tpu.memory_space<vmem_shared>>
    %dma_wait3A_632 = arith.constant 0 : i32
    %dma_wait3A_633 = tpu.memref_slice %arg7[%mul3A_0, %dma_wait3A_632] : memref<50000x32xf32, #tpu.memory_space<vmem_shared>> -> memref<125x32xf32, #tpu.memory_space<vmem_shared>>
    %dma_wait3A_634 = arith.constant 0 : i32
    %dma_wait3A_635 = arith.constant 0 : i32
    %dma_wait3A_636 = tpu.memref_slice %arg11[%dma_wait3A_625, %dma_wait3A_634, %dma_wait3A_635] : memref<5x128x32xf32, #tpu.memory_space<vmem>> -> memref<1x125x32xf32, #tpu.memory_space<vmem>>
    %dma_wait3A_637 = tpu.memref_squeeze %dma_wait3A_636 : memref<1x125x32xf32, #tpu.memory_space<vmem>> -> memref<125x32xf32, #tpu.memory_space<vmem>>
    tpu.wait_dma2 semaphore(%arg16 : memref<!tpu.dma_semaphore, #tpu.memory_space<semaphore_mem>>) src(%dma_wait3A_637 : memref<125x32xf32, #tpu.memory_space<vmem>>) dst(%dma_wait3A_633 : memref<125x32xf32, #tpu.memory_space<vmem_shared>>)
    %dma_wait3A_638 = arith.constant 0 : i32
    %dma_wait3A_639 = arith.constant 0 : i32
    %dma_wait3A_640 = arith.constant 0 : i32
    %dma_wait3A_641 = tpu.memref_slice %arg11[%dma_wait3A_638, %dma_wait3A_639, %dma_wait3A_640] : memref<5x128x32xf32, #tpu.memory_space<vmem>> -> memref<1x125x32xf32, #tpu.memory_space<vmem>>
    %dma_wait3A_642 = tpu.memref_squeeze %dma_wait3A_641 : memref<1x125x32xf32, #tpu.memory_space<vmem>> -> memref<125x32xf32, #tpu.memory_space<vmem>>
    %dma_wait3A_643 = arith.constant 0 : i32
    %dma_wait3A_644 = tpu.memref_slice %arg7[%mul3A_0, %dma_wait3A_643] : memref<50000x32xf32, #tpu.memory_space<vmem_shared>> -> memref<125x32xf32, #tpu.memory_space<vmem_shared>>
    %dma_wait3A_645 = arith.constant 0 : i32
    %dma_wait3A_646 = tpu.memref_slice %arg7[%mul3A_0, %dma_wait3A_645] : memref<50000x32xf32, #tpu.memory_space<vmem_shared>> -> memref<125x32xf32, #tpu.memory_space<vmem_shared>>
    %dma_wait3A_647 = arith.constant 0 : i32
    %dma_wait3A_648 = arith.constant 0 : i32
    %dma_wait3A_649 = tpu.memref_slice %arg11[%dma_wait3A_638, %dma_wait3A_647, %dma_wait3A_648] : memref<5x128x32xf32, #tpu.memory_space<vmem>> -> memref<1x125x32xf32, #tpu.memory_space<vmem>>
    %dma_wait3A_650 = tpu.memref_squeeze %dma_wait3A_649 : memref<1x125x32xf32, #tpu.memory_space<vmem>> -> memref<125x32xf32, #tpu.memory_space<vmem>>
    tpu.wait_dma2 semaphore(%arg16 : memref<!tpu.dma_semaphore, #tpu.memory_space<semaphore_mem>>) src(%dma_wait3A_650 : memref<125x32xf32, #tpu.memory_space<vmem>>) dst(%dma_wait3A_646 : memref<125x32xf32, #tpu.memory_space<vmem_shared>>)
    %dma_wait3A_651 = arith.constant 0 : i32
    %dma_wait3A_652 = arith.constant 0 : i32
    %dma_wait3A_653 = arith.constant 0 : i32
    %dma_wait3A_654 = tpu.memref_slice %arg11[%dma_wait3A_651, %dma_wait3A_652, %dma_wait3A_653] : memref<5x128x32xf32, #tpu.memory_space<vmem>> -> memref<1x125x32xf32, #tpu.memory_space<vmem>>
    %dma_wait3A_655 = tpu.memref_squeeze %dma_wait3A_654 : memref<1x125x32xf32, #tpu.memory_space<vmem>> -> memref<125x32xf32, #tpu.memory_space<vmem>>
    %dma_wait3A_656 = arith.constant 0 : i32
    %dma_wait3A_657 = tpu.memref_slice %arg7[%mul3A_0, %dma_wait3A_656] : memref<50000x32xf32, #tpu.memory_space<vmem_shared>> -> memref<125x32xf32, #tpu.memory_space<vmem_shared>>
    %dma_wait3A_658 = arith.constant 0 : i32
    %dma_wait3A_659 = tpu.memref_slice %arg7[%mul3A_0, %dma_wait3A_658] : memref<50000x32xf32, #tpu.memory_space<vmem_shared>> -> memref<125x32xf32, #tpu.memory_space<vmem_shared>>
    %dma_wait3A_660 = arith.constant 0 : i32
    %dma_wait3A_661 = arith.constant 0 : i32
    %dma_wait3A_662 = tpu.memref_slice %arg11[%dma_wait3A_651, %dma_wait3A_660, %dma_wait3A_661] : memref<5x128x32xf32, #tpu.memory_space<vmem>> -> memref<1x125x32xf32, #tpu.memory_space<vmem>>
    %dma_wait3A_663 = tpu.memref_squeeze %dma_wait3A_662 : memref<1x125x32xf32, #tpu.memory_space<vmem>> -> memref<125x32xf32, #tpu.memory_space<vmem>>
    tpu.wait_dma2 semaphore(%arg16 : memref<!tpu.dma_semaphore, #tpu.memory_space<semaphore_mem>>) src(%dma_wait3A_663 : memref<125x32xf32, #tpu.memory_space<vmem>>) dst(%dma_wait3A_659 : memref<125x32xf32, #tpu.memory_space<vmem_shared>>)
    %dma_wait3A_664 = arith.constant 0 : i32
    %dma_wait3A_665 = arith.constant 0 : i32
    %dma_wait3A_666 = arith.constant 0 : i32
    %dma_wait3A_667 = tpu.memref_slice %arg11[%dma_wait3A_664, %dma_wait3A_665, %dma_wait3A_666] : memref<5x128x32xf32, #tpu.memory_space<vmem>> -> memref<1x125x32xf32, #tpu.memory_space<vmem>>
    %dma_wait3A_668 = tpu.memref_squeeze %dma_wait3A_667 : memref<1x125x32xf32, #tpu.memory_space<vmem>> -> memref<125x32xf32, #tpu.memory_space<vmem>>
    %dma_wait3A_669 = arith.constant 0 : i32
    %dma_wait3A_670 = tpu.memref_slice %arg7[%mul3A_0, %dma_wait3A_669] : memref<50000x32xf32, #tpu.memory_space<vmem_shared>> -> memref<125x32xf32, #tpu.memory_space<vmem_shared>>
    %dma_wait3A_671 = arith.constant 0 : i32
    %dma_wait3A_672 = tpu.memref_slice %arg7[%mul3A_0, %dma_wait3A_671] : memref<50000x32xf32, #tpu.memory_space<vmem_shared>> -> memref<125x32xf32, #tpu.memory_space<vmem_shared>>
    %dma_wait3A_673 = arith.constant 0 : i32
    %dma_wait3A_674 = arith.constant 0 : i32
    %dma_wait3A_675 = tpu.memref_slice %arg11[%dma_wait3A_664, %dma_wait3A_673, %dma_wait3A_674] : memref<5x128x32xf32, #tpu.memory_space<vmem>> -> memref<1x125x32xf32, #tpu.memory_space<vmem>>
    %dma_wait3A_676 = tpu.memref_squeeze %dma_wait3A_675 : memref<1x125x32xf32, #tpu.memory_space<vmem>> -> memref<125x32xf32, #tpu.memory_space<vmem>>
    tpu.wait_dma2 semaphore(%arg16 : memref<!tpu.dma_semaphore, #tpu.memory_space<semaphore_mem>>) src(%dma_wait3A_676 : memref<125x32xf32, #tpu.memory_space<vmem>>) dst(%dma_wait3A_672 : memref<125x32xf32, #tpu.memory_space<vmem_shared>>)
    %dma_wait3A_677 = arith.constant 0 : i32
    %dma_wait3A_678 = arith.constant 0 : i32
    %dma_wait3A_679 = arith.constant 0 : i32
    %dma_wait3A_680 = tpu.memref_slice %arg11[%dma_wait3A_677, %dma_wait3A_678, %dma_wait3A_679] : memref<5x128x32xf32, #tpu.memory_space<vmem>> -> memref<1x125x32xf32, #tpu.memory_space<vmem>>
    %dma_wait3A_681 = tpu.memref_squeeze %dma_wait3A_680 : memref<1x125x32xf32, #tpu.memory_space<vmem>> -> memref<125x32xf32, #tpu.memory_space<vmem>>
    %dma_wait3A_682 = arith.constant 0 : i32
    %dma_wait3A_683 = tpu.memref_slice %arg7[%mul3A_0, %dma_wait3A_682] : memref<50000x32xf32, #tpu.memory_space<vmem_shared>> -> memref<125x32xf32, #tpu.memory_space<vmem_shared>>
    %dma_wait3A_684 = arith.constant 0 : i32
    %dma_wait3A_685 = tpu.memref_slice %arg7[%mul3A_0, %dma_wait3A_684] : memref<50000x32xf32, #tpu.memory_space<vmem_shared>> -> memref<125x32xf32, #tpu.memory_space<vmem_shared>>
    %dma_wait3A_686 = arith.constant 0 : i32
    %dma_wait3A_687 = arith.constant 0 : i32
    %dma_wait3A_688 = tpu.memref_slice %arg11[%dma_wait3A_677, %dma_wait3A_686, %dma_wait3A_687] : memref<5x128x32xf32, #tpu.memory_space<vmem>> -> memref<1x125x32xf32, #tpu.memory_space<vmem>>
    %dma_wait3A_689 = tpu.memref_squeeze %dma_wait3A_688 : memref<1x125x32xf32, #tpu.memory_space<vmem>> -> memref<125x32xf32, #tpu.memory_space<vmem>>
    tpu.wait_dma2 semaphore(%arg16 : memref<!tpu.dma_semaphore, #tpu.memory_space<semaphore_mem>>) src(%dma_wait3A_689 : memref<125x32xf32, #tpu.memory_space<vmem>>) dst(%dma_wait3A_685 : memref<125x32xf32, #tpu.memory_space<vmem_shared>>)
    %dma_wait3A_690 = arith.constant 0 : i32
    %dma_wait3A_691 = arith.constant 0 : i32
    %dma_wait3A_692 = arith.constant 0 : i32
    %dma_wait3A_693 = tpu.memref_slice %arg11[%dma_wait3A_690, %dma_wait3A_691, %dma_wait3A_692] : memref<5x128x32xf32, #tpu.memory_space<vmem>> -> memref<1x125x32xf32, #tpu.memory_space<vmem>>
    %dma_wait3A_694 = tpu.memref_squeeze %dma_wait3A_693 : memref<1x125x32xf32, #tpu.memory_space<vmem>> -> memref<125x32xf32, #tpu.memory_space<vmem>>
    %dma_wait3A_695 = arith.constant 0 : i32
    %dma_wait3A_696 = tpu.memref_slice %arg7[%mul3A_0, %dma_wait3A_695] : memref<50000x32xf32, #tpu.memory_space<vmem_shared>> -> memref<125x32xf32, #tpu.memory_space<vmem_shared>>
    %dma_wait3A_697 = arith.constant 0 : i32
    %dma_wait3A_698 = tpu.memref_slice %arg7[%mul3A_0, %dma_wait3A_697] : memref<50000x32xf32, #tpu.memory_space<vmem_shared>> -> memref<125x32xf32, #tpu.memory_space<vmem_shared>>
    %dma_wait3A_699 = arith.constant 0 : i32
    %dma_wait3A_700 = arith.constant 0 : i32
    %dma_wait3A_701 = tpu.memref_slice %arg11[%dma_wait3A_690, %dma_wait3A_699, %dma_wait3A_700] : memref<5x128x32xf32, #tpu.memory_space<vmem>> -> memref<1x125x32xf32, #tpu.memory_space<vmem>>
    %dma_wait3A_702 = tpu.memref_squeeze %dma_wait3A_701 : memref<1x125x32xf32, #tpu.memory_space<vmem>> -> memref<125x32xf32, #tpu.memory_space<vmem>>
    tpu.wait_dma2 semaphore(%arg16 : memref<!tpu.dma_semaphore, #tpu.memory_space<semaphore_mem>>) src(%dma_wait3A_702 : memref<125x32xf32, #tpu.memory_space<vmem>>) dst(%dma_wait3A_698 : memref<125x32xf32, #tpu.memory_space<vmem_shared>>)
    %barrier3A = arith.constant 0 : index
    tpu.barrier barrier_id(%barrier3A)
    %lt3A = arith.constant 10 : i32
    %lt3A_703 = arith.cmpi slt, %arg1, %lt3A : i32
    %jit3A = arith.constant 391 : i32
    %jit3A_704 = arith.constant 390 : i32
    %select_n3A = arith.select %lt3A_703, %jit3A, %jit3A_704 : i32
    %mul3A_705 = arith.constant 390 : i32
    %mul3A_706 = arith.muli %arg1, %mul3A_705 : i32
    %min3A = arith.constant 10 : i32
    %min3A_707 = arith.minsi %arg1, %min3A : i32
    %add3A_708 = arith.addi %mul3A_706, %min3A_707 : i32
    %mul3A_709 = arith.constant 128 : i32
    %mul3A_710 = arith.muli %add3A_708, %mul3A_709 : i32
    %add3A_711 = arith.constant 0 : i32
    %add3A_712 = arith.addi %mul3A_710, %add3A_711 : i32
    %not3A = arith.constant false
    %not3A_713 = arith.constant true
    %not3A_714 = arith.xori %not3A, %not3A_713 : i1
    %convert_element_type3A = arith.extui %not3A_714 : i1 to i32
    %cond3A = arith.constant 0 : i32
    %cond3A_715 = arith.cmpi ne, %convert_element_type3A, %cond3A : i32
    scf.if %cond3A_715 {
      %dma_start3A_1156 = arith.constant 0 : i32
      %dma_start3A_1157 = arith.constant 0 : i32
      %dma_start3A_1158 = tpu.memref_slice %arg8[%dma_start3A_1156, %dma_start3A_1157] : memref<2x1024xi32, #tpu.memory_space<vmem>> -> memref<1x1024xi32, #tpu.memory_space<vmem>>
      %dma_start3A_1159 = tpu.memref_squeeze %dma_start3A_1158 : memref<1x1024xi32, #tpu.memory_space<vmem>> -> memref<1024xi32, #tpu.memory_space<vmem>>
      %dma_start3A_1160 = tpu.memref_slice %arg3[%add3A_712] : memref<800000xi32, #tpu.memory_space<hbm>> -> memref<1024xi32, #tpu.memory_space<hbm>>
      %dma_start3A_1161 = arith.constant 0 : i32
      %dma_start3A_1162 = tpu.memref_slice %arg8[%dma_start3A_1156, %dma_start3A_1161] : memref<2x1024xi32, #tpu.memory_space<vmem>> -> memref<1x1024xi32, #tpu.memory_space<vmem>>
      %dma_start3A_1163 = tpu.memref_squeeze %dma_start3A_1162 : memref<1x1024xi32, #tpu.memory_space<vmem>> -> memref<1024xi32, #tpu.memory_space<vmem>>
      %dma_start3A_1164 = tpu.memref_slice %arg3[%add3A_712] : memref<800000xi32, #tpu.memory_space<hbm>> -> memref<1024xi32, #tpu.memory_space<hbm>>
      tpu.enqueue_dma source(%dma_start3A_1164 : memref<1024xi32, #tpu.memory_space<hbm>>) target(%dma_start3A_1163 : memref<1024xi32, #tpu.memory_space<vmem>>) target_semaphore(%arg12 : memref<!tpu.dma_semaphore, #tpu.memory_space<semaphore_mem>>)
      %dma_start3A_1165 = arith.constant 0 : i32
      %dma_start3A_1166 = arith.constant 0 : i32
      %dma_start3A_1167 = tpu.memref_slice %arg9[%dma_start3A_1165, %dma_start3A_1166] : memref<2x1024xf32, #tpu.memory_space<vmem>> -> memref<1x1024xf32, #tpu.memory_space<vmem>>
      %dma_start3A_1168 = tpu.memref_squeeze %dma_start3A_1167 : memref<1x1024xf32, #tpu.memory_space<vmem>> -> memref<1024xf32, #tpu.memory_space<vmem>>
      %dma_start3A_1169 = tpu.memref_slice %arg5[%add3A_712] : memref<800000xf32, #tpu.memory_space<hbm>> -> memref<1024xf32, #tpu.memory_space<hbm>>
      %dma_start3A_1170 = arith.constant 0 : i32
      %dma_start3A_1171 = tpu.memref_slice %arg9[%dma_start3A_1165, %dma_start3A_1170] : memref<2x1024xf32, #tpu.memory_space<vmem>> -> memref<1x1024xf32, #tpu.memory_space<vmem>>
      %dma_start3A_1172 = tpu.memref_squeeze %dma_start3A_1171 : memref<1x1024xf32, #tpu.memory_space<vmem>> -> memref<1024xf32, #tpu.memory_space<vmem>>
      %dma_start3A_1173 = tpu.memref_slice %arg5[%add3A_712] : memref<800000xf32, #tpu.memory_space<hbm>> -> memref<1024xf32, #tpu.memory_space<hbm>>
      tpu.enqueue_dma source(%dma_start3A_1173 : memref<1024xf32, #tpu.memory_space<hbm>>) target(%dma_start3A_1172 : memref<1024xf32, #tpu.memory_space<vmem>>) target_semaphore(%arg12 : memref<!tpu.dma_semaphore, #tpu.memory_space<semaphore_mem>>)
    } else {
    }
    %cond3A_716 = arith.constant 0 : i32
    %not3A_717 = arith.constant false
    %not3A_718 = arith.constant true
    %not3A_719 = arith.xori %not3A_717, %not3A_718 : i1
    %convert_element_type3A_720 = arith.extui %not3A_719 : i1 to i32
    %cond3A_721 = arith.constant 0 : i32
    %cond3A_722 = arith.cmpi ne, %convert_element_type3A_720, %cond3A_721 : i32
    scf.if %cond3A_722 {
      %dma_wait3A_1156 = arith.constant 0 : i32
      %dma_wait3A_1157 = arith.constant 0 : i32
      %dma_wait3A_1158 = tpu.memref_slice %arg8[%dma_wait3A_1156, %dma_wait3A_1157] : memref<2x1024xi32, #tpu.memory_space<vmem>> -> memref<1x1024xi32, #tpu.memory_space<vmem>>
      %dma_wait3A_1159 = tpu.memref_squeeze %dma_wait3A_1158 : memref<1x1024xi32, #tpu.memory_space<vmem>> -> memref<1024xi32, #tpu.memory_space<vmem>>
      %dma_wait3A_1160 = arith.constant 0 : i32
      %dma_wait3A_1161 = tpu.memref_slice %arg3[%dma_wait3A_1160] : memref<800000xi32, #tpu.memory_space<hbm>> -> memref<1024xi32, #tpu.memory_space<hbm>>
      %dma_wait3A_1162 = arith.constant 0 : i32
      %dma_wait3A_1163 = tpu.memref_slice %arg8[%dma_wait3A_1156, %dma_wait3A_1162] : memref<2x1024xi32, #tpu.memory_space<vmem>> -> memref<1x1024xi32, #tpu.memory_space<vmem>>
      %dma_wait3A_1164 = tpu.memref_squeeze %dma_wait3A_1163 : memref<1x1024xi32, #tpu.memory_space<vmem>> -> memref<1024xi32, #tpu.memory_space<vmem>>
      %dma_wait3A_1165 = arith.constant 0 : i32
      %dma_wait3A_1166 = tpu.memref_slice %arg3[%dma_wait3A_1165] : memref<800000xi32, #tpu.memory_space<hbm>> -> memref<1024xi32, #tpu.memory_space<hbm>>
      tpu.wait_dma2 semaphore(%arg12 : memref<!tpu.dma_semaphore, #tpu.memory_space<semaphore_mem>>) src(%dma_wait3A_1166 : memref<1024xi32, #tpu.memory_space<hbm>>) dst(%dma_wait3A_1164 : memref<1024xi32, #tpu.memory_space<vmem>>)
      %dma_wait3A_1167 = arith.constant 0 : i32
      %dma_wait3A_1168 = arith.constant 0 : i32
      %dma_wait3A_1169 = tpu.memref_slice %arg8[%dma_wait3A_1167, %dma_wait3A_1168] : memref<2x1024xi32, #tpu.memory_space<vmem>> -> memref<1x1024xi32, #tpu.memory_space<vmem>>
      %dma_wait3A_1170 = tpu.memref_squeeze %dma_wait3A_1169 : memref<1x1024xi32, #tpu.memory_space<vmem>> -> memref<1024xi32, #tpu.memory_space<vmem>>
      %dma_wait3A_1171 = arith.constant 0 : i32
      %dma_wait3A_1172 = tpu.memref_slice %arg3[%dma_wait3A_1171] : memref<800000xi32, #tpu.memory_space<hbm>> -> memref<1024xi32, #tpu.memory_space<hbm>>
      %dma_wait3A_1173 = arith.constant 0 : i32
      %dma_wait3A_1174 = tpu.memref_slice %arg8[%dma_wait3A_1167, %dma_wait3A_1173] : memref<2x1024xi32, #tpu.memory_space<vmem>> -> memref<1x1024xi32, #tpu.memory_space<vmem>>
      %dma_wait3A_1175 = tpu.memref_squeeze %dma_wait3A_1174 : memref<1x1024xi32, #tpu.memory_space<vmem>> -> memref<1024xi32, #tpu.memory_space<vmem>>
      %dma_wait3A_1176 = arith.constant 0 : i32
      %dma_wait3A_1177 = tpu.memref_slice %arg3[%dma_wait3A_1176] : memref<800000xi32, #tpu.memory_space<hbm>> -> memref<1024xi32, #tpu.memory_space<hbm>>
      tpu.wait_dma2 semaphore(%arg12 : memref<!tpu.dma_semaphore, #tpu.memory_space<semaphore_mem>>) src(%dma_wait3A_1177 : memref<1024xi32, #tpu.memory_space<hbm>>) dst(%dma_wait3A_1175 : memref<1024xi32, #tpu.memory_space<vmem>>)
    } else {
    }
    %cond3A_723 = arith.constant 0 : i32
    %add3A_724 = arith.constant 1024 : i32
    %add3A_725 = arith.addi %mul3A_710, %add3A_724 : i32
    %not3A_726 = arith.constant false
    %not3A_727 = arith.constant true
    %not3A_728 = arith.xori %not3A_726, %not3A_727 : i1
    %convert_element_type3A_729 = arith.extui %not3A_728 : i1 to i32
    %cond3A_730 = arith.constant 0 : i32
    %cond3A_731 = arith.cmpi ne, %convert_element_type3A_729, %cond3A_730 : i32
    scf.if %cond3A_731 {
      %dma_start3A_1156 = arith.constant 1 : i32
      %dma_start3A_1157 = arith.constant 0 : i32
      %dma_start3A_1158 = tpu.memref_slice %arg8[%dma_start3A_1156, %dma_start3A_1157] : memref<2x1024xi32, #tpu.memory_space<vmem>> -> memref<1x1024xi32, #tpu.memory_space<vmem>>
      %dma_start3A_1159 = tpu.memref_squeeze %dma_start3A_1158 : memref<1x1024xi32, #tpu.memory_space<vmem>> -> memref<1024xi32, #tpu.memory_space<vmem>>
      %dma_start3A_1160 = tpu.memref_slice %arg3[%add3A_725] : memref<800000xi32, #tpu.memory_space<hbm>> -> memref<1024xi32, #tpu.memory_space<hbm>>
      %dma_start3A_1161 = arith.constant 0 : i32
      %dma_start3A_1162 = tpu.memref_slice %arg8[%dma_start3A_1156, %dma_start3A_1161] : memref<2x1024xi32, #tpu.memory_space<vmem>> -> memref<1x1024xi32, #tpu.memory_space<vmem>>
      %dma_start3A_1163 = tpu.memref_squeeze %dma_start3A_1162 : memref<1x1024xi32, #tpu.memory_space<vmem>> -> memref<1024xi32, #tpu.memory_space<vmem>>
      %dma_start3A_1164 = tpu.memref_slice %arg3[%add3A_725] : memref<800000xi32, #tpu.memory_space<hbm>> -> memref<1024xi32, #tpu.memory_space<hbm>>
      tpu.enqueue_dma source(%dma_start3A_1164 : memref<1024xi32, #tpu.memory_space<hbm>>) target(%dma_start3A_1163 : memref<1024xi32, #tpu.memory_space<vmem>>) target_semaphore(%arg12 : memref<!tpu.dma_semaphore, #tpu.memory_space<semaphore_mem>>)
      %dma_start3A_1165 = arith.constant 1 : i32
      %dma_start3A_1166 = arith.constant 0 : i32
      %dma_start3A_1167 = tpu.memref_slice %arg9[%dma_start3A_1165, %dma_start3A_1166] : memref<2x1024xf32, #tpu.memory_space<vmem>> -> memref<1x1024xf32, #tpu.memory_space<vmem>>
      %dma_start3A_1168 = tpu.memref_squeeze %dma_start3A_1167 : memref<1x1024xf32, #tpu.memory_space<vmem>> -> memref<1024xf32, #tpu.memory_space<vmem>>
      %dma_start3A_1169 = tpu.memref_slice %arg5[%add3A_725] : memref<800000xf32, #tpu.memory_space<hbm>> -> memref<1024xf32, #tpu.memory_space<hbm>>
      %dma_start3A_1170 = arith.constant 0 : i32
      %dma_start3A_1171 = tpu.memref_slice %arg9[%dma_start3A_1165, %dma_start3A_1170] : memref<2x1024xf32, #tpu.memory_space<vmem>> -> memref<1x1024xf32, #tpu.memory_space<vmem>>
      %dma_start3A_1172 = tpu.memref_squeeze %dma_start3A_1171 : memref<1x1024xf32, #tpu.memory_space<vmem>> -> memref<1024xf32, #tpu.memory_space<vmem>>
      %dma_start3A_1173 = tpu.memref_slice %arg5[%add3A_725] : memref<800000xf32, #tpu.memory_space<hbm>> -> memref<1024xf32, #tpu.memory_space<hbm>>
      tpu.enqueue_dma source(%dma_start3A_1173 : memref<1024xf32, #tpu.memory_space<hbm>>) target(%dma_start3A_1172 : memref<1024xf32, #tpu.memory_space<vmem>>) target_semaphore(%arg12 : memref<!tpu.dma_semaphore, #tpu.memory_space<semaphore_mem>>)
    } else {
    }
    %cond3A_732 = arith.constant 0 : i32
    %rem3A = arith.constant 0 : i32
    %rem3A_733 = arith.constant 5 : i32
    %rem3A_734 = arith.remsi %rem3A, %rem3A_733 : i32
    %get3A = arith.constant 0 : i32
    %get3A_735 = arith.index_cast %get3A : i32 to index
    %get3A_736 = arith.constant 0 : index
    %get3A_737 = tpu.vector_load %arg8[%get3A_735, %get3A_736] {strides = array<i32>} : memref<2x1024xi32, #tpu.memory_space<vmem>>, vector<16xi32>,
    %add3A_738 = vector.broadcast %arg0 : i32 to vector<16xi32>
    %add3A_739 = arith.addi %get3A_737, %add3A_738 : vector<16xi32>
    %add3A_740 = arith.addi %get3A_737, %add3A_739 : vector<16xi32>
    %swap3A = arith.constant 0 : i32
    %swap3A_741 = arith.index_cast %swap3A : i32 to index
    %swap3A_742 = arith.constant 0 : index
    %swap3A_743 = tpu.vector_load %arg8[%swap3A_741, %swap3A_742] {strides = array<i32>} : memref<2x1024xi32, #tpu.memory_space<vmem>>, vector<16xi32>,
    tpu.vector_store %arg8[%swap3A_741, %swap3A_742], %add3A_740 {strides = array<i32>} : memref<2x1024xi32, #tpu.memory_space<vmem>>, vector<16xi32>,
    %get3A_744 = arith.constant 0 : i32
    %get3A_745 = arith.index_cast %get3A_744 : i32 to index
    %get3A_746 = arith.constant 16 : index
    %get3A_747 = tpu.vector_load %arg8[%get3A_745, %get3A_746] {strides = array<i32>} : memref<2x1024xi32, #tpu.memory_space<vmem>>, vector<16xi32>,
    %add3A_748 = vector.broadcast %arg0 : i32 to vector<16xi32>
    %add3A_749 = arith.addi %get3A_747, %add3A_748 : vector<16xi32>
    %add3A_750 = arith.addi %get3A_747, %add3A_749 : vector<16xi32>
    %swap3A_751 = arith.constant 0 : i32
    %swap3A_752 = arith.index_cast %swap3A_751 : i32 to index
    %swap3A_753 = arith.constant 16 : index
    %swap3A_754 = tpu.vector_load %arg8[%swap3A_752, %swap3A_753] {strides = array<i32>} : memref<2x1024xi32, #tpu.memory_space<vmem>>, vector<16xi32>,
    tpu.vector_store %arg8[%swap3A_752, %swap3A_753], %add3A_750 {strides = array<i32>} : memref<2x1024xi32, #tpu.memory_space<vmem>>, vector<16xi32>,
    %get3A_755 = arith.constant 0 : i32
    %get3A_756 = arith.index_cast %get3A_755 : i32 to index
    %get3A_757 = arith.constant 32 : index
    %get3A_758 = tpu.vector_load %arg8[%get3A_756, %get3A_757] {strides = array<i32>} : memref<2x1024xi32, #tpu.memory_space<vmem>>, vector<16xi32>,
    %add3A_759 = vector.broadcast %arg0 : i32 to vector<16xi32>
    %add3A_760 = arith.addi %get3A_758, %add3A_759 : vector<16xi32>
    %add3A_761 = arith.addi %get3A_758, %add3A_760 : vector<16xi32>
    %swap3A_762 = arith.constant 0 : i32
    %swap3A_763 = arith.index_cast %swap3A_762 : i32 to index
    %swap3A_764 = arith.constant 32 : index
    %swap3A_765 = tpu.vector_load %arg8[%swap3A_763, %swap3A_764] {strides = array<i32>} : memref<2x1024xi32, #tpu.memory_space<vmem>>, vector<16xi32>,
    tpu.vector_store %arg8[%swap3A_763, %swap3A_764], %add3A_761 {strides = array<i32>} : memref<2x1024xi32, #tpu.memory_space<vmem>>, vector<16xi32>,
    %get3A_766 = arith.constant 0 : i32
    %get3A_767 = arith.index_cast %get3A_766 : i32 to index
    %get3A_768 = arith.constant 48 : index
    %get3A_769 = tpu.vector_load %arg8[%get3A_767, %get3A_768] {strides = array<i32>} : memref<2x1024xi32, #tpu.memory_space<vmem>>, vector<16xi32>,
    %add3A_770 = vector.broadcast %arg0 : i32 to vector<16xi32>
    %add3A_771 = arith.addi %get3A_769, %add3A_770 : vector<16xi32>
    %add3A_772 = arith.addi %get3A_769, %add3A_771 : vector<16xi32>
    %swap3A_773 = arith.constant 0 : i32
    %swap3A_774 = arith.index_cast %swap3A_773 : i32 to index
    %swap3A_775 = arith.constant 48 : index
    %swap3A_776 = tpu.vector_load %arg8[%swap3A_774, %swap3A_775] {strides = array<i32>} : memref<2x1024xi32, #tpu.memory_space<vmem>>, vector<16xi32>,
    tpu.vector_store %arg8[%swap3A_774, %swap3A_775], %add3A_772 {strides = array<i32>} : memref<2x1024xi32, #tpu.memory_space<vmem>>, vector<16xi32>,
    %get3A_777 = arith.constant 0 : i32
    %get3A_778 = arith.index_cast %get3A_777 : i32 to index
    %get3A_779 = arith.constant 64 : index
    %get3A_780 = tpu.vector_load %arg8[%get3A_778, %get3A_779] {strides = array<i32>} : memref<2x1024xi32, #tpu.memory_space<vmem>>, vector<16xi32>,
    %add3A_781 = vector.broadcast %arg0 : i32 to vector<16xi32>
    %add3A_782 = arith.addi %get3A_780, %add3A_781 : vector<16xi32>
    %add3A_783 = arith.addi %get3A_780, %add3A_782 : vector<16xi32>
    %swap3A_784 = arith.constant 0 : i32
    %swap3A_785 = arith.index_cast %swap3A_784 : i32 to index
    %swap3A_786 = arith.constant 64 : index
    %swap3A_787 = tpu.vector_load %arg8[%swap3A_785, %swap3A_786] {strides = array<i32>} : memref<2x1024xi32, #tpu.memory_space<vmem>>, vector<16xi32>,
    tpu.vector_store %arg8[%swap3A_785, %swap3A_786], %add3A_783 {strides = array<i32>} : memref<2x1024xi32, #tpu.memory_space<vmem>>, vector<16xi32>,
    %get3A_788 = arith.constant 0 : i32
    %get3A_789 = arith.index_cast %get3A_788 : i32 to index
    %get3A_790 = arith.constant 80 : index
    %get3A_791 = tpu.vector_load %arg8[%get3A_789, %get3A_790] {strides = array<i32>} : memref<2x1024xi32, #tpu.memory_space<vmem>>, vector<16xi32>,
    %add3A_792 = vector.broadcast %arg0 : i32 to vector<16xi32>
    %add3A_793 = arith.addi %get3A_791, %add3A_792 : vector<16xi32>
    %add3A_794 = arith.addi %get3A_791, %add3A_793 : vector<16xi32>
    %swap3A_795 = arith.constant 0 : i32
    %swap3A_796 = arith.index_cast %swap3A_795 : i32 to index
    %swap3A_797 = arith.constant 80 : index
    %swap3A_798 = tpu.vector_load %arg8[%swap3A_796, %swap3A_797] {strides = array<i32>} : memref<2x1024xi32, #tpu.memory_space<vmem>>, vector<16xi32>,
    tpu.vector_store %arg8[%swap3A_796, %swap3A_797], %add3A_794 {strides = array<i32>} : memref<2x1024xi32, #tpu.memory_space<vmem>>, vector<16xi32>,
    %get3A_799 = arith.constant 0 : i32
    %get3A_800 = arith.index_cast %get3A_799 : i32 to index
    %get3A_801 = arith.constant 96 : index
    %get3A_802 = tpu.vector_load %arg8[%get3A_800, %get3A_801] {strides = array<i32>} : memref<2x1024xi32, #tpu.memory_space<vmem>>, vector<16xi32>,
    %add3A_803 = vector.broadcast %arg0 : i32 to vector<16xi32>
    %add3A_804 = arith.addi %get3A_802, %add3A_803 : vector<16xi32>
    %add3A_805 = arith.addi %get3A_802, %add3A_804 : vector<16xi32>
    %swap3A_806 = arith.constant 0 : i32
    %swap3A_807 = arith.index_cast %swap3A_806 : i32 to index
    %swap3A_808 = arith.constant 96 : index
    %swap3A_809 = tpu.vector_load %arg8[%swap3A_807, %swap3A_808] {strides = array<i32>} : memref<2x1024xi32, #tpu.memory_space<vmem>>, vector<16xi32>,
    tpu.vector_store %arg8[%swap3A_807, %swap3A_808], %add3A_805 {strides = array<i32>} : memref<2x1024xi32, #tpu.memory_space<vmem>>, vector<16xi32>,
    %get3A_810 = arith.constant 0 : i32
    %get3A_811 = arith.index_cast %get3A_810 : i32 to index
    %get3A_812 = arith.constant 112 : index
    %get3A_813 = tpu.vector_load %arg8[%get3A_811, %get3A_812] {strides = array<i32>} : memref<2x1024xi32, #tpu.memory_space<vmem>>, vector<16xi32>,
    %add3A_814 = vector.broadcast %arg0 : i32 to vector<16xi32>
    %add3A_815 = arith.addi %get3A_813, %add3A_814 : vector<16xi32>
    %add3A_816 = arith.addi %get3A_813, %add3A_815 : vector<16xi32>
    %swap3A_817 = arith.constant 0 : i32
    %swap3A_818 = arith.index_cast %swap3A_817 : i32 to index
    %swap3A_819 = arith.constant 112 : index
    %swap3A_820 = tpu.vector_load %arg8[%swap3A_818, %swap3A_819] {strides = array<i32>} : memref<2x1024xi32, #tpu.memory_space<vmem>>, vector<16xi32>,
    tpu.vector_store %arg8[%swap3A_818, %swap3A_819], %add3A_816 {strides = array<i32>} : memref<2x1024xi32, #tpu.memory_space<vmem>>, vector<16xi32>,
    %dma_start3A_821 = arith.constant 0 : i32
    %dma_start3A_822 = arith.constant 0 : i32
    %dma_start3A_823 = arith.constant 0 : i32
    %dma_start3A_824 = tpu.memref_slice %arg11[%rem3A_734, %dma_start3A_822, %dma_start3A_823] : memref<5x128x32xf32, #tpu.memory_space<vmem>> -> memref<1x128x32xf32, #tpu.memory_space<vmem>>
    %dma_start3A_825 = tpu.memref_squeeze %dma_start3A_824 : memref<1x128x32xf32, #tpu.memory_space<vmem>> -> memref<128x32xf32, #tpu.memory_space<vmem>>
    %dma_start3A_826 = arith.constant 0 : i32
    %dma_start3A_827 = tpu.memref_slice %arg8[%dma_start3A_821, %dma_start3A_826] : memref<2x1024xi32, #tpu.memory_space<vmem>> -> memref<1x128xi32, #tpu.memory_space<vmem>>
    %dma_start3A_828 = tpu.memref_squeeze %dma_start3A_827 : memref<1x128xi32, #tpu.memory_space<vmem>> -> memref<128xi32, #tpu.memory_space<vmem>>
    %dma_start3A_829 = arith.constant 0 : i32
    %dma_start3A_830 = arith.constant 0 : i32
    %dma_start3A_831 = tpu.memref_slice %arg2[%dma_start3A_829, %dma_start3A_830] : memref<100000x32xf32, #tpu.memory_space<hbm>> -> memref<100000x32xf32, #tpu.memory_space<hbm>>
    tpu.enqueue_indirect_dma source(%dma_start3A_831 : memref<100000x32xf32, #tpu.memory_space<hbm>>) target(%dma_start3A_825 : memref<128x32xf32, #tpu.memory_space<vmem>>) offsets(%dma_start3A_828 : memref<128xi32, #tpu.memory_space<vmem>>) semaphore(%arg13 : memref<!tpu.dma_semaphore, #tpu.memory_space<semaphore_mem>>)
    %add3A_832 = arith.constant 0 : i32
    %add3A_833 = arith.addi %mul3A_710, %add3A_832 : i32
    %dma_start3A_834 = arith.constant 0 : i32
    %dma_start3A_835 = arith.constant 0 : i32
    %dma_start3A_836 = tpu.memref_slice %arg10[%dma_start3A_834, %dma_start3A_835] : memref<8x128xi32, #tpu.memory_space<vmem>> -> memref<1x128xi32, #tpu.memory_space<vmem>>
    %dma_start3A_837 = tpu.memref_squeeze %dma_start3A_836 : memref<1x128xi32, #tpu.memory_space<vmem>> -> memref<128xi32, #tpu.memory_space<vmem>>
    %dma_start3A_838 = tpu.memref_slice %arg4[%add3A_833] : memref<800000xi32, #tpu.memory_space<hbm>> -> memref<128xi32, #tpu.memory_space<hbm>>
    %dma_start3A_839 = arith.constant 0 : i32
    %dma_start3A_840 = tpu.memref_slice %arg10[%dma_start3A_834, %dma_start3A_839] : memref<8x128xi32, #tpu.memory_space<vmem>> -> memref<1x128xi32, #tpu.memory_space<vmem>>
    %dma_start3A_841 = tpu.memref_squeeze %dma_start3A_840 : memref<1x128xi32, #tpu.memory_space<vmem>> -> memref<128xi32, #tpu.memory_space<vmem>>
    %dma_start3A_842 = tpu.memref_slice %arg4[%add3A_833] : memref<800000xi32, #tpu.memory_space<hbm>> -> memref<128xi32, #tpu.memory_space<hbm>>
    tpu.enqueue_dma source(%dma_start3A_842 : memref<128xi32, #tpu.memory_space<hbm>>) target(%dma_start3A_841 : memref<128xi32, #tpu.memory_space<vmem>>) target_semaphore(%arg15 : memref<!tpu.dma_semaphore, #tpu.memory_space<semaphore_mem>>)
    %rem3A_843 = arith.constant 1 : i32
    %rem3A_844 = arith.constant 5 : i32
    %rem3A_845 = arith.remsi %rem3A_843, %rem3A_844 : i32
    %get3A_846 = arith.constant 0 : i32
    %get3A_847 = arith.index_cast %get3A_846 : i32 to index
    %get3A_848 = arith.constant 128 : index
    %get3A_849 = tpu.vector_load %arg8[%get3A_847, %get3A_848] {strides = array<i32>} : memref<2x1024xi32, #tpu.memory_space<vmem>>, vector<16xi32>,
    %add3A_850 = vector.broadcast %arg0 : i32 to vector<16xi32>
    %add3A_851 = arith.addi %get3A_849, %add3A_850 : vector<16xi32>
    %add3A_852 = arith.addi %get3A_849, %add3A_851 : vector<16xi32>
    %swap3A_853 = arith.constant 0 : i32
    %swap3A_854 = arith.index_cast %swap3A_853 : i32 to index
    %swap3A_855 = arith.constant 128 : index
    %swap3A_856 = tpu.vector_load %arg8[%swap3A_854, %swap3A_855] {strides = array<i32>} : memref<2x1024xi32, #tpu.memory_space<vmem>>, vector<16xi32>,
    tpu.vector_store %arg8[%swap3A_854, %swap3A_855], %add3A_852 {strides = array<i32>} : memref<2x1024xi32, #tpu.memory_space<vmem>>, vector<16xi32>,
    %get3A_857 = arith.constant 0 : i32
    %get3A_858 = arith.index_cast %get3A_857 : i32 to index
    %get3A_859 = arith.constant 144 : index
    %get3A_860 = tpu.vector_load %arg8[%get3A_858, %get3A_859] {strides = array<i32>} : memref<2x1024xi32, #tpu.memory_space<vmem>>, vector<16xi32>,
    %add3A_861 = vector.broadcast %arg0 : i32 to vector<16xi32>
    %add3A_862 = arith.addi %get3A_860, %add3A_861 : vector<16xi32>
    %add3A_863 = arith.addi %get3A_860, %add3A_862 : vector<16xi32>
    %swap3A_864 = arith.constant 0 : i32
    %swap3A_865 = arith.index_cast %swap3A_864 : i32 to index
    %swap3A_866 = arith.constant 144 : index
    %swap3A_867 = tpu.vector_load %arg8[%swap3A_865, %swap3A_866] {strides = array<i32>} : memref<2x1024xi32, #tpu.memory_space<vmem>>, vector<16xi32>,
    tpu.vector_store %arg8[%swap3A_865, %swap3A_866], %add3A_863 {strides = array<i32>} : memref<2x1024xi32, #tpu.memory_space<vmem>>, vector<16xi32>,
    %get3A_868 = arith.constant 0 : i32
    %get3A_869 = arith.index_cast %get3A_868 : i32 to index
    %get3A_870 = arith.constant 160 : index
    %get3A_871 = tpu.vector_load %arg8[%get3A_869, %get3A_870] {strides = array<i32>} : memref<2x1024xi32, #tpu.memory_space<vmem>>, vector<16xi32>,
    %add3A_872 = vector.broadcast %arg0 : i32 to vector<16xi32>
    %add3A_873 = arith.addi %get3A_871, %add3A_872 : vector<16xi32>
    %add3A_874 = arith.addi %get3A_871, %add3A_873 : vector<16xi32>
    %swap3A_875 = arith.constant 0 : i32
    %swap3A_876 = arith.index_cast %swap3A_875 : i32 to index
    %swap3A_877 = arith.constant 160 : index
    %swap3A_878 = tpu.vector_load %arg8[%swap3A_876, %swap3A_877] {strides = array<i32>} : memref<2x1024xi32, #tpu.memory_space<vmem>>, vector<16xi32>,
    tpu.vector_store %arg8[%swap3A_876, %swap3A_877], %add3A_874 {strides = array<i32>} : memref<2x1024xi32, #tpu.memory_space<vmem>>, vector<16xi32>,
    %get3A_879 = arith.constant 0 : i32
    %get3A_880 = arith.index_cast %get3A_879 : i32 to index
    %get3A_881 = arith.constant 176 : index
    %get3A_882 = tpu.vector_load %arg8[%get3A_880, %get3A_881] {strides = array<i32>} : memref<2x1024xi32, #tpu.memory_space<vmem>>, vector<16xi32>,
    %add3A_883 = vector.broadcast %arg0 : i32 to vector<16xi32>
    %add3A_884 = arith.addi %get3A_882, %add3A_883 : vector<16xi32>
    %add3A_885 = arith.addi %get3A_882, %add3A_884 : vector<16xi32>
    %swap3A_886 = arith.constant 0 : i32
    %swap3A_887 = arith.index_cast %swap3A_886 : i32 to index
    %swap3A_888 = arith.constant 176 : index
    %swap3A_889 = tpu.vector_load %arg8[%swap3A_887, %swap3A_888] {strides = array<i32>} : memref<2x1024xi32, #tpu.memory_space<vmem>>, vector<16xi32>,
    tpu.vector_store %arg8[%swap3A_887, %swap3A_888], %add3A_885 {strides = array<i32>} : memref<2x1024xi32, #tpu.memory_space<vmem>>, vector<16xi32>,
    %get3A_890 = arith.constant 0 : i32
    %get3A_891 = arith.index_cast %get3A_890 : i32 to index
    %get3A_892 = arith.constant 192 : index
    %get3A_893 = tpu.vector_load %arg8[%get3A_891, %get3A_892] {strides = array<i32>} : memref<2x1024xi32, #tpu.memory_space<vmem>>, vector<16xi32>,
    %add3A_894 = vector.broadcast %arg0 : i32 to vector<16xi32>
    %add3A_895 = arith.addi %get3A_893, %add3A_894 : vector<16xi32>
    %add3A_896 = arith.addi %get3A_893, %add3A_895 : vector<16xi32>
    %swap3A_897 = arith.constant 0 : i32
    %swap3A_898 = arith.index_cast %swap3A_897 : i32 to index
    %swap3A_899 = arith.constant 192 : index
    %swap3A_900 = tpu.vector_load %arg8[%swap3A_898, %swap3A_899] {strides = array<i32>} : memref<2x1024xi32, #tpu.memory_space<vmem>>, vector<16xi32>,
    tpu.vector_store %arg8[%swap3A_898, %swap3A_899], %add3A_896 {strides = array<i32>} : memref<2x1024xi32, #tpu.memory_space<vmem>>, vector<16xi32>,
    %get3A_901 = arith.constant 0 : i32
    %get3A_902 = arith.index_cast %get3A_901 : i32 to index
    %get3A_903 = arith.constant 208 : index
    %get3A_904 = tpu.vector_load %arg8[%get3A_902, %get3A_903] {strides = array<i32>} : memref<2x1024xi32, #tpu.memory_space<vmem>>, vector<16xi32>,
    %add3A_905 = vector.broadcast %arg0 : i32 to vector<16xi32>
    %add3A_906 = arith.addi %get3A_904, %add3A_905 : vector<16xi32>
    %add3A_907 = arith.addi %get3A_904, %add3A_906 : vector<16xi32>
    %swap3A_908 = arith.constant 0 : i32
    %swap3A_909 = arith.index_cast %swap3A_908 : i32 to index
    %swap3A_910 = arith.constant 208 : index
    %swap3A_911 = tpu.vector_load %arg8[%swap3A_909, %swap3A_910] {strides = array<i32>} : memref<2x1024xi32, #tpu.memory_space<vmem>>, vector<16xi32>,
    tpu.vector_store %arg8[%swap3A_909, %swap3A_910], %add3A_907 {strides = array<i32>} : memref<2x1024xi32, #tpu.memory_space<vmem>>, vector<16xi32>,
    %get3A_912 = arith.constant 0 : i32
    %get3A_913 = arith.index_cast %get3A_912 : i32 to index
    %get3A_914 = arith.constant 224 : index
    %get3A_915 = tpu.vector_load %arg8[%get3A_913, %get3A_914] {strides = array<i32>} : memref<2x1024xi32, #tpu.memory_space<vmem>>, vector<16xi32>,
    %add3A_916 = vector.broadcast %arg0 : i32 to vector<16xi32>
    %add3A_917 = arith.addi %get3A_915, %add3A_916 : vector<16xi32>
    %add3A_918 = arith.addi %get3A_915, %add3A_917 : vector<16xi32>
    %swap3A_919 = arith.constant 0 : i32
    %swap3A_920 = arith.index_cast %swap3A_919 : i32 to index
    %swap3A_921 = arith.constant 224 : index
    %swap3A_922 = tpu.vector_load %arg8[%swap3A_920, %swap3A_921] {strides = array<i32>} : memref<2x1024xi32, #tpu.memory_space<vmem>>, vector<16xi32>,
    tpu.vector_store %arg8[%swap3A_920, %swap3A_921], %add3A_918 {strides = array<i32>} : memref<2x1024xi32, #tpu.memory_space<vmem>>, vector<16xi32>,
    %get3A_923 = arith.constant 0 : i32
    %get3A_924 = arith.index_cast %get3A_923 : i32 to index
    %get3A_925 = arith.constant 240 : index
    %get3A_926 = tpu.vector_load %arg8[%get3A_924, %get3A_925] {strides = array<i32>} : memref<2x1024xi32, #tpu.memory_space<vmem>>, vector<16xi32>,
    %add3A_927 = vector.broadcast %arg0 : i32 to vector<16xi32>
    %add3A_928 = arith.addi %get3A_926, %add3A_927 : vector<16xi32>
    %add3A_929 = arith.addi %get3A_926, %add3A_928 : vector<16xi32>
    %swap3A_930 = arith.constant 0 : i32
    %swap3A_931 = arith.index_cast %swap3A_930 : i32 to index
    %swap3A_932 = arith.constant 240 : index
    %swap3A_933 = tpu.vector_load %arg8[%swap3A_931, %swap3A_932] {strides = array<i32>} : memref<2x1024xi32, #tpu.memory_space<vmem>>, vector<16xi32>,
    tpu.vector_store %arg8[%swap3A_931, %swap3A_932], %add3A_929 {strides = array<i32>} : memref<2x1024xi32, #tpu.memory_space<vmem>>, vector<16xi32>,
    %dma_start3A_934 = arith.constant 0 : i32
    %dma_start3A_935 = arith.constant 0 : i32
    %dma_start3A_936 = arith.constant 0 : i32
    %dma_start3A_937 = tpu.memref_slice %arg11[%rem3A_845, %dma_start3A_935, %dma_start3A_936] : memref<5x128x32xf32, #tpu.memory_space<vmem>> -> memref<1x128x32xf32, #tpu.memory_space<vmem>>
    %dma_start3A_938 = tpu.memref_squeeze %dma_start3A_937 : memref<1x128x32xf32, #tpu.memory_space<vmem>> -> memref<128x32xf32, #tpu.memory_space<vmem>>
    %dma_start3A_939 = arith.constant 128 : i32
    %dma_start3A_940 = tpu.memref_slice %arg8[%dma_start3A_934, %dma_start3A_939] : memref<2x1024xi32, #tpu.memory_space<vmem>> -> memref<1x128xi32, #tpu.memory_space<vmem>>
    %dma_start3A_941 = tpu.memref_squeeze %dma_start3A_940 : memref<1x128xi32, #tpu.memory_space<vmem>> -> memref<128xi32, #tpu.memory_space<vmem>>
    %dma_start3A_942 = arith.constant 0 : i32
    %dma_start3A_943 = arith.constant 0 : i32
    %dma_start3A_944 = tpu.memref_slice %arg2[%dma_start3A_942, %dma_start3A_943] : memref<100000x32xf32, #tpu.memory_space<hbm>> -> memref<100000x32xf32, #tpu.memory_space<hbm>>
    tpu.enqueue_indirect_dma source(%dma_start3A_944 : memref<100000x32xf32, #tpu.memory_space<hbm>>) target(%dma_start3A_938 : memref<128x32xf32, #tpu.memory_space<vmem>>) offsets(%dma_start3A_941 : memref<128xi32, #tpu.memory_space<vmem>>) semaphore(%arg14 : memref<!tpu.dma_semaphore, #tpu.memory_space<semaphore_mem>>)
    %add3A_945 = arith.constant 128 : i32
    %add3A_946 = arith.addi %mul3A_710, %add3A_945 : i32
    %dma_start3A_947 = arith.constant 1 : i32
    %dma_start3A_948 = arith.constant 0 : i32
    %dma_start3A_949 = tpu.memref_slice %arg10[%dma_start3A_947, %dma_start3A_948] : memref<8x128xi32, #tpu.memory_space<vmem>> -> memref<1x128xi32, #tpu.memory_space<vmem>>
    %dma_start3A_950 = tpu.memref_squeeze %dma_start3A_949 : memref<1x128xi32, #tpu.memory_space<vmem>> -> memref<128xi32, #tpu.memory_space<vmem>>
    %dma_start3A_951 = tpu.memref_slice %arg4[%add3A_946] : memref<800000xi32, #tpu.memory_space<hbm>> -> memref<128xi32, #tpu.memory_space<hbm>>
    %dma_start3A_952 = arith.constant 0 : i32
    %dma_start3A_953 = tpu.memref_slice %arg10[%dma_start3A_947, %dma_start3A_952] : memref<8x128xi32, #tpu.memory_space<vmem>> -> memref<1x128xi32, #tpu.memory_space<vmem>>
    %dma_start3A_954 = tpu.memref_squeeze %dma_start3A_953 : memref<1x128xi32, #tpu.memory_space<vmem>> -> memref<128xi32, #tpu.memory_space<vmem>>
    %dma_start3A_955 = tpu.memref_slice %arg4[%add3A_946] : memref<800000xi32, #tpu.memory_space<hbm>> -> memref<128xi32, #tpu.memory_space<hbm>>
    tpu.enqueue_dma source(%dma_start3A_955 : memref<128xi32, #tpu.memory_space<hbm>>) target(%dma_start3A_954 : memref<128xi32, #tpu.memory_space<vmem>>) target_semaphore(%arg15 : memref<!tpu.dma_semaphore, #tpu.memory_space<semaphore_mem>>)
    %rem3A_956 = arith.constant 2 : i32
    %rem3A_957 = arith.constant 5 : i32
    %rem3A_958 = arith.remsi %rem3A_956, %rem3A_957 : i32
    %get3A_959 = arith.constant 0 : i32
    %get3A_960 = arith.index_cast %get3A_959 : i32 to index
    %get3A_961 = arith.constant 256 : index
    %get3A_962 = tpu.vector_load %arg8[%get3A_960, %get3A_961] {strides = array<i32>} : memref<2x1024xi32, #tpu.memory_space<vmem>>, vector<16xi32>,
    %add3A_963 = vector.broadcast %arg0 : i32 to vector<16xi32>
    %add3A_964 = arith.addi %get3A_962, %add3A_963 : vector<16xi32>
    %add3A_965 = arith.addi %get3A_962, %add3A_964 : vector<16xi32>
    %swap3A_966 = arith.constant 0 : i32
    %swap3A_967 = arith.index_cast %swap3A_966 : i32 to index
    %swap3A_968 = arith.constant 256 : index
    %swap3A_969 = tpu.vector_load %arg8[%swap3A_967, %swap3A_968] {strides = array<i32>} : memref<2x1024xi32, #tpu.memory_space<vmem>>, vector<16xi32>,
    tpu.vector_store %arg8[%swap3A_967, %swap3A_968], %add3A_965 {strides = array<i32>} : memref<2x1024xi32, #tpu.memory_space<vmem>>, vector<16xi32>,
    %get3A_970 = arith.constant 0 : i32
    %get3A_971 = arith.index_cast %get3A_970 : i32 to index
    %get3A_972 = arith.constant 272 : index
    %get3A_973 = tpu.vector_load %arg8[%get3A_971, %get3A_972] {strides = array<i32>} : memref<2x1024xi32, #tpu.memory_space<vmem>>, vector<16xi32>,
    %add3A_974 = vector.broadcast %arg0 : i32 to vector<16xi32>
    %add3A_975 = arith.addi %get3A_973, %add3A_974 : vector<16xi32>
    %add3A_976 = arith.addi %get3A_973, %add3A_975 : vector<16xi32>
    %swap3A_977 = arith.constant 0 : i32
    %swap3A_978 = arith.index_cast %swap3A_977 : i32 to index
    %swap3A_979 = arith.constant 272 : index
    %swap3A_980 = tpu.vector_load %arg8[%swap3A_978, %swap3A_979] {strides = array<i32>} : memref<2x1024xi32, #tpu.memory_space<vmem>>, vector<16xi32>,
    tpu.vector_store %arg8[%swap3A_978, %swap3A_979], %add3A_976 {strides = array<i32>} : memref<2x1024xi32, #tpu.memory_space<vmem>>, vector<16xi32>,
    %get3A_981 = arith.constant 0 : i32
    %get3A_982 = arith.index_cast %get3A_981 : i32 to index
    %get3A_983 = arith.constant 288 : index
    %get3A_984 = tpu.vector_load %arg8[%get3A_982, %get3A_983] {strides = array<i32>} : memref<2x1024xi32, #tpu.memory_space<vmem>>, vector<16xi32>,
    %add3A_985 = vector.broadcast %arg0 : i32 to vector<16xi32>
    %add3A_986 = arith.addi %get3A_984, %add3A_985 : vector<16xi32>
    %add3A_987 = arith.addi %get3A_984, %add3A_986 : vector<16xi32>
    %swap3A_988 = arith.constant 0 : i32
    %swap3A_989 = arith.index_cast %swap3A_988 : i32 to index
    %swap3A_990 = arith.constant 288 : index
    %swap3A_991 = tpu.vector_load %arg8[%swap3A_989, %swap3A_990] {strides = array<i32>} : memref<2x1024xi32, #tpu.memory_space<vmem>>, vector<16xi32>,
    tpu.vector_store %arg8[%swap3A_989, %swap3A_990], %add3A_987 {strides = array<i32>} : memref<2x1024xi32, #tpu.memory_space<vmem>>, vector<16xi32>,
    %get3A_992 = arith.constant 0 : i32
    %get3A_993 = arith.index_cast %get3A_992 : i32 to index
    %get3A_994 = arith.constant 304 : index
    %get3A_995 = tpu.vector_load %arg8[%get3A_993, %get3A_994] {strides = array<i32>} : memref<2x1024xi32, #tpu.memory_space<vmem>>, vector<16xi32>,
    %add3A_996 = vector.broadcast %arg0 : i32 to vector<16xi32>
    %add3A_997 = arith.addi %get3A_995, %add3A_996 : vector<16xi32>
    %add3A_998 = arith.addi %get3A_995, %add3A_997 : vector<16xi32>
    %swap3A_999 = arith.constant 0 : i32
    %swap3A_1000 = arith.index_cast %swap3A_999 : i32 to index
    %swap3A_1001 = arith.constant 304 : index
    %swap3A_1002 = tpu.vector_load %arg8[%swap3A_1000, %swap3A_1001] {strides = array<i32>} : memref<2x1024xi32, #tpu.memory_space<vmem>>, vector<16xi32>,
    tpu.vector_store %arg8[%swap3A_1000, %swap3A_1001], %add3A_998 {strides = array<i32>} : memref<2x1024xi32, #tpu.memory_space<vmem>>, vector<16xi32>,
    %get3A_1003 = arith.constant 0 : i32
    %get3A_1004 = arith.index_cast %get3A_1003 : i32 to index
    %get3A_1005 = arith.constant 320 : index
    %get3A_1006 = tpu.vector_load %arg8[%get3A_1004, %get3A_1005] {strides = array<i32>} : memref<2x1024xi32, #tpu.memory_space<vmem>>, vector<16xi32>,
    %add3A_1007 = vector.broadcast %arg0 : i32 to vector<16xi32>
    %add3A_1008 = arith.addi %get3A_1006, %add3A_1007 : vector<16xi32>
    %add3A_1009 = arith.addi %get3A_1006, %add3A_1008 : vector<16xi32>
    %swap3A_1010 = arith.constant 0 : i32
    %swap3A_1011 = arith.index_cast %swap3A_1010 : i32 to index
    %swap3A_1012 = arith.constant 320 : index
    %swap3A_1013 = tpu.vector_load %arg8[%swap3A_1011, %swap3A_1012] {strides = array<i32>} : memref<2x1024xi32, #tpu.memory_space<vmem>>, vector<16xi32>,
    tpu.vector_store %arg8[%swap3A_1011, %swap3A_1012], %add3A_1009 {strides = array<i32>} : memref<2x1024xi32, #tpu.memory_space<vmem>>, vector<16xi32>,
    %get3A_1014 = arith.constant 0 : i32
    %get3A_1015 = arith.index_cast %get3A_1014 : i32 to index
    %get3A_1016 = arith.constant 336 : index
    %get3A_1017 = tpu.vector_load %arg8[%get3A_1015, %get3A_1016] {strides = array<i32>} : memref<2x1024xi32, #tpu.memory_space<vmem>>, vector<16xi32>,
    %add3A_1018 = vector.broadcast %arg0 : i32 to vector<16xi32>
    %add3A_1019 = arith.addi %get3A_1017, %add3A_1018 : vector<16xi32>
    %add3A_1020 = arith.addi %get3A_1017, %add3A_1019 : vector<16xi32>
    %swap3A_1021 = arith.constant 0 : i32
    %swap3A_1022 = arith.index_cast %swap3A_1021 : i32 to index
    %swap3A_1023 = arith.constant 336 : index
    %swap3A_1024 = tpu.vector_load %arg8[%swap3A_1022, %swap3A_1023] {strides = array<i32>} : memref<2x1024xi32, #tpu.memory_space<vmem>>, vector<16xi32>,
    tpu.vector_store %arg8[%swap3A_1022, %swap3A_1023], %add3A_1020 {strides = array<i32>} : memref<2x1024xi32, #tpu.memory_space<vmem>>, vector<16xi32>,
    %get3A_1025 = arith.constant 0 : i32
    %get3A_1026 = arith.index_cast %get3A_1025 : i32 to index
    %get3A_1027 = arith.constant 352 : index
    %get3A_1028 = tpu.vector_load %arg8[%get3A_1026, %get3A_1027] {strides = array<i32>} : memref<2x1024xi32, #tpu.memory_space<vmem>>, vector<16xi32>,
    %add3A_1029 = vector.broadcast %arg0 : i32 to vector<16xi32>
    %add3A_1030 = arith.addi %get3A_1028, %add3A_1029 : vector<16xi32>
    %add3A_1031 = arith.addi %get3A_1028, %add3A_1030 : vector<16xi32>
    %swap3A_1032 = arith.constant 0 : i32
    %swap3A_1033 = arith.index_cast %swap3A_1032 : i32 to index
    %swap3A_1034 = arith.constant 352 : index
    %swap3A_1035 = tpu.vector_load %arg8[%swap3A_1033, %swap3A_1034] {strides = array<i32>} : memref<2x1024xi32, #tpu.memory_space<vmem>>, vector<16xi32>,
    tpu.vector_store %arg8[%swap3A_1033, %swap3A_1034], %add3A_1031 {strides = array<i32>} : memref<2x1024xi32, #tpu.memory_space<vmem>>, vector<16xi32>,
    %get3A_1036 = arith.constant 0 : i32
    %get3A_1037 = arith.index_cast %get3A_1036 : i32 to index
    %get3A_1038 = arith.constant 368 : index
    %get3A_1039 = tpu.vector_load %arg8[%get3A_1037, %get3A_1038] {strides = array<i32>} : memref<2x1024xi32, #tpu.memory_space<vmem>>, vector<16xi32>,
    %add3A_1040 = vector.broadcast %arg0 : i32 to vector<16xi32>
    %add3A_1041 = arith.addi %get3A_1039, %add3A_1040 : vector<16xi32>
    %add3A_1042 = arith.addi %get3A_1039, %add3A_1041 : vector<16xi32>
    %swap3A_1043 = arith.constant 0 : i32
    %swap3A_1044 = arith.index_cast %swap3A_1043 : i32 to index
    %swap3A_1045 = arith.constant 368 : index
    %swap3A_1046 = tpu.vector_load %arg8[%swap3A_1044, %swap3A_1045] {strides = array<i32>} : memref<2x1024xi32, #tpu.memory_space<vmem>>, vector<16xi32>,
    tpu.vector_store %arg8[%swap3A_1044, %swap3A_1045], %add3A_1042 {strides = array<i32>} : memref<2x1024xi32, #tpu.memory_space<vmem>>, vector<16xi32>,
    %dma_start3A_1047 = arith.constant 0 : i32
    %dma_start3A_1048 = arith.constant 0 : i32
    %dma_start3A_1049 = arith.constant 0 : i32
    %dma_start3A_1050 = tpu.memref_slice %arg11[%rem3A_958, %dma_start3A_1048, %dma_start3A_1049] : memref<5x128x32xf32, #tpu.memory_space<vmem>> -> memref<1x128x32xf32, #tpu.memory_space<vmem>>
    %dma_start3A_1051 = tpu.memref_squeeze %dma_start3A_1050 : memref<1x128x32xf32, #tpu.memory_space<vmem>> -> memref<128x32xf32, #tpu.memory_space<vmem>>
    %dma_start3A_1052 = arith.constant 256 : i32
    %dma_start3A_1053 = tpu.memref_slice %arg8[%dma_start3A_1047, %dma_start3A_1052] : memref<2x1024xi32, #tpu.memory_space<vmem>> -> memref<1x128xi32, #tpu.memory_space<vmem>>
    %dma_start3A_1054 = tpu.memref_squeeze %dma_start3A_1053 : memref<1x128xi32, #tpu.memory_space<vmem>> -> memref<128xi32, #tpu.memory_space<vmem>>
    %dma_start3A_1055 = arith.constant 0 : i32
    %dma_start3A_1056 = arith.constant 0 : i32
    %dma_start3A_1057 = tpu.memref_slice %arg2[%dma_start3A_1055, %dma_start3A_1056] : memref<100000x32xf32, #tpu.memory_space<hbm>> -> memref<100000x32xf32, #tpu.memory_space<hbm>>
    tpu.enqueue_indirect_dma source(%dma_start3A_1057 : memref<100000x32xf32, #tpu.memory_space<hbm>>) target(%dma_start3A_1051 : memref<128x32xf32, #tpu.memory_space<vmem>>) offsets(%dma_start3A_1054 : memref<128xi32, #tpu.memory_space<vmem>>) semaphore(%arg13 : memref<!tpu.dma_semaphore, #tpu.memory_space<semaphore_mem>>)
    %add3A_1058 = arith.constant 256 : i32
    %add3A_1059 = arith.addi %mul3A_710, %add3A_1058 : i32
    %dma_start3A_1060 = arith.constant 2 : i32
    %dma_start3A_1061 = arith.constant 0 : i32
    %dma_start3A_1062 = tpu.memref_slice %arg10[%dma_start3A_1060, %dma_start3A_1061] : memref<8x128xi32, #tpu.memory_space<vmem>> -> memref<1x128xi32, #tpu.memory_space<vmem>>
    %dma_start3A_1063 = tpu.memref_squeeze %dma_start3A_1062 : memref<1x128xi32, #tpu.memory_space<vmem>> -> memref<128xi32, #tpu.memory_space<vmem>>
    %dma_start3A_1064 = tpu.memref_slice %arg4[%add3A_1059] : memref<800000xi32, #tpu.memory_space<hbm>> -> memref<128xi32, #tpu.memory_space<hbm>>
    %dma_start3A_1065 = arith.constant 0 : i32
    %dma_start3A_1066 = tpu.memref_slice %arg10[%dma_start3A_1060, %dma_start3A_1065] : memref<8x128xi32, #tpu.memory_space<vmem>> -> memref<1x128xi32, #tpu.memory_space<vmem>>
    %dma_start3A_1067 = tpu.memref_squeeze %dma_start3A_1066 : memref<1x128xi32, #tpu.memory_space<vmem>> -> memref<128xi32, #tpu.memory_space<vmem>>
    %dma_start3A_1068 = tpu.memref_slice %arg4[%add3A_1059] : memref<800000xi32, #tpu.memory_space<hbm>> -> memref<128xi32, #tpu.memory_space<hbm>>
    tpu.enqueue_dma source(%dma_start3A_1068 : memref<128xi32, #tpu.memory_space<hbm>>) target(%dma_start3A_1067 : memref<128xi32, #tpu.memory_space<vmem>>) target_semaphore(%arg15 : memref<!tpu.dma_semaphore, #tpu.memory_space<semaphore_mem>>)
    %while3A = arith.constant 0 : i32
    %while3A_1069 = arith.constant 0 : i32
    %while3A_1070 = arith.subi %select_n3A, %while3A_1069 : i32
    %while3A_1071 = arith.addi %while3A_1069, %while3A_1070 : i32
    %while3A_1072 = arith.constant 1 : i32
    %while3A_1073 = arith.divsi %while3A_1070, %while3A_1072 : i32
    %while3A_1074 = arith.muli %while3A_1073, %while3A_1072 : i32
    %while3A_1075 = arith.addi %while3A_1069, %while3A_1074 : i32
    %while3A_1076 = arith.constant 1 : i32
    scf.for %while3A_1156 = %while3A_1069 to %while3A_1075 step %while3A_1076  : i32 {
      %and3A = arith.constant 7 : i32
      %and3A_1157 = arith.andi %while3A_1156, %and3A : i32
      %shift_right_arithmetic3A = arith.constant 3 : i32
      %shift_right_arithmetic3A_1158 = arith.shrsi %while3A_1156, %shift_right_arithmetic3A : i32
      %and3A_1159 = arith.constant 1 : i32
      %and3A_1160 = arith.andi %shift_right_arithmetic3A_1158, %and3A_1159 : i32
      %rem3A_1161 = arith.constant 5 : i32
      %rem3A_1162 = arith.remsi %while3A_1156, %rem3A_1161 : i32
      %eq3A = arith.constant 5 : i32
      %eq3A_1163 = arith.cmpi eq, %and3A_1157, %eq3A : i32
      %add3A_1164 = arith.constant 1 : i32
      %add3A_1165 = arith.addi %shift_right_arithmetic3A_1158, %add3A_1164 : i32
      %lt3A_1166 = arith.constant 49 : i32
      %lt3A_1167 = arith.cmpi slt, %add3A_1165, %lt3A_1166 : i32
      %and3A_1168 = arith.andi %eq3A_1163, %lt3A_1167 : i1
      %convert_element_type3A_1169 = arith.extui %and3A_1168 : i1 to i32
      %cond3A_1170 = arith.constant 0 : i32
      %cond3A_1171 = arith.cmpi ne, %convert_element_type3A_1169, %cond3A_1170 : i32
      scf.if %cond3A_1171 {
        %eq3A_1241 = arith.constant 15 : i32
        %eq3A_1242 = arith.cmpi eq, %arg1, %eq3A_1241 : i32
        %add3A_1243 = arith.constant 1 : i32
        %add3A_1244 = arith.addi %shift_right_arithmetic3A_1158, %add3A_1243 : i32
        %eq3A_1245 = arith.constant 48 : i32
        %eq3A_1246 = arith.cmpi eq, %add3A_1244, %eq3A_1245 : i32
        %and3A_1247 = arith.andi %eq3A_1242, %eq3A_1246 : i1
        %not3A_1248 = arith.constant true
        %not3A_1249 = arith.xori %and3A_1247, %not3A_1248 : i1
        %convert_element_type3A_1250 = arith.extui %not3A_1249 : i1 to i32
        %cond3A_1251 = arith.constant 0 : i32
        %cond3A_1252 = arith.cmpi ne, %convert_element_type3A_1250, %cond3A_1251 : i32
        scf.if %cond3A_1252 {
          %dma_wait3A_1256 = arith.constant 0 : i32
          %dma_wait3A_1257 = arith.constant 0 : i32
          %dma_wait3A_1258 = tpu.memref_slice %arg8[%dma_wait3A_1256, %dma_wait3A_1257] : memref<2x1024xi32, #tpu.memory_space<vmem>> -> memref<1x1024xi32, #tpu.memory_space<vmem>>
          %dma_wait3A_1259 = tpu.memref_squeeze %dma_wait3A_1258 : memref<1x1024xi32, #tpu.memory_space<vmem>> -> memref<1024xi32, #tpu.memory_space<vmem>>
          %dma_wait3A_1260 = arith.constant 0 : i32
          %dma_wait3A_1261 = tpu.memref_slice %arg3[%dma_wait3A_1260] : memref<800000xi32, #tpu.memory_space<hbm>> -> memref<1024xi32, #tpu.memory_space<hbm>>
          %dma_wait3A_1262 = arith.constant 0 : i32
          %dma_wait3A_1263 = tpu.memref_slice %arg8[%dma_wait3A_1256, %dma_wait3A_1262] : memref<2x1024xi32, #tpu.memory_space<vmem>> -> memref<1x1024xi32, #tpu.memory_space<vmem>>
          %dma_wait3A_1264 = tpu.memref_squeeze %dma_wait3A_1263 : memref<1x1024xi32, #tpu.memory_space<vmem>> -> memref<1024xi32, #tpu.memory_space<vmem>>
          %dma_wait3A_1265 = arith.constant 0 : i32
          %dma_wait3A_1266 = tpu.memref_slice %arg3[%dma_wait3A_1265] : memref<800000xi32, #tpu.memory_space<hbm>> -> memref<1024xi32, #tpu.memory_space<hbm>>
          tpu.wait_dma2 semaphore(%arg12 : memref<!tpu.dma_semaphore, #tpu.memory_space<semaphore_mem>>) src(%dma_wait3A_1266 : memref<1024xi32, #tpu.memory_space<hbm>>) dst(%dma_wait3A_1264 : memref<1024xi32, #tpu.memory_space<vmem>>)
          %dma_wait3A_1267 = arith.constant 0 : i32
          %dma_wait3A_1268 = arith.constant 0 : i32
          %dma_wait3A_1269 = tpu.memref_slice %arg8[%dma_wait3A_1267, %dma_wait3A_1268] : memref<2x1024xi32, #tpu.memory_space<vmem>> -> memref<1x1024xi32, #tpu.memory_space<vmem>>
          %dma_wait3A_1270 = tpu.memref_squeeze %dma_wait3A_1269 : memref<1x1024xi32, #tpu.memory_space<vmem>> -> memref<1024xi32, #tpu.memory_space<vmem>>
          %dma_wait3A_1271 = arith.constant 0 : i32
          %dma_wait3A_1272 = tpu.memref_slice %arg3[%dma_wait3A_1271] : memref<800000xi32, #tpu.memory_space<hbm>> -> memref<1024xi32, #tpu.memory_space<hbm>>
          %dma_wait3A_1273 = arith.constant 0 : i32
          %dma_wait3A_1274 = tpu.memref_slice %arg8[%dma_wait3A_1267, %dma_wait3A_1273] : memref<2x1024xi32, #tpu.memory_space<vmem>> -> memref<1x1024xi32, #tpu.memory_space<vmem>>
          %dma_wait3A_1275 = tpu.memref_squeeze %dma_wait3A_1274 : memref<1x1024xi32, #tpu.memory_space<vmem>> -> memref<1024xi32, #tpu.memory_space<vmem>>
          %dma_wait3A_1276 = arith.constant 0 : i32
          %dma_wait3A_1277 = tpu.memref_slice %arg3[%dma_wait3A_1276] : memref<800000xi32, #tpu.memory_space<hbm>> -> memref<1024xi32, #tpu.memory_space<hbm>>
          tpu.wait_dma2 semaphore(%arg12 : memref<!tpu.dma_semaphore, #tpu.memory_space<semaphore_mem>>) src(%dma_wait3A_1277 : memref<1024xi32, #tpu.memory_space<hbm>>) dst(%dma_wait3A_1275 : memref<1024xi32, #tpu.memory_space<vmem>>)
        } else {
        }
        %convert_element_type3A_1253 = arith.extui %and3A_1247 : i1 to i32
        %cond3A_1254 = arith.constant 0 : i32
        %cond3A_1255 = arith.cmpi ne, %convert_element_type3A_1253, %cond3A_1254 : i32
        scf.if %cond3A_1255 {
          %dma_wait3A_1256 = arith.constant 0 : i32
          %dma_wait3A_1257 = arith.constant 0 : i32
          %dma_wait3A_1258 = tpu.memref_slice %arg8[%dma_wait3A_1256, %dma_wait3A_1257] : memref<2x1024xi32, #tpu.memory_space<vmem>> -> memref<1x768xi32, #tpu.memory_space<vmem>>
          %dma_wait3A_1259 = tpu.memref_squeeze %dma_wait3A_1258 : memref<1x768xi32, #tpu.memory_space<vmem>> -> memref<768xi32, #tpu.memory_space<vmem>>
          %dma_wait3A_1260 = arith.constant 0 : i32
          %dma_wait3A_1261 = tpu.memref_slice %arg3[%dma_wait3A_1260] : memref<800000xi32, #tpu.memory_space<hbm>> -> memref<768xi32, #tpu.memory_space<hbm>>
          %dma_wait3A_1262 = arith.constant 0 : i32
          %dma_wait3A_1263 = tpu.memref_slice %arg8[%dma_wait3A_1256, %dma_wait3A_1262] : memref<2x1024xi32, #tpu.memory_space<vmem>> -> memref<1x768xi32, #tpu.memory_space<vmem>>
          %dma_wait3A_1264 = tpu.memref_squeeze %dma_wait3A_1263 : memref<1x768xi32, #tpu.memory_space<vmem>> -> memref<768xi32, #tpu.memory_space<vmem>>
          %dma_wait3A_1265 = arith.constant 0 : i32
          %dma_wait3A_1266 = tpu.memref_slice %arg3[%dma_wait3A_1265] : memref<800000xi32, #tpu.memory_space<hbm>> -> memref<768xi32, #tpu.memory_space<hbm>>
          tpu.wait_dma2 semaphore(%arg12 : memref<!tpu.dma_semaphore, #tpu.memory_space<semaphore_mem>>) src(%dma_wait3A_1266 : memref<768xi32, #tpu.memory_space<hbm>>) dst(%dma_wait3A_1264 : memref<768xi32, #tpu.memory_space<vmem>>)
          %dma_wait3A_1267 = arith.constant 0 : i32
          %dma_wait3A_1268 = arith.constant 0 : i32
          %dma_wait3A_1269 = tpu.memref_slice %arg8[%dma_wait3A_1267, %dma_wait3A_1268] : memref<2x1024xi32, #tpu.memory_space<vmem>> -> memref<1x768xi32, #tpu.memory_space<vmem>>
          %dma_wait3A_1270 = tpu.memref_squeeze %dma_wait3A_1269 : memref<1x768xi32, #tpu.memory_space<vmem>> -> memref<768xi32, #tpu.memory_space<vmem>>
          %dma_wait3A_1271 = arith.constant 0 : i32
          %dma_wait3A_1272 = tpu.memref_slice %arg3[%dma_wait3A_1271] : memref<800000xi32, #tpu.memory_space<hbm>> -> memref<768xi32, #tpu.memory_space<hbm>>
          %dma_wait3A_1273 = arith.constant 0 : i32
          %dma_wait3A_1274 = tpu.memref_slice %arg8[%dma_wait3A_1267, %dma_wait3A_1273] : memref<2x1024xi32, #tpu.memory_space<vmem>> -> memref<1x768xi32, #tpu.memory_space<vmem>>
          %dma_wait3A_1275 = tpu.memref_squeeze %dma_wait3A_1274 : memref<1x768xi32, #tpu.memory_space<vmem>> -> memref<768xi32, #tpu.memory_space<vmem>>
          %dma_wait3A_1276 = arith.constant 0 : i32
          %dma_wait3A_1277 = tpu.memref_slice %arg3[%dma_wait3A_1276] : memref<800000xi32, #tpu.memory_space<hbm>> -> memref<768xi32, #tpu.memory_space<hbm>>
          tpu.wait_dma2 semaphore(%arg12 : memref<!tpu.dma_semaphore, #tpu.memory_space<semaphore_mem>>) src(%dma_wait3A_1277 : memref<768xi32, #tpu.memory_space<hbm>>) dst(%dma_wait3A_1275 : memref<768xi32, #tpu.memory_space<vmem>>)
        } else {
        }
      } else {
      }
      %ge3A = arith.constant 2 : i32
      %ge3A_1172 = arith.cmpi sge, %while3A_1156, %ge3A : i32
      %add3A_1173 = arith.constant 3 : i32
      %add3A_1174 = arith.addi %while3A_1156, %add3A_1173 : i32
      %lt3A_1175 = arith.cmpi slt, %add3A_1174, %select_n3A : i32
      %and3A_1176 = arith.andi %ge3A_1172, %lt3A_1175 : i1
      %convert_element_type3A_1177 = arith.extui %and3A_1176 : i1 to i32
      %cond3A_1178 = arith.constant 0 : i32
      %cond3A_1179 = arith.cmpi ne, %convert_element_type3A_1177, %cond3A_1178 : i32
      scf.if %cond3A_1179 {
        %dma_wait3A_1241 = arith.constant 0 : i32
        %dma_wait3A_1242 = arith.constant 0 : i32
        %dma_wait3A_1243 = arith.constant 0 : i32
        %dma_wait3A_1244 = tpu.memref_slice %arg11[%dma_wait3A_1241, %dma_wait3A_1242, %dma_wait3A_1243] : memref<5x128x32xf32, #tpu.memory_space<vmem>> -> memref<1x128x32xf32, #tpu.memory_space<vmem>>
        %dma_wait3A_1245 = tpu.memref_squeeze %dma_wait3A_1244 : memref<1x128x32xf32, #tpu.memory_space<vmem>> -> memref<128x32xf32, #tpu.memory_space<vmem>>
        %dma_wait3A_1246 = arith.constant 0 : i32
        %dma_wait3A_1247 = arith.constant 0 : i32
        %dma_wait3A_1248 = tpu.memref_slice %arg2[%dma_wait3A_1246, %dma_wait3A_1247] : memref<100000x32xf32, #tpu.memory_space<hbm>> -> memref<128x32xf32, #tpu.memory_space<hbm>>
        %dma_wait3A_1249 = arith.constant 0 : i32
        %dma_wait3A_1250 = arith.constant 0 : i32
        %dma_wait3A_1251 = tpu.memref_slice %arg11[%dma_wait3A_1241, %dma_wait3A_1249, %dma_wait3A_1250] : memref<5x128x32xf32, #tpu.memory_space<vmem>> -> memref<1x128x32xf32, #tpu.memory_space<vmem>>
        %dma_wait3A_1252 = tpu.memref_squeeze %dma_wait3A_1251 : memref<1x128x32xf32, #tpu.memory_space<vmem>> -> memref<128x32xf32, #tpu.memory_space<vmem>>
        %dma_wait3A_1253 = arith.constant 0 : i32
        %dma_wait3A_1254 = arith.constant 0 : i32
        %dma_wait3A_1255 = tpu.memref_slice %arg2[%dma_wait3A_1253, %dma_wait3A_1254] : memref<100000x32xf32, #tpu.memory_space<hbm>> -> memref<128x32xf32, #tpu.memory_space<hbm>>
        tpu.wait_dma2 semaphore(%arg16 : memref<!tpu.dma_semaphore, #tpu.memory_space<semaphore_mem>>) src(%dma_wait3A_1255 : memref<128x32xf32, #tpu.memory_space<hbm>>) dst(%dma_wait3A_1252 : memref<128x32xf32, #tpu.memory_space<vmem>>)
        %add3A_1256 = arith.constant 3 : i32
        %add3A_1257 = arith.addi %while3A_1156, %add3A_1256 : i32
        %and3A_1258 = arith.constant 7 : i32
        %and3A_1259 = arith.andi %add3A_1257, %and3A_1258 : i32
        %shift_right_arithmetic3A_1260 = arith.constant 3 : i32
        %shift_right_arithmetic3A_1261 = arith.shrsi %add3A_1257, %shift_right_arithmetic3A_1260 : i32
        %and3A_1262 = arith.constant 1 : i32
        %and3A_1263 = arith.andi %shift_right_arithmetic3A_1261, %and3A_1262 : i32
        %rem3A_1264 = arith.constant 5 : i32
        %rem3A_1265 = arith.remsi %add3A_1257, %rem3A_1264 : i32
        %mul3A_1266 = arith.constant 128 : i32
        %mul3A_1267 = arith.muli %and3A_1259, %mul3A_1266 : i32
        %add3A_1268 = arith.constant 0 : i32
        %add3A_1269 = arith.addi %mul3A_1267, %add3A_1268 : i32
        %get3A_1270 = arith.index_cast %and3A_1263 : i32 to index
        %get3A_1271 = arith.index_cast %add3A_1269 : i32 to index
        %get3A_1272 = tpu.vector_load %arg8[%get3A_1270, %get3A_1271] {strides = array<i32>} : memref<2x1024xi32, #tpu.memory_space<vmem>>, vector<16xi32>,
        %add3A_1273 = vector.broadcast %arg0 : i32 to vector<16xi32>
        %add3A_1274 = arith.addi %get3A_1272, %add3A_1273 : vector<16xi32>
        %add3A_1275 = arith.addi %get3A_1272, %add3A_1274 : vector<16xi32>
        %mul3A_1276 = arith.constant 128 : i32
        %mul3A_1277 = arith.muli %and3A_1259, %mul3A_1276 : i32
        %add3A_1278 = arith.constant 0 : i32
        %add3A_1279 = arith.addi %mul3A_1277, %add3A_1278 : i32
        %swap3A_1280 = arith.index_cast %and3A_1263 : i32 to index
        %swap3A_1281 = arith.index_cast %add3A_1279 : i32 to index
        %swap3A_1282 = tpu.vector_load %arg8[%swap3A_1280, %swap3A_1281] {strides = array<i32>} : memref<2x1024xi32, #tpu.memory_space<vmem>>, vector<16xi32>,
        tpu.vector_store %arg8[%swap3A_1280, %swap3A_1281], %add3A_1275 {strides = array<i32>} : memref<2x1024xi32, #tpu.memory_space<vmem>>, vector<16xi32>,
        %mul3A_1283 = arith.constant 128 : i32
        %mul3A_1284 = arith.muli %and3A_1259, %mul3A_1283 : i32
        %add3A_1285 = arith.constant 16 : i32
        %add3A_1286 = arith.addi %mul3A_1284, %add3A_1285 : i32
        %get3A_1287 = arith.index_cast %and3A_1263 : i32 to index
        %get3A_1288 = arith.index_cast %add3A_1286 : i32 to index
        %get3A_1289 = tpu.vector_load %arg8[%get3A_1287, %get3A_1288] {strides = array<i32>} : memref<2x1024xi32, #tpu.memory_space<vmem>>, vector<16xi32>,
        %add3A_1290 = vector.broadcast %arg0 : i32 to vector<16xi32>
        %add3A_1291 = arith.addi %get3A_1289, %add3A_1290 : vector<16xi32>
        %add3A_1292 = arith.addi %get3A_1289, %add3A_1291 : vector<16xi32>
        %mul3A_1293 = arith.constant 128 : i32
        %mul3A_1294 = arith.muli %and3A_1259, %mul3A_1293 : i32
        %add3A_1295 = arith.constant 16 : i32
        %add3A_1296 = arith.addi %mul3A_1294, %add3A_1295 : i32
        %swap3A_1297 = arith.index_cast %and3A_1263 : i32 to index
        %swap3A_1298 = arith.index_cast %add3A_1296 : i32 to index
        %swap3A_1299 = tpu.vector_load %arg8[%swap3A_1297, %swap3A_1298] {strides = array<i32>} : memref<2x1024xi32, #tpu.memory_space<vmem>>, vector<16xi32>,
        tpu.vector_store %arg8[%swap3A_1297, %swap3A_1298], %add3A_1292 {strides = array<i32>} : memref<2x1024xi32, #tpu.memory_space<vmem>>, vector<16xi32>,
        %mul3A_1300 = arith.constant 128 : i32
        %mul3A_1301 = arith.muli %and3A_1259, %mul3A_1300 : i32
        %add3A_1302 = arith.constant 32 : i32
        %add3A_1303 = arith.addi %mul3A_1301, %add3A_1302 : i32
        %get3A_1304 = arith.index_cast %and3A_1263 : i32 to index
        %get3A_1305 = arith.index_cast %add3A_1303 : i32 to index
        %get3A_1306 = tpu.vector_load %arg8[%get3A_1304, %get3A_1305] {strides = array<i32>} : memref<2x1024xi32, #tpu.memory_space<vmem>>, vector<16xi32>,
        %add3A_1307 = vector.broadcast %arg0 : i32 to vector<16xi32>
        %add3A_1308 = arith.addi %get3A_1306, %add3A_1307 : vector<16xi32>
        %add3A_1309 = arith.addi %get3A_1306, %add3A_1308 : vector<16xi32>
        %mul3A_1310 = arith.constant 128 : i32
        %mul3A_1311 = arith.muli %and3A_1259, %mul3A_1310 : i32
        %add3A_1312 = arith.constant 32 : i32
        %add3A_1313 = arith.addi %mul3A_1311, %add3A_1312 : i32
        %swap3A_1314 = arith.index_cast %and3A_1263 : i32 to index
        %swap3A_1315 = arith.index_cast %add3A_1313 : i32 to index
        %swap3A_1316 = tpu.vector_load %arg8[%swap3A_1314, %swap3A_1315] {strides = array<i32>} : memref<2x1024xi32, #tpu.memory_space<vmem>>, vector<16xi32>,
        tpu.vector_store %arg8[%swap3A_1314, %swap3A_1315], %add3A_1309 {strides = array<i32>} : memref<2x1024xi32, #tpu.memory_space<vmem>>, vector<16xi32>,
        %mul3A_1317 = arith.constant 128 : i32
        %mul3A_1318 = arith.muli %and3A_1259, %mul3A_1317 : i32
        %add3A_1319 = arith.constant 48 : i32
        %add3A_1320 = arith.addi %mul3A_1318, %add3A_1319 : i32
        %get3A_1321 = arith.index_cast %and3A_1263 : i32 to index
        %get3A_1322 = arith.index_cast %add3A_1320 : i32 to index
        %get3A_1323 = tpu.vector_load %arg8[%get3A_1321, %get3A_1322] {strides = array<i32>} : memref<2x1024xi32, #tpu.memory_space<vmem>>, vector<16xi32>,
        %add3A_1324 = vector.broadcast %arg0 : i32 to vector<16xi32>
        %add3A_1325 = arith.addi %get3A_1323, %add3A_1324 : vector<16xi32>
        %add3A_1326 = arith.addi %get3A_1323, %add3A_1325 : vector<16xi32>
        %mul3A_1327 = arith.constant 128 : i32
        %mul3A_1328 = arith.muli %and3A_1259, %mul3A_1327 : i32
        %add3A_1329 = arith.constant 48 : i32
        %add3A_1330 = arith.addi %mul3A_1328, %add3A_1329 : i32
        %swap3A_1331 = arith.index_cast %and3A_1263 : i32 to index
        %swap3A_1332 = arith.index_cast %add3A_1330 : i32 to index
        %swap3A_1333 = tpu.vector_load %arg8[%swap3A_1331, %swap3A_1332] {strides = array<i32>} : memref<2x1024xi32, #tpu.memory_space<vmem>>, vector<16xi32>,
        tpu.vector_store %arg8[%swap3A_1331, %swap3A_1332], %add3A_1326 {strides = array<i32>} : memref<2x1024xi32, #tpu.memory_space<vmem>>, vector<16xi32>,
        %mul3A_1334 = arith.constant 128 : i32
        %mul3A_1335 = arith.muli %and3A_1259, %mul3A_1334 : i32
        %add3A_1336 = arith.constant 64 : i32
        %add3A_1337 = arith.addi %mul3A_1335, %add3A_1336 : i32
        %get3A_1338 = arith.index_cast %and3A_1263 : i32 to index
        %get3A_1339 = arith.index_cast %add3A_1337 : i32 to index
        %get3A_1340 = tpu.vector_load %arg8[%get3A_1338, %get3A_1339] {strides = array<i32>} : memref<2x1024xi32, #tpu.memory_space<vmem>>, vector<16xi32>,
        %add3A_1341 = vector.broadcast %arg0 : i32 to vector<16xi32>
        %add3A_1342 = arith.addi %get3A_1340, %add3A_1341 : vector<16xi32>
        %add3A_1343 = arith.addi %get3A_1340, %add3A_1342 : vector<16xi32>
        %mul3A_1344 = arith.constant 128 : i32
        %mul3A_1345 = arith.muli %and3A_1259, %mul3A_1344 : i32
        %add3A_1346 = arith.constant 64 : i32
        %add3A_1347 = arith.addi %mul3A_1345, %add3A_1346 : i32
        %swap3A_1348 = arith.index_cast %and3A_1263 : i32 to index
        %swap3A_1349 = arith.index_cast %add3A_1347 : i32 to index
        %swap3A_1350 = tpu.vector_load %arg8[%swap3A_1348, %swap3A_1349] {strides = array<i32>} : memref<2x1024xi32, #tpu.memory_space<vmem>>, vector<16xi32>,
        tpu.vector_store %arg8[%swap3A_1348, %swap3A_1349], %add3A_1343 {strides = array<i32>} : memref<2x1024xi32, #tpu.memory_space<vmem>>, vector<16xi32>,
        %mul3A_1351 = arith.constant 128 : i32
        %mul3A_1352 = arith.muli %and3A_1259, %mul3A_1351 : i32
        %add3A_1353 = arith.constant 80 : i32
        %add3A_1354 = arith.addi %mul3A_1352, %add3A_1353 : i32
        %get3A_1355 = arith.index_cast %and3A_1263 : i32 to index
        %get3A_1356 = arith.index_cast %add3A_1354 : i32 to index
        %get3A_1357 = tpu.vector_load %arg8[%get3A_1355, %get3A_1356] {strides = array<i32>} : memref<2x1024xi32, #tpu.memory_space<vmem>>, vector<16xi32>,
        %add3A_1358 = vector.broadcast %arg0 : i32 to vector<16xi32>
        %add3A_1359 = arith.addi %get3A_1357, %add3A_1358 : vector<16xi32>
        %add3A_1360 = arith.addi %get3A_1357, %add3A_1359 : vector<16xi32>
        %mul3A_1361 = arith.constant 128 : i32
        %mul3A_1362 = arith.muli %and3A_1259, %mul3A_1361 : i32
        %add3A_1363 = arith.constant 80 : i32
        %add3A_1364 = arith.addi %mul3A_1362, %add3A_1363 : i32
        %swap3A_1365 = arith.index_cast %and3A_1263 : i32 to index
        %swap3A_1366 = arith.index_cast %add3A_1364 : i32 to index
        %swap3A_1367 = tpu.vector_load %arg8[%swap3A_1365, %swap3A_1366] {strides = array<i32>} : memref<2x1024xi32, #tpu.memory_space<vmem>>, vector<16xi32>,
        tpu.vector_store %arg8[%swap3A_1365, %swap3A_1366], %add3A_1360 {strides = array<i32>} : memref<2x1024xi32, #tpu.memory_space<vmem>>, vector<16xi32>,
        %mul3A_1368 = arith.constant 128 : i32
        %mul3A_1369 = arith.muli %and3A_1259, %mul3A_1368 : i32
        %add3A_1370 = arith.constant 96 : i32
        %add3A_1371 = arith.addi %mul3A_1369, %add3A_1370 : i32
        %get3A_1372 = arith.index_cast %and3A_1263 : i32 to index
        %get3A_1373 = arith.index_cast %add3A_1371 : i32 to index
        %get3A_1374 = tpu.vector_load %arg8[%get3A_1372, %get3A_1373] {strides = array<i32>} : memref<2x1024xi32, #tpu.memory_space<vmem>>, vector<16xi32>,
        %add3A_1375 = vector.broadcast %arg0 : i32 to vector<16xi32>
        %add3A_1376 = arith.addi %get3A_1374, %add3A_1375 : vector<16xi32>
        %add3A_1377 = arith.addi %get3A_1374, %add3A_1376 : vector<16xi32>
        %mul3A_1378 = arith.constant 128 : i32
        %mul3A_1379 = arith.muli %and3A_1259, %mul3A_1378 : i32
        %add3A_1380 = arith.constant 96 : i32
        %add3A_1381 = arith.addi %mul3A_1379, %add3A_1380 : i32
        %swap3A_1382 = arith.index_cast %and3A_1263 : i32 to index
        %swap3A_1383 = arith.index_cast %add3A_1381 : i32 to index
        %swap3A_1384 = tpu.vector_load %arg8[%swap3A_1382, %swap3A_1383] {strides = array<i32>} : memref<2x1024xi32, #tpu.memory_space<vmem>>, vector<16xi32>,
        tpu.vector_store %arg8[%swap3A_1382, %swap3A_1383], %add3A_1377 {strides = array<i32>} : memref<2x1024xi32, #tpu.memory_space<vmem>>, vector<16xi32>,
        %mul3A_1385 = arith.constant 128 : i32
        %mul3A_1386 = arith.muli %and3A_1259, %mul3A_1385 : i32
        %add3A_1387 = arith.constant 112 : i32
        %add3A_1388 = arith.addi %mul3A_1386, %add3A_1387 : i32
        %get3A_1389 = arith.index_cast %and3A_1263 : i32 to index
        %get3A_1390 = arith.index_cast %add3A_1388 : i32 to index
        %get3A_1391 = tpu.vector_load %arg8[%get3A_1389, %get3A_1390] {strides = array<i32>} : memref<2x1024xi32, #tpu.memory_space<vmem>>, vector<16xi32>,
        %add3A_1392 = vector.broadcast %arg0 : i32 to vector<16xi32>
        %add3A_1393 = arith.addi %get3A_1391, %add3A_1392 : vector<16xi32>
        %add3A_1394 = arith.addi %get3A_1391, %add3A_1393 : vector<16xi32>
        %mul3A_1395 = arith.constant 128 : i32
        %mul3A_1396 = arith.muli %and3A_1259, %mul3A_1395 : i32
        %add3A_1397 = arith.constant 112 : i32
        %add3A_1398 = arith.addi %mul3A_1396, %add3A_1397 : i32
        %swap3A_1399 = arith.index_cast %and3A_1263 : i32 to index
        %swap3A_1400 = arith.index_cast %add3A_1398 : i32 to index
        %swap3A_1401 = tpu.vector_load %arg8[%swap3A_1399, %swap3A_1400] {strides = array<i32>} : memref<2x1024xi32, #tpu.memory_space<vmem>>, vector<16xi32>,
        tpu.vector_store %arg8[%swap3A_1399, %swap3A_1400], %add3A_1394 {strides = array<i32>} : memref<2x1024xi32, #tpu.memory_space<vmem>>, vector<16xi32>,
        %and3A_1402 = arith.constant 1 : i32
        %and3A_1403 = arith.andi %add3A_1257, %and3A_1402 : i32
        %eq3A_1404 = arith.constant 0 : i32
        %eq3A_1405 = arith.cmpi eq, %and3A_1403, %eq3A_1404 : i32
        %convert_element_type3A_1406 = arith.extui %eq3A_1405 : i1 to i32
        %cond3A_1407 = arith.constant 0 : i32
        %cond3A_1408 = arith.cmpi ne, %convert_element_type3A_1406, %cond3A_1407 : i32
        scf.if %cond3A_1408 {
          %mul3A_1429 = arith.constant 128 : i32
          %mul3A_1430 = arith.muli %and3A_1259, %mul3A_1429 : i32
          %dma_start3A_1431 = arith.constant 0 : i32
          %dma_start3A_1432 = arith.constant 0 : i32
          %dma_start3A_1433 = tpu.memref_slice %arg11[%rem3A_1265, %dma_start3A_1431, %dma_start3A_1432] : memref<5x128x32xf32, #tpu.memory_space<vmem>> -> memref<1x128x32xf32, #tpu.memory_space<vmem>>
          %dma_start3A_1434 = tpu.memref_squeeze %dma_start3A_1433 : memref<1x128x32xf32, #tpu.memory_space<vmem>> -> memref<128x32xf32, #tpu.memory_space<vmem>>
          %dma_start3A_1435 = tpu.memref_slice %arg8[%and3A_1263, %mul3A_1430] : memref<2x1024xi32, #tpu.memory_space<vmem>> -> memref<1x128xi32, #tpu.memory_space<vmem>>
          %dma_start3A_1436 = tpu.memref_squeeze %dma_start3A_1435 : memref<1x128xi32, #tpu.memory_space<vmem>> -> memref<128xi32, #tpu.memory_space<vmem>>
          %dma_start3A_1437 = arith.constant 0 : i32
          %dma_start3A_1438 = arith.constant 0 : i32
          %dma_start3A_1439 = tpu.memref_slice %arg2[%dma_start3A_1437, %dma_start3A_1438] : memref<100000x32xf32, #tpu.memory_space<hbm>> -> memref<100000x32xf32, #tpu.memory_space<hbm>>
          tpu.enqueue_indirect_dma source(%dma_start3A_1439 : memref<100000x32xf32, #tpu.memory_space<hbm>>) target(%dma_start3A_1434 : memref<128x32xf32, #tpu.memory_space<vmem>>) offsets(%dma_start3A_1436 : memref<128xi32, #tpu.memory_space<vmem>>) semaphore(%arg13 : memref<!tpu.dma_semaphore, #tpu.memory_space<semaphore_mem>>)
        } else {
        }
        %and3A_1409 = arith.constant 1 : i32
        %and3A_1410 = arith.andi %add3A_1257, %and3A_1409 : i32
        %eq3A_1411 = arith.constant 1 : i32
        %eq3A_1412 = arith.cmpi eq, %and3A_1410, %eq3A_1411 : i32
        %convert_element_type3A_1413 = arith.extui %eq3A_1412 : i1 to i32
        %cond3A_1414 = arith.constant 0 : i32
        %cond3A_1415 = arith.cmpi ne, %convert_element_type3A_1413, %cond3A_1414 : i32
        scf.if %cond3A_1415 {
          %mul3A_1429 = arith.constant 128 : i32
          %mul3A_1430 = arith.muli %and3A_1259, %mul3A_1429 : i32
          %dma_start3A_1431 = arith.constant 0 : i32
          %dma_start3A_1432 = arith.constant 0 : i32
          %dma_start3A_1433 = tpu.memref_slice %arg11[%rem3A_1265, %dma_start3A_1431, %dma_start3A_1432] : memref<5x128x32xf32, #tpu.memory_space<vmem>> -> memref<1x128x32xf32, #tpu.memory_space<vmem>>
          %dma_start3A_1434 = tpu.memref_squeeze %dma_start3A_1433 : memref<1x128x32xf32, #tpu.memory_space<vmem>> -> memref<128x32xf32, #tpu.memory_space<vmem>>
          %dma_start3A_1435 = tpu.memref_slice %arg8[%and3A_1263, %mul3A_1430] : memref<2x1024xi32, #tpu.memory_space<vmem>> -> memref<1x128xi32, #tpu.memory_space<vmem>>
          %dma_start3A_1436 = tpu.memref_squeeze %dma_start3A_1435 : memref<1x128xi32, #tpu.memory_space<vmem>> -> memref<128xi32, #tpu.memory_space<vmem>>
          %dma_start3A_1437 = arith.constant 0 : i32
          %dma_start3A_1438 = arith.constant 0 : i32
          %dma_start3A_1439 = tpu.memref_slice %arg2[%dma_start3A_1437, %dma_start3A_1438] : memref<100000x32xf32, #tpu.memory_space<hbm>> -> memref<100000x32xf32, #tpu.memory_space<hbm>>
          tpu.enqueue_indirect_dma source(%dma_start3A_1439 : memref<100000x32xf32, #tpu.memory_space<hbm>>) target(%dma_start3A_1434 : memref<128x32xf32, #tpu.memory_space<vmem>>) offsets(%dma_start3A_1436 : memref<128xi32, #tpu.memory_space<vmem>>) semaphore(%arg14 : memref<!tpu.dma_semaphore, #tpu.memory_space<semaphore_mem>>)
        } else {
        }
        %mul3A_1416 = arith.constant 128 : i32
        %mul3A_1417 = arith.muli %add3A_1257, %mul3A_1416 : i32
        %add3A_1418 = arith.addi %mul3A_710, %mul3A_1417 : i32
        %and3A_1419 = arith.constant 7 : i32
        %and3A_1420 = arith.andi %add3A_1257, %and3A_1419 : i32
        %dma_start3A_1421 = arith.constant 0 : i32
        %dma_start3A_1422 = tpu.memref_slice %arg10[%and3A_1420, %dma_start3A_1421] : memref<8x128xi32, #tpu.memory_space<vmem>> -> memref<1x128xi32, #tpu.memory_space<vmem>>
        %dma_start3A_1423 = tpu.memref_squeeze %dma_start3A_1422 : memref<1x128xi32, #tpu.memory_space<vmem>> -> memref<128xi32, #tpu.memory_space<vmem>>
        %dma_start3A_1424 = tpu.memref_slice %arg4[%add3A_1418] : memref<800000xi32, #tpu.memory_space<hbm>> -> memref<128xi32, #tpu.memory_space<hbm>>
        %dma_start3A_1425 = arith.constant 0 : i32
        %dma_start3A_1426 = tpu.memref_slice %arg10[%and3A_1420, %dma_start3A_1425] : memref<8x128xi32, #tpu.memory_space<vmem>> -> memref<1x128xi32, #tpu.memory_space<vmem>>
        %dma_start3A_1427 = tpu.memref_squeeze %dma_start3A_1426 : memref<1x128xi32, #tpu.memory_space<vmem>> -> memref<128xi32, #tpu.memory_space<vmem>>
        %dma_start3A_1428 = tpu.memref_slice %arg4[%add3A_1418] : memref<800000xi32, #tpu.memory_space<hbm>> -> memref<128xi32, #tpu.memory_space<hbm>>
        tpu.enqueue_dma source(%dma_start3A_1428 : memref<128xi32, #tpu.memory_space<hbm>>) target(%dma_start3A_1427 : memref<128xi32, #tpu.memory_space<vmem>>) target_semaphore(%arg15 : memref<!tpu.dma_semaphore, #tpu.memory_space<semaphore_mem>>)
      } else {
      }
      %lt3A_1180 = arith.constant 2 : i32
      %lt3A_1181 = arith.cmpi slt, %while3A_1156, %lt3A_1180 : i32
      %add3A_1182 = arith.constant 3 : i32
      %add3A_1183 = arith.addi %while3A_1156, %add3A_1182 : i32
      %lt3A_1184 = arith.cmpi slt, %add3A_1183, %select_n3A : i32
      %and3A_1185 = arith.andi %lt3A_1181, %lt3A_1184 : i1
      %convert_element_type3A_1186 = arith.extui %and3A_1185 : i1 to i32
      %cond3A_1187 = arith.constant 0 : i32
      %cond3A_1188 = arith.cmpi ne, %convert_element_type3A_1186, %cond3A_1187 : i32
      scf.if %cond3A_1188 {
        %add3A_1241 = arith.constant 3 : i32
        %add3A_1242 = arith.addi %while3A_1156, %add3A_1241 : i32
        %and3A_1243 = arith.constant 7 : i32
        %and3A_1244 = arith.andi %add3A_1242, %and3A_1243 : i32
        %shift_right_arithmetic3A_1245 = arith.constant 3 : i32
        %shift_right_arithmetic3A_1246 = arith.shrsi %add3A_1242, %shift_right_arithmetic3A_1245 : i32
        %and3A_1247 = arith.constant 1 : i32
        %and3A_1248 = arith.andi %shift_right_arithmetic3A_1246, %and3A_1247 : i32
        %rem3A_1249 = arith.constant 5 : i32
        %rem3A_1250 = arith.remsi %add3A_1242, %rem3A_1249 : i32
        %mul3A_1251 = arith.constant 128 : i32
        %mul3A_1252 = arith.muli %and3A_1244, %mul3A_1251 : i32
        %add3A_1253 = arith.constant 0 : i32
        %add3A_1254 = arith.addi %mul3A_1252, %add3A_1253 : i32
        %get3A_1255 = arith.index_cast %and3A_1248 : i32 to index
        %get3A_1256 = arith.index_cast %add3A_1254 : i32 to index
        %get3A_1257 = tpu.vector_load %arg8[%get3A_1255, %get3A_1256] {strides = array<i32>} : memref<2x1024xi32, #tpu.memory_space<vmem>>, vector<16xi32>,
        %add3A_1258 = vector.broadcast %arg0 : i32 to vector<16xi32>
        %add3A_1259 = arith.addi %get3A_1257, %add3A_1258 : vector<16xi32>
        %add3A_1260 = arith.addi %get3A_1257, %add3A_1259 : vector<16xi32>
        %mul3A_1261 = arith.constant 128 : i32
        %mul3A_1262 = arith.muli %and3A_1244, %mul3A_1261 : i32
        %add3A_1263 = arith.constant 0 : i32
        %add3A_1264 = arith.addi %mul3A_1262, %add3A_1263 : i32
        %swap3A_1265 = arith.index_cast %and3A_1248 : i32 to index
        %swap3A_1266 = arith.index_cast %add3A_1264 : i32 to index
        %swap3A_1267 = tpu.vector_load %arg8[%swap3A_1265, %swap3A_1266] {strides = array<i32>} : memref<2x1024xi32, #tpu.memory_space<vmem>>, vector<16xi32>,
        tpu.vector_store %arg8[%swap3A_1265, %swap3A_1266], %add3A_1260 {strides = array<i32>} : memref<2x1024xi32, #tpu.memory_space<vmem>>, vector<16xi32>,
        %mul3A_1268 = arith.constant 128 : i32
        %mul3A_1269 = arith.muli %and3A_1244, %mul3A_1268 : i32
        %add3A_1270 = arith.constant 16 : i32
        %add3A_1271 = arith.addi %mul3A_1269, %add3A_1270 : i32
        %get3A_1272 = arith.index_cast %and3A_1248 : i32 to index
        %get3A_1273 = arith.index_cast %add3A_1271 : i32 to index
        %get3A_1274 = tpu.vector_load %arg8[%get3A_1272, %get3A_1273] {strides = array<i32>} : memref<2x1024xi32, #tpu.memory_space<vmem>>, vector<16xi32>,
        %add3A_1275 = vector.broadcast %arg0 : i32 to vector<16xi32>
        %add3A_1276 = arith.addi %get3A_1274, %add3A_1275 : vector<16xi32>
        %add3A_1277 = arith.addi %get3A_1274, %add3A_1276 : vector<16xi32>
        %mul3A_1278 = arith.constant 128 : i32
        %mul3A_1279 = arith.muli %and3A_1244, %mul3A_1278 : i32
        %add3A_1280 = arith.constant 16 : i32
        %add3A_1281 = arith.addi %mul3A_1279, %add3A_1280 : i32
        %swap3A_1282 = arith.index_cast %and3A_1248 : i32 to index
        %swap3A_1283 = arith.index_cast %add3A_1281 : i32 to index
        %swap3A_1284 = tpu.vector_load %arg8[%swap3A_1282, %swap3A_1283] {strides = array<i32>} : memref<2x1024xi32, #tpu.memory_space<vmem>>, vector<16xi32>,
        tpu.vector_store %arg8[%swap3A_1282, %swap3A_1283], %add3A_1277 {strides = array<i32>} : memref<2x1024xi32, #tpu.memory_space<vmem>>, vector<16xi32>,
        %mul3A_1285 = arith.constant 128 : i32
        %mul3A_1286 = arith.muli %and3A_1244, %mul3A_1285 : i32
        %add3A_1287 = arith.constant 32 : i32
        %add3A_1288 = arith.addi %mul3A_1286, %add3A_1287 : i32
        %get3A_1289 = arith.index_cast %and3A_1248 : i32 to index
        %get3A_1290 = arith.index_cast %add3A_1288 : i32 to index
        %get3A_1291 = tpu.vector_load %arg8[%get3A_1289, %get3A_1290] {strides = array<i32>} : memref<2x1024xi32, #tpu.memory_space<vmem>>, vector<16xi32>,
        %add3A_1292 = vector.broadcast %arg0 : i32 to vector<16xi32>
        %add3A_1293 = arith.addi %get3A_1291, %add3A_1292 : vector<16xi32>
        %add3A_1294 = arith.addi %get3A_1291, %add3A_1293 : vector<16xi32>
        %mul3A_1295 = arith.constant 128 : i32
        %mul3A_1296 = arith.muli %and3A_1244, %mul3A_1295 : i32
        %add3A_1297 = arith.constant 32 : i32
        %add3A_1298 = arith.addi %mul3A_1296, %add3A_1297 : i32
        %swap3A_1299 = arith.index_cast %and3A_1248 : i32 to index
        %swap3A_1300 = arith.index_cast %add3A_1298 : i32 to index
        %swap3A_1301 = tpu.vector_load %arg8[%swap3A_1299, %swap3A_1300] {strides = array<i32>} : memref<2x1024xi32, #tpu.memory_space<vmem>>, vector<16xi32>,
        tpu.vector_store %arg8[%swap3A_1299, %swap3A_1300], %add3A_1294 {strides = array<i32>} : memref<2x1024xi32, #tpu.memory_space<vmem>>, vector<16xi32>,
        %mul3A_1302 = arith.constant 128 : i32
        %mul3A_1303 = arith.muli %and3A_1244, %mul3A_1302 : i32
        %add3A_1304 = arith.constant 48 : i32
        %add3A_1305 = arith.addi %mul3A_1303, %add3A_1304 : i32
        %get3A_1306 = arith.index_cast %and3A_1248 : i32 to index
        %get3A_1307 = arith.index_cast %add3A_1305 : i32 to index
        %get3A_1308 = tpu.vector_load %arg8[%get3A_1306, %get3A_1307] {strides = array<i32>} : memref<2x1024xi32, #tpu.memory_space<vmem>>, vector<16xi32>,
        %add3A_1309 = vector.broadcast %arg0 : i32 to vector<16xi32>
        %add3A_1310 = arith.addi %get3A_1308, %add3A_1309 : vector<16xi32>
        %add3A_1311 = arith.addi %get3A_1308, %add3A_1310 : vector<16xi32>
        %mul3A_1312 = arith.constant 128 : i32
        %mul3A_1313 = arith.muli %and3A_1244, %mul3A_1312 : i32
        %add3A_1314 = arith.constant 48 : i32
        %add3A_1315 = arith.addi %mul3A_1313, %add3A_1314 : i32
        %swap3A_1316 = arith.index_cast %and3A_1248 : i32 to index
        %swap3A_1317 = arith.index_cast %add3A_1315 : i32 to index
        %swap3A_1318 = tpu.vector_load %arg8[%swap3A_1316, %swap3A_1317] {strides = array<i32>} : memref<2x1024xi32, #tpu.memory_space<vmem>>, vector<16xi32>,
        tpu.vector_store %arg8[%swap3A_1316, %swap3A_1317], %add3A_1311 {strides = array<i32>} : memref<2x1024xi32, #tpu.memory_space<vmem>>, vector<16xi32>,
        %mul3A_1319 = arith.constant 128 : i32
        %mul3A_1320 = arith.muli %and3A_1244, %mul3A_1319 : i32
        %add3A_1321 = arith.constant 64 : i32
        %add3A_1322 = arith.addi %mul3A_1320, %add3A_1321 : i32
        %get3A_1323 = arith.index_cast %and3A_1248 : i32 to index
        %get3A_1324 = arith.index_cast %add3A_1322 : i32 to index
        %get3A_1325 = tpu.vector_load %arg8[%get3A_1323, %get3A_1324] {strides = array<i32>} : memref<2x1024xi32, #tpu.memory_space<vmem>>, vector<16xi32>,
        %add3A_1326 = vector.broadcast %arg0 : i32 to vector<16xi32>
        %add3A_1327 = arith.addi %get3A_1325, %add3A_1326 : vector<16xi32>
        %add3A_1328 = arith.addi %get3A_1325, %add3A_1327 : vector<16xi32>
        %mul3A_1329 = arith.constant 128 : i32
        %mul3A_1330 = arith.muli %and3A_1244, %mul3A_1329 : i32
        %add3A_1331 = arith.constant 64 : i32
        %add3A_1332 = arith.addi %mul3A_1330, %add3A_1331 : i32
        %swap3A_1333 = arith.index_cast %and3A_1248 : i32 to index
        %swap3A_1334 = arith.index_cast %add3A_1332 : i32 to index
        %swap3A_1335 = tpu.vector_load %arg8[%swap3A_1333, %swap3A_1334] {strides = array<i32>} : memref<2x1024xi32, #tpu.memory_space<vmem>>, vector<16xi32>,
        tpu.vector_store %arg8[%swap3A_1333, %swap3A_1334], %add3A_1328 {strides = array<i32>} : memref<2x1024xi32, #tpu.memory_space<vmem>>, vector<16xi32>,
        %mul3A_1336 = arith.constant 128 : i32
        %mul3A_1337 = arith.muli %and3A_1244, %mul3A_1336 : i32
        %add3A_1338 = arith.constant 80 : i32
        %add3A_1339 = arith.addi %mul3A_1337, %add3A_1338 : i32
        %get3A_1340 = arith.index_cast %and3A_1248 : i32 to index
        %get3A_1341 = arith.index_cast %add3A_1339 : i32 to index
        %get3A_1342 = tpu.vector_load %arg8[%get3A_1340, %get3A_1341] {strides = array<i32>} : memref<2x1024xi32, #tpu.memory_space<vmem>>, vector<16xi32>,
        %add3A_1343 = vector.broadcast %arg0 : i32 to vector<16xi32>
        %add3A_1344 = arith.addi %get3A_1342, %add3A_1343 : vector<16xi32>
        %add3A_1345 = arith.addi %get3A_1342, %add3A_1344 : vector<16xi32>
        %mul3A_1346 = arith.constant 128 : i32
        %mul3A_1347 = arith.muli %and3A_1244, %mul3A_1346 : i32
        %add3A_1348 = arith.constant 80 : i32
        %add3A_1349 = arith.addi %mul3A_1347, %add3A_1348 : i32
        %swap3A_1350 = arith.index_cast %and3A_1248 : i32 to index
        %swap3A_1351 = arith.index_cast %add3A_1349 : i32 to index
        %swap3A_1352 = tpu.vector_load %arg8[%swap3A_1350, %swap3A_1351] {strides = array<i32>} : memref<2x1024xi32, #tpu.memory_space<vmem>>, vector<16xi32>,
        tpu.vector_store %arg8[%swap3A_1350, %swap3A_1351], %add3A_1345 {strides = array<i32>} : memref<2x1024xi32, #tpu.memory_space<vmem>>, vector<16xi32>,
        %mul3A_1353 = arith.constant 128 : i32
        %mul3A_1354 = arith.muli %and3A_1244, %mul3A_1353 : i32
        %add3A_1355 = arith.constant 96 : i32
        %add3A_1356 = arith.addi %mul3A_1354, %add3A_1355 : i32
        %get3A_1357 = arith.index_cast %and3A_1248 : i32 to index
        %get3A_1358 = arith.index_cast %add3A_1356 : i32 to index
        %get3A_1359 = tpu.vector_load %arg8[%get3A_1357, %get3A_1358] {strides = array<i32>} : memref<2x1024xi32, #tpu.memory_space<vmem>>, vector<16xi32>,
        %add3A_1360 = vector.broadcast %arg0 : i32 to vector<16xi32>
        %add3A_1361 = arith.addi %get3A_1359, %add3A_1360 : vector<16xi32>
        %add3A_1362 = arith.addi %get3A_1359, %add3A_1361 : vector<16xi32>
        %mul3A_1363 = arith.constant 128 : i32
        %mul3A_1364 = arith.muli %and3A_1244, %mul3A_1363 : i32
        %add3A_1365 = arith.constant 96 : i32
        %add3A_1366 = arith.addi %mul3A_1364, %add3A_1365 : i32
        %swap3A_1367 = arith.index_cast %and3A_1248 : i32 to index
        %swap3A_1368 = arith.index_cast %add3A_1366 : i32 to index
        %swap3A_1369 = tpu.vector_load %arg8[%swap3A_1367, %swap3A_1368] {strides = array<i32>} : memref<2x1024xi32, #tpu.memory_space<vmem>>, vector<16xi32>,
        tpu.vector_store %arg8[%swap3A_1367, %swap3A_1368], %add3A_1362 {strides = array<i32>} : memref<2x1024xi32, #tpu.memory_space<vmem>>, vector<16xi32>,
        %mul3A_1370 = arith.constant 128 : i32
        %mul3A_1371 = arith.muli %and3A_1244, %mul3A_1370 : i32
        %add3A_1372 = arith.constant 112 : i32
        %add3A_1373 = arith.addi %mul3A_1371, %add3A_1372 : i32
        %get3A_1374 = arith.index_cast %and3A_1248 : i32 to index
        %get3A_1375 = arith.index_cast %add3A_1373 : i32 to index
        %get3A_1376 = tpu.vector_load %arg8[%get3A_1374, %get3A_1375] {strides = array<i32>} : memref<2x1024xi32, #tpu.memory_space<vmem>>, vector<16xi32>,
        %add3A_1377 = vector.broadcast %arg0 : i32 to vector<16xi32>
        %add3A_1378 = arith.addi %get3A_1376, %add3A_1377 : vector<16xi32>
        %add3A_1379 = arith.addi %get3A_1376, %add3A_1378 : vector<16xi32>
        %mul3A_1380 = arith.constant 128 : i32
        %mul3A_1381 = arith.muli %and3A_1244, %mul3A_1380 : i32
        %add3A_1382 = arith.constant 112 : i32
        %add3A_1383 = arith.addi %mul3A_1381, %add3A_1382 : i32
        %swap3A_1384 = arith.index_cast %and3A_1248 : i32 to index
        %swap3A_1385 = arith.index_cast %add3A_1383 : i32 to index
        %swap3A_1386 = tpu.vector_load %arg8[%swap3A_1384, %swap3A_1385] {strides = array<i32>} : memref<2x1024xi32, #tpu.memory_space<vmem>>, vector<16xi32>,
        tpu.vector_store %arg8[%swap3A_1384, %swap3A_1385], %add3A_1379 {strides = array<i32>} : memref<2x1024xi32, #tpu.memory_space<vmem>>, vector<16xi32>,
        %and3A_1387 = arith.constant 1 : i32
        %and3A_1388 = arith.andi %add3A_1242, %and3A_1387 : i32
        %eq3A_1389 = arith.constant 0 : i32
        %eq3A_1390 = arith.cmpi eq, %and3A_1388, %eq3A_1389 : i32
        %convert_element_type3A_1391 = arith.extui %eq3A_1390 : i1 to i32
        %cond3A_1392 = arith.constant 0 : i32
        %cond3A_1393 = arith.cmpi ne, %convert_element_type3A_1391, %cond3A_1392 : i32
        scf.if %cond3A_1393 {
          %mul3A_1414 = arith.constant 128 : i32
          %mul3A_1415 = arith.muli %and3A_1244, %mul3A_1414 : i32
          %dma_start3A_1416 = arith.constant 0 : i32
          %dma_start3A_1417 = arith.constant 0 : i32
          %dma_start3A_1418 = tpu.memref_slice %arg11[%rem3A_1250, %dma_start3A_1416, %dma_start3A_1417] : memref<5x128x32xf32, #tpu.memory_space<vmem>> -> memref<1x128x32xf32, #tpu.memory_space<vmem>>
          %dma_start3A_1419 = tpu.memref_squeeze %dma_start3A_1418 : memref<1x128x32xf32, #tpu.memory_space<vmem>> -> memref<128x32xf32, #tpu.memory_space<vmem>>
          %dma_start3A_1420 = tpu.memref_slice %arg8[%and3A_1248, %mul3A_1415] : memref<2x1024xi32, #tpu.memory_space<vmem>> -> memref<1x128xi32, #tpu.memory_space<vmem>>
          %dma_start3A_1421 = tpu.memref_squeeze %dma_start3A_1420 : memref<1x128xi32, #tpu.memory_space<vmem>> -> memref<128xi32, #tpu.memory_space<vmem>>
          %dma_start3A_1422 = arith.constant 0 : i32
          %dma_start3A_1423 = arith.constant 0 : i32
          %dma_start3A_1424 = tpu.memref_slice %arg2[%dma_start3A_1422, %dma_start3A_1423] : memref<100000x32xf32, #tpu.memory_space<hbm>> -> memref<100000x32xf32, #tpu.memory_space<hbm>>
          tpu.enqueue_indirect_dma source(%dma_start3A_1424 : memref<100000x32xf32, #tpu.memory_space<hbm>>) target(%dma_start3A_1419 : memref<128x32xf32, #tpu.memory_space<vmem>>) offsets(%dma_start3A_1421 : memref<128xi32, #tpu.memory_space<vmem>>) semaphore(%arg13 : memref<!tpu.dma_semaphore, #tpu.memory_space<semaphore_mem>>)
        } else {
        }
        %and3A_1394 = arith.constant 1 : i32
        %and3A_1395 = arith.andi %add3A_1242, %and3A_1394 : i32
        %eq3A_1396 = arith.constant 1 : i32
        %eq3A_1397 = arith.cmpi eq, %and3A_1395, %eq3A_1396 : i32
        %convert_element_type3A_1398 = arith.extui %eq3A_1397 : i1 to i32
        %cond3A_1399 = arith.constant 0 : i32
        %cond3A_1400 = arith.cmpi ne, %convert_element_type3A_1398, %cond3A_1399 : i32
        scf.if %cond3A_1400 {
          %mul3A_1414 = arith.constant 128 : i32
          %mul3A_1415 = arith.muli %and3A_1244, %mul3A_1414 : i32
          %dma_start3A_1416 = arith.constant 0 : i32
          %dma_start3A_1417 = arith.constant 0 : i32
          %dma_start3A_1418 = tpu.memref_slice %arg11[%rem3A_1250, %dma_start3A_1416, %dma_start3A_1417] : memref<5x128x32xf32, #tpu.memory_space<vmem>> -> memref<1x128x32xf32, #tpu.memory_space<vmem>>
          %dma_start3A_1419 = tpu.memref_squeeze %dma_start3A_1418 : memref<1x128x32xf32, #tpu.memory_space<vmem>> -> memref<128x32xf32, #tpu.memory_space<vmem>>
          %dma_start3A_1420 = tpu.memref_slice %arg8[%and3A_1248, %mul3A_1415] : memref<2x1024xi32, #tpu.memory_space<vmem>> -> memref<1x128xi32, #tpu.memory_space<vmem>>
          %dma_start3A_1421 = tpu.memref_squeeze %dma_start3A_1420 : memref<1x128xi32, #tpu.memory_space<vmem>> -> memref<128xi32, #tpu.memory_space<vmem>>
          %dma_start3A_1422 = arith.constant 0 : i32
          %dma_start3A_1423 = arith.constant 0 : i32
          %dma_start3A_1424 = tpu.memref_slice %arg2[%dma_start3A_1422, %dma_start3A_1423] : memref<100000x32xf32, #tpu.memory_space<hbm>> -> memref<100000x32xf32, #tpu.memory_space<hbm>>
          tpu.enqueue_indirect_dma source(%dma_start3A_1424 : memref<100000x32xf32, #tpu.memory_space<hbm>>) target(%dma_start3A_1419 : memref<128x32xf32, #tpu.memory_space<vmem>>) offsets(%dma_start3A_1421 : memref<128xi32, #tpu.memory_space<vmem>>) semaphore(%arg14 : memref<!tpu.dma_semaphore, #tpu.memory_space<semaphore_mem>>)
        } else {
        }
        %mul3A_1401 = arith.constant 128 : i32
        %mul3A_1402 = arith.muli %add3A_1242, %mul3A_1401 : i32
        %add3A_1403 = arith.addi %mul3A_710, %mul3A_1402 : i32
        %and3A_1404 = arith.constant 7 : i32
        %and3A_1405 = arith.andi %add3A_1242, %and3A_1404 : i32
        %dma_start3A_1406 = arith.constant 0 : i32
        %dma_start3A_1407 = tpu.memref_slice %arg10[%and3A_1405, %dma_start3A_1406] : memref<8x128xi32, #tpu.memory_space<vmem>> -> memref<1x128xi32, #tpu.memory_space<vmem>>
        %dma_start3A_1408 = tpu.memref_squeeze %dma_start3A_1407 : memref<1x128xi32, #tpu.memory_space<vmem>> -> memref<128xi32, #tpu.memory_space<vmem>>
        %dma_start3A_1409 = tpu.memref_slice %arg4[%add3A_1403] : memref<800000xi32, #tpu.memory_space<hbm>> -> memref<128xi32, #tpu.memory_space<hbm>>
        %dma_start3A_1410 = arith.constant 0 : i32
        %dma_start3A_1411 = tpu.memref_slice %arg10[%and3A_1405, %dma_start3A_1410] : memref<8x128xi32, #tpu.memory_space<vmem>> -> memref<1x128xi32, #tpu.memory_space<vmem>>
        %dma_start3A_1412 = tpu.memref_squeeze %dma_start3A_1411 : memref<1x128xi32, #tpu.memory_space<vmem>> -> memref<128xi32, #tpu.memory_space<vmem>>
        %dma_start3A_1413 = tpu.memref_slice %arg4[%add3A_1403] : memref<800000xi32, #tpu.memory_space<hbm>> -> memref<128xi32, #tpu.memory_space<hbm>>
        tpu.enqueue_dma source(%dma_start3A_1413 : memref<128xi32, #tpu.memory_space<hbm>>) target(%dma_start3A_1412 : memref<128xi32, #tpu.memory_space<vmem>>) target_semaphore(%arg15 : memref<!tpu.dma_semaphore, #tpu.memory_space<semaphore_mem>>)
      } else {
      }
      %and3A_1189 = arith.constant 1 : i32
      %and3A_1190 = arith.andi %while3A_1156, %and3A_1189 : i32
      %eq3A_1191 = arith.constant 0 : i32
      %eq3A_1192 = arith.cmpi eq, %and3A_1190, %eq3A_1191 : i32
      %convert_element_type3A_1193 = arith.extui %eq3A_1192 : i1 to i32
      %cond3A_1194 = arith.constant 0 : i32
      %cond3A_1195 = arith.cmpi ne, %convert_element_type3A_1193, %cond3A_1194 : i32
      scf.if %cond3A_1195 {
        %dma_wait3A_1241 = arith.constant 0 : i32
        %dma_wait3A_1242 = arith.constant 0 : i32
        %dma_wait3A_1243 = arith.constant 0 : i32
        %dma_wait3A_1244 = tpu.memref_slice %arg11[%dma_wait3A_1241, %dma_wait3A_1242, %dma_wait3A_1243] : memref<5x128x32xf32, #tpu.memory_space<vmem>> -> memref<1x128x32xf32, #tpu.memory_space<vmem>>
        %dma_wait3A_1245 = tpu.memref_squeeze %dma_wait3A_1244 : memref<1x128x32xf32, #tpu.memory_space<vmem>> -> memref<128x32xf32, #tpu.memory_space<vmem>>
        %dma_wait3A_1246 = arith.constant 0 : i32
        %dma_wait3A_1247 = arith.constant 0 : i32
        %dma_wait3A_1248 = tpu.memref_slice %arg2[%dma_wait3A_1246, %dma_wait3A_1247] : memref<100000x32xf32, #tpu.memory_space<hbm>> -> memref<128x32xf32, #tpu.memory_space<hbm>>
        %dma_wait3A_1249 = arith.constant 0 : i32
        %dma_wait3A_1250 = arith.constant 0 : i32
        %dma_wait3A_1251 = tpu.memref_slice %arg11[%dma_wait3A_1241, %dma_wait3A_1249, %dma_wait3A_1250] : memref<5x128x32xf32, #tpu.memory_space<vmem>> -> memref<1x128x32xf32, #tpu.memory_space<vmem>>
        %dma_wait3A_1252 = tpu.memref_squeeze %dma_wait3A_1251 : memref<1x128x32xf32, #tpu.memory_space<vmem>> -> memref<128x32xf32, #tpu.memory_space<vmem>>
        %dma_wait3A_1253 = arith.constant 0 : i32
        %dma_wait3A_1254 = arith.constant 0 : i32
        %dma_wait3A_1255 = tpu.memref_slice %arg2[%dma_wait3A_1253, %dma_wait3A_1254] : memref<100000x32xf32, #tpu.memory_space<hbm>> -> memref<128x32xf32, #tpu.memory_space<hbm>>
        tpu.wait_dma2 semaphore(%arg13 : memref<!tpu.dma_semaphore, #tpu.memory_space<semaphore_mem>>) src(%dma_wait3A_1255 : memref<128x32xf32, #tpu.memory_space<hbm>>) dst(%dma_wait3A_1252 : memref<128x32xf32, #tpu.memory_space<vmem>>)
      } else {
      }
      %and3A_1196 = arith.constant 1 : i32
      %and3A_1197 = arith.andi %while3A_1156, %and3A_1196 : i32
      %eq3A_1198 = arith.constant 1 : i32
      %eq3A_1199 = arith.cmpi eq, %and3A_1197, %eq3A_1198 : i32
      %convert_element_type3A_1200 = arith.extui %eq3A_1199 : i1 to i32
      %cond3A_1201 = arith.constant 0 : i32
      %cond3A_1202 = arith.cmpi ne, %convert_element_type3A_1200, %cond3A_1201 : i32
      scf.if %cond3A_1202 {
        %dma_wait3A_1241 = arith.constant 0 : i32
        %dma_wait3A_1242 = arith.constant 0 : i32
        %dma_wait3A_1243 = arith.constant 0 : i32
        %dma_wait3A_1244 = tpu.memref_slice %arg11[%dma_wait3A_1241, %dma_wait3A_1242, %dma_wait3A_1243] : memref<5x128x32xf32, #tpu.memory_space<vmem>> -> memref<1x128x32xf32, #tpu.memory_space<vmem>>
        %dma_wait3A_1245 = tpu.memref_squeeze %dma_wait3A_1244 : memref<1x128x32xf32, #tpu.memory_space<vmem>> -> memref<128x32xf32, #tpu.memory_space<vmem>>
        %dma_wait3A_1246 = arith.constant 0 : i32
        %dma_wait3A_1247 = arith.constant 0 : i32
        %dma_wait3A_1248 = tpu.memref_slice %arg2[%dma_wait3A_1246, %dma_wait3A_1247] : memref<100000x32xf32, #tpu.memory_space<hbm>> -> memref<128x32xf32, #tpu.memory_space<hbm>>
        %dma_wait3A_1249 = arith.constant 0 : i32
        %dma_wait3A_1250 = arith.constant 0 : i32
        %dma_wait3A_1251 = tpu.memref_slice %arg11[%dma_wait3A_1241, %dma_wait3A_1249, %dma_wait3A_1250] : memref<5x128x32xf32, #tpu.memory_space<vmem>> -> memref<1x128x32xf32, #tpu.memory_space<vmem>>
        %dma_wait3A_1252 = tpu.memref_squeeze %dma_wait3A_1251 : memref<1x128x32xf32, #tpu.memory_space<vmem>> -> memref<128x32xf32, #tpu.memory_space<vmem>>
        %dma_wait3A_1253 = arith.constant 0 : i32
        %dma_wait3A_1254 = arith.constant 0 : i32
        %dma_wait3A_1255 = tpu.memref_slice %arg2[%dma_wait3A_1253, %dma_wait3A_1254] : memref<100000x32xf32, #tpu.memory_space<hbm>> -> memref<128x32xf32, #tpu.memory_space<hbm>>
        tpu.wait_dma2 semaphore(%arg14 : memref<!tpu.dma_semaphore, #tpu.memory_space<semaphore_mem>>) src(%dma_wait3A_1255 : memref<128x32xf32, #tpu.memory_space<hbm>>) dst(%dma_wait3A_1252 : memref<128x32xf32, #tpu.memory_space<vmem>>)
      } else {
      }
      %eq3A_1203 = arith.constant 2 : i32
      %eq3A_1204 = arith.cmpi eq, %and3A_1157, %eq3A_1203 : i32
      %ge3A_1205 = arith.constant 1 : i32
      %ge3A_1206 = arith.cmpi sge, %shift_right_arithmetic3A_1158, %ge3A_1205 : i32
      %and3A_1207 = arith.andi %eq3A_1204, %ge3A_1206 : i1
      %add3A_1208 = arith.constant 1 : i32
      %add3A_1209 = arith.addi %shift_right_arithmetic3A_1158, %add3A_1208 : i32
      %lt3A_1210 = arith.constant 49 : i32
      %lt3A_1211 = arith.cmpi slt, %add3A_1209, %lt3A_1210 : i32
      %and3A_1212 = arith.andi %and3A_1207, %lt3A_1211 : i1
      %convert_element_type3A_1213 = arith.extui %and3A_1212 : i1 to i32
      %cond3A_1214 = arith.constant 0 : i32
      %cond3A_1215 = arith.cmpi ne, %convert_element_type3A_1213, %cond3A_1214 : i32
      scf.if %cond3A_1215 {
        %add3A_1241 = arith.constant 1 : i32
        %add3A_1242 = arith.addi %shift_right_arithmetic3A_1158, %add3A_1241 : i32
        %add3A_1243 = arith.constant 1 : i32
        %add3A_1244 = arith.addi %shift_right_arithmetic3A_1158, %add3A_1243 : i32
        %and3A_1245 = arith.constant 1 : i32
        %and3A_1246 = arith.andi %add3A_1244, %and3A_1245 : i32
        %eq3A_1247 = arith.constant 15 : i32
        %eq3A_1248 = arith.cmpi eq, %arg1, %eq3A_1247 : i32
        %add3A_1249 = arith.constant 1 : i32
        %add3A_1250 = arith.addi %shift_right_arithmetic3A_1158, %add3A_1249 : i32
        %eq3A_1251 = arith.constant 48 : i32
        %eq3A_1252 = arith.cmpi eq, %add3A_1250, %eq3A_1251 : i32
        %and3A_1253 = arith.andi %eq3A_1248, %eq3A_1252 : i1
        %mul3A_1254 = arith.constant 1024 : i32
        %mul3A_1255 = arith.muli %add3A_1242, %mul3A_1254 : i32
        %add3A_1256 = arith.addi %mul3A_710, %mul3A_1255 : i32
        %not3A_1257 = arith.constant true
        %not3A_1258 = arith.xori %and3A_1253, %not3A_1257 : i1
        %convert_element_type3A_1259 = arith.extui %not3A_1258 : i1 to i32
        %cond3A_1260 = arith.constant 0 : i32
        %cond3A_1261 = arith.cmpi ne, %convert_element_type3A_1259, %cond3A_1260 : i32
        scf.if %cond3A_1261 {
          %dma_start3A_1265 = arith.constant 0 : i32
          %dma_start3A_1266 = tpu.memref_slice %arg8[%and3A_1246, %dma_start3A_1265] : memref<2x1024xi32, #tpu.memory_space<vmem>> -> memref<1x1024xi32, #tpu.memory_space<vmem>>
          %dma_start3A_1267 = tpu.memref_squeeze %dma_start3A_1266 : memref<1x1024xi32, #tpu.memory_space<vmem>> -> memref<1024xi32, #tpu.memory_space<vmem>>
          %dma_start3A_1268 = tpu.memref_slice %arg3[%add3A_1256] : memref<800000xi32, #tpu.memory_space<hbm>> -> memref<1024xi32, #tpu.memory_space<hbm>>
          %dma_start3A_1269 = arith.constant 0 : i32
          %dma_start3A_1270 = tpu.memref_slice %arg8[%and3A_1246, %dma_start3A_1269] : memref<2x1024xi32, #tpu.memory_space<vmem>> -> memref<1x1024xi32, #tpu.memory_space<vmem>>
          %dma_start3A_1271 = tpu.memref_squeeze %dma_start3A_1270 : memref<1x1024xi32, #tpu.memory_space<vmem>> -> memref<1024xi32, #tpu.memory_space<vmem>>
          %dma_start3A_1272 = tpu.memref_slice %arg3[%add3A_1256] : memref<800000xi32, #tpu.memory_space<hbm>> -> memref<1024xi32, #tpu.memory_space<hbm>>
          tpu.enqueue_dma source(%dma_start3A_1272 : memref<1024xi32, #tpu.memory_space<hbm>>) target(%dma_start3A_1271 : memref<1024xi32, #tpu.memory_space<vmem>>) target_semaphore(%arg12 : memref<!tpu.dma_semaphore, #tpu.memory_space<semaphore_mem>>)
          %dma_start3A_1273 = arith.constant 0 : i32
          %dma_start3A_1274 = tpu.memref_slice %arg9[%and3A_1246, %dma_start3A_1273] : memref<2x1024xf32, #tpu.memory_space<vmem>> -> memref<1x1024xf32, #tpu.memory_space<vmem>>
          %dma_start3A_1275 = tpu.memref_squeeze %dma_start3A_1274 : memref<1x1024xf32, #tpu.memory_space<vmem>> -> memref<1024xf32, #tpu.memory_space<vmem>>
          %dma_start3A_1276 = tpu.memref_slice %arg5[%add3A_1256] : memref<800000xf32, #tpu.memory_space<hbm>> -> memref<1024xf32, #tpu.memory_space<hbm>>
          %dma_start3A_1277 = arith.constant 0 : i32
          %dma_start3A_1278 = tpu.memref_slice %arg9[%and3A_1246, %dma_start3A_1277] : memref<2x1024xf32, #tpu.memory_space<vmem>> -> memref<1x1024xf32, #tpu.memory_space<vmem>>
          %dma_start3A_1279 = tpu.memref_squeeze %dma_start3A_1278 : memref<1x1024xf32, #tpu.memory_space<vmem>> -> memref<1024xf32, #tpu.memory_space<vmem>>
          %dma_start3A_1280 = tpu.memref_slice %arg5[%add3A_1256] : memref<800000xf32, #tpu.memory_space<hbm>> -> memref<1024xf32, #tpu.memory_space<hbm>>
          tpu.enqueue_dma source(%dma_start3A_1280 : memref<1024xf32, #tpu.memory_space<hbm>>) target(%dma_start3A_1279 : memref<1024xf32, #tpu.memory_space<vmem>>) target_semaphore(%arg12 : memref<!tpu.dma_semaphore, #tpu.memory_space<semaphore_mem>>)
        } else {
        }
        %convert_element_type3A_1262 = arith.extui %and3A_1253 : i1 to i32
        %cond3A_1263 = arith.constant 0 : i32
        %cond3A_1264 = arith.cmpi ne, %convert_element_type3A_1262, %cond3A_1263 : i32
        scf.if %cond3A_1264 {
          %dma_start3A_1265 = arith.constant 0 : i32
          %dma_start3A_1266 = tpu.memref_slice %arg8[%and3A_1246, %dma_start3A_1265] : memref<2x1024xi32, #tpu.memory_space<vmem>> -> memref<1x768xi32, #tpu.memory_space<vmem>>
          %dma_start3A_1267 = tpu.memref_squeeze %dma_start3A_1266 : memref<1x768xi32, #tpu.memory_space<vmem>> -> memref<768xi32, #tpu.memory_space<vmem>>
          %dma_start3A_1268 = tpu.memref_slice %arg3[%add3A_1256] : memref<800000xi32, #tpu.memory_space<hbm>> -> memref<768xi32, #tpu.memory_space<hbm>>
          %dma_start3A_1269 = arith.constant 0 : i32
          %dma_start3A_1270 = tpu.memref_slice %arg8[%and3A_1246, %dma_start3A_1269] : memref<2x1024xi32, #tpu.memory_space<vmem>> -> memref<1x768xi32, #tpu.memory_space<vmem>>
          %dma_start3A_1271 = tpu.memref_squeeze %dma_start3A_1270 : memref<1x768xi32, #tpu.memory_space<vmem>> -> memref<768xi32, #tpu.memory_space<vmem>>
          %dma_start3A_1272 = tpu.memref_slice %arg3[%add3A_1256] : memref<800000xi32, #tpu.memory_space<hbm>> -> memref<768xi32, #tpu.memory_space<hbm>>
          tpu.enqueue_dma source(%dma_start3A_1272 : memref<768xi32, #tpu.memory_space<hbm>>) target(%dma_start3A_1271 : memref<768xi32, #tpu.memory_space<vmem>>) target_semaphore(%arg12 : memref<!tpu.dma_semaphore, #tpu.memory_space<semaphore_mem>>)
          %dma_start3A_1273 = arith.constant 0 : i32
          %dma_start3A_1274 = tpu.memref_slice %arg9[%and3A_1246, %dma_start3A_1273] : memref<2x1024xf32, #tpu.memory_space<vmem>> -> memref<1x768xf32, #tpu.memory_space<vmem>>
          %dma_start3A_1275 = tpu.memref_squeeze %dma_start3A_1274 : memref<1x768xf32, #tpu.memory_space<vmem>> -> memref<768xf32, #tpu.memory_space<vmem>>
          %dma_start3A_1276 = tpu.memref_slice %arg5[%add3A_1256] : memref<800000xf32, #tpu.memory_space<hbm>> -> memref<768xf32, #tpu.memory_space<hbm>>
          %dma_start3A_1277 = arith.constant 0 : i32
          %dma_start3A_1278 = tpu.memref_slice %arg9[%and3A_1246, %dma_start3A_1277] : memref<2x1024xf32, #tpu.memory_space<vmem>> -> memref<1x768xf32, #tpu.memory_space<vmem>>
          %dma_start3A_1279 = tpu.memref_squeeze %dma_start3A_1278 : memref<1x768xf32, #tpu.memory_space<vmem>> -> memref<768xf32, #tpu.memory_space<vmem>>
          %dma_start3A_1280 = tpu.memref_slice %arg5[%add3A_1256] : memref<800000xf32, #tpu.memory_space<hbm>> -> memref<768xf32, #tpu.memory_space<hbm>>
          tpu.enqueue_dma source(%dma_start3A_1280 : memref<768xf32, #tpu.memory_space<hbm>>) target(%dma_start3A_1279 : memref<768xf32, #tpu.memory_space<vmem>>) target_semaphore(%arg12 : memref<!tpu.dma_semaphore, #tpu.memory_space<semaphore_mem>>)
        } else {
        }
      } else {
      }
      %parallel_loop3A = arith.constant 0 : i32
      %parallel_loop3A_1216 = arith.constant 128 : i32
      %parallel_loop3A_1217 = arith.constant 16 : i32
      scf.for %parallel_loop3A_1241 = %parallel_loop3A to %parallel_loop3A_1216 step %parallel_loop3A_1217  : i32 {
        %parallel_loop3A_1242 = arith.constant 128 : i32
        %parallel_loop3A_1243 = arith.muli %and3A_1157, %parallel_loop3A_1242 : i32
        %parallel_loop3A_1244 = arith.addi %parallel_loop3A_1243, %parallel_loop3A_1241 : i32
        %parallel_loop3A_1245 = arith.index_cast %and3A_1160 : i32 to index
        %parallel_loop3A_1246 = arith.index_cast %parallel_loop3A_1244 : i32 to index
        %parallel_loop3A_1247 = tpu.vector_load %arg9[%parallel_loop3A_1245, %parallel_loop3A_1246] {strides = array<i32>} : memref<2x1024xf32, #tpu.memory_space<vmem>>, vector<16xf32>,
        %parallel_loop3A_1248 = vector.extract_strided_slice %parallel_loop3A_1247 {offsets = [0], sizes = [1], strides = [1]} : vector<16xf32> to vector<1xf32>
        %parallel_loop3A_1249 = vector.extract %parallel_loop3A_1248[0] : f32 from vector<1xf32>
        %parallel_loop3A_1250 = arith.constant 0 : i32
        %parallel_loop3A_1251 = arith.addi %parallel_loop3A_1241, %parallel_loop3A_1250 : i32
        %parallel_loop3A_1252 = arith.index_cast %rem3A_1162 : i32 to index
        %parallel_loop3A_1253 = arith.index_cast %parallel_loop3A_1251 : i32 to index
        %parallel_loop3A_1254 = arith.constant 0 : index
        %parallel_loop3A_1255 = tpu.vector_load %arg11[%parallel_loop3A_1252, %parallel_loop3A_1253, %parallel_loop3A_1254] {strides = array<i32>} : memref<5x128x32xf32, #tpu.memory_space<vmem>>, vector<16xf32>,
        %parallel_loop3A_1256 = vector.broadcast %parallel_loop3A_1249 : f32 to vector<16xf32>
        %parallel_loop3A_1257 = arith.mulf %parallel_loop3A_1255, %parallel_loop3A_1256 : vector<16xf32>
        %parallel_loop3A_1258 = arith.constant 0 : i32
        %parallel_loop3A_1259 = arith.addi %parallel_loop3A_1241, %parallel_loop3A_1258 : i32
        %parallel_loop3A_1260 = arith.index_cast %rem3A_1162 : i32 to index
        %parallel_loop3A_1261 = arith.index_cast %parallel_loop3A_1259 : i32 to index
        %parallel_loop3A_1262 = arith.constant 0 : index
        %parallel_loop3A_1263 = tpu.vector_load %arg11[%parallel_loop3A_1260, %parallel_loop3A_1261, %parallel_loop3A_1262] {strides = array<i32>} : memref<5x128x32xf32, #tpu.memory_space<vmem>>, vector<16xf32>,
        tpu.vector_store %arg11[%parallel_loop3A_1260, %parallel_loop3A_1261, %parallel_loop3A_1262], %parallel_loop3A_1257 {strides = array<i32>} : memref<5x128x32xf32, #tpu.memory_space<vmem>>, vector<16xf32>,
        %parallel_loop3A_1264 = arith.constant 0 : i32
        %parallel_loop3A_1265 = arith.addi %parallel_loop3A_1241, %parallel_loop3A_1264 : i32
        %parallel_loop3A_1266 = arith.index_cast %rem3A_1162 : i32 to index
        %parallel_loop3A_1267 = arith.index_cast %parallel_loop3A_1265 : i32 to index
        %parallel_loop3A_1268 = arith.constant 16 : index
        %parallel_loop3A_1269 = tpu.vector_load %arg11[%parallel_loop3A_1266, %parallel_loop3A_1267, %parallel_loop3A_1268] {strides = array<i32>} : memref<5x128x32xf32, #tpu.memory_space<vmem>>, vector<16xf32>,
        %parallel_loop3A_1270 = vector.broadcast %parallel_loop3A_1249 : f32 to vector<16xf32>
        %parallel_loop3A_1271 = arith.mulf %parallel_loop3A_1269, %parallel_loop3A_1270 : vector<16xf32>
        %parallel_loop3A_1272 = arith.constant 0 : i32
        %parallel_loop3A_1273 = arith.addi %parallel_loop3A_1241, %parallel_loop3A_1272 : i32
        %parallel_loop3A_1274 = arith.index_cast %rem3A_1162 : i32 to index
        %parallel_loop3A_1275 = arith.index_cast %parallel_loop3A_1273 : i32 to index
        %parallel_loop3A_1276 = arith.constant 16 : index
        %parallel_loop3A_1277 = tpu.vector_load %arg11[%parallel_loop3A_1274, %parallel_loop3A_1275, %parallel_loop3A_1276] {strides = array<i32>} : memref<5x128x32xf32, #tpu.memory_space<vmem>>, vector<16xf32>,
        tpu.vector_store %arg11[%parallel_loop3A_1274, %parallel_loop3A_1275, %parallel_loop3A_1276], %parallel_loop3A_1271 {strides = array<i32>} : memref<5x128x32xf32, #tpu.memory_space<vmem>>, vector<16xf32>,
        %parallel_loop3A_1278 = vector.extract_strided_slice %parallel_loop3A_1247 {offsets = [1], sizes = [1], strides = [1]} : vector<16xf32> to vector<1xf32>
        %parallel_loop3A_1279 = vector.extract %parallel_loop3A_1278[0] : f32 from vector<1xf32>
        %parallel_loop3A_1280 = arith.constant 1 : i32
        %parallel_loop3A_1281 = arith.addi %parallel_loop3A_1241, %parallel_loop3A_1280 : i32
        %parallel_loop3A_1282 = arith.index_cast %rem3A_1162 : i32 to index
        %parallel_loop3A_1283 = arith.index_cast %parallel_loop3A_1281 : i32 to index
        %parallel_loop3A_1284 = arith.constant 0 : index
        %parallel_loop3A_1285 = tpu.vector_load %arg11[%parallel_loop3A_1282, %parallel_loop3A_1283, %parallel_loop3A_1284] {strides = array<i32>} : memref<5x128x32xf32, #tpu.memory_space<vmem>>, vector<16xf32>,
        %parallel_loop3A_1286 = vector.broadcast %parallel_loop3A_1279 : f32 to vector<16xf32>
        %parallel_loop3A_1287 = arith.mulf %parallel_loop3A_1285, %parallel_loop3A_1286 : vector<16xf32>
        %parallel_loop3A_1288 = arith.constant 1 : i32
        %parallel_loop3A_1289 = arith.addi %parallel_loop3A_1241, %parallel_loop3A_1288 : i32
        %parallel_loop3A_1290 = arith.index_cast %rem3A_1162 : i32 to index
        %parallel_loop3A_1291 = arith.index_cast %parallel_loop3A_1289 : i32 to index
        %parallel_loop3A_1292 = arith.constant 0 : index
        %parallel_loop3A_1293 = tpu.vector_load %arg11[%parallel_loop3A_1290, %parallel_loop3A_1291, %parallel_loop3A_1292] {strides = array<i32>} : memref<5x128x32xf32, #tpu.memory_space<vmem>>, vector<16xf32>,
        tpu.vector_store %arg11[%parallel_loop3A_1290, %parallel_loop3A_1291, %parallel_loop3A_1292], %parallel_loop3A_1287 {strides = array<i32>} : memref<5x128x32xf32, #tpu.memory_space<vmem>>, vector<16xf32>,
        %parallel_loop3A_1294 = arith.constant 1 : i32
        %parallel_loop3A_1295 = arith.addi %parallel_loop3A_1241, %parallel_loop3A_1294 : i32
        %parallel_loop3A_1296 = arith.index_cast %rem3A_1162 : i32 to index
        %parallel_loop3A_1297 = arith.index_cast %parallel_loop3A_1295 : i32 to index
        %parallel_loop3A_1298 = arith.constant 16 : index
        %parallel_loop3A_1299 = tpu.vector_load %arg11[%parallel_loop3A_1296, %parallel_loop3A_1297, %parallel_loop3A_1298] {strides = array<i32>} : memref<5x128x32xf32, #tpu.memory_space<vmem>>, vector<16xf32>,
        %parallel_loop3A_1300 = vector.broadcast %parallel_loop3A_1279 : f32 to vector<16xf32>
        %parallel_loop3A_1301 = arith.mulf %parallel_loop3A_1299, %parallel_loop3A_1300 : vector<16xf32>
        %parallel_loop3A_1302 = arith.constant 1 : i32
        %parallel_loop3A_1303 = arith.addi %parallel_loop3A_1241, %parallel_loop3A_1302 : i32
        %parallel_loop3A_1304 = arith.index_cast %rem3A_1162 : i32 to index
        %parallel_loop3A_1305 = arith.index_cast %parallel_loop3A_1303 : i32 to index
        %parallel_loop3A_1306 = arith.constant 16 : index
        %parallel_loop3A_1307 = tpu.vector_load %arg11[%parallel_loop3A_1304, %parallel_loop3A_1305, %parallel_loop3A_1306] {strides = array<i32>} : memref<5x128x32xf32, #tpu.memory_space<vmem>>, vector<16xf32>,
        tpu.vector_store %arg11[%parallel_loop3A_1304, %parallel_loop3A_1305, %parallel_loop3A_1306], %parallel_loop3A_1301 {strides = array<i32>} : memref<5x128x32xf32, #tpu.memory_space<vmem>>, vector<16xf32>,
        %parallel_loop3A_1308 = vector.extract_strided_slice %parallel_loop3A_1247 {offsets = [2], sizes = [1], strides = [1]} : vector<16xf32> to vector<1xf32>
        %parallel_loop3A_1309 = vector.extract %parallel_loop3A_1308[0] : f32 from vector<1xf32>
        %parallel_loop3A_1310 = arith.constant 2 : i32
        %parallel_loop3A_1311 = arith.addi %parallel_loop3A_1241, %parallel_loop3A_1310 : i32
        %parallel_loop3A_1312 = arith.index_cast %rem3A_1162 : i32 to index
        %parallel_loop3A_1313 = arith.index_cast %parallel_loop3A_1311 : i32 to index
        %parallel_loop3A_1314 = arith.constant 0 : index
        %parallel_loop3A_1315 = tpu.vector_load %arg11[%parallel_loop3A_1312, %parallel_loop3A_1313, %parallel_loop3A_1314] {strides = array<i32>} : memref<5x128x32xf32, #tpu.memory_space<vmem>>, vector<16xf32>,
        %parallel_loop3A_1316 = vector.broadcast %parallel_loop3A_1309 : f32 to vector<16xf32>
        %parallel_loop3A_1317 = arith.mulf %parallel_loop3A_1315, %parallel_loop3A_1316 : vector<16xf32>
        %parallel_loop3A_1318 = arith.constant 2 : i32
        %parallel_loop3A_1319 = arith.addi %parallel_loop3A_1241, %parallel_loop3A_1318 : i32
        %parallel_loop3A_1320 = arith.index_cast %rem3A_1162 : i32 to index
        %parallel_loop3A_1321 = arith.index_cast %parallel_loop3A_1319 : i32 to index
        %parallel_loop3A_1322 = arith.constant 0 : index
        %parallel_loop3A_1323 = tpu.vector_load %arg11[%parallel_loop3A_1320, %parallel_loop3A_1321, %parallel_loop3A_1322] {strides = array<i32>} : memref<5x128x32xf32, #tpu.memory_space<vmem>>, vector<16xf32>,
        tpu.vector_store %arg11[%parallel_loop3A_1320, %parallel_loop3A_1321, %parallel_loop3A_1322], %parallel_loop3A_1317 {strides = array<i32>} : memref<5x128x32xf32, #tpu.memory_space<vmem>>, vector<16xf32>,
        %parallel_loop3A_1324 = arith.constant 2 : i32
        %parallel_loop3A_1325 = arith.addi %parallel_loop3A_1241, %parallel_loop3A_1324 : i32
        %parallel_loop3A_1326 = arith.index_cast %rem3A_1162 : i32 to index
        %parallel_loop3A_1327 = arith.index_cast %parallel_loop3A_1325 : i32 to index
        %parallel_loop3A_1328 = arith.constant 16 : index
        %parallel_loop3A_1329 = tpu.vector_load %arg11[%parallel_loop3A_1326, %parallel_loop3A_1327, %parallel_loop3A_1328] {strides = array<i32>} : memref<5x128x32xf32, #tpu.memory_space<vmem>>, vector<16xf32>,
        %parallel_loop3A_1330 = vector.broadcast %parallel_loop3A_1309 : f32 to vector<16xf32>
        %parallel_loop3A_1331 = arith.mulf %parallel_loop3A_1329, %parallel_loop3A_1330 : vector<16xf32>
        %parallel_loop3A_1332 = arith.constant 2 : i32
        %parallel_loop3A_1333 = arith.addi %parallel_loop3A_1241, %parallel_loop3A_1332 : i32
        %parallel_loop3A_1334 = arith.index_cast %rem3A_1162 : i32 to index
        %parallel_loop3A_1335 = arith.index_cast %parallel_loop3A_1333 : i32 to index
        %parallel_loop3A_1336 = arith.constant 16 : index
        %parallel_loop3A_1337 = tpu.vector_load %arg11[%parallel_loop3A_1334, %parallel_loop3A_1335, %parallel_loop3A_1336] {strides = array<i32>} : memref<5x128x32xf32, #tpu.memory_space<vmem>>, vector<16xf32>,
        tpu.vector_store %arg11[%parallel_loop3A_1334, %parallel_loop3A_1335, %parallel_loop3A_1336], %parallel_loop3A_1331 {strides = array<i32>} : memref<5x128x32xf32, #tpu.memory_space<vmem>>, vector<16xf32>,
        %parallel_loop3A_1338 = vector.extract_strided_slice %parallel_loop3A_1247 {offsets = [3], sizes = [1], strides = [1]} : vector<16xf32> to vector<1xf32>
        %parallel_loop3A_1339 = vector.extract %parallel_loop3A_1338[0] : f32 from vector<1xf32>
        %parallel_loop3A_1340 = arith.constant 3 : i32
        %parallel_loop3A_1341 = arith.addi %parallel_loop3A_1241, %parallel_loop3A_1340 : i32
        %parallel_loop3A_1342 = arith.index_cast %rem3A_1162 : i32 to index
        %parallel_loop3A_1343 = arith.index_cast %parallel_loop3A_1341 : i32 to index
        %parallel_loop3A_1344 = arith.constant 0 : index
        %parallel_loop3A_1345 = tpu.vector_load %arg11[%parallel_loop3A_1342, %parallel_loop3A_1343, %parallel_loop3A_1344] {strides = array<i32>} : memref<5x128x32xf32, #tpu.memory_space<vmem>>, vector<16xf32>,
        %parallel_loop3A_1346 = vector.broadcast %parallel_loop3A_1339 : f32 to vector<16xf32>
        %parallel_loop3A_1347 = arith.mulf %parallel_loop3A_1345, %parallel_loop3A_1346 : vector<16xf32>
        %parallel_loop3A_1348 = arith.constant 3 : i32
        %parallel_loop3A_1349 = arith.addi %parallel_loop3A_1241, %parallel_loop3A_1348 : i32
        %parallel_loop3A_1350 = arith.index_cast %rem3A_1162 : i32 to index
        %parallel_loop3A_1351 = arith.index_cast %parallel_loop3A_1349 : i32 to index
        %parallel_loop3A_1352 = arith.constant 0 : index
        %parallel_loop3A_1353 = tpu.vector_load %arg11[%parallel_loop3A_1350, %parallel_loop3A_1351, %parallel_loop3A_1352] {strides = array<i32>} : memref<5x128x32xf32, #tpu.memory_space<vmem>>, vector<16xf32>,
        tpu.vector_store %arg11[%parallel_loop3A_1350, %parallel_loop3A_1351, %parallel_loop3A_1352], %parallel_loop3A_1347 {strides = array<i32>} : memref<5x128x32xf32, #tpu.memory_space<vmem>>, vector<16xf32>,
        %parallel_loop3A_1354 = arith.constant 3 : i32
        %parallel_loop3A_1355 = arith.addi %parallel_loop3A_1241, %parallel_loop3A_1354 : i32
        %parallel_loop3A_1356 = arith.index_cast %rem3A_1162 : i32 to index
        %parallel_loop3A_1357 = arith.index_cast %parallel_loop3A_1355 : i32 to index
        %parallel_loop3A_1358 = arith.constant 16 : index
        %parallel_loop3A_1359 = tpu.vector_load %arg11[%parallel_loop3A_1356, %parallel_loop3A_1357, %parallel_loop3A_1358] {strides = array<i32>} : memref<5x128x32xf32, #tpu.memory_space<vmem>>, vector<16xf32>,
        %parallel_loop3A_1360 = vector.broadcast %parallel_loop3A_1339 : f32 to vector<16xf32>
        %parallel_loop3A_1361 = arith.mulf %parallel_loop3A_1359, %parallel_loop3A_1360 : vector<16xf32>
        %parallel_loop3A_1362 = arith.constant 3 : i32
        %parallel_loop3A_1363 = arith.addi %parallel_loop3A_1241, %parallel_loop3A_1362 : i32
        %parallel_loop3A_1364 = arith.index_cast %rem3A_1162 : i32 to index
        %parallel_loop3A_1365 = arith.index_cast %parallel_loop3A_1363 : i32 to index
        %parallel_loop3A_1366 = arith.constant 16 : index
        %parallel_loop3A_1367 = tpu.vector_load %arg11[%parallel_loop3A_1364, %parallel_loop3A_1365, %parallel_loop3A_1366] {strides = array<i32>} : memref<5x128x32xf32, #tpu.memory_space<vmem>>, vector<16xf32>,
        tpu.vector_store %arg11[%parallel_loop3A_1364, %parallel_loop3A_1365, %parallel_loop3A_1366], %parallel_loop3A_1361 {strides = array<i32>} : memref<5x128x32xf32, #tpu.memory_space<vmem>>, vector<16xf32>,
        %parallel_loop3A_1368 = vector.extract_strided_slice %parallel_loop3A_1247 {offsets = [4], sizes = [1], strides = [1]} : vector<16xf32> to vector<1xf32>
        %parallel_loop3A_1369 = vector.extract %parallel_loop3A_1368[0] : f32 from vector<1xf32>
        %parallel_loop3A_1370 = arith.constant 4 : i32
        %parallel_loop3A_1371 = arith.addi %parallel_loop3A_1241, %parallel_loop3A_1370 : i32
        %parallel_loop3A_1372 = arith.index_cast %rem3A_1162 : i32 to index
        %parallel_loop3A_1373 = arith.index_cast %parallel_loop3A_1371 : i32 to index
        %parallel_loop3A_1374 = arith.constant 0 : index
        %parallel_loop3A_1375 = tpu.vector_load %arg11[%parallel_loop3A_1372, %parallel_loop3A_1373, %parallel_loop3A_1374] {strides = array<i32>} : memref<5x128x32xf32, #tpu.memory_space<vmem>>, vector<16xf32>,
        %parallel_loop3A_1376 = vector.broadcast %parallel_loop3A_1369 : f32 to vector<16xf32>
        %parallel_loop3A_1377 = arith.mulf %parallel_loop3A_1375, %parallel_loop3A_1376 : vector<16xf32>
        %parallel_loop3A_1378 = arith.constant 4 : i32
        %parallel_loop3A_1379 = arith.addi %parallel_loop3A_1241, %parallel_loop3A_1378 : i32
        %parallel_loop3A_1380 = arith.index_cast %rem3A_1162 : i32 to index
        %parallel_loop3A_1381 = arith.index_cast %parallel_loop3A_1379 : i32 to index
        %parallel_loop3A_1382 = arith.constant 0 : index
        %parallel_loop3A_1383 = tpu.vector_load %arg11[%parallel_loop3A_1380, %parallel_loop3A_1381, %parallel_loop3A_1382] {strides = array<i32>} : memref<5x128x32xf32, #tpu.memory_space<vmem>>, vector<16xf32>,
        tpu.vector_store %arg11[%parallel_loop3A_1380, %parallel_loop3A_1381, %parallel_loop3A_1382], %parallel_loop3A_1377 {strides = array<i32>} : memref<5x128x32xf32, #tpu.memory_space<vmem>>, vector<16xf32>,
        %parallel_loop3A_1384 = arith.constant 4 : i32
        %parallel_loop3A_1385 = arith.addi %parallel_loop3A_1241, %parallel_loop3A_1384 : i32
        %parallel_loop3A_1386 = arith.index_cast %rem3A_1162 : i32 to index
        %parallel_loop3A_1387 = arith.index_cast %parallel_loop3A_1385 : i32 to index
        %parallel_loop3A_1388 = arith.constant 16 : index
        %parallel_loop3A_1389 = tpu.vector_load %arg11[%parallel_loop3A_1386, %parallel_loop3A_1387, %parallel_loop3A_1388] {strides = array<i32>} : memref<5x128x32xf32, #tpu.memory_space<vmem>>, vector<16xf32>,
        %parallel_loop3A_1390 = vector.broadcast %parallel_loop3A_1369 : f32 to vector<16xf32>
        %parallel_loop3A_1391 = arith.mulf %parallel_loop3A_1389, %parallel_loop3A_1390 : vector<16xf32>
        %parallel_loop3A_1392 = arith.constant 4 : i32
        %parallel_loop3A_1393 = arith.addi %parallel_loop3A_1241, %parallel_loop3A_1392 : i32
        %parallel_loop3A_1394 = arith.index_cast %rem3A_1162 : i32 to index
        %parallel_loop3A_1395 = arith.index_cast %parallel_loop3A_1393 : i32 to index
        %parallel_loop3A_1396 = arith.constant 16 : index
        %parallel_loop3A_1397 = tpu.vector_load %arg11[%parallel_loop3A_1394, %parallel_loop3A_1395, %parallel_loop3A_1396] {strides = array<i32>} : memref<5x128x32xf32, #tpu.memory_space<vmem>>, vector<16xf32>,
        tpu.vector_store %arg11[%parallel_loop3A_1394, %parallel_loop3A_1395, %parallel_loop3A_1396], %parallel_loop3A_1391 {strides = array<i32>} : memref<5x128x32xf32, #tpu.memory_space<vmem>>, vector<16xf32>,
        %parallel_loop3A_1398 = vector.extract_strided_slice %parallel_loop3A_1247 {offsets = [5], sizes = [1], strides = [1]} : vector<16xf32> to vector<1xf32>
        %parallel_loop3A_1399 = vector.extract %parallel_loop3A_1398[0] : f32 from vector<1xf32>
        %parallel_loop3A_1400 = arith.constant 5 : i32
        %parallel_loop3A_1401 = arith.addi %parallel_loop3A_1241, %parallel_loop3A_1400 : i32
        %parallel_loop3A_1402 = arith.index_cast %rem3A_1162 : i32 to index
        %parallel_loop3A_1403 = arith.index_cast %parallel_loop3A_1401 : i32 to index
        %parallel_loop3A_1404 = arith.constant 0 : index
        %parallel_loop3A_1405 = tpu.vector_load %arg11[%parallel_loop3A_1402, %parallel_loop3A_1403, %parallel_loop3A_1404] {strides = array<i32>} : memref<5x128x32xf32, #tpu.memory_space<vmem>>, vector<16xf32>,
        %parallel_loop3A_1406 = vector.broadcast %parallel_loop3A_1399 : f32 to vector<16xf32>
        %parallel_loop3A_1407 = arith.mulf %parallel_loop3A_1405, %parallel_loop3A_1406 : vector<16xf32>
        %parallel_loop3A_1408 = arith.constant 5 : i32
        %parallel_loop3A_1409 = arith.addi %parallel_loop3A_1241, %parallel_loop3A_1408 : i32
        %parallel_loop3A_1410 = arith.index_cast %rem3A_1162 : i32 to index
        %parallel_loop3A_1411 = arith.index_cast %parallel_loop3A_1409 : i32 to index
        %parallel_loop3A_1412 = arith.constant 0 : index
        %parallel_loop3A_1413 = tpu.vector_load %arg11[%parallel_loop3A_1410, %parallel_loop3A_1411, %parallel_loop3A_1412] {strides = array<i32>} : memref<5x128x32xf32, #tpu.memory_space<vmem>>, vector<16xf32>,
        tpu.vector_store %arg11[%parallel_loop3A_1410, %parallel_loop3A_1411, %parallel_loop3A_1412], %parallel_loop3A_1407 {strides = array<i32>} : memref<5x128x32xf32, #tpu.memory_space<vmem>>, vector<16xf32>,
        %parallel_loop3A_1414 = arith.constant 5 : i32
        %parallel_loop3A_1415 = arith.addi %parallel_loop3A_1241, %parallel_loop3A_1414 : i32
        %parallel_loop3A_1416 = arith.index_cast %rem3A_1162 : i32 to index
        %parallel_loop3A_1417 = arith.index_cast %parallel_loop3A_1415 : i32 to index
        %parallel_loop3A_1418 = arith.constant 16 : index
        %parallel_loop3A_1419 = tpu.vector_load %arg11[%parallel_loop3A_1416, %parallel_loop3A_1417, %parallel_loop3A_1418] {strides = array<i32>} : memref<5x128x32xf32, #tpu.memory_space<vmem>>, vector<16xf32>,
        %parallel_loop3A_1420 = vector.broadcast %parallel_loop3A_1399 : f32 to vector<16xf32>
        %parallel_loop3A_1421 = arith.mulf %parallel_loop3A_1419, %parallel_loop3A_1420 : vector<16xf32>
        %parallel_loop3A_1422 = arith.constant 5 : i32
        %parallel_loop3A_1423 = arith.addi %parallel_loop3A_1241, %parallel_loop3A_1422 : i32
        %parallel_loop3A_1424 = arith.index_cast %rem3A_1162 : i32 to index
        %parallel_loop3A_1425 = arith.index_cast %parallel_loop3A_1423 : i32 to index
        %parallel_loop3A_1426 = arith.constant 16 : index
        %parallel_loop3A_1427 = tpu.vector_load %arg11[%parallel_loop3A_1424, %parallel_loop3A_1425, %parallel_loop3A_1426] {strides = array<i32>} : memref<5x128x32xf32, #tpu.memory_space<vmem>>, vector<16xf32>,
        tpu.vector_store %arg11[%parallel_loop3A_1424, %parallel_loop3A_1425, %parallel_loop3A_1426], %parallel_loop3A_1421 {strides = array<i32>} : memref<5x128x32xf32, #tpu.memory_space<vmem>>, vector<16xf32>,
        %parallel_loop3A_1428 = vector.extract_strided_slice %parallel_loop3A_1247 {offsets = [6], sizes = [1], strides = [1]} : vector<16xf32> to vector<1xf32>
        %parallel_loop3A_1429 = vector.extract %parallel_loop3A_1428[0] : f32 from vector<1xf32>
        %parallel_loop3A_1430 = arith.constant 6 : i32
        %parallel_loop3A_1431 = arith.addi %parallel_loop3A_1241, %parallel_loop3A_1430 : i32
        %parallel_loop3A_1432 = arith.index_cast %rem3A_1162 : i32 to index
        %parallel_loop3A_1433 = arith.index_cast %parallel_loop3A_1431 : i32 to index
        %parallel_loop3A_1434 = arith.constant 0 : index
        %parallel_loop3A_1435 = tpu.vector_load %arg11[%parallel_loop3A_1432, %parallel_loop3A_1433, %parallel_loop3A_1434] {strides = array<i32>} : memref<5x128x32xf32, #tpu.memory_space<vmem>>, vector<16xf32>,
        %parallel_loop3A_1436 = vector.broadcast %parallel_loop3A_1429 : f32 to vector<16xf32>
        %parallel_loop3A_1437 = arith.mulf %parallel_loop3A_1435, %parallel_loop3A_1436 : vector<16xf32>
        %parallel_loop3A_1438 = arith.constant 6 : i32
        %parallel_loop3A_1439 = arith.addi %parallel_loop3A_1241, %parallel_loop3A_1438 : i32
        %parallel_loop3A_1440 = arith.index_cast %rem3A_1162 : i32 to index
        %parallel_loop3A_1441 = arith.index_cast %parallel_loop3A_1439 : i32 to index
        %parallel_loop3A_1442 = arith.constant 0 : index
        %parallel_loop3A_1443 = tpu.vector_load %arg11[%parallel_loop3A_1440, %parallel_loop3A_1441, %parallel_loop3A_1442] {strides = array<i32>} : memref<5x128x32xf32, #tpu.memory_space<vmem>>, vector<16xf32>,
        tpu.vector_store %arg11[%parallel_loop3A_1440, %parallel_loop3A_1441, %parallel_loop3A_1442], %parallel_loop3A_1437 {strides = array<i32>} : memref<5x128x32xf32, #tpu.memory_space<vmem>>, vector<16xf32>,
        %parallel_loop3A_1444 = arith.constant 6 : i32
        %parallel_loop3A_1445 = arith.addi %parallel_loop3A_1241, %parallel_loop3A_1444 : i32
        %parallel_loop3A_1446 = arith.index_cast %rem3A_1162 : i32 to index
        %parallel_loop3A_1447 = arith.index_cast %parallel_loop3A_1445 : i32 to index
        %parallel_loop3A_1448 = arith.constant 16 : index
        %parallel_loop3A_1449 = tpu.vector_load %arg11[%parallel_loop3A_1446, %parallel_loop3A_1447, %parallel_loop3A_1448] {strides = array<i32>} : memref<5x128x32xf32, #tpu.memory_space<vmem>>, vector<16xf32>,
        %parallel_loop3A_1450 = vector.broadcast %parallel_loop3A_1429 : f32 to vector<16xf32>
        %parallel_loop3A_1451 = arith.mulf %parallel_loop3A_1449, %parallel_loop3A_1450 : vector<16xf32>
        %parallel_loop3A_1452 = arith.constant 6 : i32
        %parallel_loop3A_1453 = arith.addi %parallel_loop3A_1241, %parallel_loop3A_1452 : i32
        %parallel_loop3A_1454 = arith.index_cast %rem3A_1162 : i32 to index
        %parallel_loop3A_1455 = arith.index_cast %parallel_loop3A_1453 : i32 to index
        %parallel_loop3A_1456 = arith.constant 16 : index
        %parallel_loop3A_1457 = tpu.vector_load %arg11[%parallel_loop3A_1454, %parallel_loop3A_1455, %parallel_loop3A_1456] {strides = array<i32>} : memref<5x128x32xf32, #tpu.memory_space<vmem>>, vector<16xf32>,
        tpu.vector_store %arg11[%parallel_loop3A_1454, %parallel_loop3A_1455, %parallel_loop3A_1456], %parallel_loop3A_1451 {strides = array<i32>} : memref<5x128x32xf32, #tpu.memory_space<vmem>>, vector<16xf32>,
        %parallel_loop3A_1458 = vector.extract_strided_slice %parallel_loop3A_1247 {offsets = [7], sizes = [1], strides = [1]} : vector<16xf32> to vector<1xf32>
        %parallel_loop3A_1459 = vector.extract %parallel_loop3A_1458[0] : f32 from vector<1xf32>
        %parallel_loop3A_1460 = arith.constant 7 : i32
        %parallel_loop3A_1461 = arith.addi %parallel_loop3A_1241, %parallel_loop3A_1460 : i32
        %parallel_loop3A_1462 = arith.index_cast %rem3A_1162 : i32 to index
        %parallel_loop3A_1463 = arith.index_cast %parallel_loop3A_1461 : i32 to index
        %parallel_loop3A_1464 = arith.constant 0 : index
        %parallel_loop3A_1465 = tpu.vector_load %arg11[%parallel_loop3A_1462, %parallel_loop3A_1463, %parallel_loop3A_1464] {strides = array<i32>} : memref<5x128x32xf32, #tpu.memory_space<vmem>>, vector<16xf32>,
        %parallel_loop3A_1466 = vector.broadcast %parallel_loop3A_1459 : f32 to vector<16xf32>
        %parallel_loop3A_1467 = arith.mulf %parallel_loop3A_1465, %parallel_loop3A_1466 : vector<16xf32>
        %parallel_loop3A_1468 = arith.constant 7 : i32
        %parallel_loop3A_1469 = arith.addi %parallel_loop3A_1241, %parallel_loop3A_1468 : i32
        %parallel_loop3A_1470 = arith.index_cast %rem3A_1162 : i32 to index
        %parallel_loop3A_1471 = arith.index_cast %parallel_loop3A_1469 : i32 to index
        %parallel_loop3A_1472 = arith.constant 0 : index
        %parallel_loop3A_1473 = tpu.vector_load %arg11[%parallel_loop3A_1470, %parallel_loop3A_1471, %parallel_loop3A_1472] {strides = array<i32>} : memref<5x128x32xf32, #tpu.memory_space<vmem>>, vector<16xf32>,
        tpu.vector_store %arg11[%parallel_loop3A_1470, %parallel_loop3A_1471, %parallel_loop3A_1472], %parallel_loop3A_1467 {strides = array<i32>} : memref<5x128x32xf32, #tpu.memory_space<vmem>>, vector<16xf32>,
        %parallel_loop3A_1474 = arith.constant 7 : i32
        %parallel_loop3A_1475 = arith.addi %parallel_loop3A_1241, %parallel_loop3A_1474 : i32
        %parallel_loop3A_1476 = arith.index_cast %rem3A_1162 : i32 to index
        %parallel_loop3A_1477 = arith.index_cast %parallel_loop3A_1475 : i32 to index
        %parallel_loop3A_1478 = arith.constant 16 : index
        %parallel_loop3A_1479 = tpu.vector_load %arg11[%parallel_loop3A_1476, %parallel_loop3A_1477, %parallel_loop3A_1478] {strides = array<i32>} : memref<5x128x32xf32, #tpu.memory_space<vmem>>, vector<16xf32>,
        %parallel_loop3A_1480 = vector.broadcast %parallel_loop3A_1459 : f32 to vector<16xf32>
        %parallel_loop3A_1481 = arith.mulf %parallel_loop3A_1479, %parallel_loop3A_1480 : vector<16xf32>
        %parallel_loop3A_1482 = arith.constant 7 : i32
        %parallel_loop3A_1483 = arith.addi %parallel_loop3A_1241, %parallel_loop3A_1482 : i32
        %parallel_loop3A_1484 = arith.index_cast %rem3A_1162 : i32 to index
        %parallel_loop3A_1485 = arith.index_cast %parallel_loop3A_1483 : i32 to index
        %parallel_loop3A_1486 = arith.constant 16 : index
        %parallel_loop3A_1487 = tpu.vector_load %arg11[%parallel_loop3A_1484, %parallel_loop3A_1485, %parallel_loop3A_1486] {strides = array<i32>} : memref<5x128x32xf32, #tpu.memory_space<vmem>>, vector<16xf32>,
        tpu.vector_store %arg11[%parallel_loop3A_1484, %parallel_loop3A_1485, %parallel_loop3A_1486], %parallel_loop3A_1481 {strides = array<i32>} : memref<5x128x32xf32, #tpu.memory_space<vmem>>, vector<16xf32>,
        %parallel_loop3A_1488 = vector.extract_strided_slice %parallel_loop3A_1247 {offsets = [8], sizes = [1], strides = [1]} : vector<16xf32> to vector<1xf32>
        %parallel_loop3A_1489 = vector.extract %parallel_loop3A_1488[0] : f32 from vector<1xf32>
        %parallel_loop3A_1490 = arith.constant 8 : i32
        %parallel_loop3A_1491 = arith.addi %parallel_loop3A_1241, %parallel_loop3A_1490 : i32
        %parallel_loop3A_1492 = arith.index_cast %rem3A_1162 : i32 to index
        %parallel_loop3A_1493 = arith.index_cast %parallel_loop3A_1491 : i32 to index
        %parallel_loop3A_1494 = arith.constant 0 : index
        %parallel_loop3A_1495 = tpu.vector_load %arg11[%parallel_loop3A_1492, %parallel_loop3A_1493, %parallel_loop3A_1494] {strides = array<i32>} : memref<5x128x32xf32, #tpu.memory_space<vmem>>, vector<16xf32>,
        %parallel_loop3A_1496 = vector.broadcast %parallel_loop3A_1489 : f32 to vector<16xf32>
        %parallel_loop3A_1497 = arith.mulf %parallel_loop3A_1495, %parallel_loop3A_1496 : vector<16xf32>
        %parallel_loop3A_1498 = arith.constant 8 : i32
        %parallel_loop3A_1499 = arith.addi %parallel_loop3A_1241, %parallel_loop3A_1498 : i32
        %parallel_loop3A_1500 = arith.index_cast %rem3A_1162 : i32 to index
        %parallel_loop3A_1501 = arith.index_cast %parallel_loop3A_1499 : i32 to index
        %parallel_loop3A_1502 = arith.constant 0 : index
        %parallel_loop3A_1503 = tpu.vector_load %arg11[%parallel_loop3A_1500, %parallel_loop3A_1501, %parallel_loop3A_1502] {strides = array<i32>} : memref<5x128x32xf32, #tpu.memory_space<vmem>>, vector<16xf32>,
        tpu.vector_store %arg11[%parallel_loop3A_1500, %parallel_loop3A_1501, %parallel_loop3A_1502], %parallel_loop3A_1497 {strides = array<i32>} : memref<5x128x32xf32, #tpu.memory_space<vmem>>, vector<16xf32>,
        %parallel_loop3A_1504 = arith.constant 8 : i32
        %parallel_loop3A_1505 = arith.addi %parallel_loop3A_1241, %parallel_loop3A_1504 : i32
        %parallel_loop3A_1506 = arith.index_cast %rem3A_1162 : i32 to index
        %parallel_loop3A_1507 = arith.index_cast %parallel_loop3A_1505 : i32 to index
        %parallel_loop3A_1508 = arith.constant 16 : index
        %parallel_loop3A_1509 = tpu.vector_load %arg11[%parallel_loop3A_1506, %parallel_loop3A_1507, %parallel_loop3A_1508] {strides = array<i32>} : memref<5x128x32xf32, #tpu.memory_space<vmem>>, vector<16xf32>,
        %parallel_loop3A_1510 = vector.broadcast %parallel_loop3A_1489 : f32 to vector<16xf32>
        %parallel_loop3A_1511 = arith.mulf %parallel_loop3A_1509, %parallel_loop3A_1510 : vector<16xf32>
        %parallel_loop3A_1512 = arith.constant 8 : i32
        %parallel_loop3A_1513 = arith.addi %parallel_loop3A_1241, %parallel_loop3A_1512 : i32
        %parallel_loop3A_1514 = arith.index_cast %rem3A_1162 : i32 to index
        %parallel_loop3A_1515 = arith.index_cast %parallel_loop3A_1513 : i32 to index
        %parallel_loop3A_1516 = arith.constant 16 : index
        %parallel_loop3A_1517 = tpu.vector_load %arg11[%parallel_loop3A_1514, %parallel_loop3A_1515, %parallel_loop3A_1516] {strides = array<i32>} : memref<5x128x32xf32, #tpu.memory_space<vmem>>, vector<16xf32>,
        tpu.vector_store %arg11[%parallel_loop3A_1514, %parallel_loop3A_1515, %parallel_loop3A_1516], %parallel_loop3A_1511 {strides = array<i32>} : memref<5x128x32xf32, #tpu.memory_space<vmem>>, vector<16xf32>,
        %parallel_loop3A_1518 = vector.extract_strided_slice %parallel_loop3A_1247 {offsets = [9], sizes = [1], strides = [1]} : vector<16xf32> to vector<1xf32>
        %parallel_loop3A_1519 = vector.extract %parallel_loop3A_1518[0] : f32 from vector<1xf32>
        %parallel_loop3A_1520 = arith.constant 9 : i32
        %parallel_loop3A_1521 = arith.addi %parallel_loop3A_1241, %parallel_loop3A_1520 : i32
        %parallel_loop3A_1522 = arith.index_cast %rem3A_1162 : i32 to index
        %parallel_loop3A_1523 = arith.index_cast %parallel_loop3A_1521 : i32 to index
        %parallel_loop3A_1524 = arith.constant 0 : index
        %parallel_loop3A_1525 = tpu.vector_load %arg11[%parallel_loop3A_1522, %parallel_loop3A_1523, %parallel_loop3A_1524] {strides = array<i32>} : memref<5x128x32xf32, #tpu.memory_space<vmem>>, vector<16xf32>,
        %parallel_loop3A_1526 = vector.broadcast %parallel_loop3A_1519 : f32 to vector<16xf32>
        %parallel_loop3A_1527 = arith.mulf %parallel_loop3A_1525, %parallel_loop3A_1526 : vector<16xf32>
        %parallel_loop3A_1528 = arith.constant 9 : i32
        %parallel_loop3A_1529 = arith.addi %parallel_loop3A_1241, %parallel_loop3A_1528 : i32
        %parallel_loop3A_1530 = arith.index_cast %rem3A_1162 : i32 to index
        %parallel_loop3A_1531 = arith.index_cast %parallel_loop3A_1529 : i32 to index
        %parallel_loop3A_1532 = arith.constant 0 : index
        %parallel_loop3A_1533 = tpu.vector_load %arg11[%parallel_loop3A_1530, %parallel_loop3A_1531, %parallel_loop3A_1532] {strides = array<i32>} : memref<5x128x32xf32, #tpu.memory_space<vmem>>, vector<16xf32>,
        tpu.vector_store %arg11[%parallel_loop3A_1530, %parallel_loop3A_1531, %parallel_loop3A_1532], %parallel_loop3A_1527 {strides = array<i32>} : memref<5x128x32xf32, #tpu.memory_space<vmem>>, vector<16xf32>,
        %parallel_loop3A_1534 = arith.constant 9 : i32
        %parallel_loop3A_1535 = arith.addi %parallel_loop3A_1241, %parallel_loop3A_1534 : i32
        %parallel_loop3A_1536 = arith.index_cast %rem3A_1162 : i32 to index
        %parallel_loop3A_1537 = arith.index_cast %parallel_loop3A_1535 : i32 to index
        %parallel_loop3A_1538 = arith.constant 16 : index
        %parallel_loop3A_1539 = tpu.vector_load %arg11[%parallel_loop3A_1536, %parallel_loop3A_1537, %parallel_loop3A_1538] {strides = array<i32>} : memref<5x128x32xf32, #tpu.memory_space<vmem>>, vector<16xf32>,
        %parallel_loop3A_1540 = vector.broadcast %parallel_loop3A_1519 : f32 to vector<16xf32>
        %parallel_loop3A_1541 = arith.mulf %parallel_loop3A_1539, %parallel_loop3A_1540 : vector<16xf32>
        %parallel_loop3A_1542 = arith.constant 9 : i32
        %parallel_loop3A_1543 = arith.addi %parallel_loop3A_1241, %parallel_loop3A_1542 : i32
        %parallel_loop3A_1544 = arith.index_cast %rem3A_1162 : i32 to index
        %parallel_loop3A_1545 = arith.index_cast %parallel_loop3A_1543 : i32 to index
        %parallel_loop3A_1546 = arith.constant 16 : index
        %parallel_loop3A_1547 = tpu.vector_load %arg11[%parallel_loop3A_1544, %parallel_loop3A_1545, %parallel_loop3A_1546] {strides = array<i32>} : memref<5x128x32xf32, #tpu.memory_space<vmem>>, vector<16xf32>,
        tpu.vector_store %arg11[%parallel_loop3A_1544, %parallel_loop3A_1545, %parallel_loop3A_1546], %parallel_loop3A_1541 {strides = array<i32>} : memref<5x128x32xf32, #tpu.memory_space<vmem>>, vector<16xf32>,
        %parallel_loop3A_1548 = vector.extract_strided_slice %parallel_loop3A_1247 {offsets = [10], sizes = [1], strides = [1]} : vector<16xf32> to vector<1xf32>
        %parallel_loop3A_1549 = vector.extract %parallel_loop3A_1548[0] : f32 from vector<1xf32>
        %parallel_loop3A_1550 = arith.constant 10 : i32
        %parallel_loop3A_1551 = arith.addi %parallel_loop3A_1241, %parallel_loop3A_1550 : i32
        %parallel_loop3A_1552 = arith.index_cast %rem3A_1162 : i32 to index
        %parallel_loop3A_1553 = arith.index_cast %parallel_loop3A_1551 : i32 to index
        %parallel_loop3A_1554 = arith.constant 0 : index
        %parallel_loop3A_1555 = tpu.vector_load %arg11[%parallel_loop3A_1552, %parallel_loop3A_1553, %parallel_loop3A_1554] {strides = array<i32>} : memref<5x128x32xf32, #tpu.memory_space<vmem>>, vector<16xf32>,
        %parallel_loop3A_1556 = vector.broadcast %parallel_loop3A_1549 : f32 to vector<16xf32>
        %parallel_loop3A_1557 = arith.mulf %parallel_loop3A_1555, %parallel_loop3A_1556 : vector<16xf32>
        %parallel_loop3A_1558 = arith.constant 10 : i32
        %parallel_loop3A_1559 = arith.addi %parallel_loop3A_1241, %parallel_loop3A_1558 : i32
        %parallel_loop3A_1560 = arith.index_cast %rem3A_1162 : i32 to index
        %parallel_loop3A_1561 = arith.index_cast %parallel_loop3A_1559 : i32 to index
        %parallel_loop3A_1562 = arith.constant 0 : index
        %parallel_loop3A_1563 = tpu.vector_load %arg11[%parallel_loop3A_1560, %parallel_loop3A_1561, %parallel_loop3A_1562] {strides = array<i32>} : memref<5x128x32xf32, #tpu.memory_space<vmem>>, vector<16xf32>,
        tpu.vector_store %arg11[%parallel_loop3A_1560, %parallel_loop3A_1561, %parallel_loop3A_1562], %parallel_loop3A_1557 {strides = array<i32>} : memref<5x128x32xf32, #tpu.memory_space<vmem>>, vector<16xf32>,
        %parallel_loop3A_1564 = arith.constant 10 : i32
        %parallel_loop3A_1565 = arith.addi %parallel_loop3A_1241, %parallel_loop3A_1564 : i32
        %parallel_loop3A_1566 = arith.index_cast %rem3A_1162 : i32 to index
        %parallel_loop3A_1567 = arith.index_cast %parallel_loop3A_1565 : i32 to index
        %parallel_loop3A_1568 = arith.constant 16 : index
        %parallel_loop3A_1569 = tpu.vector_load %arg11[%parallel_loop3A_1566, %parallel_loop3A_1567, %parallel_loop3A_1568] {strides = array<i32>} : memref<5x128x32xf32, #tpu.memory_space<vmem>>, vector<16xf32>,
        %parallel_loop3A_1570 = vector.broadcast %parallel_loop3A_1549 : f32 to vector<16xf32>
        %parallel_loop3A_1571 = arith.mulf %parallel_loop3A_1569, %parallel_loop3A_1570 : vector<16xf32>
        %parallel_loop3A_1572 = arith.constant 10 : i32
        %parallel_loop3A_1573 = arith.addi %parallel_loop3A_1241, %parallel_loop3A_1572 : i32
        %parallel_loop3A_1574 = arith.index_cast %rem3A_1162 : i32 to index
        %parallel_loop3A_1575 = arith.index_cast %parallel_loop3A_1573 : i32 to index
        %parallel_loop3A_1576 = arith.constant 16 : index
        %parallel_loop3A_1577 = tpu.vector_load %arg11[%parallel_loop3A_1574, %parallel_loop3A_1575, %parallel_loop3A_1576] {strides = array<i32>} : memref<5x128x32xf32, #tpu.memory_space<vmem>>, vector<16xf32>,
        tpu.vector_store %arg11[%parallel_loop3A_1574, %parallel_loop3A_1575, %parallel_loop3A_1576], %parallel_loop3A_1571 {strides = array<i32>} : memref<5x128x32xf32, #tpu.memory_space<vmem>>, vector<16xf32>,
        %parallel_loop3A_1578 = vector.extract_strided_slice %parallel_loop3A_1247 {offsets = [11], sizes = [1], strides = [1]} : vector<16xf32> to vector<1xf32>
        %parallel_loop3A_1579 = vector.extract %parallel_loop3A_1578[0] : f32 from vector<1xf32>
        %parallel_loop3A_1580 = arith.constant 11 : i32
        %parallel_loop3A_1581 = arith.addi %parallel_loop3A_1241, %parallel_loop3A_1580 : i32
        %parallel_loop3A_1582 = arith.index_cast %rem3A_1162 : i32 to index
        %parallel_loop3A_1583 = arith.index_cast %parallel_loop3A_1581 : i32 to index
        %parallel_loop3A_1584 = arith.constant 0 : index
        %parallel_loop3A_1585 = tpu.vector_load %arg11[%parallel_loop3A_1582, %parallel_loop3A_1583, %parallel_loop3A_1584] {strides = array<i32>} : memref<5x128x32xf32, #tpu.memory_space<vmem>>, vector<16xf32>,
        %parallel_loop3A_1586 = vector.broadcast %parallel_loop3A_1579 : f32 to vector<16xf32>
        %parallel_loop3A_1587 = arith.mulf %parallel_loop3A_1585, %parallel_loop3A_1586 : vector<16xf32>
        %parallel_loop3A_1588 = arith.constant 11 : i32
        %parallel_loop3A_1589 = arith.addi %parallel_loop3A_1241, %parallel_loop3A_1588 : i32
        %parallel_loop3A_1590 = arith.index_cast %rem3A_1162 : i32 to index
        %parallel_loop3A_1591 = arith.index_cast %parallel_loop3A_1589 : i32 to index
        %parallel_loop3A_1592 = arith.constant 0 : index
        %parallel_loop3A_1593 = tpu.vector_load %arg11[%parallel_loop3A_1590, %parallel_loop3A_1591, %parallel_loop3A_1592] {strides = array<i32>} : memref<5x128x32xf32, #tpu.memory_space<vmem>>, vector<16xf32>,
        tpu.vector_store %arg11[%parallel_loop3A_1590, %parallel_loop3A_1591, %parallel_loop3A_1592], %parallel_loop3A_1587 {strides = array<i32>} : memref<5x128x32xf32, #tpu.memory_space<vmem>>, vector<16xf32>,
        %parallel_loop3A_1594 = arith.constant 11 : i32
        %parallel_loop3A_1595 = arith.addi %parallel_loop3A_1241, %parallel_loop3A_1594 : i32
        %parallel_loop3A_1596 = arith.index_cast %rem3A_1162 : i32 to index
        %parallel_loop3A_1597 = arith.index_cast %parallel_loop3A_1595 : i32 to index
        %parallel_loop3A_1598 = arith.constant 16 : index
        %parallel_loop3A_1599 = tpu.vector_load %arg11[%parallel_loop3A_1596, %parallel_loop3A_1597, %parallel_loop3A_1598] {strides = array<i32>} : memref<5x128x32xf32, #tpu.memory_space<vmem>>, vector<16xf32>,
        %parallel_loop3A_1600 = vector.broadcast %parallel_loop3A_1579 : f32 to vector<16xf32>
        %parallel_loop3A_1601 = arith.mulf %parallel_loop3A_1599, %parallel_loop3A_1600 : vector<16xf32>
        %parallel_loop3A_1602 = arith.constant 11 : i32
        %parallel_loop3A_1603 = arith.addi %parallel_loop3A_1241, %parallel_loop3A_1602 : i32
        %parallel_loop3A_1604 = arith.index_cast %rem3A_1162 : i32 to index
        %parallel_loop3A_1605 = arith.index_cast %parallel_loop3A_1603 : i32 to index
        %parallel_loop3A_1606 = arith.constant 16 : index
        %parallel_loop3A_1607 = tpu.vector_load %arg11[%parallel_loop3A_1604, %parallel_loop3A_1605, %parallel_loop3A_1606] {strides = array<i32>} : memref<5x128x32xf32, #tpu.memory_space<vmem>>, vector<16xf32>,
        tpu.vector_store %arg11[%parallel_loop3A_1604, %parallel_loop3A_1605, %parallel_loop3A_1606], %parallel_loop3A_1601 {strides = array<i32>} : memref<5x128x32xf32, #tpu.memory_space<vmem>>, vector<16xf32>,
        %parallel_loop3A_1608 = vector.extract_strided_slice %parallel_loop3A_1247 {offsets = [12], sizes = [1], strides = [1]} : vector<16xf32> to vector<1xf32>
        %parallel_loop3A_1609 = vector.extract %parallel_loop3A_1608[0] : f32 from vector<1xf32>
        %parallel_loop3A_1610 = arith.constant 12 : i32
        %parallel_loop3A_1611 = arith.addi %parallel_loop3A_1241, %parallel_loop3A_1610 : i32
        %parallel_loop3A_1612 = arith.index_cast %rem3A_1162 : i32 to index
        %parallel_loop3A_1613 = arith.index_cast %parallel_loop3A_1611 : i32 to index
        %parallel_loop3A_1614 = arith.constant 0 : index
        %parallel_loop3A_1615 = tpu.vector_load %arg11[%parallel_loop3A_1612, %parallel_loop3A_1613, %parallel_loop3A_1614] {strides = array<i32>} : memref<5x128x32xf32, #tpu.memory_space<vmem>>, vector<16xf32>,
        %parallel_loop3A_1616 = vector.broadcast %parallel_loop3A_1609 : f32 to vector<16xf32>
        %parallel_loop3A_1617 = arith.mulf %parallel_loop3A_1615, %parallel_loop3A_1616 : vector<16xf32>
        %parallel_loop3A_1618 = arith.constant 12 : i32
        %parallel_loop3A_1619 = arith.addi %parallel_loop3A_1241, %parallel_loop3A_1618 : i32
        %parallel_loop3A_1620 = arith.index_cast %rem3A_1162 : i32 to index
        %parallel_loop3A_1621 = arith.index_cast %parallel_loop3A_1619 : i32 to index
        %parallel_loop3A_1622 = arith.constant 0 : index
        %parallel_loop3A_1623 = tpu.vector_load %arg11[%parallel_loop3A_1620, %parallel_loop3A_1621, %parallel_loop3A_1622] {strides = array<i32>} : memref<5x128x32xf32, #tpu.memory_space<vmem>>, vector<16xf32>,
        tpu.vector_store %arg11[%parallel_loop3A_1620, %parallel_loop3A_1621, %parallel_loop3A_1622], %parallel_loop3A_1617 {strides = array<i32>} : memref<5x128x32xf32, #tpu.memory_space<vmem>>, vector<16xf32>,
        %parallel_loop3A_1624 = arith.constant 12 : i32
        %parallel_loop3A_1625 = arith.addi %parallel_loop3A_1241, %parallel_loop3A_1624 : i32
        %parallel_loop3A_1626 = arith.index_cast %rem3A_1162 : i32 to index
        %parallel_loop3A_1627 = arith.index_cast %parallel_loop3A_1625 : i32 to index
        %parallel_loop3A_1628 = arith.constant 16 : index
        %parallel_loop3A_1629 = tpu.vector_load %arg11[%parallel_loop3A_1626, %parallel_loop3A_1627, %parallel_loop3A_1628] {strides = array<i32>} : memref<5x128x32xf32, #tpu.memory_space<vmem>>, vector<16xf32>,
        %parallel_loop3A_1630 = vector.broadcast %parallel_loop3A_1609 : f32 to vector<16xf32>
        %parallel_loop3A_1631 = arith.mulf %parallel_loop3A_1629, %parallel_loop3A_1630 : vector<16xf32>
        %parallel_loop3A_1632 = arith.constant 12 : i32
        %parallel_loop3A_1633 = arith.addi %parallel_loop3A_1241, %parallel_loop3A_1632 : i32
        %parallel_loop3A_1634 = arith.index_cast %rem3A_1162 : i32 to index
        %parallel_loop3A_1635 = arith.index_cast %parallel_loop3A_1633 : i32 to index
        %parallel_loop3A_1636 = arith.constant 16 : index
        %parallel_loop3A_1637 = tpu.vector_load %arg11[%parallel_loop3A_1634, %parallel_loop3A_1635, %parallel_loop3A_1636] {strides = array<i32>} : memref<5x128x32xf32, #tpu.memory_space<vmem>>, vector<16xf32>,
        tpu.vector_store %arg11[%parallel_loop3A_1634, %parallel_loop3A_1635, %parallel_loop3A_1636], %parallel_loop3A_1631 {strides = array<i32>} : memref<5x128x32xf32, #tpu.memory_space<vmem>>, vector<16xf32>,
        %parallel_loop3A_1638 = vector.extract_strided_slice %parallel_loop3A_1247 {offsets = [13], sizes = [1], strides = [1]} : vector<16xf32> to vector<1xf32>
        %parallel_loop3A_1639 = vector.extract %parallel_loop3A_1638[0] : f32 from vector<1xf32>
        %parallel_loop3A_1640 = arith.constant 13 : i32
        %parallel_loop3A_1641 = arith.addi %parallel_loop3A_1241, %parallel_loop3A_1640 : i32
        %parallel_loop3A_1642 = arith.index_cast %rem3A_1162 : i32 to index
        %parallel_loop3A_1643 = arith.index_cast %parallel_loop3A_1641 : i32 to index
        %parallel_loop3A_1644 = arith.constant 0 : index
        %parallel_loop3A_1645 = tpu.vector_load %arg11[%parallel_loop3A_1642, %parallel_loop3A_1643, %parallel_loop3A_1644] {strides = array<i32>} : memref<5x128x32xf32, #tpu.memory_space<vmem>>, vector<16xf32>,
        %parallel_loop3A_1646 = vector.broadcast %parallel_loop3A_1639 : f32 to vector<16xf32>
        %parallel_loop3A_1647 = arith.mulf %parallel_loop3A_1645, %parallel_loop3A_1646 : vector<16xf32>
        %parallel_loop3A_1648 = arith.constant 13 : i32
        %parallel_loop3A_1649 = arith.addi %parallel_loop3A_1241, %parallel_loop3A_1648 : i32
        %parallel_loop3A_1650 = arith.index_cast %rem3A_1162 : i32 to index
        %parallel_loop3A_1651 = arith.index_cast %parallel_loop3A_1649 : i32 to index
        %parallel_loop3A_1652 = arith.constant 0 : index
        %parallel_loop3A_1653 = tpu.vector_load %arg11[%parallel_loop3A_1650, %parallel_loop3A_1651, %parallel_loop3A_1652] {strides = array<i32>} : memref<5x128x32xf32, #tpu.memory_space<vmem>>, vector<16xf32>,
        tpu.vector_store %arg11[%parallel_loop3A_1650, %parallel_loop3A_1651, %parallel_loop3A_1652], %parallel_loop3A_1647 {strides = array<i32>} : memref<5x128x32xf32, #tpu.memory_space<vmem>>, vector<16xf32>,
        %parallel_loop3A_1654 = arith.constant 13 : i32
        %parallel_loop3A_1655 = arith.addi %parallel_loop3A_1241, %parallel_loop3A_1654 : i32
        %parallel_loop3A_1656 = arith.index_cast %rem3A_1162 : i32 to index
        %parallel_loop3A_1657 = arith.index_cast %parallel_loop3A_1655 : i32 to index
        %parallel_loop3A_1658 = arith.constant 16 : index
        %parallel_loop3A_1659 = tpu.vector_load %arg11[%parallel_loop3A_1656, %parallel_loop3A_1657, %parallel_loop3A_1658] {strides = array<i32>} : memref<5x128x32xf32, #tpu.memory_space<vmem>>, vector<16xf32>,
        %parallel_loop3A_1660 = vector.broadcast %parallel_loop3A_1639 : f32 to vector<16xf32>
        %parallel_loop3A_1661 = arith.mulf %parallel_loop3A_1659, %parallel_loop3A_1660 : vector<16xf32>
        %parallel_loop3A_1662 = arith.constant 13 : i32
        %parallel_loop3A_1663 = arith.addi %parallel_loop3A_1241, %parallel_loop3A_1662 : i32
        %parallel_loop3A_1664 = arith.index_cast %rem3A_1162 : i32 to index
        %parallel_loop3A_1665 = arith.index_cast %parallel_loop3A_1663 : i32 to index
        %parallel_loop3A_1666 = arith.constant 16 : index
        %parallel_loop3A_1667 = tpu.vector_load %arg11[%parallel_loop3A_1664, %parallel_loop3A_1665, %parallel_loop3A_1666] {strides = array<i32>} : memref<5x128x32xf32, #tpu.memory_space<vmem>>, vector<16xf32>,
        tpu.vector_store %arg11[%parallel_loop3A_1664, %parallel_loop3A_1665, %parallel_loop3A_1666], %parallel_loop3A_1661 {strides = array<i32>} : memref<5x128x32xf32, #tpu.memory_space<vmem>>, vector<16xf32>,
        %parallel_loop3A_1668 = vector.extract_strided_slice %parallel_loop3A_1247 {offsets = [14], sizes = [1], strides = [1]} : vector<16xf32> to vector<1xf32>
        %parallel_loop3A_1669 = vector.extract %parallel_loop3A_1668[0] : f32 from vector<1xf32>
        %parallel_loop3A_1670 = arith.constant 14 : i32
        %parallel_loop3A_1671 = arith.addi %parallel_loop3A_1241, %parallel_loop3A_1670 : i32
        %parallel_loop3A_1672 = arith.index_cast %rem3A_1162 : i32 to index
        %parallel_loop3A_1673 = arith.index_cast %parallel_loop3A_1671 : i32 to index
        %parallel_loop3A_1674 = arith.constant 0 : index
        %parallel_loop3A_1675 = tpu.vector_load %arg11[%parallel_loop3A_1672, %parallel_loop3A_1673, %parallel_loop3A_1674] {strides = array<i32>} : memref<5x128x32xf32, #tpu.memory_space<vmem>>, vector<16xf32>,
        %parallel_loop3A_1676 = vector.broadcast %parallel_loop3A_1669 : f32 to vector<16xf32>
        %parallel_loop3A_1677 = arith.mulf %parallel_loop3A_1675, %parallel_loop3A_1676 : vector<16xf32>
        %parallel_loop3A_1678 = arith.constant 14 : i32
        %parallel_loop3A_1679 = arith.addi %parallel_loop3A_1241, %parallel_loop3A_1678 : i32
        %parallel_loop3A_1680 = arith.index_cast %rem3A_1162 : i32 to index
        %parallel_loop3A_1681 = arith.index_cast %parallel_loop3A_1679 : i32 to index
        %parallel_loop3A_1682 = arith.constant 0 : index
        %parallel_loop3A_1683 = tpu.vector_load %arg11[%parallel_loop3A_1680, %parallel_loop3A_1681, %parallel_loop3A_1682] {strides = array<i32>} : memref<5x128x32xf32, #tpu.memory_space<vmem>>, vector<16xf32>,
        tpu.vector_store %arg11[%parallel_loop3A_1680, %parallel_loop3A_1681, %parallel_loop3A_1682], %parallel_loop3A_1677 {strides = array<i32>} : memref<5x128x32xf32, #tpu.memory_space<vmem>>, vector<16xf32>,
        %parallel_loop3A_1684 = arith.constant 14 : i32
        %parallel_loop3A_1685 = arith.addi %parallel_loop3A_1241, %parallel_loop3A_1684 : i32
        %parallel_loop3A_1686 = arith.index_cast %rem3A_1162 : i32 to index
        %parallel_loop3A_1687 = arith.index_cast %parallel_loop3A_1685 : i32 to index
        %parallel_loop3A_1688 = arith.constant 16 : index
        %parallel_loop3A_1689 = tpu.vector_load %arg11[%parallel_loop3A_1686, %parallel_loop3A_1687, %parallel_loop3A_1688] {strides = array<i32>} : memref<5x128x32xf32, #tpu.memory_space<vmem>>, vector<16xf32>,
        %parallel_loop3A_1690 = vector.broadcast %parallel_loop3A_1669 : f32 to vector<16xf32>
        %parallel_loop3A_1691 = arith.mulf %parallel_loop3A_1689, %parallel_loop3A_1690 : vector<16xf32>
        %parallel_loop3A_1692 = arith.constant 14 : i32
        %parallel_loop3A_1693 = arith.addi %parallel_loop3A_1241, %parallel_loop3A_1692 : i32
        %parallel_loop3A_1694 = arith.index_cast %rem3A_1162 : i32 to index
        %parallel_loop3A_1695 = arith.index_cast %parallel_loop3A_1693 : i32 to index
        %parallel_loop3A_1696 = arith.constant 16 : index
        %parallel_loop3A_1697 = tpu.vector_load %arg11[%parallel_loop3A_1694, %parallel_loop3A_1695, %parallel_loop3A_1696] {strides = array<i32>} : memref<5x128x32xf32, #tpu.memory_space<vmem>>, vector<16xf32>,
        tpu.vector_store %arg11[%parallel_loop3A_1694, %parallel_loop3A_1695, %parallel_loop3A_1696], %parallel_loop3A_1691 {strides = array<i32>} : memref<5x128x32xf32, #tpu.memory_space<vmem>>, vector<16xf32>,
        %parallel_loop3A_1698 = vector.extract_strided_slice %parallel_loop3A_1247 {offsets = [15], sizes = [1], strides = [1]} : vector<16xf32> to vector<1xf32>
        %parallel_loop3A_1699 = vector.extract %parallel_loop3A_1698[0] : f32 from vector<1xf32>
        %parallel_loop3A_1700 = arith.constant 15 : i32
        %parallel_loop3A_1701 = arith.addi %parallel_loop3A_1241, %parallel_loop3A_1700 : i32
        %parallel_loop3A_1702 = arith.index_cast %rem3A_1162 : i32 to index
        %parallel_loop3A_1703 = arith.index_cast %parallel_loop3A_1701 : i32 to index
        %parallel_loop3A_1704 = arith.constant 0 : index
        %parallel_loop3A_1705 = tpu.vector_load %arg11[%parallel_loop3A_1702, %parallel_loop3A_1703, %parallel_loop3A_1704] {strides = array<i32>} : memref<5x128x32xf32, #tpu.memory_space<vmem>>, vector<16xf32>,
        %parallel_loop3A_1706 = vector.broadcast %parallel_loop3A_1699 : f32 to vector<16xf32>
        %parallel_loop3A_1707 = arith.mulf %parallel_loop3A_1705, %parallel_loop3A_1706 : vector<16xf32>
        %parallel_loop3A_1708 = arith.constant 15 : i32
        %parallel_loop3A_1709 = arith.addi %parallel_loop3A_1241, %parallel_loop3A_1708 : i32
        %parallel_loop3A_1710 = arith.index_cast %rem3A_1162 : i32 to index
        %parallel_loop3A_1711 = arith.index_cast %parallel_loop3A_1709 : i32 to index
        %parallel_loop3A_1712 = arith.constant 0 : index
        %parallel_loop3A_1713 = tpu.vector_load %arg11[%parallel_loop3A_1710, %parallel_loop3A_1711, %parallel_loop3A_1712] {strides = array<i32>} : memref<5x128x32xf32, #tpu.memory_space<vmem>>, vector<16xf32>,
        tpu.vector_store %arg11[%parallel_loop3A_1710, %parallel_loop3A_1711, %parallel_loop3A_1712], %parallel_loop3A_1707 {strides = array<i32>} : memref<5x128x32xf32, #tpu.memory_space<vmem>>, vector<16xf32>,
        %parallel_loop3A_1714 = arith.constant 15 : i32
        %parallel_loop3A_1715 = arith.addi %parallel_loop3A_1241, %parallel_loop3A_1714 : i32
        %parallel_loop3A_1716 = arith.index_cast %rem3A_1162 : i32 to index
        %parallel_loop3A_1717 = arith.index_cast %parallel_loop3A_1715 : i32 to index
        %parallel_loop3A_1718 = arith.constant 16 : index
        %parallel_loop3A_1719 = tpu.vector_load %arg11[%parallel_loop3A_1716, %parallel_loop3A_1717, %parallel_loop3A_1718] {strides = array<i32>} : memref<5x128x32xf32, #tpu.memory_space<vmem>>, vector<16xf32>,
        %parallel_loop3A_1720 = vector.broadcast %parallel_loop3A_1699 : f32 to vector<16xf32>
        %parallel_loop3A_1721 = arith.mulf %parallel_loop3A_1719, %parallel_loop3A_1720 : vector<16xf32>
        %parallel_loop3A_1722 = arith.constant 15 : i32
        %parallel_loop3A_1723 = arith.addi %parallel_loop3A_1241, %parallel_loop3A_1722 : i32
        %parallel_loop3A_1724 = arith.index_cast %rem3A_1162 : i32 to index
        %parallel_loop3A_1725 = arith.index_cast %parallel_loop3A_1723 : i32 to index
        %parallel_loop3A_1726 = arith.constant 16 : index
        %parallel_loop3A_1727 = tpu.vector_load %arg11[%parallel_loop3A_1724, %parallel_loop3A_1725, %parallel_loop3A_1726] {strides = array<i32>} : memref<5x128x32xf32, #tpu.memory_space<vmem>>, vector<16xf32>,
        tpu.vector_store %arg11[%parallel_loop3A_1724, %parallel_loop3A_1725, %parallel_loop3A_1726], %parallel_loop3A_1721 {strides = array<i32>} : memref<5x128x32xf32, #tpu.memory_space<vmem>>, vector<16xf32>,
      } {sc.loop_unroll_factor = 1 : i64, sc.parallel_access}
      %dma_wait3A_1218 = arith.constant 0 : i32
      %dma_wait3A_1219 = arith.constant 0 : i32
      %dma_wait3A_1220 = tpu.memref_slice %arg10[%dma_wait3A_1218, %dma_wait3A_1219] : memref<8x128xi32, #tpu.memory_space<vmem>> -> memref<1x128xi32, #tpu.memory_space<vmem>>
      %dma_wait3A_1221 = tpu.memref_squeeze %dma_wait3A_1220 : memref<1x128xi32, #tpu.memory_space<vmem>> -> memref<128xi32, #tpu.memory_space<vmem>>
      %dma_wait3A_1222 = arith.constant 0 : i32
      %dma_wait3A_1223 = tpu.memref_slice %arg4[%dma_wait3A_1222] : memref<800000xi32, #tpu.memory_space<hbm>> -> memref<128xi32, #tpu.memory_space<hbm>>
      %dma_wait3A_1224 = arith.constant 0 : i32
      %dma_wait3A_1225 = tpu.memref_slice %arg10[%dma_wait3A_1218, %dma_wait3A_1224] : memref<8x128xi32, #tpu.memory_space<vmem>> -> memref<1x128xi32, #tpu.memory_space<vmem>>
      %dma_wait3A_1226 = tpu.memref_squeeze %dma_wait3A_1225 : memref<1x128xi32, #tpu.memory_space<vmem>> -> memref<128xi32, #tpu.memory_space<vmem>>
      %dma_wait3A_1227 = arith.constant 0 : i32
      %dma_wait3A_1228 = tpu.memref_slice %arg4[%dma_wait3A_1227] : memref<800000xi32, #tpu.memory_space<hbm>> -> memref<128xi32, #tpu.memory_space<hbm>>
      tpu.wait_dma2 semaphore(%arg15 : memref<!tpu.dma_semaphore, #tpu.memory_space<semaphore_mem>>) src(%dma_wait3A_1228 : memref<128xi32, #tpu.memory_space<hbm>>) dst(%dma_wait3A_1226 : memref<128xi32, #tpu.memory_space<vmem>>)
      %and3A_1229 = arith.constant 7 : i32
      %and3A_1230 = arith.andi %while3A_1156, %and3A_1229 : i32
      %dma_start3A_1231 = arith.constant 0 : i32
      %dma_start3A_1232 = arith.constant 0 : i32
      %dma_start3A_1233 = tpu.memref_slice %arg11[%rem3A_1162, %dma_start3A_1231, %dma_start3A_1232] : memref<5x128x32xf32, #tpu.memory_space<vmem>> -> memref<1x128x32xf32, #tpu.memory_space<vmem>>
      %dma_start3A_1234 = tpu.memref_squeeze %dma_start3A_1233 : memref<1x128x32xf32, #tpu.memory_space<vmem>> -> memref<128x32xf32, #tpu.memory_space<vmem>>
      %dma_start3A_1235 = arith.constant 0 : i32
      %dma_start3A_1236 = tpu.memref_slice %arg10[%and3A_1230, %dma_start3A_1235] : memref<8x128xi32, #tpu.memory_space<vmem>> -> memref<1x128xi32, #tpu.memory_space<vmem>>
      %dma_start3A_1237 = tpu.memref_squeeze %dma_start3A_1236 : memref<1x128xi32, #tpu.memory_space<vmem>> -> memref<128xi32, #tpu.memory_space<vmem>>
      %dma_start3A_1238 = arith.constant 0 : i32
      %dma_start3A_1239 = arith.constant 0 : i32
      %dma_start3A_1240 = tpu.memref_slice %arg7[%dma_start3A_1238, %dma_start3A_1239] : memref<50000x32xf32, #tpu.memory_space<vmem_shared>> -> memref<50000x32xf32, #tpu.memory_space<vmem_shared>>
      tpu.enqueue_indirect_dma source(%dma_start3A_1234 : memref<128x32xf32, #tpu.memory_space<vmem>>) target(%dma_start3A_1240 : memref<50000x32xf32, #tpu.memory_space<vmem_shared>>) offsets(%dma_start3A_1237 : memref<128xi32, #tpu.memory_space<vmem>>) semaphore(%arg16 : memref<!tpu.dma_semaphore, #tpu.memory_space<semaphore_mem>>) {add = true}
    }
    %while3A_1077 = arith.constant 1 : i32
    scf.for %while3A_1156 = %while3A_1075 to %while3A_1071 step %while3A_1077  : i32 {
      %and3A = arith.constant 7 : i32
      %and3A_1157 = arith.andi %while3A_1156, %and3A : i32
      %shift_right_arithmetic3A = arith.constant 3 : i32
      %shift_right_arithmetic3A_1158 = arith.shrsi %while3A_1156, %shift_right_arithmetic3A : i32
      %and3A_1159 = arith.constant 1 : i32
      %and3A_1160 = arith.andi %shift_right_arithmetic3A_1158, %and3A_1159 : i32
      %rem3A_1161 = arith.constant 5 : i32
      %rem3A_1162 = arith.remsi %while3A_1156, %rem3A_1161 : i32
      %eq3A = arith.constant 5 : i32
      %eq3A_1163 = arith.cmpi eq, %and3A_1157, %eq3A : i32
      %add3A_1164 = arith.constant 1 : i32
      %add3A_1165 = arith.addi %shift_right_arithmetic3A_1158, %add3A_1164 : i32
      %lt3A_1166 = arith.constant 49 : i32
      %lt3A_1167 = arith.cmpi slt, %add3A_1165, %lt3A_1166 : i32
      %and3A_1168 = arith.andi %eq3A_1163, %lt3A_1167 : i1
      %convert_element_type3A_1169 = arith.extui %and3A_1168 : i1 to i32
      %cond3A_1170 = arith.constant 0 : i32
      %cond3A_1171 = arith.cmpi ne, %convert_element_type3A_1169, %cond3A_1170 : i32
      scf.if %cond3A_1171 {
        %eq3A_1241 = arith.constant 15 : i32
        %eq3A_1242 = arith.cmpi eq, %arg1, %eq3A_1241 : i32
        %add3A_1243 = arith.constant 1 : i32
        %add3A_1244 = arith.addi %shift_right_arithmetic3A_1158, %add3A_1243 : i32
        %eq3A_1245 = arith.constant 48 : i32
        %eq3A_1246 = arith.cmpi eq, %add3A_1244, %eq3A_1245 : i32
        %and3A_1247 = arith.andi %eq3A_1242, %eq3A_1246 : i1
        %not3A_1248 = arith.constant true
        %not3A_1249 = arith.xori %and3A_1247, %not3A_1248 : i1
        %convert_element_type3A_1250 = arith.extui %not3A_1249 : i1 to i32
        %cond3A_1251 = arith.constant 0 : i32
        %cond3A_1252 = arith.cmpi ne, %convert_element_type3A_1250, %cond3A_1251 : i32
        scf.if %cond3A_1252 {
          %dma_wait3A_1256 = arith.constant 0 : i32
          %dma_wait3A_1257 = arith.constant 0 : i32
          %dma_wait3A_1258 = tpu.memref_slice %arg8[%dma_wait3A_1256, %dma_wait3A_1257] : memref<2x1024xi32, #tpu.memory_space<vmem>> -> memref<1x1024xi32, #tpu.memory_space<vmem>>
          %dma_wait3A_1259 = tpu.memref_squeeze %dma_wait3A_1258 : memref<1x1024xi32, #tpu.memory_space<vmem>> -> memref<1024xi32, #tpu.memory_space<vmem>>
          %dma_wait3A_1260 = arith.constant 0 : i32
          %dma_wait3A_1261 = tpu.memref_slice %arg3[%dma_wait3A_1260] : memref<800000xi32, #tpu.memory_space<hbm>> -> memref<1024xi32, #tpu.memory_space<hbm>>
          %dma_wait3A_1262 = arith.constant 0 : i32
          %dma_wait3A_1263 = tpu.memref_slice %arg8[%dma_wait3A_1256, %dma_wait3A_1262] : memref<2x1024xi32, #tpu.memory_space<vmem>> -> memref<1x1024xi32, #tpu.memory_space<vmem>>
          %dma_wait3A_1264 = tpu.memref_squeeze %dma_wait3A_1263 : memref<1x1024xi32, #tpu.memory_space<vmem>> -> memref<1024xi32, #tpu.memory_space<vmem>>
          %dma_wait3A_1265 = arith.constant 0 : i32
          %dma_wait3A_1266 = tpu.memref_slice %arg3[%dma_wait3A_1265] : memref<800000xi32, #tpu.memory_space<hbm>> -> memref<1024xi32, #tpu.memory_space<hbm>>
          tpu.wait_dma2 semaphore(%arg12 : memref<!tpu.dma_semaphore, #tpu.memory_space<semaphore_mem>>) src(%dma_wait3A_1266 : memref<1024xi32, #tpu.memory_space<hbm>>) dst(%dma_wait3A_1264 : memref<1024xi32, #tpu.memory_space<vmem>>)
          %dma_wait3A_1267 = arith.constant 0 : i32
          %dma_wait3A_1268 = arith.constant 0 : i32
          %dma_wait3A_1269 = tpu.memref_slice %arg8[%dma_wait3A_1267, %dma_wait3A_1268] : memref<2x1024xi32, #tpu.memory_space<vmem>> -> memref<1x1024xi32, #tpu.memory_space<vmem>>
          %dma_wait3A_1270 = tpu.memref_squeeze %dma_wait3A_1269 : memref<1x1024xi32, #tpu.memory_space<vmem>> -> memref<1024xi32, #tpu.memory_space<vmem>>
          %dma_wait3A_1271 = arith.constant 0 : i32
          %dma_wait3A_1272 = tpu.memref_slice %arg3[%dma_wait3A_1271] : memref<800000xi32, #tpu.memory_space<hbm>> -> memref<1024xi32, #tpu.memory_space<hbm>>
          %dma_wait3A_1273 = arith.constant 0 : i32
          %dma_wait3A_1274 = tpu.memref_slice %arg8[%dma_wait3A_1267, %dma_wait3A_1273] : memref<2x1024xi32, #tpu.memory_space<vmem>> -> memref<1x1024xi32, #tpu.memory_space<vmem>>
          %dma_wait3A_1275 = tpu.memref_squeeze %dma_wait3A_1274 : memref<1x1024xi32, #tpu.memory_space<vmem>> -> memref<1024xi32, #tpu.memory_space<vmem>>
          %dma_wait3A_1276 = arith.constant 0 : i32
          %dma_wait3A_1277 = tpu.memref_slice %arg3[%dma_wait3A_1276] : memref<800000xi32, #tpu.memory_space<hbm>> -> memref<1024xi32, #tpu.memory_space<hbm>>
          tpu.wait_dma2 semaphore(%arg12 : memref<!tpu.dma_semaphore, #tpu.memory_space<semaphore_mem>>) src(%dma_wait3A_1277 : memref<1024xi32, #tpu.memory_space<hbm>>) dst(%dma_wait3A_1275 : memref<1024xi32, #tpu.memory_space<vmem>>)
        } else {
        }
        %convert_element_type3A_1253 = arith.extui %and3A_1247 : i1 to i32
        %cond3A_1254 = arith.constant 0 : i32
        %cond3A_1255 = arith.cmpi ne, %convert_element_type3A_1253, %cond3A_1254 : i32
        scf.if %cond3A_1255 {
          %dma_wait3A_1256 = arith.constant 0 : i32
          %dma_wait3A_1257 = arith.constant 0 : i32
          %dma_wait3A_1258 = tpu.memref_slice %arg8[%dma_wait3A_1256, %dma_wait3A_1257] : memref<2x1024xi32, #tpu.memory_space<vmem>> -> memref<1x768xi32, #tpu.memory_space<vmem>>
          %dma_wait3A_1259 = tpu.memref_squeeze %dma_wait3A_1258 : memref<1x768xi32, #tpu.memory_space<vmem>> -> memref<768xi32, #tpu.memory_space<vmem>>
          %dma_wait3A_1260 = arith.constant 0 : i32
          %dma_wait3A_1261 = tpu.memref_slice %arg3[%dma_wait3A_1260] : memref<800000xi32, #tpu.memory_space<hbm>> -> memref<768xi32, #tpu.memory_space<hbm>>
          %dma_wait3A_1262 = arith.constant 0 : i32
          %dma_wait3A_1263 = tpu.memref_slice %arg8[%dma_wait3A_1256, %dma_wait3A_1262] : memref<2x1024xi32, #tpu.memory_space<vmem>> -> memref<1x768xi32, #tpu.memory_space<vmem>>
          %dma_wait3A_1264 = tpu.memref_squeeze %dma_wait3A_1263 : memref<1x768xi32, #tpu.memory_space<vmem>> -> memref<768xi32, #tpu.memory_space<vmem>>
          %dma_wait3A_1265 = arith.constant 0 : i32
          %dma_wait3A_1266 = tpu.memref_slice %arg3[%dma_wait3A_1265] : memref<800000xi32, #tpu.memory_space<hbm>> -> memref<768xi32, #tpu.memory_space<hbm>>
          tpu.wait_dma2 semaphore(%arg12 : memref<!tpu.dma_semaphore, #tpu.memory_space<semaphore_mem>>) src(%dma_wait3A_1266 : memref<768xi32, #tpu.memory_space<hbm>>) dst(%dma_wait3A_1264 : memref<768xi32, #tpu.memory_space<vmem>>)
          %dma_wait3A_1267 = arith.constant 0 : i32
          %dma_wait3A_1268 = arith.constant 0 : i32
          %dma_wait3A_1269 = tpu.memref_slice %arg8[%dma_wait3A_1267, %dma_wait3A_1268] : memref<2x1024xi32, #tpu.memory_space<vmem>> -> memref<1x768xi32, #tpu.memory_space<vmem>>
          %dma_wait3A_1270 = tpu.memref_squeeze %dma_wait3A_1269 : memref<1x768xi32, #tpu.memory_space<vmem>> -> memref<768xi32, #tpu.memory_space<vmem>>
          %dma_wait3A_1271 = arith.constant 0 : i32
          %dma_wait3A_1272 = tpu.memref_slice %arg3[%dma_wait3A_1271] : memref<800000xi32, #tpu.memory_space<hbm>> -> memref<768xi32, #tpu.memory_space<hbm>>
          %dma_wait3A_1273 = arith.constant 0 : i32
          %dma_wait3A_1274 = tpu.memref_slice %arg8[%dma_wait3A_1267, %dma_wait3A_1273] : memref<2x1024xi32, #tpu.memory_space<vmem>> -> memref<1x768xi32, #tpu.memory_space<vmem>>
          %dma_wait3A_1275 = tpu.memref_squeeze %dma_wait3A_1274 : memref<1x768xi32, #tpu.memory_space<vmem>> -> memref<768xi32, #tpu.memory_space<vmem>>
          %dma_wait3A_1276 = arith.constant 0 : i32
          %dma_wait3A_1277 = tpu.memref_slice %arg3[%dma_wait3A_1276] : memref<800000xi32, #tpu.memory_space<hbm>> -> memref<768xi32, #tpu.memory_space<hbm>>
          tpu.wait_dma2 semaphore(%arg12 : memref<!tpu.dma_semaphore, #tpu.memory_space<semaphore_mem>>) src(%dma_wait3A_1277 : memref<768xi32, #tpu.memory_space<hbm>>) dst(%dma_wait3A_1275 : memref<768xi32, #tpu.memory_space<vmem>>)
        } else {
        }
      } else {
      }
      %ge3A = arith.constant 2 : i32
      %ge3A_1172 = arith.cmpi sge, %while3A_1156, %ge3A : i32
      %add3A_1173 = arith.constant 3 : i32
      %add3A_1174 = arith.addi %while3A_1156, %add3A_1173 : i32
      %lt3A_1175 = arith.cmpi slt, %add3A_1174, %select_n3A : i32
      %and3A_1176 = arith.andi %ge3A_1172, %lt3A_1175 : i1
      %convert_element_type3A_1177 = arith.extui %and3A_1176 : i1 to i32
      %cond3A_1178 = arith.constant 0 : i32
      %cond3A_1179 = arith.cmpi ne, %convert_element_type3A_1177, %cond3A_1178 : i32
      scf.if %cond3A_1179 {
        %dma_wait3A_1241 = arith.constant 0 : i32
        %dma_wait3A_1242 = arith.constant 0 : i32
        %dma_wait3A_1243 = arith.constant 0 : i32
        %dma_wait3A_1244 = tpu.memref_slice %arg11[%dma_wait3A_1241, %dma_wait3A_1242, %dma_wait3A_1243] : memref<5x128x32xf32, #tpu.memory_space<vmem>> -> memref<1x128x32xf32, #tpu.memory_space<vmem>>
        %dma_wait3A_1245 = tpu.memref_squeeze %dma_wait3A_1244 : memref<1x128x32xf32, #tpu.memory_space<vmem>> -> memref<128x32xf32, #tpu.memory_space<vmem>>
        %dma_wait3A_1246 = arith.constant 0 : i32
        %dma_wait3A_1247 = arith.constant 0 : i32
        %dma_wait3A_1248 = tpu.memref_slice %arg2[%dma_wait3A_1246, %dma_wait3A_1247] : memref<100000x32xf32, #tpu.memory_space<hbm>> -> memref<128x32xf32, #tpu.memory_space<hbm>>
        %dma_wait3A_1249 = arith.constant 0 : i32
        %dma_wait3A_1250 = arith.constant 0 : i32
        %dma_wait3A_1251 = tpu.memref_slice %arg11[%dma_wait3A_1241, %dma_wait3A_1249, %dma_wait3A_1250] : memref<5x128x32xf32, #tpu.memory_space<vmem>> -> memref<1x128x32xf32, #tpu.memory_space<vmem>>
        %dma_wait3A_1252 = tpu.memref_squeeze %dma_wait3A_1251 : memref<1x128x32xf32, #tpu.memory_space<vmem>> -> memref<128x32xf32, #tpu.memory_space<vmem>>
        %dma_wait3A_1253 = arith.constant 0 : i32
        %dma_wait3A_1254 = arith.constant 0 : i32
        %dma_wait3A_1255 = tpu.memref_slice %arg2[%dma_wait3A_1253, %dma_wait3A_1254] : memref<100000x32xf32, #tpu.memory_space<hbm>> -> memref<128x32xf32, #tpu.memory_space<hbm>>
        tpu.wait_dma2 semaphore(%arg16 : memref<!tpu.dma_semaphore, #tpu.memory_space<semaphore_mem>>) src(%dma_wait3A_1255 : memref<128x32xf32, #tpu.memory_space<hbm>>) dst(%dma_wait3A_1252 : memref<128x32xf32, #tpu.memory_space<vmem>>)
        %add3A_1256 = arith.constant 3 : i32
        %add3A_1257 = arith.addi %while3A_1156, %add3A_1256 : i32
        %and3A_1258 = arith.constant 7 : i32
        %and3A_1259 = arith.andi %add3A_1257, %and3A_1258 : i32
        %shift_right_arithmetic3A_1260 = arith.constant 3 : i32
        %shift_right_arithmetic3A_1261 = arith.shrsi %add3A_1257, %shift_right_arithmetic3A_1260 : i32
        %and3A_1262 = arith.constant 1 : i32
        %and3A_1263 = arith.andi %shift_right_arithmetic3A_1261, %and3A_1262 : i32
        %rem3A_1264 = arith.constant 5 : i32
        %rem3A_1265 = arith.remsi %add3A_1257, %rem3A_1264 : i32
        %mul3A_1266 = arith.constant 128 : i32
        %mul3A_1267 = arith.muli %and3A_1259, %mul3A_1266 : i32
        %add3A_1268 = arith.constant 0 : i32
        %add3A_1269 = arith.addi %mul3A_1267, %add3A_1268 : i32
        %get3A_1270 = arith.index_cast %and3A_1263 : i32 to index
        %get3A_1271 = arith.index_cast %add3A_1269 : i32 to index
        %get3A_1272 = tpu.vector_load %arg8[%get3A_1270, %get3A_1271] {strides = array<i32>} : memref<2x1024xi32, #tpu.memory_space<vmem>>, vector<16xi32>,
        %add3A_1273 = vector.broadcast %arg0 : i32 to vector<16xi32>
        %add3A_1274 = arith.addi %get3A_1272, %add3A_1273 : vector<16xi32>
        %add3A_1275 = arith.addi %get3A_1272, %add3A_1274 : vector<16xi32>
        %mul3A_1276 = arith.constant 128 : i32
        %mul3A_1277 = arith.muli %and3A_1259, %mul3A_1276 : i32
        %add3A_1278 = arith.constant 0 : i32
        %add3A_1279 = arith.addi %mul3A_1277, %add3A_1278 : i32
        %swap3A_1280 = arith.index_cast %and3A_1263 : i32 to index
        %swap3A_1281 = arith.index_cast %add3A_1279 : i32 to index
        %swap3A_1282 = tpu.vector_load %arg8[%swap3A_1280, %swap3A_1281] {strides = array<i32>} : memref<2x1024xi32, #tpu.memory_space<vmem>>, vector<16xi32>,
        tpu.vector_store %arg8[%swap3A_1280, %swap3A_1281], %add3A_1275 {strides = array<i32>} : memref<2x1024xi32, #tpu.memory_space<vmem>>, vector<16xi32>,
        %mul3A_1283 = arith.constant 128 : i32
        %mul3A_1284 = arith.muli %and3A_1259, %mul3A_1283 : i32
        %add3A_1285 = arith.constant 16 : i32
        %add3A_1286 = arith.addi %mul3A_1284, %add3A_1285 : i32
        %get3A_1287 = arith.index_cast %and3A_1263 : i32 to index
        %get3A_1288 = arith.index_cast %add3A_1286 : i32 to index
        %get3A_1289 = tpu.vector_load %arg8[%get3A_1287, %get3A_1288] {strides = array<i32>} : memref<2x1024xi32, #tpu.memory_space<vmem>>, vector<16xi32>,
        %add3A_1290 = vector.broadcast %arg0 : i32 to vector<16xi32>
        %add3A_1291 = arith.addi %get3A_1289, %add3A_1290 : vector<16xi32>
        %add3A_1292 = arith.addi %get3A_1289, %add3A_1291 : vector<16xi32>
        %mul3A_1293 = arith.constant 128 : i32
        %mul3A_1294 = arith.muli %and3A_1259, %mul3A_1293 : i32
        %add3A_1295 = arith.constant 16 : i32
        %add3A_1296 = arith.addi %mul3A_1294, %add3A_1295 : i32
        %swap3A_1297 = arith.index_cast %and3A_1263 : i32 to index
        %swap3A_1298 = arith.index_cast %add3A_1296 : i32 to index
        %swap3A_1299 = tpu.vector_load %arg8[%swap3A_1297, %swap3A_1298] {strides = array<i32>} : memref<2x1024xi32, #tpu.memory_space<vmem>>, vector<16xi32>,
        tpu.vector_store %arg8[%swap3A_1297, %swap3A_1298], %add3A_1292 {strides = array<i32>} : memref<2x1024xi32, #tpu.memory_space<vmem>>, vector<16xi32>,
        %mul3A_1300 = arith.constant 128 : i32
        %mul3A_1301 = arith.muli %and3A_1259, %mul3A_1300 : i32
        %add3A_1302 = arith.constant 32 : i32
        %add3A_1303 = arith.addi %mul3A_1301, %add3A_1302 : i32
        %get3A_1304 = arith.index_cast %and3A_1263 : i32 to index
        %get3A_1305 = arith.index_cast %add3A_1303 : i32 to index
        %get3A_1306 = tpu.vector_load %arg8[%get3A_1304, %get3A_1305] {strides = array<i32>} : memref<2x1024xi32, #tpu.memory_space<vmem>>, vector<16xi32>,
        %add3A_1307 = vector.broadcast %arg0 : i32 to vector<16xi32>
        %add3A_1308 = arith.addi %get3A_1306, %add3A_1307 : vector<16xi32>
        %add3A_1309 = arith.addi %get3A_1306, %add3A_1308 : vector<16xi32>
        %mul3A_1310 = arith.constant 128 : i32
        %mul3A_1311 = arith.muli %and3A_1259, %mul3A_1310 : i32
        %add3A_1312 = arith.constant 32 : i32
        %add3A_1313 = arith.addi %mul3A_1311, %add3A_1312 : i32
        %swap3A_1314 = arith.index_cast %and3A_1263 : i32 to index
        %swap3A_1315 = arith.index_cast %add3A_1313 : i32 to index
        %swap3A_1316 = tpu.vector_load %arg8[%swap3A_1314, %swap3A_1315] {strides = array<i32>} : memref<2x1024xi32, #tpu.memory_space<vmem>>, vector<16xi32>,
        tpu.vector_store %arg8[%swap3A_1314, %swap3A_1315], %add3A_1309 {strides = array<i32>} : memref<2x1024xi32, #tpu.memory_space<vmem>>, vector<16xi32>,
        %mul3A_1317 = arith.constant 128 : i32
        %mul3A_1318 = arith.muli %and3A_1259, %mul3A_1317 : i32
        %add3A_1319 = arith.constant 48 : i32
        %add3A_1320 = arith.addi %mul3A_1318, %add3A_1319 : i32
        %get3A_1321 = arith.index_cast %and3A_1263 : i32 to index
        %get3A_1322 = arith.index_cast %add3A_1320 : i32 to index
        %get3A_1323 = tpu.vector_load %arg8[%get3A_1321, %get3A_1322] {strides = array<i32>} : memref<2x1024xi32, #tpu.memory_space<vmem>>, vector<16xi32>,
        %add3A_1324 = vector.broadcast %arg0 : i32 to vector<16xi32>
        %add3A_1325 = arith.addi %get3A_1323, %add3A_1324 : vector<16xi32>
        %add3A_1326 = arith.addi %get3A_1323, %add3A_1325 : vector<16xi32>
        %mul3A_1327 = arith.constant 128 : i32
        %mul3A_1328 = arith.muli %and3A_1259, %mul3A_1327 : i32
        %add3A_1329 = arith.constant 48 : i32
        %add3A_1330 = arith.addi %mul3A_1328, %add3A_1329 : i32
        %swap3A_1331 = arith.index_cast %and3A_1263 : i32 to index
        %swap3A_1332 = arith.index_cast %add3A_1330 : i32 to index
        %swap3A_1333 = tpu.vector_load %arg8[%swap3A_1331, %swap3A_1332] {strides = array<i32>} : memref<2x1024xi32, #tpu.memory_space<vmem>>, vector<16xi32>,
        tpu.vector_store %arg8[%swap3A_1331, %swap3A_1332], %add3A_1326 {strides = array<i32>} : memref<2x1024xi32, #tpu.memory_space<vmem>>, vector<16xi32>,
        %mul3A_1334 = arith.constant 128 : i32
        %mul3A_1335 = arith.muli %and3A_1259, %mul3A_1334 : i32
        %add3A_1336 = arith.constant 64 : i32
        %add3A_1337 = arith.addi %mul3A_1335, %add3A_1336 : i32
        %get3A_1338 = arith.index_cast %and3A_1263 : i32 to index
        %get3A_1339 = arith.index_cast %add3A_1337 : i32 to index
        %get3A_1340 = tpu.vector_load %arg8[%get3A_1338, %get3A_1339] {strides = array<i32>} : memref<2x1024xi32, #tpu.memory_space<vmem>>, vector<16xi32>,
        %add3A_1341 = vector.broadcast %arg0 : i32 to vector<16xi32>
        %add3A_1342 = arith.addi %get3A_1340, %add3A_1341 : vector<16xi32>
        %add3A_1343 = arith.addi %get3A_1340, %add3A_1342 : vector<16xi32>
        %mul3A_1344 = arith.constant 128 : i32
        %mul3A_1345 = arith.muli %and3A_1259, %mul3A_1344 : i32
        %add3A_1346 = arith.constant 64 : i32
        %add3A_1347 = arith.addi %mul3A_1345, %add3A_1346 : i32
        %swap3A_1348 = arith.index_cast %and3A_1263 : i32 to index
        %swap3A_1349 = arith.index_cast %add3A_1347 : i32 to index
        %swap3A_1350 = tpu.vector_load %arg8[%swap3A_1348, %swap3A_1349] {strides = array<i32>} : memref<2x1024xi32, #tpu.memory_space<vmem>>, vector<16xi32>,
        tpu.vector_store %arg8[%swap3A_1348, %swap3A_1349], %add3A_1343 {strides = array<i32>} : memref<2x1024xi32, #tpu.memory_space<vmem>>, vector<16xi32>,
        %mul3A_1351 = arith.constant 128 : i32
        %mul3A_1352 = arith.muli %and3A_1259, %mul3A_1351 : i32
        %add3A_1353 = arith.constant 80 : i32
        %add3A_1354 = arith.addi %mul3A_1352, %add3A_1353 : i32
        %get3A_1355 = arith.index_cast %and3A_1263 : i32 to index
        %get3A_1356 = arith.index_cast %add3A_1354 : i32 to index
        %get3A_1357 = tpu.vector_load %arg8[%get3A_1355, %get3A_1356] {strides = array<i32>} : memref<2x1024xi32, #tpu.memory_space<vmem>>, vector<16xi32>,
        %add3A_1358 = vector.broadcast %arg0 : i32 to vector<16xi32>
        %add3A_1359 = arith.addi %get3A_1357, %add3A_1358 : vector<16xi32>
        %add3A_1360 = arith.addi %get3A_1357, %add3A_1359 : vector<16xi32>
        %mul3A_1361 = arith.constant 128 : i32
        %mul3A_1362 = arith.muli %and3A_1259, %mul3A_1361 : i32
        %add3A_1363 = arith.constant 80 : i32
        %add3A_1364 = arith.addi %mul3A_1362, %add3A_1363 : i32
        %swap3A_1365 = arith.index_cast %and3A_1263 : i32 to index
        %swap3A_1366 = arith.index_cast %add3A_1364 : i32 to index
        %swap3A_1367 = tpu.vector_load %arg8[%swap3A_1365, %swap3A_1366] {strides = array<i32>} : memref<2x1024xi32, #tpu.memory_space<vmem>>, vector<16xi32>,
        tpu.vector_store %arg8[%swap3A_1365, %swap3A_1366], %add3A_1360 {strides = array<i32>} : memref<2x1024xi32, #tpu.memory_space<vmem>>, vector<16xi32>,
        %mul3A_1368 = arith.constant 128 : i32
        %mul3A_1369 = arith.muli %and3A_1259, %mul3A_1368 : i32
        %add3A_1370 = arith.constant 96 : i32
        %add3A_1371 = arith.addi %mul3A_1369, %add3A_1370 : i32
        %get3A_1372 = arith.index_cast %and3A_1263 : i32 to index
        %get3A_1373 = arith.index_cast %add3A_1371 : i32 to index
        %get3A_1374 = tpu.vector_load %arg8[%get3A_1372, %get3A_1373] {strides = array<i32>} : memref<2x1024xi32, #tpu.memory_space<vmem>>, vector<16xi32>,
        %add3A_1375 = vector.broadcast %arg0 : i32 to vector<16xi32>
        %add3A_1376 = arith.addi %get3A_1374, %add3A_1375 : vector<16xi32>
        %add3A_1377 = arith.addi %get3A_1374, %add3A_1376 : vector<16xi32>
        %mul3A_1378 = arith.constant 128 : i32
        %mul3A_1379 = arith.muli %and3A_1259, %mul3A_1378 : i32
        %add3A_1380 = arith.constant 96 : i32
        %add3A_1381 = arith.addi %mul3A_1379, %add3A_1380 : i32
        %swap3A_1382 = arith.index_cast %and3A_1263 : i32 to index
        %swap3A_1383 = arith.index_cast %add3A_1381 : i32 to index
        %swap3A_1384 = tpu.vector_load %arg8[%swap3A_1382, %swap3A_1383] {strides = array<i32>} : memref<2x1024xi32, #tpu.memory_space<vmem>>, vector<16xi32>,
        tpu.vector_store %arg8[%swap3A_1382, %swap3A_1383], %add3A_1377 {strides = array<i32>} : memref<2x1024xi32, #tpu.memory_space<vmem>>, vector<16xi32>,
        %mul3A_1385 = arith.constant 128 : i32
        %mul3A_1386 = arith.muli %and3A_1259, %mul3A_1385 : i32
        %add3A_1387 = arith.constant 112 : i32
        %add3A_1388 = arith.addi %mul3A_1386, %add3A_1387 : i32
        %get3A_1389 = arith.index_cast %and3A_1263 : i32 to index
        %get3A_1390 = arith.index_cast %add3A_1388 : i32 to index
        %get3A_1391 = tpu.vector_load %arg8[%get3A_1389, %get3A_1390] {strides = array<i32>} : memref<2x1024xi32, #tpu.memory_space<vmem>>, vector<16xi32>,
        %add3A_1392 = vector.broadcast %arg0 : i32 to vector<16xi32>
        %add3A_1393 = arith.addi %get3A_1391, %add3A_1392 : vector<16xi32>
        %add3A_1394 = arith.addi %get3A_1391, %add3A_1393 : vector<16xi32>
        %mul3A_1395 = arith.constant 128 : i32
        %mul3A_1396 = arith.muli %and3A_1259, %mul3A_1395 : i32
        %add3A_1397 = arith.constant 112 : i32
        %add3A_1398 = arith.addi %mul3A_1396, %add3A_1397 : i32
        %swap3A_1399 = arith.index_cast %and3A_1263 : i32 to index
        %swap3A_1400 = arith.index_cast %add3A_1398 : i32 to index
        %swap3A_1401 = tpu.vector_load %arg8[%swap3A_1399, %swap3A_1400] {strides = array<i32>} : memref<2x1024xi32, #tpu.memory_space<vmem>>, vector<16xi32>,
        tpu.vector_store %arg8[%swap3A_1399, %swap3A_1400], %add3A_1394 {strides = array<i32>} : memref<2x1024xi32, #tpu.memory_space<vmem>>, vector<16xi32>,
        %and3A_1402 = arith.constant 1 : i32
        %and3A_1403 = arith.andi %add3A_1257, %and3A_1402 : i32
        %eq3A_1404 = arith.constant 0 : i32
        %eq3A_1405 = arith.cmpi eq, %and3A_1403, %eq3A_1404 : i32
        %convert_element_type3A_1406 = arith.extui %eq3A_1405 : i1 to i32
        %cond3A_1407 = arith.constant 0 : i32
        %cond3A_1408 = arith.cmpi ne, %convert_element_type3A_1406, %cond3A_1407 : i32
        scf.if %cond3A_1408 {
          %mul3A_1429 = arith.constant 128 : i32
          %mul3A_1430 = arith.muli %and3A_1259, %mul3A_1429 : i32
          %dma_start3A_1431 = arith.constant 0 : i32
          %dma_start3A_1432 = arith.constant 0 : i32
          %dma_start3A_1433 = tpu.memref_slice %arg11[%rem3A_1265, %dma_start3A_1431, %dma_start3A_1432] : memref<5x128x32xf32, #tpu.memory_space<vmem>> -> memref<1x128x32xf32, #tpu.memory_space<vmem>>
          %dma_start3A_1434 = tpu.memref_squeeze %dma_start3A_1433 : memref<1x128x32xf32, #tpu.memory_space<vmem>> -> memref<128x32xf32, #tpu.memory_space<vmem>>
          %dma_start3A_1435 = tpu.memref_slice %arg8[%and3A_1263, %mul3A_1430] : memref<2x1024xi32, #tpu.memory_space<vmem>> -> memref<1x128xi32, #tpu.memory_space<vmem>>
          %dma_start3A_1436 = tpu.memref_squeeze %dma_start3A_1435 : memref<1x128xi32, #tpu.memory_space<vmem>> -> memref<128xi32, #tpu.memory_space<vmem>>
          %dma_start3A_1437 = arith.constant 0 : i32
          %dma_start3A_1438 = arith.constant 0 : i32
          %dma_start3A_1439 = tpu.memref_slice %arg2[%dma_start3A_1437, %dma_start3A_1438] : memref<100000x32xf32, #tpu.memory_space<hbm>> -> memref<100000x32xf32, #tpu.memory_space<hbm>>
          tpu.enqueue_indirect_dma source(%dma_start3A_1439 : memref<100000x32xf32, #tpu.memory_space<hbm>>) target(%dma_start3A_1434 : memref<128x32xf32, #tpu.memory_space<vmem>>) offsets(%dma_start3A_1436 : memref<128xi32, #tpu.memory_space<vmem>>) semaphore(%arg13 : memref<!tpu.dma_semaphore, #tpu.memory_space<semaphore_mem>>)
        } else {
        }
        %and3A_1409 = arith.constant 1 : i32
        %and3A_1410 = arith.andi %add3A_1257, %and3A_1409 : i32
        %eq3A_1411 = arith.constant 1 : i32
        %eq3A_1412 = arith.cmpi eq, %and3A_1410, %eq3A_1411 : i32
        %convert_element_type3A_1413 = arith.extui %eq3A_1412 : i1 to i32
        %cond3A_1414 = arith.constant 0 : i32
        %cond3A_1415 = arith.cmpi ne, %convert_element_type3A_1413, %cond3A_1414 : i32
        scf.if %cond3A_1415 {
          %mul3A_1429 = arith.constant 128 : i32
          %mul3A_1430 = arith.muli %and3A_1259, %mul3A_1429 : i32
          %dma_start3A_1431 = arith.constant 0 : i32
          %dma_start3A_1432 = arith.constant 0 : i32
          %dma_start3A_1433 = tpu.memref_slice %arg11[%rem3A_1265, %dma_start3A_1431, %dma_start3A_1432] : memref<5x128x32xf32, #tpu.memory_space<vmem>> -> memref<1x128x32xf32, #tpu.memory_space<vmem>>
          %dma_start3A_1434 = tpu.memref_squeeze %dma_start3A_1433 : memref<1x128x32xf32, #tpu.memory_space<vmem>> -> memref<128x32xf32, #tpu.memory_space<vmem>>
          %dma_start3A_1435 = tpu.memref_slice %arg8[%and3A_1263, %mul3A_1430] : memref<2x1024xi32, #tpu.memory_space<vmem>> -> memref<1x128xi32, #tpu.memory_space<vmem>>
          %dma_start3A_1436 = tpu.memref_squeeze %dma_start3A_1435 : memref<1x128xi32, #tpu.memory_space<vmem>> -> memref<128xi32, #tpu.memory_space<vmem>>
          %dma_start3A_1437 = arith.constant 0 : i32
          %dma_start3A_1438 = arith.constant 0 : i32
          %dma_start3A_1439 = tpu.memref_slice %arg2[%dma_start3A_1437, %dma_start3A_1438] : memref<100000x32xf32, #tpu.memory_space<hbm>> -> memref<100000x32xf32, #tpu.memory_space<hbm>>
          tpu.enqueue_indirect_dma source(%dma_start3A_1439 : memref<100000x32xf32, #tpu.memory_space<hbm>>) target(%dma_start3A_1434 : memref<128x32xf32, #tpu.memory_space<vmem>>) offsets(%dma_start3A_1436 : memref<128xi32, #tpu.memory_space<vmem>>) semaphore(%arg14 : memref<!tpu.dma_semaphore, #tpu.memory_space<semaphore_mem>>)
        } else {
        }
        %mul3A_1416 = arith.constant 128 : i32
        %mul3A_1417 = arith.muli %add3A_1257, %mul3A_1416 : i32
        %add3A_1418 = arith.addi %mul3A_710, %mul3A_1417 : i32
        %and3A_1419 = arith.constant 7 : i32
        %and3A_1420 = arith.andi %add3A_1257, %and3A_1419 : i32
        %dma_start3A_1421 = arith.constant 0 : i32
        %dma_start3A_1422 = tpu.memref_slice %arg10[%and3A_1420, %dma_start3A_1421] : memref<8x128xi32, #tpu.memory_space<vmem>> -> memref<1x128xi32, #tpu.memory_space<vmem>>
        %dma_start3A_1423 = tpu.memref_squeeze %dma_start3A_1422 : memref<1x128xi32, #tpu.memory_space<vmem>> -> memref<128xi32, #tpu.memory_space<vmem>>
        %dma_start3A_1424 = tpu.memref_slice %arg4[%add3A_1418] : memref<800000xi32, #tpu.memory_space<hbm>> -> memref<128xi32, #tpu.memory_space<hbm>>
        %dma_start3A_1425 = arith.constant 0 : i32
        %dma_start3A_1426 = tpu.memref_slice %arg10[%and3A_1420, %dma_start3A_1425] : memref<8x128xi32, #tpu.memory_space<vmem>> -> memref<1x128xi32, #tpu.memory_space<vmem>>
        %dma_start3A_1427 = tpu.memref_squeeze %dma_start3A_1426 : memref<1x128xi32, #tpu.memory_space<vmem>> -> memref<128xi32, #tpu.memory_space<vmem>>
        %dma_start3A_1428 = tpu.memref_slice %arg4[%add3A_1418] : memref<800000xi32, #tpu.memory_space<hbm>> -> memref<128xi32, #tpu.memory_space<hbm>>
        tpu.enqueue_dma source(%dma_start3A_1428 : memref<128xi32, #tpu.memory_space<hbm>>) target(%dma_start3A_1427 : memref<128xi32, #tpu.memory_space<vmem>>) target_semaphore(%arg15 : memref<!tpu.dma_semaphore, #tpu.memory_space<semaphore_mem>>)
      } else {
      }
      %lt3A_1180 = arith.constant 2 : i32
      %lt3A_1181 = arith.cmpi slt, %while3A_1156, %lt3A_1180 : i32
      %add3A_1182 = arith.constant 3 : i32
      %add3A_1183 = arith.addi %while3A_1156, %add3A_1182 : i32
      %lt3A_1184 = arith.cmpi slt, %add3A_1183, %select_n3A : i32
      %and3A_1185 = arith.andi %lt3A_1181, %lt3A_1184 : i1
      %convert_element_type3A_1186 = arith.extui %and3A_1185 : i1 to i32
      %cond3A_1187 = arith.constant 0 : i32
      %cond3A_1188 = arith.cmpi ne, %convert_element_type3A_1186, %cond3A_1187 : i32
      scf.if %cond3A_1188 {
        %add3A_1241 = arith.constant 3 : i32
        %add3A_1242 = arith.addi %while3A_1156, %add3A_1241 : i32
        %and3A_1243 = arith.constant 7 : i32
        %and3A_1244 = arith.andi %add3A_1242, %and3A_1243 : i32
        %shift_right_arithmetic3A_1245 = arith.constant 3 : i32
        %shift_right_arithmetic3A_1246 = arith.shrsi %add3A_1242, %shift_right_arithmetic3A_1245 : i32
        %and3A_1247 = arith.constant 1 : i32
        %and3A_1248 = arith.andi %shift_right_arithmetic3A_1246, %and3A_1247 : i32
        %rem3A_1249 = arith.constant 5 : i32
        %rem3A_1250 = arith.remsi %add3A_1242, %rem3A_1249 : i32
        %mul3A_1251 = arith.constant 128 : i32
        %mul3A_1252 = arith.muli %and3A_1244, %mul3A_1251 : i32
        %add3A_1253 = arith.constant 0 : i32
        %add3A_1254 = arith.addi %mul3A_1252, %add3A_1253 : i32
        %get3A_1255 = arith.index_cast %and3A_1248 : i32 to index
        %get3A_1256 = arith.index_cast %add3A_1254 : i32 to index
        %get3A_1257 = tpu.vector_load %arg8[%get3A_1255, %get3A_1256] {strides = array<i32>} : memref<2x1024xi32, #tpu.memory_space<vmem>>, vector<16xi32>,
        %add3A_1258 = vector.broadcast %arg0 : i32 to vector<16xi32>
        %add3A_1259 = arith.addi %get3A_1257, %add3A_1258 : vector<16xi32>
        %add3A_1260 = arith.addi %get3A_1257, %add3A_1259 : vector<16xi32>
        %mul3A_1261 = arith.constant 128 : i32
        %mul3A_1262 = arith.muli %and3A_1244, %mul3A_1261 : i32
        %add3A_1263 = arith.constant 0 : i32
        %add3A_1264 = arith.addi %mul3A_1262, %add3A_1263 : i32
        %swap3A_1265 = arith.index_cast %and3A_1248 : i32 to index
        %swap3A_1266 = arith.index_cast %add3A_1264 : i32 to index
        %swap3A_1267 = tpu.vector_load %arg8[%swap3A_1265, %swap3A_1266] {strides = array<i32>} : memref<2x1024xi32, #tpu.memory_space<vmem>>, vector<16xi32>,
        tpu.vector_store %arg8[%swap3A_1265, %swap3A_1266], %add3A_1260 {strides = array<i32>} : memref<2x1024xi32, #tpu.memory_space<vmem>>, vector<16xi32>,
        %mul3A_1268 = arith.constant 128 : i32
        %mul3A_1269 = arith.muli %and3A_1244, %mul3A_1268 : i32
        %add3A_1270 = arith.constant 16 : i32
        %add3A_1271 = arith.addi %mul3A_1269, %add3A_1270 : i32
        %get3A_1272 = arith.index_cast %and3A_1248 : i32 to index
        %get3A_1273 = arith.index_cast %add3A_1271 : i32 to index
        %get3A_1274 = tpu.vector_load %arg8[%get3A_1272, %get3A_1273] {strides = array<i32>} : memref<2x1024xi32, #tpu.memory_space<vmem>>, vector<16xi32>,
        %add3A_1275 = vector.broadcast %arg0 : i32 to vector<16xi32>
        %add3A_1276 = arith.addi %get3A_1274, %add3A_1275 : vector<16xi32>
        %add3A_1277 = arith.addi %get3A_1274, %add3A_1276 : vector<16xi32>
        %mul3A_1278 = arith.constant 128 : i32
        %mul3A_1279 = arith.muli %and3A_1244, %mul3A_1278 : i32
        %add3A_1280 = arith.constant 16 : i32
        %add3A_1281 = arith.addi %mul3A_1279, %add3A_1280 : i32
        %swap3A_1282 = arith.index_cast %and3A_1248 : i32 to index
        %swap3A_1283 = arith.index_cast %add3A_1281 : i32 to index
        %swap3A_1284 = tpu.vector_load %arg8[%swap3A_1282, %swap3A_1283] {strides = array<i32>} : memref<2x1024xi32, #tpu.memory_space<vmem>>, vector<16xi32>,
        tpu.vector_store %arg8[%swap3A_1282, %swap3A_1283], %add3A_1277 {strides = array<i32>} : memref<2x1024xi32, #tpu.memory_space<vmem>>, vector<16xi32>,
        %mul3A_1285 = arith.constant 128 : i32
        %mul3A_1286 = arith.muli %and3A_1244, %mul3A_1285 : i32
        %add3A_1287 = arith.constant 32 : i32
        %add3A_1288 = arith.addi %mul3A_1286, %add3A_1287 : i32
        %get3A_1289 = arith.index_cast %and3A_1248 : i32 to index
        %get3A_1290 = arith.index_cast %add3A_1288 : i32 to index
        %get3A_1291 = tpu.vector_load %arg8[%get3A_1289, %get3A_1290] {strides = array<i32>} : memref<2x1024xi32, #tpu.memory_space<vmem>>, vector<16xi32>,
        %add3A_1292 = vector.broadcast %arg0 : i32 to vector<16xi32>
        %add3A_1293 = arith.addi %get3A_1291, %add3A_1292 : vector<16xi32>
        %add3A_1294 = arith.addi %get3A_1291, %add3A_1293 : vector<16xi32>
        %mul3A_1295 = arith.constant 128 : i32
        %mul3A_1296 = arith.muli %and3A_1244, %mul3A_1295 : i32
        %add3A_1297 = arith.constant 32 : i32
        %add3A_1298 = arith.addi %mul3A_1296, %add3A_1297 : i32
        %swap3A_1299 = arith.index_cast %and3A_1248 : i32 to index
        %swap3A_1300 = arith.index_cast %add3A_1298 : i32 to index
        %swap3A_1301 = tpu.vector_load %arg8[%swap3A_1299, %swap3A_1300] {strides = array<i32>} : memref<2x1024xi32, #tpu.memory_space<vmem>>, vector<16xi32>,
        tpu.vector_store %arg8[%swap3A_1299, %swap3A_1300], %add3A_1294 {strides = array<i32>} : memref<2x1024xi32, #tpu.memory_space<vmem>>, vector<16xi32>,
        %mul3A_1302 = arith.constant 128 : i32
        %mul3A_1303 = arith.muli %and3A_1244, %mul3A_1302 : i32
        %add3A_1304 = arith.constant 48 : i32
        %add3A_1305 = arith.addi %mul3A_1303, %add3A_1304 : i32
        %get3A_1306 = arith.index_cast %and3A_1248 : i32 to index
        %get3A_1307 = arith.index_cast %add3A_1305 : i32 to index
        %get3A_1308 = tpu.vector_load %arg8[%get3A_1306, %get3A_1307] {strides = array<i32>} : memref<2x1024xi32, #tpu.memory_space<vmem>>, vector<16xi32>,
        %add3A_1309 = vector.broadcast %arg0 : i32 to vector<16xi32>
        %add3A_1310 = arith.addi %get3A_1308, %add3A_1309 : vector<16xi32>
        %add3A_1311 = arith.addi %get3A_1308, %add3A_1310 : vector<16xi32>
        %mul3A_1312 = arith.constant 128 : i32
        %mul3A_1313 = arith.muli %and3A_1244, %mul3A_1312 : i32
        %add3A_1314 = arith.constant 48 : i32
        %add3A_1315 = arith.addi %mul3A_1313, %add3A_1314 : i32
        %swap3A_1316 = arith.index_cast %and3A_1248 : i32 to index
        %swap3A_1317 = arith.index_cast %add3A_1315 : i32 to index
        %swap3A_1318 = tpu.vector_load %arg8[%swap3A_1316, %swap3A_1317] {strides = array<i32>} : memref<2x1024xi32, #tpu.memory_space<vmem>>, vector<16xi32>,
        tpu.vector_store %arg8[%swap3A_1316, %swap3A_1317], %add3A_1311 {strides = array<i32>} : memref<2x1024xi32, #tpu.memory_space<vmem>>, vector<16xi32>,
        %mul3A_1319 = arith.constant 128 : i32
        %mul3A_1320 = arith.muli %and3A_1244, %mul3A_1319 : i32
        %add3A_1321 = arith.constant 64 : i32
        %add3A_1322 = arith.addi %mul3A_1320, %add3A_1321 : i32
        %get3A_1323 = arith.index_cast %and3A_1248 : i32 to index
        %get3A_1324 = arith.index_cast %add3A_1322 : i32 to index
        %get3A_1325 = tpu.vector_load %arg8[%get3A_1323, %get3A_1324] {strides = array<i32>} : memref<2x1024xi32, #tpu.memory_space<vmem>>, vector<16xi32>,
        %add3A_1326 = vector.broadcast %arg0 : i32 to vector<16xi32>
        %add3A_1327 = arith.addi %get3A_1325, %add3A_1326 : vector<16xi32>
        %add3A_1328 = arith.addi %get3A_1325, %add3A_1327 : vector<16xi32>
        %mul3A_1329 = arith.constant 128 : i32
        %mul3A_1330 = arith.muli %and3A_1244, %mul3A_1329 : i32
        %add3A_1331 = arith.constant 64 : i32
        %add3A_1332 = arith.addi %mul3A_1330, %add3A_1331 : i32
        %swap3A_1333 = arith.index_cast %and3A_1248 : i32 to index
        %swap3A_1334 = arith.index_cast %add3A_1332 : i32 to index
        %swap3A_1335 = tpu.vector_load %arg8[%swap3A_1333, %swap3A_1334] {strides = array<i32>} : memref<2x1024xi32, #tpu.memory_space<vmem>>, vector<16xi32>,
        tpu.vector_store %arg8[%swap3A_1333, %swap3A_1334], %add3A_1328 {strides = array<i32>} : memref<2x1024xi32, #tpu.memory_space<vmem>>, vector<16xi32>,
        %mul3A_1336 = arith.constant 128 : i32
        %mul3A_1337 = arith.muli %and3A_1244, %mul3A_1336 : i32
        %add3A_1338 = arith.constant 80 : i32
        %add3A_1339 = arith.addi %mul3A_1337, %add3A_1338 : i32
        %get3A_1340 = arith.index_cast %and3A_1248 : i32 to index
        %get3A_1341 = arith.index_cast %add3A_1339 : i32 to index
        %get3A_1342 = tpu.vector_load %arg8[%get3A_1340, %get3A_1341] {strides = array<i32>} : memref<2x1024xi32, #tpu.memory_space<vmem>>, vector<16xi32>,
        %add3A_1343 = vector.broadcast %arg0 : i32 to vector<16xi32>
        %add3A_1344 = arith.addi %get3A_1342, %add3A_1343 : vector<16xi32>
        %add3A_1345 = arith.addi %get3A_1342, %add3A_1344 : vector<16xi32>
        %mul3A_1346 = arith.constant 128 : i32
        %mul3A_1347 = arith.muli %and3A_1244, %mul3A_1346 : i32
        %add3A_1348 = arith.constant 80 : i32
        %add3A_1349 = arith.addi %mul3A_1347, %add3A_1348 : i32
        %swap3A_1350 = arith.index_cast %and3A_1248 : i32 to index
        %swap3A_1351 = arith.index_cast %add3A_1349 : i32 to index
        %swap3A_1352 = tpu.vector_load %arg8[%swap3A_1350, %swap3A_1351] {strides = array<i32>} : memref<2x1024xi32, #tpu.memory_space<vmem>>, vector<16xi32>,
        tpu.vector_store %arg8[%swap3A_1350, %swap3A_1351], %add3A_1345 {strides = array<i32>} : memref<2x1024xi32, #tpu.memory_space<vmem>>, vector<16xi32>,
        %mul3A_1353 = arith.constant 128 : i32
        %mul3A_1354 = arith.muli %and3A_1244, %mul3A_1353 : i32
        %add3A_1355 = arith.constant 96 : i32
        %add3A_1356 = arith.addi %mul3A_1354, %add3A_1355 : i32
        %get3A_1357 = arith.index_cast %and3A_1248 : i32 to index
        %get3A_1358 = arith.index_cast %add3A_1356 : i32 to index
        %get3A_1359 = tpu.vector_load %arg8[%get3A_1357, %get3A_1358] {strides = array<i32>} : memref<2x1024xi32, #tpu.memory_space<vmem>>, vector<16xi32>,
        %add3A_1360 = vector.broadcast %arg0 : i32 to vector<16xi32>
        %add3A_1361 = arith.addi %get3A_1359, %add3A_1360 : vector<16xi32>
        %add3A_1362 = arith.addi %get3A_1359, %add3A_1361 : vector<16xi32>
        %mul3A_1363 = arith.constant 128 : i32
        %mul3A_1364 = arith.muli %and3A_1244, %mul3A_1363 : i32
        %add3A_1365 = arith.constant 96 : i32
        %add3A_1366 = arith.addi %mul3A_1364, %add3A_1365 : i32
        %swap3A_1367 = arith.index_cast %and3A_1248 : i32 to index
        %swap3A_1368 = arith.index_cast %add3A_1366 : i32 to index
        %swap3A_1369 = tpu.vector_load %arg8[%swap3A_1367, %swap3A_1368] {strides = array<i32>} : memref<2x1024xi32, #tpu.memory_space<vmem>>, vector<16xi32>,
        tpu.vector_store %arg8[%swap3A_1367, %swap3A_1368], %add3A_1362 {strides = array<i32>} : memref<2x1024xi32, #tpu.memory_space<vmem>>, vector<16xi32>,
        %mul3A_1370 = arith.constant 128 : i32
        %mul3A_1371 = arith.muli %and3A_1244, %mul3A_1370 : i32
        %add3A_1372 = arith.constant 112 : i32
        %add3A_1373 = arith.addi %mul3A_1371, %add3A_1372 : i32
        %get3A_1374 = arith.index_cast %and3A_1248 : i32 to index
        %get3A_1375 = arith.index_cast %add3A_1373 : i32 to index
        %get3A_1376 = tpu.vector_load %arg8[%get3A_1374, %get3A_1375] {strides = array<i32>} : memref<2x1024xi32, #tpu.memory_space<vmem>>, vector<16xi32>,
        %add3A_1377 = vector.broadcast %arg0 : i32 to vector<16xi32>
        %add3A_1378 = arith.addi %get3A_1376, %add3A_1377 : vector<16xi32>
        %add3A_1379 = arith.addi %get3A_1376, %add3A_1378 : vector<16xi32>
        %mul3A_1380 = arith.constant 128 : i32
        %mul3A_1381 = arith.muli %and3A_1244, %mul3A_1380 : i32
        %add3A_1382 = arith.constant 112 : i32
        %add3A_1383 = arith.addi %mul3A_1381, %add3A_1382 : i32
        %swap3A_1384 = arith.index_cast %and3A_1248 : i32 to index
        %swap3A_1385 = arith.index_cast %add3A_1383 : i32 to index
        %swap3A_1386 = tpu.vector_load %arg8[%swap3A_1384, %swap3A_1385] {strides = array<i32>} : memref<2x1024xi32, #tpu.memory_space<vmem>>, vector<16xi32>,
        tpu.vector_store %arg8[%swap3A_1384, %swap3A_1385], %add3A_1379 {strides = array<i32>} : memref<2x1024xi32, #tpu.memory_space<vmem>>, vector<16xi32>,
        %and3A_1387 = arith.constant 1 : i32
        %and3A_1388 = arith.andi %add3A_1242, %and3A_1387 : i32
        %eq3A_1389 = arith.constant 0 : i32
        %eq3A_1390 = arith.cmpi eq, %and3A_1388, %eq3A_1389 : i32
        %convert_element_type3A_1391 = arith.extui %eq3A_1390 : i1 to i32
        %cond3A_1392 = arith.constant 0 : i32
        %cond3A_1393 = arith.cmpi ne, %convert_element_type3A_1391, %cond3A_1392 : i32
        scf.if %cond3A_1393 {
          %mul3A_1414 = arith.constant 128 : i32
          %mul3A_1415 = arith.muli %and3A_1244, %mul3A_1414 : i32
          %dma_start3A_1416 = arith.constant 0 : i32
          %dma_start3A_1417 = arith.constant 0 : i32
          %dma_start3A_1418 = tpu.memref_slice %arg11[%rem3A_1250, %dma_start3A_1416, %dma_start3A_1417] : memref<5x128x32xf32, #tpu.memory_space<vmem>> -> memref<1x128x32xf32, #tpu.memory_space<vmem>>
          %dma_start3A_1419 = tpu.memref_squeeze %dma_start3A_1418 : memref<1x128x32xf32, #tpu.memory_space<vmem>> -> memref<128x32xf32, #tpu.memory_space<vmem>>
          %dma_start3A_1420 = tpu.memref_slice %arg8[%and3A_1248, %mul3A_1415] : memref<2x1024xi32, #tpu.memory_space<vmem>> -> memref<1x128xi32, #tpu.memory_space<vmem>>
          %dma_start3A_1421 = tpu.memref_squeeze %dma_start3A_1420 : memref<1x128xi32, #tpu.memory_space<vmem>> -> memref<128xi32, #tpu.memory_space<vmem>>
          %dma_start3A_1422 = arith.constant 0 : i32
          %dma_start3A_1423 = arith.constant 0 : i32
          %dma_start3A_1424 = tpu.memref_slice %arg2[%dma_start3A_1422, %dma_start3A_1423] : memref<100000x32xf32, #tpu.memory_space<hbm>> -> memref<100000x32xf32, #tpu.memory_space<hbm>>
          tpu.enqueue_indirect_dma source(%dma_start3A_1424 : memref<100000x32xf32, #tpu.memory_space<hbm>>) target(%dma_start3A_1419 : memref<128x32xf32, #tpu.memory_space<vmem>>) offsets(%dma_start3A_1421 : memref<128xi32, #tpu.memory_space<vmem>>) semaphore(%arg13 : memref<!tpu.dma_semaphore, #tpu.memory_space<semaphore_mem>>)
        } else {
        }
        %and3A_1394 = arith.constant 1 : i32
        %and3A_1395 = arith.andi %add3A_1242, %and3A_1394 : i32
        %eq3A_1396 = arith.constant 1 : i32
        %eq3A_1397 = arith.cmpi eq, %and3A_1395, %eq3A_1396 : i32
        %convert_element_type3A_1398 = arith.extui %eq3A_1397 : i1 to i32
        %cond3A_1399 = arith.constant 0 : i32
        %cond3A_1400 = arith.cmpi ne, %convert_element_type3A_1398, %cond3A_1399 : i32
        scf.if %cond3A_1400 {
          %mul3A_1414 = arith.constant 128 : i32
          %mul3A_1415 = arith.muli %and3A_1244, %mul3A_1414 : i32
          %dma_start3A_1416 = arith.constant 0 : i32
          %dma_start3A_1417 = arith.constant 0 : i32
          %dma_start3A_1418 = tpu.memref_slice %arg11[%rem3A_1250, %dma_start3A_1416, %dma_start3A_1417] : memref<5x128x32xf32, #tpu.memory_space<vmem>> -> memref<1x128x32xf32, #tpu.memory_space<vmem>>
          %dma_start3A_1419 = tpu.memref_squeeze %dma_start3A_1418 : memref<1x128x32xf32, #tpu.memory_space<vmem>> -> memref<128x32xf32, #tpu.memory_space<vmem>>
          %dma_start3A_1420 = tpu.memref_slice %arg8[%and3A_1248, %mul3A_1415] : memref<2x1024xi32, #tpu.memory_space<vmem>> -> memref<1x128xi32, #tpu.memory_space<vmem>>
          %dma_start3A_1421 = tpu.memref_squeeze %dma_start3A_1420 : memref<1x128xi32, #tpu.memory_space<vmem>> -> memref<128xi32, #tpu.memory_space<vmem>>
          %dma_start3A_1422 = arith.constant 0 : i32
          %dma_start3A_1423 = arith.constant 0 : i32
          %dma_start3A_1424 = tpu.memref_slice %arg2[%dma_start3A_1422, %dma_start3A_1423] : memref<100000x32xf32, #tpu.memory_space<hbm>> -> memref<100000x32xf32, #tpu.memory_space<hbm>>
          tpu.enqueue_indirect_dma source(%dma_start3A_1424 : memref<100000x32xf32, #tpu.memory_space<hbm>>) target(%dma_start3A_1419 : memref<128x32xf32, #tpu.memory_space<vmem>>) offsets(%dma_start3A_1421 : memref<128xi32, #tpu.memory_space<vmem>>) semaphore(%arg14 : memref<!tpu.dma_semaphore, #tpu.memory_space<semaphore_mem>>)
        } else {
        }
        %mul3A_1401 = arith.constant 128 : i32
        %mul3A_1402 = arith.muli %add3A_1242, %mul3A_1401 : i32
        %add3A_1403 = arith.addi %mul3A_710, %mul3A_1402 : i32
        %and3A_1404 = arith.constant 7 : i32
        %and3A_1405 = arith.andi %add3A_1242, %and3A_1404 : i32
        %dma_start3A_1406 = arith.constant 0 : i32
        %dma_start3A_1407 = tpu.memref_slice %arg10[%and3A_1405, %dma_start3A_1406] : memref<8x128xi32, #tpu.memory_space<vmem>> -> memref<1x128xi32, #tpu.memory_space<vmem>>
        %dma_start3A_1408 = tpu.memref_squeeze %dma_start3A_1407 : memref<1x128xi32, #tpu.memory_space<vmem>> -> memref<128xi32, #tpu.memory_space<vmem>>
        %dma_start3A_1409 = tpu.memref_slice %arg4[%add3A_1403] : memref<800000xi32, #tpu.memory_space<hbm>> -> memref<128xi32, #tpu.memory_space<hbm>>
        %dma_start3A_1410 = arith.constant 0 : i32
        %dma_start3A_1411 = tpu.memref_slice %arg10[%and3A_1405, %dma_start3A_1410] : memref<8x128xi32, #tpu.memory_space<vmem>> -> memref<1x128xi32, #tpu.memory_space<vmem>>
        %dma_start3A_1412 = tpu.memref_squeeze %dma_start3A_1411 : memref<1x128xi32, #tpu.memory_space<vmem>> -> memref<128xi32, #tpu.memory_space<vmem>>
        %dma_start3A_1413 = tpu.memref_slice %arg4[%add3A_1403] : memref<800000xi32, #tpu.memory_space<hbm>> -> memref<128xi32, #tpu.memory_space<hbm>>
        tpu.enqueue_dma source(%dma_start3A_1413 : memref<128xi32, #tpu.memory_space<hbm>>) target(%dma_start3A_1412 : memref<128xi32, #tpu.memory_space<vmem>>) target_semaphore(%arg15 : memref<!tpu.dma_semaphore, #tpu.memory_space<semaphore_mem>>)
      } else {
      }
      %and3A_1189 = arith.constant 1 : i32
      %and3A_1190 = arith.andi %while3A_1156, %and3A_1189 : i32
      %eq3A_1191 = arith.constant 0 : i32
      %eq3A_1192 = arith.cmpi eq, %and3A_1190, %eq3A_1191 : i32
      %convert_element_type3A_1193 = arith.extui %eq3A_1192 : i1 to i32
      %cond3A_1194 = arith.constant 0 : i32
      %cond3A_1195 = arith.cmpi ne, %convert_element_type3A_1193, %cond3A_1194 : i32
      scf.if %cond3A_1195 {
        %dma_wait3A_1241 = arith.constant 0 : i32
        %dma_wait3A_1242 = arith.constant 0 : i32
        %dma_wait3A_1243 = arith.constant 0 : i32
        %dma_wait3A_1244 = tpu.memref_slice %arg11[%dma_wait3A_1241, %dma_wait3A_1242, %dma_wait3A_1243] : memref<5x128x32xf32, #tpu.memory_space<vmem>> -> memref<1x128x32xf32, #tpu.memory_space<vmem>>
        %dma_wait3A_1245 = tpu.memref_squeeze %dma_wait3A_1244 : memref<1x128x32xf32, #tpu.memory_space<vmem>> -> memref<128x32xf32, #tpu.memory_space<vmem>>
        %dma_wait3A_1246 = arith.constant 0 : i32
        %dma_wait3A_1247 = arith.constant 0 : i32
        %dma_wait3A_1248 = tpu.memref_slice %arg2[%dma_wait3A_1246, %dma_wait3A_1247] : memref<100000x32xf32, #tpu.memory_space<hbm>> -> memref<128x32xf32, #tpu.memory_space<hbm>>
        %dma_wait3A_1249 = arith.constant 0 : i32
        %dma_wait3A_1250 = arith.constant 0 : i32
        %dma_wait3A_1251 = tpu.memref_slice %arg11[%dma_wait3A_1241, %dma_wait3A_1249, %dma_wait3A_1250] : memref<5x128x32xf32, #tpu.memory_space<vmem>> -> memref<1x128x32xf32, #tpu.memory_space<vmem>>
        %dma_wait3A_1252 = tpu.memref_squeeze %dma_wait3A_1251 : memref<1x128x32xf32, #tpu.memory_space<vmem>> -> memref<128x32xf32, #tpu.memory_space<vmem>>
        %dma_wait3A_1253 = arith.constant 0 : i32
        %dma_wait3A_1254 = arith.constant 0 : i32
        %dma_wait3A_1255 = tpu.memref_slice %arg2[%dma_wait3A_1253, %dma_wait3A_1254] : memref<100000x32xf32, #tpu.memory_space<hbm>> -> memref<128x32xf32, #tpu.memory_space<hbm>>
        tpu.wait_dma2 semaphore(%arg13 : memref<!tpu.dma_semaphore, #tpu.memory_space<semaphore_mem>>) src(%dma_wait3A_1255 : memref<128x32xf32, #tpu.memory_space<hbm>>) dst(%dma_wait3A_1252 : memref<128x32xf32, #tpu.memory_space<vmem>>)
      } else {
      }
      %and3A_1196 = arith.constant 1 : i32
      %and3A_1197 = arith.andi %while3A_1156, %and3A_1196 : i32
      %eq3A_1198 = arith.constant 1 : i32
      %eq3A_1199 = arith.cmpi eq, %and3A_1197, %eq3A_1198 : i32
      %convert_element_type3A_1200 = arith.extui %eq3A_1199 : i1 to i32
      %cond3A_1201 = arith.constant 0 : i32
      %cond3A_1202 = arith.cmpi ne, %convert_element_type3A_1200, %cond3A_1201 : i32
      scf.if %cond3A_1202 {
        %dma_wait3A_1241 = arith.constant 0 : i32
        %dma_wait3A_1242 = arith.constant 0 : i32
        %dma_wait3A_1243 = arith.constant 0 : i32
        %dma_wait3A_1244 = tpu.memref_slice %arg11[%dma_wait3A_1241, %dma_wait3A_1242, %dma_wait3A_1243] : memref<5x128x32xf32, #tpu.memory_space<vmem>> -> memref<1x128x32xf32, #tpu.memory_space<vmem>>
        %dma_wait3A_1245 = tpu.memref_squeeze %dma_wait3A_1244 : memref<1x128x32xf32, #tpu.memory_space<vmem>> -> memref<128x32xf32, #tpu.memory_space<vmem>>
        %dma_wait3A_1246 = arith.constant 0 : i32
        %dma_wait3A_1247 = arith.constant 0 : i32
        %dma_wait3A_1248 = tpu.memref_slice %arg2[%dma_wait3A_1246, %dma_wait3A_1247] : memref<100000x32xf32, #tpu.memory_space<hbm>> -> memref<128x32xf32, #tpu.memory_space<hbm>>
        %dma_wait3A_1249 = arith.constant 0 : i32
        %dma_wait3A_1250 = arith.constant 0 : i32
        %dma_wait3A_1251 = tpu.memref_slice %arg11[%dma_wait3A_1241, %dma_wait3A_1249, %dma_wait3A_1250] : memref<5x128x32xf32, #tpu.memory_space<vmem>> -> memref<1x128x32xf32, #tpu.memory_space<vmem>>
        %dma_wait3A_1252 = tpu.memref_squeeze %dma_wait3A_1251 : memref<1x128x32xf32, #tpu.memory_space<vmem>> -> memref<128x32xf32, #tpu.memory_space<vmem>>
        %dma_wait3A_1253 = arith.constant 0 : i32
        %dma_wait3A_1254 = arith.constant 0 : i32
        %dma_wait3A_1255 = tpu.memref_slice %arg2[%dma_wait3A_1253, %dma_wait3A_1254] : memref<100000x32xf32, #tpu.memory_space<hbm>> -> memref<128x32xf32, #tpu.memory_space<hbm>>
        tpu.wait_dma2 semaphore(%arg14 : memref<!tpu.dma_semaphore, #tpu.memory_space<semaphore_mem>>) src(%dma_wait3A_1255 : memref<128x32xf32, #tpu.memory_space<hbm>>) dst(%dma_wait3A_1252 : memref<128x32xf32, #tpu.memory_space<vmem>>)
      } else {
      }
      %eq3A_1203 = arith.constant 2 : i32
      %eq3A_1204 = arith.cmpi eq, %and3A_1157, %eq3A_1203 : i32
      %ge3A_1205 = arith.constant 1 : i32
      %ge3A_1206 = arith.cmpi sge, %shift_right_arithmetic3A_1158, %ge3A_1205 : i32
      %and3A_1207 = arith.andi %eq3A_1204, %ge3A_1206 : i1
      %add3A_1208 = arith.constant 1 : i32
      %add3A_1209 = arith.addi %shift_right_arithmetic3A_1158, %add3A_1208 : i32
      %lt3A_1210 = arith.constant 49 : i32
      %lt3A_1211 = arith.cmpi slt, %add3A_1209, %lt3A_1210 : i32
      %and3A_1212 = arith.andi %and3A_1207, %lt3A_1211 : i1
      %convert_element_type3A_1213 = arith.extui %and3A_1212 : i1 to i32
      %cond3A_1214 = arith.constant 0 : i32
      %cond3A_1215 = arith.cmpi ne, %convert_element_type3A_1213, %cond3A_1214 : i32
      scf.if %cond3A_1215 {
        %add3A_1241 = arith.constant 1 : i32
        %add3A_1242 = arith.addi %shift_right_arithmetic3A_1158, %add3A_1241 : i32
        %add3A_1243 = arith.constant 1 : i32
        %add3A_1244 = arith.addi %shift_right_arithmetic3A_1158, %add3A_1243 : i32
        %and3A_1245 = arith.constant 1 : i32
        %and3A_1246 = arith.andi %add3A_1244, %and3A_1245 : i32
        %eq3A_1247 = arith.constant 15 : i32
        %eq3A_1248 = arith.cmpi eq, %arg1, %eq3A_1247 : i32
        %add3A_1249 = arith.constant 1 : i32
        %add3A_1250 = arith.addi %shift_right_arithmetic3A_1158, %add3A_1249 : i32
        %eq3A_1251 = arith.constant 48 : i32
        %eq3A_1252 = arith.cmpi eq, %add3A_1250, %eq3A_1251 : i32
        %and3A_1253 = arith.andi %eq3A_1248, %eq3A_1252 : i1
        %mul3A_1254 = arith.constant 1024 : i32
        %mul3A_1255 = arith.muli %add3A_1242, %mul3A_1254 : i32
        %add3A_1256 = arith.addi %mul3A_710, %mul3A_1255 : i32
        %not3A_1257 = arith.constant true
        %not3A_1258 = arith.xori %and3A_1253, %not3A_1257 : i1
        %convert_element_type3A_1259 = arith.extui %not3A_1258 : i1 to i32
        %cond3A_1260 = arith.constant 0 : i32
        %cond3A_1261 = arith.cmpi ne, %convert_element_type3A_1259, %cond3A_1260 : i32
        scf.if %cond3A_1261 {
          %dma_start3A_1265 = arith.constant 0 : i32
          %dma_start3A_1266 = tpu.memref_slice %arg8[%and3A_1246, %dma_start3A_1265] : memref<2x1024xi32, #tpu.memory_space<vmem>> -> memref<1x1024xi32, #tpu.memory_space<vmem>>
          %dma_start3A_1267 = tpu.memref_squeeze %dma_start3A_1266 : memref<1x1024xi32, #tpu.memory_space<vmem>> -> memref<1024xi32, #tpu.memory_space<vmem>>
          %dma_start3A_1268 = tpu.memref_slice %arg3[%add3A_1256] : memref<800000xi32, #tpu.memory_space<hbm>> -> memref<1024xi32, #tpu.memory_space<hbm>>
          %dma_start3A_1269 = arith.constant 0 : i32
          %dma_start3A_1270 = tpu.memref_slice %arg8[%and3A_1246, %dma_start3A_1269] : memref<2x1024xi32, #tpu.memory_space<vmem>> -> memref<1x1024xi32, #tpu.memory_space<vmem>>
          %dma_start3A_1271 = tpu.memref_squeeze %dma_start3A_1270 : memref<1x1024xi32, #tpu.memory_space<vmem>> -> memref<1024xi32, #tpu.memory_space<vmem>>
          %dma_start3A_1272 = tpu.memref_slice %arg3[%add3A_1256] : memref<800000xi32, #tpu.memory_space<hbm>> -> memref<1024xi32, #tpu.memory_space<hbm>>
          tpu.enqueue_dma source(%dma_start3A_1272 : memref<1024xi32, #tpu.memory_space<hbm>>) target(%dma_start3A_1271 : memref<1024xi32, #tpu.memory_space<vmem>>) target_semaphore(%arg12 : memref<!tpu.dma_semaphore, #tpu.memory_space<semaphore_mem>>)
          %dma_start3A_1273 = arith.constant 0 : i32
          %dma_start3A_1274 = tpu.memref_slice %arg9[%and3A_1246, %dma_start3A_1273] : memref<2x1024xf32, #tpu.memory_space<vmem>> -> memref<1x1024xf32, #tpu.memory_space<vmem>>
          %dma_start3A_1275 = tpu.memref_squeeze %dma_start3A_1274 : memref<1x1024xf32, #tpu.memory_space<vmem>> -> memref<1024xf32, #tpu.memory_space<vmem>>
          %dma_start3A_1276 = tpu.memref_slice %arg5[%add3A_1256] : memref<800000xf32, #tpu.memory_space<hbm>> -> memref<1024xf32, #tpu.memory_space<hbm>>
          %dma_start3A_1277 = arith.constant 0 : i32
          %dma_start3A_1278 = tpu.memref_slice %arg9[%and3A_1246, %dma_start3A_1277] : memref<2x1024xf32, #tpu.memory_space<vmem>> -> memref<1x1024xf32, #tpu.memory_space<vmem>>
          %dma_start3A_1279 = tpu.memref_squeeze %dma_start3A_1278 : memref<1x1024xf32, #tpu.memory_space<vmem>> -> memref<1024xf32, #tpu.memory_space<vmem>>
          %dma_start3A_1280 = tpu.memref_slice %arg5[%add3A_1256] : memref<800000xf32, #tpu.memory_space<hbm>> -> memref<1024xf32, #tpu.memory_space<hbm>>
          tpu.enqueue_dma source(%dma_start3A_1280 : memref<1024xf32, #tpu.memory_space<hbm>>) target(%dma_start3A_1279 : memref<1024xf32, #tpu.memory_space<vmem>>) target_semaphore(%arg12 : memref<!tpu.dma_semaphore, #tpu.memory_space<semaphore_mem>>)
        } else {
        }
        %convert_element_type3A_1262 = arith.extui %and3A_1253 : i1 to i32
        %cond3A_1263 = arith.constant 0 : i32
        %cond3A_1264 = arith.cmpi ne, %convert_element_type3A_1262, %cond3A_1263 : i32
        scf.if %cond3A_1264 {
          %dma_start3A_1265 = arith.constant 0 : i32
          %dma_start3A_1266 = tpu.memref_slice %arg8[%and3A_1246, %dma_start3A_1265] : memref<2x1024xi32, #tpu.memory_space<vmem>> -> memref<1x768xi32, #tpu.memory_space<vmem>>
          %dma_start3A_1267 = tpu.memref_squeeze %dma_start3A_1266 : memref<1x768xi32, #tpu.memory_space<vmem>> -> memref<768xi32, #tpu.memory_space<vmem>>
          %dma_start3A_1268 = tpu.memref_slice %arg3[%add3A_1256] : memref<800000xi32, #tpu.memory_space<hbm>> -> memref<768xi32, #tpu.memory_space<hbm>>
          %dma_start3A_1269 = arith.constant 0 : i32
          %dma_start3A_1270 = tpu.memref_slice %arg8[%and3A_1246, %dma_start3A_1269] : memref<2x1024xi32, #tpu.memory_space<vmem>> -> memref<1x768xi32, #tpu.memory_space<vmem>>
          %dma_start3A_1271 = tpu.memref_squeeze %dma_start3A_1270 : memref<1x768xi32, #tpu.memory_space<vmem>> -> memref<768xi32, #tpu.memory_space<vmem>>
          %dma_start3A_1272 = tpu.memref_slice %arg3[%add3A_1256] : memref<800000xi32, #tpu.memory_space<hbm>> -> memref<768xi32, #tpu.memory_space<hbm>>
          tpu.enqueue_dma source(%dma_start3A_1272 : memref<768xi32, #tpu.memory_space<hbm>>) target(%dma_start3A_1271 : memref<768xi32, #tpu.memory_space<vmem>>) target_semaphore(%arg12 : memref<!tpu.dma_semaphore, #tpu.memory_space<semaphore_mem>>)
          %dma_start3A_1273 = arith.constant 0 : i32
          %dma_start3A_1274 = tpu.memref_slice %arg9[%and3A_1246, %dma_start3A_1273] : memref<2x1024xf32, #tpu.memory_space<vmem>> -> memref<1x768xf32, #tpu.memory_space<vmem>>
          %dma_start3A_1275 = tpu.memref_squeeze %dma_start3A_1274 : memref<1x768xf32, #tpu.memory_space<vmem>> -> memref<768xf32, #tpu.memory_space<vmem>>
          %dma_start3A_1276 = tpu.memref_slice %arg5[%add3A_1256] : memref<800000xf32, #tpu.memory_space<hbm>> -> memref<768xf32, #tpu.memory_space<hbm>>
          %dma_start3A_1277 = arith.constant 0 : i32
          %dma_start3A_1278 = tpu.memref_slice %arg9[%and3A_1246, %dma_start3A_1277] : memref<2x1024xf32, #tpu.memory_space<vmem>> -> memref<1x768xf32, #tpu.memory_space<vmem>>
          %dma_start3A_1279 = tpu.memref_squeeze %dma_start3A_1278 : memref<1x768xf32, #tpu.memory_space<vmem>> -> memref<768xf32, #tpu.memory_space<vmem>>
          %dma_start3A_1280 = tpu.memref_slice %arg5[%add3A_1256] : memref<800000xf32, #tpu.memory_space<hbm>> -> memref<768xf32, #tpu.memory_space<hbm>>
          tpu.enqueue_dma source(%dma_start3A_1280 : memref<768xf32, #tpu.memory_space<hbm>>) target(%dma_start3A_1279 : memref<768xf32, #tpu.memory_space<vmem>>) target_semaphore(%arg12 : memref<!tpu.dma_semaphore, #tpu.memory_space<semaphore_mem>>)
        } else {
        }
      } else {
      }
      %parallel_loop3A = arith.constant 0 : i32
      %parallel_loop3A_1216 = arith.constant 128 : i32
      %parallel_loop3A_1217 = arith.constant 16 : i32
      scf.for %parallel_loop3A_1241 = %parallel_loop3A to %parallel_loop3A_1216 step %parallel_loop3A_1217  : i32 {
        %parallel_loop3A_1242 = arith.constant 128 : i32
        %parallel_loop3A_1243 = arith.muli %and3A_1157, %parallel_loop3A_1242 : i32
        %parallel_loop3A_1244 = arith.addi %parallel_loop3A_1243, %parallel_loop3A_1241 : i32
        %parallel_loop3A_1245 = arith.index_cast %and3A_1160 : i32 to index
        %parallel_loop3A_1246 = arith.index_cast %parallel_loop3A_1244 : i32 to index
        %parallel_loop3A_1247 = tpu.vector_load %arg9[%parallel_loop3A_1245, %parallel_loop3A_1246] {strides = array<i32>} : memref<2x1024xf32, #tpu.memory_space<vmem>>, vector<16xf32>,
        %parallel_loop3A_1248 = vector.extract_strided_slice %parallel_loop3A_1247 {offsets = [0], sizes = [1], strides = [1]} : vector<16xf32> to vector<1xf32>
        %parallel_loop3A_1249 = vector.extract %parallel_loop3A_1248[0] : f32 from vector<1xf32>
        %parallel_loop3A_1250 = arith.constant 0 : i32
        %parallel_loop3A_1251 = arith.addi %parallel_loop3A_1241, %parallel_loop3A_1250 : i32
        %parallel_loop3A_1252 = arith.index_cast %rem3A_1162 : i32 to index
        %parallel_loop3A_1253 = arith.index_cast %parallel_loop3A_1251 : i32 to index
        %parallel_loop3A_1254 = arith.constant 0 : index
        %parallel_loop3A_1255 = tpu.vector_load %arg11[%parallel_loop3A_1252, %parallel_loop3A_1253, %parallel_loop3A_1254] {strides = array<i32>} : memref<5x128x32xf32, #tpu.memory_space<vmem>>, vector<16xf32>,
        %parallel_loop3A_1256 = vector.broadcast %parallel_loop3A_1249 : f32 to vector<16xf32>
        %parallel_loop3A_1257 = arith.mulf %parallel_loop3A_1255, %parallel_loop3A_1256 : vector<16xf32>
        %parallel_loop3A_1258 = arith.constant 0 : i32
        %parallel_loop3A_1259 = arith.addi %parallel_loop3A_1241, %parallel_loop3A_1258 : i32
        %parallel_loop3A_1260 = arith.index_cast %rem3A_1162 : i32 to index
        %parallel_loop3A_1261 = arith.index_cast %parallel_loop3A_1259 : i32 to index
        %parallel_loop3A_1262 = arith.constant 0 : index
        %parallel_loop3A_1263 = tpu.vector_load %arg11[%parallel_loop3A_1260, %parallel_loop3A_1261, %parallel_loop3A_1262] {strides = array<i32>} : memref<5x128x32xf32, #tpu.memory_space<vmem>>, vector<16xf32>,
        tpu.vector_store %arg11[%parallel_loop3A_1260, %parallel_loop3A_1261, %parallel_loop3A_1262], %parallel_loop3A_1257 {strides = array<i32>} : memref<5x128x32xf32, #tpu.memory_space<vmem>>, vector<16xf32>,
        %parallel_loop3A_1264 = arith.constant 0 : i32
        %parallel_loop3A_1265 = arith.addi %parallel_loop3A_1241, %parallel_loop3A_1264 : i32
        %parallel_loop3A_1266 = arith.index_cast %rem3A_1162 : i32 to index
        %parallel_loop3A_1267 = arith.index_cast %parallel_loop3A_1265 : i32 to index
        %parallel_loop3A_1268 = arith.constant 16 : index
        %parallel_loop3A_1269 = tpu.vector_load %arg11[%parallel_loop3A_1266, %parallel_loop3A_1267, %parallel_loop3A_1268] {strides = array<i32>} : memref<5x128x32xf32, #tpu.memory_space<vmem>>, vector<16xf32>,
        %parallel_loop3A_1270 = vector.broadcast %parallel_loop3A_1249 : f32 to vector<16xf32>
        %parallel_loop3A_1271 = arith.mulf %parallel_loop3A_1269, %parallel_loop3A_1270 : vector<16xf32>
        %parallel_loop3A_1272 = arith.constant 0 : i32
        %parallel_loop3A_1273 = arith.addi %parallel_loop3A_1241, %parallel_loop3A_1272 : i32
        %parallel_loop3A_1274 = arith.index_cast %rem3A_1162 : i32 to index
        %parallel_loop3A_1275 = arith.index_cast %parallel_loop3A_1273 : i32 to index
        %parallel_loop3A_1276 = arith.constant 16 : index
        %parallel_loop3A_1277 = tpu.vector_load %arg11[%parallel_loop3A_1274, %parallel_loop3A_1275, %parallel_loop3A_1276] {strides = array<i32>} : memref<5x128x32xf32, #tpu.memory_space<vmem>>, vector<16xf32>,
        tpu.vector_store %arg11[%parallel_loop3A_1274, %parallel_loop3A_1275, %parallel_loop3A_1276], %parallel_loop3A_1271 {strides = array<i32>} : memref<5x128x32xf32, #tpu.memory_space<vmem>>, vector<16xf32>,
        %parallel_loop3A_1278 = vector.extract_strided_slice %parallel_loop3A_1247 {offsets = [1], sizes = [1], strides = [1]} : vector<16xf32> to vector<1xf32>
        %parallel_loop3A_1279 = vector.extract %parallel_loop3A_1278[0] : f32 from vector<1xf32>
        %parallel_loop3A_1280 = arith.constant 1 : i32
        %parallel_loop3A_1281 = arith.addi %parallel_loop3A_1241, %parallel_loop3A_1280 : i32
        %parallel_loop3A_1282 = arith.index_cast %rem3A_1162 : i32 to index
        %parallel_loop3A_1283 = arith.index_cast %parallel_loop3A_1281 : i32 to index
        %parallel_loop3A_1284 = arith.constant 0 : index
        %parallel_loop3A_1285 = tpu.vector_load %arg11[%parallel_loop3A_1282, %parallel_loop3A_1283, %parallel_loop3A_1284] {strides = array<i32>} : memref<5x128x32xf32, #tpu.memory_space<vmem>>, vector<16xf32>,
        %parallel_loop3A_1286 = vector.broadcast %parallel_loop3A_1279 : f32 to vector<16xf32>
        %parallel_loop3A_1287 = arith.mulf %parallel_loop3A_1285, %parallel_loop3A_1286 : vector<16xf32>
        %parallel_loop3A_1288 = arith.constant 1 : i32
        %parallel_loop3A_1289 = arith.addi %parallel_loop3A_1241, %parallel_loop3A_1288 : i32
        %parallel_loop3A_1290 = arith.index_cast %rem3A_1162 : i32 to index
        %parallel_loop3A_1291 = arith.index_cast %parallel_loop3A_1289 : i32 to index
        %parallel_loop3A_1292 = arith.constant 0 : index
        %parallel_loop3A_1293 = tpu.vector_load %arg11[%parallel_loop3A_1290, %parallel_loop3A_1291, %parallel_loop3A_1292] {strides = array<i32>} : memref<5x128x32xf32, #tpu.memory_space<vmem>>, vector<16xf32>,
        tpu.vector_store %arg11[%parallel_loop3A_1290, %parallel_loop3A_1291, %parallel_loop3A_1292], %parallel_loop3A_1287 {strides = array<i32>} : memref<5x128x32xf32, #tpu.memory_space<vmem>>, vector<16xf32>,
        %parallel_loop3A_1294 = arith.constant 1 : i32
        %parallel_loop3A_1295 = arith.addi %parallel_loop3A_1241, %parallel_loop3A_1294 : i32
        %parallel_loop3A_1296 = arith.index_cast %rem3A_1162 : i32 to index
        %parallel_loop3A_1297 = arith.index_cast %parallel_loop3A_1295 : i32 to index
        %parallel_loop3A_1298 = arith.constant 16 : index
        %parallel_loop3A_1299 = tpu.vector_load %arg11[%parallel_loop3A_1296, %parallel_loop3A_1297, %parallel_loop3A_1298] {strides = array<i32>} : memref<5x128x32xf32, #tpu.memory_space<vmem>>, vector<16xf32>,
        %parallel_loop3A_1300 = vector.broadcast %parallel_loop3A_1279 : f32 to vector<16xf32>
        %parallel_loop3A_1301 = arith.mulf %parallel_loop3A_1299, %parallel_loop3A_1300 : vector<16xf32>
        %parallel_loop3A_1302 = arith.constant 1 : i32
        %parallel_loop3A_1303 = arith.addi %parallel_loop3A_1241, %parallel_loop3A_1302 : i32
        %parallel_loop3A_1304 = arith.index_cast %rem3A_1162 : i32 to index
        %parallel_loop3A_1305 = arith.index_cast %parallel_loop3A_1303 : i32 to index
        %parallel_loop3A_1306 = arith.constant 16 : index
        %parallel_loop3A_1307 = tpu.vector_load %arg11[%parallel_loop3A_1304, %parallel_loop3A_1305, %parallel_loop3A_1306] {strides = array<i32>} : memref<5x128x32xf32, #tpu.memory_space<vmem>>, vector<16xf32>,
        tpu.vector_store %arg11[%parallel_loop3A_1304, %parallel_loop3A_1305, %parallel_loop3A_1306], %parallel_loop3A_1301 {strides = array<i32>} : memref<5x128x32xf32, #tpu.memory_space<vmem>>, vector<16xf32>,
        %parallel_loop3A_1308 = vector.extract_strided_slice %parallel_loop3A_1247 {offsets = [2], sizes = [1], strides = [1]} : vector<16xf32> to vector<1xf32>
        %parallel_loop3A_1309 = vector.extract %parallel_loop3A_1308[0] : f32 from vector<1xf32>
        %parallel_loop3A_1310 = arith.constant 2 : i32
        %parallel_loop3A_1311 = arith.addi %parallel_loop3A_1241, %parallel_loop3A_1310 : i32
        %parallel_loop3A_1312 = arith.index_cast %rem3A_1162 : i32 to index
        %parallel_loop3A_1313 = arith.index_cast %parallel_loop3A_1311 : i32 to index
        %parallel_loop3A_1314 = arith.constant 0 : index
        %parallel_loop3A_1315 = tpu.vector_load %arg11[%parallel_loop3A_1312, %parallel_loop3A_1313, %parallel_loop3A_1314] {strides = array<i32>} : memref<5x128x32xf32, #tpu.memory_space<vmem>>, vector<16xf32>,
        %parallel_loop3A_1316 = vector.broadcast %parallel_loop3A_1309 : f32 to vector<16xf32>
        %parallel_loop3A_1317 = arith.mulf %parallel_loop3A_1315, %parallel_loop3A_1316 : vector<16xf32>
        %parallel_loop3A_1318 = arith.constant 2 : i32
        %parallel_loop3A_1319 = arith.addi %parallel_loop3A_1241, %parallel_loop3A_1318 : i32
        %parallel_loop3A_1320 = arith.index_cast %rem3A_1162 : i32 to index
        %parallel_loop3A_1321 = arith.index_cast %parallel_loop3A_1319 : i32 to index
        %parallel_loop3A_1322 = arith.constant 0 : index
        %parallel_loop3A_1323 = tpu.vector_load %arg11[%parallel_loop3A_1320, %parallel_loop3A_1321, %parallel_loop3A_1322] {strides = array<i32>} : memref<5x128x32xf32, #tpu.memory_space<vmem>>, vector<16xf32>,
        tpu.vector_store %arg11[%parallel_loop3A_1320, %parallel_loop3A_1321, %parallel_loop3A_1322], %parallel_loop3A_1317 {strides = array<i32>} : memref<5x128x32xf32, #tpu.memory_space<vmem>>, vector<16xf32>,
        %parallel_loop3A_1324 = arith.constant 2 : i32
        %parallel_loop3A_1325 = arith.addi %parallel_loop3A_1241, %parallel_loop3A_1324 : i32
        %parallel_loop3A_1326 = arith.index_cast %rem3A_1162 : i32 to index
        %parallel_loop3A_1327 = arith.index_cast %parallel_loop3A_1325 : i32 to index
        %parallel_loop3A_1328 = arith.constant 16 : index
        %parallel_loop3A_1329 = tpu.vector_load %arg11[%parallel_loop3A_1326, %parallel_loop3A_1327, %parallel_loop3A_1328] {strides = array<i32>} : memref<5x128x32xf32, #tpu.memory_space<vmem>>, vector<16xf32>,
        %parallel_loop3A_1330 = vector.broadcast %parallel_loop3A_1309 : f32 to vector<16xf32>
        %parallel_loop3A_1331 = arith.mulf %parallel_loop3A_1329, %parallel_loop3A_1330 : vector<16xf32>
        %parallel_loop3A_1332 = arith.constant 2 : i32
        %parallel_loop3A_1333 = arith.addi %parallel_loop3A_1241, %parallel_loop3A_1332 : i32
        %parallel_loop3A_1334 = arith.index_cast %rem3A_1162 : i32 to index
        %parallel_loop3A_1335 = arith.index_cast %parallel_loop3A_1333 : i32 to index
        %parallel_loop3A_1336 = arith.constant 16 : index
        %parallel_loop3A_1337 = tpu.vector_load %arg11[%parallel_loop3A_1334, %parallel_loop3A_1335, %parallel_loop3A_1336] {strides = array<i32>} : memref<5x128x32xf32, #tpu.memory_space<vmem>>, vector<16xf32>,
        tpu.vector_store %arg11[%parallel_loop3A_1334, %parallel_loop3A_1335, %parallel_loop3A_1336], %parallel_loop3A_1331 {strides = array<i32>} : memref<5x128x32xf32, #tpu.memory_space<vmem>>, vector<16xf32>,
        %parallel_loop3A_1338 = vector.extract_strided_slice %parallel_loop3A_1247 {offsets = [3], sizes = [1], strides = [1]} : vector<16xf32> to vector<1xf32>
        %parallel_loop3A_1339 = vector.extract %parallel_loop3A_1338[0] : f32 from vector<1xf32>
        %parallel_loop3A_1340 = arith.constant 3 : i32
        %parallel_loop3A_1341 = arith.addi %parallel_loop3A_1241, %parallel_loop3A_1340 : i32
        %parallel_loop3A_1342 = arith.index_cast %rem3A_1162 : i32 to index
        %parallel_loop3A_1343 = arith.index_cast %parallel_loop3A_1341 : i32 to index
        %parallel_loop3A_1344 = arith.constant 0 : index
        %parallel_loop3A_1345 = tpu.vector_load %arg11[%parallel_loop3A_1342, %parallel_loop3A_1343, %parallel_loop3A_1344] {strides = array<i32>} : memref<5x128x32xf32, #tpu.memory_space<vmem>>, vector<16xf32>,
        %parallel_loop3A_1346 = vector.broadcast %parallel_loop3A_1339 : f32 to vector<16xf32>
        %parallel_loop3A_1347 = arith.mulf %parallel_loop3A_1345, %parallel_loop3A_1346 : vector<16xf32>
        %parallel_loop3A_1348 = arith.constant 3 : i32
        %parallel_loop3A_1349 = arith.addi %parallel_loop3A_1241, %parallel_loop3A_1348 : i32
        %parallel_loop3A_1350 = arith.index_cast %rem3A_1162 : i32 to index
        %parallel_loop3A_1351 = arith.index_cast %parallel_loop3A_1349 : i32 to index
        %parallel_loop3A_1352 = arith.constant 0 : index
        %parallel_loop3A_1353 = tpu.vector_load %arg11[%parallel_loop3A_1350, %parallel_loop3A_1351, %parallel_loop3A_1352] {strides = array<i32>} : memref<5x128x32xf32, #tpu.memory_space<vmem>>, vector<16xf32>,
        tpu.vector_store %arg11[%parallel_loop3A_1350, %parallel_loop3A_1351, %parallel_loop3A_1352], %parallel_loop3A_1347 {strides = array<i32>} : memref<5x128x32xf32, #tpu.memory_space<vmem>>, vector<16xf32>,
        %parallel_loop3A_1354 = arith.constant 3 : i32
        %parallel_loop3A_1355 = arith.addi %parallel_loop3A_1241, %parallel_loop3A_1354 : i32
        %parallel_loop3A_1356 = arith.index_cast %rem3A_1162 : i32 to index
        %parallel_loop3A_1357 = arith.index_cast %parallel_loop3A_1355 : i32 to index
        %parallel_loop3A_1358 = arith.constant 16 : index
        %parallel_loop3A_1359 = tpu.vector_load %arg11[%parallel_loop3A_1356, %parallel_loop3A_1357, %parallel_loop3A_1358] {strides = array<i32>} : memref<5x128x32xf32, #tpu.memory_space<vmem>>, vector<16xf32>,
        %parallel_loop3A_1360 = vector.broadcast %parallel_loop3A_1339 : f32 to vector<16xf32>
        %parallel_loop3A_1361 = arith.mulf %parallel_loop3A_1359, %parallel_loop3A_1360 : vector<16xf32>
        %parallel_loop3A_1362 = arith.constant 3 : i32
        %parallel_loop3A_1363 = arith.addi %parallel_loop3A_1241, %parallel_loop3A_1362 : i32
        %parallel_loop3A_1364 = arith.index_cast %rem3A_1162 : i32 to index
        %parallel_loop3A_1365 = arith.index_cast %parallel_loop3A_1363 : i32 to index
        %parallel_loop3A_1366 = arith.constant 16 : index
        %parallel_loop3A_1367 = tpu.vector_load %arg11[%parallel_loop3A_1364, %parallel_loop3A_1365, %parallel_loop3A_1366] {strides = array<i32>} : memref<5x128x32xf32, #tpu.memory_space<vmem>>, vector<16xf32>,
        tpu.vector_store %arg11[%parallel_loop3A_1364, %parallel_loop3A_1365, %parallel_loop3A_1366], %parallel_loop3A_1361 {strides = array<i32>} : memref<5x128x32xf32, #tpu.memory_space<vmem>>, vector<16xf32>,
        %parallel_loop3A_1368 = vector.extract_strided_slice %parallel_loop3A_1247 {offsets = [4], sizes = [1], strides = [1]} : vector<16xf32> to vector<1xf32>
        %parallel_loop3A_1369 = vector.extract %parallel_loop3A_1368[0] : f32 from vector<1xf32>
        %parallel_loop3A_1370 = arith.constant 4 : i32
        %parallel_loop3A_1371 = arith.addi %parallel_loop3A_1241, %parallel_loop3A_1370 : i32
        %parallel_loop3A_1372 = arith.index_cast %rem3A_1162 : i32 to index
        %parallel_loop3A_1373 = arith.index_cast %parallel_loop3A_1371 : i32 to index
        %parallel_loop3A_1374 = arith.constant 0 : index
        %parallel_loop3A_1375 = tpu.vector_load %arg11[%parallel_loop3A_1372, %parallel_loop3A_1373, %parallel_loop3A_1374] {strides = array<i32>} : memref<5x128x32xf32, #tpu.memory_space<vmem>>, vector<16xf32>,
        %parallel_loop3A_1376 = vector.broadcast %parallel_loop3A_1369 : f32 to vector<16xf32>
        %parallel_loop3A_1377 = arith.mulf %parallel_loop3A_1375, %parallel_loop3A_1376 : vector<16xf32>
        %parallel_loop3A_1378 = arith.constant 4 : i32
        %parallel_loop3A_1379 = arith.addi %parallel_loop3A_1241, %parallel_loop3A_1378 : i32
        %parallel_loop3A_1380 = arith.index_cast %rem3A_1162 : i32 to index
        %parallel_loop3A_1381 = arith.index_cast %parallel_loop3A_1379 : i32 to index
        %parallel_loop3A_1382 = arith.constant 0 : index
        %parallel_loop3A_1383 = tpu.vector_load %arg11[%parallel_loop3A_1380, %parallel_loop3A_1381, %parallel_loop3A_1382] {strides = array<i32>} : memref<5x128x32xf32, #tpu.memory_space<vmem>>, vector<16xf32>,
        tpu.vector_store %arg11[%parallel_loop3A_1380, %parallel_loop3A_1381, %parallel_loop3A_1382], %parallel_loop3A_1377 {strides = array<i32>} : memref<5x128x32xf32, #tpu.memory_space<vmem>>, vector<16xf32>,
        %parallel_loop3A_1384 = arith.constant 4 : i32
        %parallel_loop3A_1385 = arith.addi %parallel_loop3A_1241, %parallel_loop3A_1384 : i32
        %parallel_loop3A_1386 = arith.index_cast %rem3A_1162 : i32 to index
        %parallel_loop3A_1387 = arith.index_cast %parallel_loop3A_1385 : i32 to index
        %parallel_loop3A_1388 = arith.constant 16 : index
        %parallel_loop3A_1389 = tpu.vector_load %arg11[%parallel_loop3A_1386, %parallel_loop3A_1387, %parallel_loop3A_1388] {strides = array<i32>} : memref<5x128x32xf32, #tpu.memory_space<vmem>>, vector<16xf32>,
        %parallel_loop3A_1390 = vector.broadcast %parallel_loop3A_1369 : f32 to vector<16xf32>
        %parallel_loop3A_1391 = arith.mulf %parallel_loop3A_1389, %parallel_loop3A_1390 : vector<16xf32>
        %parallel_loop3A_1392 = arith.constant 4 : i32
        %parallel_loop3A_1393 = arith.addi %parallel_loop3A_1241, %parallel_loop3A_1392 : i32
        %parallel_loop3A_1394 = arith.index_cast %rem3A_1162 : i32 to index
        %parallel_loop3A_1395 = arith.index_cast %parallel_loop3A_1393 : i32 to index
        %parallel_loop3A_1396 = arith.constant 16 : index
        %parallel_loop3A_1397 = tpu.vector_load %arg11[%parallel_loop3A_1394, %parallel_loop3A_1395, %parallel_loop3A_1396] {strides = array<i32>} : memref<5x128x32xf32, #tpu.memory_space<vmem>>, vector<16xf32>,
        tpu.vector_store %arg11[%parallel_loop3A_1394, %parallel_loop3A_1395, %parallel_loop3A_1396], %parallel_loop3A_1391 {strides = array<i32>} : memref<5x128x32xf32, #tpu.memory_space<vmem>>, vector<16xf32>,
        %parallel_loop3A_1398 = vector.extract_strided_slice %parallel_loop3A_1247 {offsets = [5], sizes = [1], strides = [1]} : vector<16xf32> to vector<1xf32>
        %parallel_loop3A_1399 = vector.extract %parallel_loop3A_1398[0] : f32 from vector<1xf32>
        %parallel_loop3A_1400 = arith.constant 5 : i32
        %parallel_loop3A_1401 = arith.addi %parallel_loop3A_1241, %parallel_loop3A_1400 : i32
        %parallel_loop3A_1402 = arith.index_cast %rem3A_1162 : i32 to index
        %parallel_loop3A_1403 = arith.index_cast %parallel_loop3A_1401 : i32 to index
        %parallel_loop3A_1404 = arith.constant 0 : index
        %parallel_loop3A_1405 = tpu.vector_load %arg11[%parallel_loop3A_1402, %parallel_loop3A_1403, %parallel_loop3A_1404] {strides = array<i32>} : memref<5x128x32xf32, #tpu.memory_space<vmem>>, vector<16xf32>,
        %parallel_loop3A_1406 = vector.broadcast %parallel_loop3A_1399 : f32 to vector<16xf32>
        %parallel_loop3A_1407 = arith.mulf %parallel_loop3A_1405, %parallel_loop3A_1406 : vector<16xf32>
        %parallel_loop3A_1408 = arith.constant 5 : i32
        %parallel_loop3A_1409 = arith.addi %parallel_loop3A_1241, %parallel_loop3A_1408 : i32
        %parallel_loop3A_1410 = arith.index_cast %rem3A_1162 : i32 to index
        %parallel_loop3A_1411 = arith.index_cast %parallel_loop3A_1409 : i32 to index
        %parallel_loop3A_1412 = arith.constant 0 : index
        %parallel_loop3A_1413 = tpu.vector_load %arg11[%parallel_loop3A_1410, %parallel_loop3A_1411, %parallel_loop3A_1412] {strides = array<i32>} : memref<5x128x32xf32, #tpu.memory_space<vmem>>, vector<16xf32>,
        tpu.vector_store %arg11[%parallel_loop3A_1410, %parallel_loop3A_1411, %parallel_loop3A_1412], %parallel_loop3A_1407 {strides = array<i32>} : memref<5x128x32xf32, #tpu.memory_space<vmem>>, vector<16xf32>,
        %parallel_loop3A_1414 = arith.constant 5 : i32
        %parallel_loop3A_1415 = arith.addi %parallel_loop3A_1241, %parallel_loop3A_1414 : i32
        %parallel_loop3A_1416 = arith.index_cast %rem3A_1162 : i32 to index
        %parallel_loop3A_1417 = arith.index_cast %parallel_loop3A_1415 : i32 to index
        %parallel_loop3A_1418 = arith.constant 16 : index
        %parallel_loop3A_1419 = tpu.vector_load %arg11[%parallel_loop3A_1416, %parallel_loop3A_1417, %parallel_loop3A_1418] {strides = array<i32>} : memref<5x128x32xf32, #tpu.memory_space<vmem>>, vector<16xf32>,
        %parallel_loop3A_1420 = vector.broadcast %parallel_loop3A_1399 : f32 to vector<16xf32>
        %parallel_loop3A_1421 = arith.mulf %parallel_loop3A_1419, %parallel_loop3A_1420 : vector<16xf32>
        %parallel_loop3A_1422 = arith.constant 5 : i32
        %parallel_loop3A_1423 = arith.addi %parallel_loop3A_1241, %parallel_loop3A_1422 : i32
        %parallel_loop3A_1424 = arith.index_cast %rem3A_1162 : i32 to index
        %parallel_loop3A_1425 = arith.index_cast %parallel_loop3A_1423 : i32 to index
        %parallel_loop3A_1426 = arith.constant 16 : index
        %parallel_loop3A_1427 = tpu.vector_load %arg11[%parallel_loop3A_1424, %parallel_loop3A_1425, %parallel_loop3A_1426] {strides = array<i32>} : memref<5x128x32xf32, #tpu.memory_space<vmem>>, vector<16xf32>,
        tpu.vector_store %arg11[%parallel_loop3A_1424, %parallel_loop3A_1425, %parallel_loop3A_1426], %parallel_loop3A_1421 {strides = array<i32>} : memref<5x128x32xf32, #tpu.memory_space<vmem>>, vector<16xf32>,
        %parallel_loop3A_1428 = vector.extract_strided_slice %parallel_loop3A_1247 {offsets = [6], sizes = [1], strides = [1]} : vector<16xf32> to vector<1xf32>
        %parallel_loop3A_1429 = vector.extract %parallel_loop3A_1428[0] : f32 from vector<1xf32>
        %parallel_loop3A_1430 = arith.constant 6 : i32
        %parallel_loop3A_1431 = arith.addi %parallel_loop3A_1241, %parallel_loop3A_1430 : i32
        %parallel_loop3A_1432 = arith.index_cast %rem3A_1162 : i32 to index
        %parallel_loop3A_1433 = arith.index_cast %parallel_loop3A_1431 : i32 to index
        %parallel_loop3A_1434 = arith.constant 0 : index
        %parallel_loop3A_1435 = tpu.vector_load %arg11[%parallel_loop3A_1432, %parallel_loop3A_1433, %parallel_loop3A_1434] {strides = array<i32>} : memref<5x128x32xf32, #tpu.memory_space<vmem>>, vector<16xf32>,
        %parallel_loop3A_1436 = vector.broadcast %parallel_loop3A_1429 : f32 to vector<16xf32>
        %parallel_loop3A_1437 = arith.mulf %parallel_loop3A_1435, %parallel_loop3A_1436 : vector<16xf32>
        %parallel_loop3A_1438 = arith.constant 6 : i32
        %parallel_loop3A_1439 = arith.addi %parallel_loop3A_1241, %parallel_loop3A_1438 : i32
        %parallel_loop3A_1440 = arith.index_cast %rem3A_1162 : i32 to index
        %parallel_loop3A_1441 = arith.index_cast %parallel_loop3A_1439 : i32 to index
        %parallel_loop3A_1442 = arith.constant 0 : index
        %parallel_loop3A_1443 = tpu.vector_load %arg11[%parallel_loop3A_1440, %parallel_loop3A_1441, %parallel_loop3A_1442] {strides = array<i32>} : memref<5x128x32xf32, #tpu.memory_space<vmem>>, vector<16xf32>,
        tpu.vector_store %arg11[%parallel_loop3A_1440, %parallel_loop3A_1441, %parallel_loop3A_1442], %parallel_loop3A_1437 {strides = array<i32>} : memref<5x128x32xf32, #tpu.memory_space<vmem>>, vector<16xf32>,
        %parallel_loop3A_1444 = arith.constant 6 : i32
        %parallel_loop3A_1445 = arith.addi %parallel_loop3A_1241, %parallel_loop3A_1444 : i32
        %parallel_loop3A_1446 = arith.index_cast %rem3A_1162 : i32 to index
        %parallel_loop3A_1447 = arith.index_cast %parallel_loop3A_1445 : i32 to index
        %parallel_loop3A_1448 = arith.constant 16 : index
        %parallel_loop3A_1449 = tpu.vector_load %arg11[%parallel_loop3A_1446, %parallel_loop3A_1447, %parallel_loop3A_1448] {strides = array<i32>} : memref<5x128x32xf32, #tpu.memory_space<vmem>>, vector<16xf32>,
        %parallel_loop3A_1450 = vector.broadcast %parallel_loop3A_1429 : f32 to vector<16xf32>
        %parallel_loop3A_1451 = arith.mulf %parallel_loop3A_1449, %parallel_loop3A_1450 : vector<16xf32>
        %parallel_loop3A_1452 = arith.constant 6 : i32
        %parallel_loop3A_1453 = arith.addi %parallel_loop3A_1241, %parallel_loop3A_1452 : i32
        %parallel_loop3A_1454 = arith.index_cast %rem3A_1162 : i32 to index
        %parallel_loop3A_1455 = arith.index_cast %parallel_loop3A_1453 : i32 to index
        %parallel_loop3A_1456 = arith.constant 16 : index
        %parallel_loop3A_1457 = tpu.vector_load %arg11[%parallel_loop3A_1454, %parallel_loop3A_1455, %parallel_loop3A_1456] {strides = array<i32>} : memref<5x128x32xf32, #tpu.memory_space<vmem>>, vector<16xf32>,
        tpu.vector_store %arg11[%parallel_loop3A_1454, %parallel_loop3A_1455, %parallel_loop3A_1456], %parallel_loop3A_1451 {strides = array<i32>} : memref<5x128x32xf32, #tpu.memory_space<vmem>>, vector<16xf32>,
        %parallel_loop3A_1458 = vector.extract_strided_slice %parallel_loop3A_1247 {offsets = [7], sizes = [1], strides = [1]} : vector<16xf32> to vector<1xf32>
        %parallel_loop3A_1459 = vector.extract %parallel_loop3A_1458[0] : f32 from vector<1xf32>
        %parallel_loop3A_1460 = arith.constant 7 : i32
        %parallel_loop3A_1461 = arith.addi %parallel_loop3A_1241, %parallel_loop3A_1460 : i32
        %parallel_loop3A_1462 = arith.index_cast %rem3A_1162 : i32 to index
        %parallel_loop3A_1463 = arith.index_cast %parallel_loop3A_1461 : i32 to index
        %parallel_loop3A_1464 = arith.constant 0 : index
        %parallel_loop3A_1465 = tpu.vector_load %arg11[%parallel_loop3A_1462, %parallel_loop3A_1463, %parallel_loop3A_1464] {strides = array<i32>} : memref<5x128x32xf32, #tpu.memory_space<vmem>>, vector<16xf32>,
        %parallel_loop3A_1466 = vector.broadcast %parallel_loop3A_1459 : f32 to vector<16xf32>
        %parallel_loop3A_1467 = arith.mulf %parallel_loop3A_1465, %parallel_loop3A_1466 : vector<16xf32>
        %parallel_loop3A_1468 = arith.constant 7 : i32
        %parallel_loop3A_1469 = arith.addi %parallel_loop3A_1241, %parallel_loop3A_1468 : i32
        %parallel_loop3A_1470 = arith.index_cast %rem3A_1162 : i32 to index
        %parallel_loop3A_1471 = arith.index_cast %parallel_loop3A_1469 : i32 to index
        %parallel_loop3A_1472 = arith.constant 0 : index
        %parallel_loop3A_1473 = tpu.vector_load %arg11[%parallel_loop3A_1470, %parallel_loop3A_1471, %parallel_loop3A_1472] {strides = array<i32>} : memref<5x128x32xf32, #tpu.memory_space<vmem>>, vector<16xf32>,
        tpu.vector_store %arg11[%parallel_loop3A_1470, %parallel_loop3A_1471, %parallel_loop3A_1472], %parallel_loop3A_1467 {strides = array<i32>} : memref<5x128x32xf32, #tpu.memory_space<vmem>>, vector<16xf32>,
        %parallel_loop3A_1474 = arith.constant 7 : i32
        %parallel_loop3A_1475 = arith.addi %parallel_loop3A_1241, %parallel_loop3A_1474 : i32
        %parallel_loop3A_1476 = arith.index_cast %rem3A_1162 : i32 to index
        %parallel_loop3A_1477 = arith.index_cast %parallel_loop3A_1475 : i32 to index
        %parallel_loop3A_1478 = arith.constant 16 : index
        %parallel_loop3A_1479 = tpu.vector_load %arg11[%parallel_loop3A_1476, %parallel_loop3A_1477, %parallel_loop3A_1478] {strides = array<i32>} : memref<5x128x32xf32, #tpu.memory_space<vmem>>, vector<16xf32>,
        %parallel_loop3A_1480 = vector.broadcast %parallel_loop3A_1459 : f32 to vector<16xf32>
        %parallel_loop3A_1481 = arith.mulf %parallel_loop3A_1479, %parallel_loop3A_1480 : vector<16xf32>
        %parallel_loop3A_1482 = arith.constant 7 : i32
        %parallel_loop3A_1483 = arith.addi %parallel_loop3A_1241, %parallel_loop3A_1482 : i32
        %parallel_loop3A_1484 = arith.index_cast %rem3A_1162 : i32 to index
        %parallel_loop3A_1485 = arith.index_cast %parallel_loop3A_1483 : i32 to index
        %parallel_loop3A_1486 = arith.constant 16 : index
        %parallel_loop3A_1487 = tpu.vector_load %arg11[%parallel_loop3A_1484, %parallel_loop3A_1485, %parallel_loop3A_1486] {strides = array<i32>} : memref<5x128x32xf32, #tpu.memory_space<vmem>>, vector<16xf32>,
        tpu.vector_store %arg11[%parallel_loop3A_1484, %parallel_loop3A_1485, %parallel_loop3A_1486], %parallel_loop3A_1481 {strides = array<i32>} : memref<5x128x32xf32, #tpu.memory_space<vmem>>, vector<16xf32>,
        %parallel_loop3A_1488 = vector.extract_strided_slice %parallel_loop3A_1247 {offsets = [8], sizes = [1], strides = [1]} : vector<16xf32> to vector<1xf32>
        %parallel_loop3A_1489 = vector.extract %parallel_loop3A_1488[0] : f32 from vector<1xf32>
        %parallel_loop3A_1490 = arith.constant 8 : i32
        %parallel_loop3A_1491 = arith.addi %parallel_loop3A_1241, %parallel_loop3A_1490 : i32
        %parallel_loop3A_1492 = arith.index_cast %rem3A_1162 : i32 to index
        %parallel_loop3A_1493 = arith.index_cast %parallel_loop3A_1491 : i32 to index
        %parallel_loop3A_1494 = arith.constant 0 : index
        %parallel_loop3A_1495 = tpu.vector_load %arg11[%parallel_loop3A_1492, %parallel_loop3A_1493, %parallel_loop3A_1494] {strides = array<i32>} : memref<5x128x32xf32, #tpu.memory_space<vmem>>, vector<16xf32>,
        %parallel_loop3A_1496 = vector.broadcast %parallel_loop3A_1489 : f32 to vector<16xf32>
        %parallel_loop3A_1497 = arith.mulf %parallel_loop3A_1495, %parallel_loop3A_1496 : vector<16xf32>
        %parallel_loop3A_1498 = arith.constant 8 : i32
        %parallel_loop3A_1499 = arith.addi %parallel_loop3A_1241, %parallel_loop3A_1498 : i32
        %parallel_loop3A_1500 = arith.index_cast %rem3A_1162 : i32 to index
        %parallel_loop3A_1501 = arith.index_cast %parallel_loop3A_1499 : i32 to index
        %parallel_loop3A_1502 = arith.constant 0 : index
        %parallel_loop3A_1503 = tpu.vector_load %arg11[%parallel_loop3A_1500, %parallel_loop3A_1501, %parallel_loop3A_1502] {strides = array<i32>} : memref<5x128x32xf32, #tpu.memory_space<vmem>>, vector<16xf32>,
        tpu.vector_store %arg11[%parallel_loop3A_1500, %parallel_loop3A_1501, %parallel_loop3A_1502], %parallel_loop3A_1497 {strides = array<i32>} : memref<5x128x32xf32, #tpu.memory_space<vmem>>, vector<16xf32>,
        %parallel_loop3A_1504 = arith.constant 8 : i32
        %parallel_loop3A_1505 = arith.addi %parallel_loop3A_1241, %parallel_loop3A_1504 : i32
        %parallel_loop3A_1506 = arith.index_cast %rem3A_1162 : i32 to index
        %parallel_loop3A_1507 = arith.index_cast %parallel_loop3A_1505 : i32 to index
        %parallel_loop3A_1508 = arith.constant 16 : index
        %parallel_loop3A_1509 = tpu.vector_load %arg11[%parallel_loop3A_1506, %parallel_loop3A_1507, %parallel_loop3A_1508] {strides = array<i32>} : memref<5x128x32xf32, #tpu.memory_space<vmem>>, vector<16xf32>,
        %parallel_loop3A_1510 = vector.broadcast %parallel_loop3A_1489 : f32 to vector<16xf32>
        %parallel_loop3A_1511 = arith.mulf %parallel_loop3A_1509, %parallel_loop3A_1510 : vector<16xf32>
        %parallel_loop3A_1512 = arith.constant 8 : i32
        %parallel_loop3A_1513 = arith.addi %parallel_loop3A_1241, %parallel_loop3A_1512 : i32
        %parallel_loop3A_1514 = arith.index_cast %rem3A_1162 : i32 to index
        %parallel_loop3A_1515 = arith.index_cast %parallel_loop3A_1513 : i32 to index
        %parallel_loop3A_1516 = arith.constant 16 : index
        %parallel_loop3A_1517 = tpu.vector_load %arg11[%parallel_loop3A_1514, %parallel_loop3A_1515, %parallel_loop3A_1516] {strides = array<i32>} : memref<5x128x32xf32, #tpu.memory_space<vmem>>, vector<16xf32>,
        tpu.vector_store %arg11[%parallel_loop3A_1514, %parallel_loop3A_1515, %parallel_loop3A_1516], %parallel_loop3A_1511 {strides = array<i32>} : memref<5x128x32xf32, #tpu.memory_space<vmem>>, vector<16xf32>,
        %parallel_loop3A_1518 = vector.extract_strided_slice %parallel_loop3A_1247 {offsets = [9], sizes = [1], strides = [1]} : vector<16xf32> to vector<1xf32>
        %parallel_loop3A_1519 = vector.extract %parallel_loop3A_1518[0] : f32 from vector<1xf32>
        %parallel_loop3A_1520 = arith.constant 9 : i32
        %parallel_loop3A_1521 = arith.addi %parallel_loop3A_1241, %parallel_loop3A_1520 : i32
        %parallel_loop3A_1522 = arith.index_cast %rem3A_1162 : i32 to index
        %parallel_loop3A_1523 = arith.index_cast %parallel_loop3A_1521 : i32 to index
        %parallel_loop3A_1524 = arith.constant 0 : index
        %parallel_loop3A_1525 = tpu.vector_load %arg11[%parallel_loop3A_1522, %parallel_loop3A_1523, %parallel_loop3A_1524] {strides = array<i32>} : memref<5x128x32xf32, #tpu.memory_space<vmem>>, vector<16xf32>,
        %parallel_loop3A_1526 = vector.broadcast %parallel_loop3A_1519 : f32 to vector<16xf32>
        %parallel_loop3A_1527 = arith.mulf %parallel_loop3A_1525, %parallel_loop3A_1526 : vector<16xf32>
        %parallel_loop3A_1528 = arith.constant 9 : i32
        %parallel_loop3A_1529 = arith.addi %parallel_loop3A_1241, %parallel_loop3A_1528 : i32
        %parallel_loop3A_1530 = arith.index_cast %rem3A_1162 : i32 to index
        %parallel_loop3A_1531 = arith.index_cast %parallel_loop3A_1529 : i32 to index
        %parallel_loop3A_1532 = arith.constant 0 : index
        %parallel_loop3A_1533 = tpu.vector_load %arg11[%parallel_loop3A_1530, %parallel_loop3A_1531, %parallel_loop3A_1532] {strides = array<i32>} : memref<5x128x32xf32, #tpu.memory_space<vmem>>, vector<16xf32>,
        tpu.vector_store %arg11[%parallel_loop3A_1530, %parallel_loop3A_1531, %parallel_loop3A_1532], %parallel_loop3A_1527 {strides = array<i32>} : memref<5x128x32xf32, #tpu.memory_space<vmem>>, vector<16xf32>,
        %parallel_loop3A_1534 = arith.constant 9 : i32
        %parallel_loop3A_1535 = arith.addi %parallel_loop3A_1241, %parallel_loop3A_1534 : i32
        %parallel_loop3A_1536 = arith.index_cast %rem3A_1162 : i32 to index
        %parallel_loop3A_1537 = arith.index_cast %parallel_loop3A_1535 : i32 to index
        %parallel_loop3A_1538 = arith.constant 16 : index
        %parallel_loop3A_1539 = tpu.vector_load %arg11[%parallel_loop3A_1536, %parallel_loop3A_1537, %parallel_loop3A_1538] {strides = array<i32>} : memref<5x128x32xf32, #tpu.memory_space<vmem>>, vector<16xf32>,
        %parallel_loop3A_1540 = vector.broadcast %parallel_loop3A_1519 : f32 to vector<16xf32>
        %parallel_loop3A_1541 = arith.mulf %parallel_loop3A_1539, %parallel_loop3A_1540 : vector<16xf32>
        %parallel_loop3A_1542 = arith.constant 9 : i32
        %parallel_loop3A_1543 = arith.addi %parallel_loop3A_1241, %parallel_loop3A_1542 : i32
        %parallel_loop3A_1544 = arith.index_cast %rem3A_1162 : i32 to index
        %parallel_loop3A_1545 = arith.index_cast %parallel_loop3A_1543 : i32 to index
        %parallel_loop3A_1546 = arith.constant 16 : index
        %parallel_loop3A_1547 = tpu.vector_load %arg11[%parallel_loop3A_1544, %parallel_loop3A_1545, %parallel_loop3A_1546] {strides = array<i32>} : memref<5x128x32xf32, #tpu.memory_space<vmem>>, vector<16xf32>,
        tpu.vector_store %arg11[%parallel_loop3A_1544, %parallel_loop3A_1545, %parallel_loop3A_1546], %parallel_loop3A_1541 {strides = array<i32>} : memref<5x128x32xf32, #tpu.memory_space<vmem>>, vector<16xf32>,
        %parallel_loop3A_1548 = vector.extract_strided_slice %parallel_loop3A_1247 {offsets = [10], sizes = [1], strides = [1]} : vector<16xf32> to vector<1xf32>
        %parallel_loop3A_1549 = vector.extract %parallel_loop3A_1548[0] : f32 from vector<1xf32>
        %parallel_loop3A_1550 = arith.constant 10 : i32
        %parallel_loop3A_1551 = arith.addi %parallel_loop3A_1241, %parallel_loop3A_1550 : i32
        %parallel_loop3A_1552 = arith.index_cast %rem3A_1162 : i32 to index
        %parallel_loop3A_1553 = arith.index_cast %parallel_loop3A_1551 : i32 to index
        %parallel_loop3A_1554 = arith.constant 0 : index
        %parallel_loop3A_1555 = tpu.vector_load %arg11[%parallel_loop3A_1552, %parallel_loop3A_1553, %parallel_loop3A_1554] {strides = array<i32>} : memref<5x128x32xf32, #tpu.memory_space<vmem>>, vector<16xf32>,
        %parallel_loop3A_1556 = vector.broadcast %parallel_loop3A_1549 : f32 to vector<16xf32>
        %parallel_loop3A_1557 = arith.mulf %parallel_loop3A_1555, %parallel_loop3A_1556 : vector<16xf32>
        %parallel_loop3A_1558 = arith.constant 10 : i32
        %parallel_loop3A_1559 = arith.addi %parallel_loop3A_1241, %parallel_loop3A_1558 : i32
        %parallel_loop3A_1560 = arith.index_cast %rem3A_1162 : i32 to index
        %parallel_loop3A_1561 = arith.index_cast %parallel_loop3A_1559 : i32 to index
        %parallel_loop3A_1562 = arith.constant 0 : index
        %parallel_loop3A_1563 = tpu.vector_load %arg11[%parallel_loop3A_1560, %parallel_loop3A_1561, %parallel_loop3A_1562] {strides = array<i32>} : memref<5x128x32xf32, #tpu.memory_space<vmem>>, vector<16xf32>,
        tpu.vector_store %arg11[%parallel_loop3A_1560, %parallel_loop3A_1561, %parallel_loop3A_1562], %parallel_loop3A_1557 {strides = array<i32>} : memref<5x128x32xf32, #tpu.memory_space<vmem>>, vector<16xf32>,
        %parallel_loop3A_1564 = arith.constant 10 : i32
        %parallel_loop3A_1565 = arith.addi %parallel_loop3A_1241, %parallel_loop3A_1564 : i32
        %parallel_loop3A_1566 = arith.index_cast %rem3A_1162 : i32 to index
        %parallel_loop3A_1567 = arith.index_cast %parallel_loop3A_1565 : i32 to index
        %parallel_loop3A_1568 = arith.constant 16 : index
        %parallel_loop3A_1569 = tpu.vector_load %arg11[%parallel_loop3A_1566, %parallel_loop3A_1567, %parallel_loop3A_1568] {strides = array<i32>} : memref<5x128x32xf32, #tpu.memory_space<vmem>>, vector<16xf32>,
        %parallel_loop3A_1570 = vector.broadcast %parallel_loop3A_1549 : f32 to vector<16xf32>
        %parallel_loop3A_1571 = arith.mulf %parallel_loop3A_1569, %parallel_loop3A_1570 : vector<16xf32>
        %parallel_loop3A_1572 = arith.constant 10 : i32
        %parallel_loop3A_1573 = arith.addi %parallel_loop3A_1241, %parallel_loop3A_1572 : i32
        %parallel_loop3A_1574 = arith.index_cast %rem3A_1162 : i32 to index
        %parallel_loop3A_1575 = arith.index_cast %parallel_loop3A_1573 : i32 to index
        %parallel_loop3A_1576 = arith.constant 16 : index
        %parallel_loop3A_1577 = tpu.vector_load %arg11[%parallel_loop3A_1574, %parallel_loop3A_1575, %parallel_loop3A_1576] {strides = array<i32>} : memref<5x128x32xf32, #tpu.memory_space<vmem>>, vector<16xf32>,
        tpu.vector_store %arg11[%parallel_loop3A_1574, %parallel_loop3A_1575, %parallel_loop3A_1576], %parallel_loop3A_1571 {strides = array<i32>} : memref<5x128x32xf32, #tpu.memory_space<vmem>>, vector<16xf32>,
        %parallel_loop3A_1578 = vector.extract_strided_slice %parallel_loop3A_1247 {offsets = [11], sizes = [1], strides = [1]} : vector<16xf32> to vector<1xf32>
        %parallel_loop3A_1579 = vector.extract %parallel_loop3A_1578[0] : f32 from vector<1xf32>
        %parallel_loop3A_1580 = arith.constant 11 : i32
        %parallel_loop3A_1581 = arith.addi %parallel_loop3A_1241, %parallel_loop3A_1580 : i32
        %parallel_loop3A_1582 = arith.index_cast %rem3A_1162 : i32 to index
        %parallel_loop3A_1583 = arith.index_cast %parallel_loop3A_1581 : i32 to index
        %parallel_loop3A_1584 = arith.constant 0 : index
        %parallel_loop3A_1585 = tpu.vector_load %arg11[%parallel_loop3A_1582, %parallel_loop3A_1583, %parallel_loop3A_1584] {strides = array<i32>} : memref<5x128x32xf32, #tpu.memory_space<vmem>>, vector<16xf32>,
        %parallel_loop3A_1586 = vector.broadcast %parallel_loop3A_1579 : f32 to vector<16xf32>
        %parallel_loop3A_1587 = arith.mulf %parallel_loop3A_1585, %parallel_loop3A_1586 : vector<16xf32>
        %parallel_loop3A_1588 = arith.constant 11 : i32
        %parallel_loop3A_1589 = arith.addi %parallel_loop3A_1241, %parallel_loop3A_1588 : i32
        %parallel_loop3A_1590 = arith.index_cast %rem3A_1162 : i32 to index
        %parallel_loop3A_1591 = arith.index_cast %parallel_loop3A_1589 : i32 to index
        %parallel_loop3A_1592 = arith.constant 0 : index
        %parallel_loop3A_1593 = tpu.vector_load %arg11[%parallel_loop3A_1590, %parallel_loop3A_1591, %parallel_loop3A_1592] {strides = array<i32>} : memref<5x128x32xf32, #tpu.memory_space<vmem>>, vector<16xf32>,
        tpu.vector_store %arg11[%parallel_loop3A_1590, %parallel_loop3A_1591, %parallel_loop3A_1592], %parallel_loop3A_1587 {strides = array<i32>} : memref<5x128x32xf32, #tpu.memory_space<vmem>>, vector<16xf32>,
        %parallel_loop3A_1594 = arith.constant 11 : i32
        %parallel_loop3A_1595 = arith.addi %parallel_loop3A_1241, %parallel_loop3A_1594 : i32
        %parallel_loop3A_1596 = arith.index_cast %rem3A_1162 : i32 to index
        %parallel_loop3A_1597 = arith.index_cast %parallel_loop3A_1595 : i32 to index
        %parallel_loop3A_1598 = arith.constant 16 : index
        %parallel_loop3A_1599 = tpu.vector_load %arg11[%parallel_loop3A_1596, %parallel_loop3A_1597, %parallel_loop3A_1598] {strides = array<i32>} : memref<5x128x32xf32, #tpu.memory_space<vmem>>, vector<16xf32>,
        %parallel_loop3A_1600 = vector.broadcast %parallel_loop3A_1579 : f32 to vector<16xf32>
        %parallel_loop3A_1601 = arith.mulf %parallel_loop3A_1599, %parallel_loop3A_1600 : vector<16xf32>
        %parallel_loop3A_1602 = arith.constant 11 : i32
        %parallel_loop3A_1603 = arith.addi %parallel_loop3A_1241, %parallel_loop3A_1602 : i32
        %parallel_loop3A_1604 = arith.index_cast %rem3A_1162 : i32 to index
        %parallel_loop3A_1605 = arith.index_cast %parallel_loop3A_1603 : i32 to index
        %parallel_loop3A_1606 = arith.constant 16 : index
        %parallel_loop3A_1607 = tpu.vector_load %arg11[%parallel_loop3A_1604, %parallel_loop3A_1605, %parallel_loop3A_1606] {strides = array<i32>} : memref<5x128x32xf32, #tpu.memory_space<vmem>>, vector<16xf32>,
        tpu.vector_store %arg11[%parallel_loop3A_1604, %parallel_loop3A_1605, %parallel_loop3A_1606], %parallel_loop3A_1601 {strides = array<i32>} : memref<5x128x32xf32, #tpu.memory_space<vmem>>, vector<16xf32>,
        %parallel_loop3A_1608 = vector.extract_strided_slice %parallel_loop3A_1247 {offsets = [12], sizes = [1], strides = [1]} : vector<16xf32> to vector<1xf32>
        %parallel_loop3A_1609 = vector.extract %parallel_loop3A_1608[0] : f32 from vector<1xf32>
        %parallel_loop3A_1610 = arith.constant 12 : i32
        %parallel_loop3A_1611 = arith.addi %parallel_loop3A_1241, %parallel_loop3A_1610 : i32
        %parallel_loop3A_1612 = arith.index_cast %rem3A_1162 : i32 to index
        %parallel_loop3A_1613 = arith.index_cast %parallel_loop3A_1611 : i32 to index
        %parallel_loop3A_1614 = arith.constant 0 : index
        %parallel_loop3A_1615 = tpu.vector_load %arg11[%parallel_loop3A_1612, %parallel_loop3A_1613, %parallel_loop3A_1614] {strides = array<i32>} : memref<5x128x32xf32, #tpu.memory_space<vmem>>, vector<16xf32>,
        %parallel_loop3A_1616 = vector.broadcast %parallel_loop3A_1609 : f32 to vector<16xf32>
        %parallel_loop3A_1617 = arith.mulf %parallel_loop3A_1615, %parallel_loop3A_1616 : vector<16xf32>
        %parallel_loop3A_1618 = arith.constant 12 : i32
        %parallel_loop3A_1619 = arith.addi %parallel_loop3A_1241, %parallel_loop3A_1618 : i32
        %parallel_loop3A_1620 = arith.index_cast %rem3A_1162 : i32 to index
        %parallel_loop3A_1621 = arith.index_cast %parallel_loop3A_1619 : i32 to index
        %parallel_loop3A_1622 = arith.constant 0 : index
        %parallel_loop3A_1623 = tpu.vector_load %arg11[%parallel_loop3A_1620, %parallel_loop3A_1621, %parallel_loop3A_1622] {strides = array<i32>} : memref<5x128x32xf32, #tpu.memory_space<vmem>>, vector<16xf32>,
        tpu.vector_store %arg11[%parallel_loop3A_1620, %parallel_loop3A_1621, %parallel_loop3A_1622], %parallel_loop3A_1617 {strides = array<i32>} : memref<5x128x32xf32, #tpu.memory_space<vmem>>, vector<16xf32>,
        %parallel_loop3A_1624 = arith.constant 12 : i32
        %parallel_loop3A_1625 = arith.addi %parallel_loop3A_1241, %parallel_loop3A_1624 : i32
        %parallel_loop3A_1626 = arith.index_cast %rem3A_1162 : i32 to index
        %parallel_loop3A_1627 = arith.index_cast %parallel_loop3A_1625 : i32 to index
        %parallel_loop3A_1628 = arith.constant 16 : index
        %parallel_loop3A_1629 = tpu.vector_load %arg11[%parallel_loop3A_1626, %parallel_loop3A_1627, %parallel_loop3A_1628] {strides = array<i32>} : memref<5x128x32xf32, #tpu.memory_space<vmem>>, vector<16xf32>,
        %parallel_loop3A_1630 = vector.broadcast %parallel_loop3A_1609 : f32 to vector<16xf32>
        %parallel_loop3A_1631 = arith.mulf %parallel_loop3A_1629, %parallel_loop3A_1630 : vector<16xf32>
        %parallel_loop3A_1632 = arith.constant 12 : i32
        %parallel_loop3A_1633 = arith.addi %parallel_loop3A_1241, %parallel_loop3A_1632 : i32
        %parallel_loop3A_1634 = arith.index_cast %rem3A_1162 : i32 to index
        %parallel_loop3A_1635 = arith.index_cast %parallel_loop3A_1633 : i32 to index
        %parallel_loop3A_1636 = arith.constant 16 : index
        %parallel_loop3A_1637 = tpu.vector_load %arg11[%parallel_loop3A_1634, %parallel_loop3A_1635, %parallel_loop3A_1636] {strides = array<i32>} : memref<5x128x32xf32, #tpu.memory_space<vmem>>, vector<16xf32>,
        tpu.vector_store %arg11[%parallel_loop3A_1634, %parallel_loop3A_1635, %parallel_loop3A_1636], %parallel_loop3A_1631 {strides = array<i32>} : memref<5x128x32xf32, #tpu.memory_space<vmem>>, vector<16xf32>,
        %parallel_loop3A_1638 = vector.extract_strided_slice %parallel_loop3A_1247 {offsets = [13], sizes = [1], strides = [1]} : vector<16xf32> to vector<1xf32>
        %parallel_loop3A_1639 = vector.extract %parallel_loop3A_1638[0] : f32 from vector<1xf32>
        %parallel_loop3A_1640 = arith.constant 13 : i32
        %parallel_loop3A_1641 = arith.addi %parallel_loop3A_1241, %parallel_loop3A_1640 : i32
        %parallel_loop3A_1642 = arith.index_cast %rem3A_1162 : i32 to index
        %parallel_loop3A_1643 = arith.index_cast %parallel_loop3A_1641 : i32 to index
        %parallel_loop3A_1644 = arith.constant 0 : index
        %parallel_loop3A_1645 = tpu.vector_load %arg11[%parallel_loop3A_1642, %parallel_loop3A_1643, %parallel_loop3A_1644] {strides = array<i32>} : memref<5x128x32xf32, #tpu.memory_space<vmem>>, vector<16xf32>,
        %parallel_loop3A_1646 = vector.broadcast %parallel_loop3A_1639 : f32 to vector<16xf32>
        %parallel_loop3A_1647 = arith.mulf %parallel_loop3A_1645, %parallel_loop3A_1646 : vector<16xf32>
        %parallel_loop3A_1648 = arith.constant 13 : i32
        %parallel_loop3A_1649 = arith.addi %parallel_loop3A_1241, %parallel_loop3A_1648 : i32
        %parallel_loop3A_1650 = arith.index_cast %rem3A_1162 : i32 to index
        %parallel_loop3A_1651 = arith.index_cast %parallel_loop3A_1649 : i32 to index
        %parallel_loop3A_1652 = arith.constant 0 : index
        %parallel_loop3A_1653 = tpu.vector_load %arg11[%parallel_loop3A_1650, %parallel_loop3A_1651, %parallel_loop3A_1652] {strides = array<i32>} : memref<5x128x32xf32, #tpu.memory_space<vmem>>, vector<16xf32>,
        tpu.vector_store %arg11[%parallel_loop3A_1650, %parallel_loop3A_1651, %parallel_loop3A_1652], %parallel_loop3A_1647 {strides = array<i32>} : memref<5x128x32xf32, #tpu.memory_space<vmem>>, vector<16xf32>,
        %parallel_loop3A_1654 = arith.constant 13 : i32
        %parallel_loop3A_1655 = arith.addi %parallel_loop3A_1241, %parallel_loop3A_1654 : i32
        %parallel_loop3A_1656 = arith.index_cast %rem3A_1162 : i32 to index
        %parallel_loop3A_1657 = arith.index_cast %parallel_loop3A_1655 : i32 to index
        %parallel_loop3A_1658 = arith.constant 16 : index
        %parallel_loop3A_1659 = tpu.vector_load %arg11[%parallel_loop3A_1656, %parallel_loop3A_1657, %parallel_loop3A_1658] {strides = array<i32>} : memref<5x128x32xf32, #tpu.memory_space<vmem>>, vector<16xf32>,
        %parallel_loop3A_1660 = vector.broadcast %parallel_loop3A_1639 : f32 to vector<16xf32>
        %parallel_loop3A_1661 = arith.mulf %parallel_loop3A_1659, %parallel_loop3A_1660 : vector<16xf32>
        %parallel_loop3A_1662 = arith.constant 13 : i32
        %parallel_loop3A_1663 = arith.addi %parallel_loop3A_1241, %parallel_loop3A_1662 : i32
        %parallel_loop3A_1664 = arith.index_cast %rem3A_1162 : i32 to index
        %parallel_loop3A_1665 = arith.index_cast %parallel_loop3A_1663 : i32 to index
        %parallel_loop3A_1666 = arith.constant 16 : index
        %parallel_loop3A_1667 = tpu.vector_load %arg11[%parallel_loop3A_1664, %parallel_loop3A_1665, %parallel_loop3A_1666] {strides = array<i32>} : memref<5x128x32xf32, #tpu.memory_space<vmem>>, vector<16xf32>,
        tpu.vector_store %arg11[%parallel_loop3A_1664, %parallel_loop3A_1665, %parallel_loop3A_1666], %parallel_loop3A_1661 {strides = array<i32>} : memref<5x128x32xf32, #tpu.memory_space<vmem>>, vector<16xf32>,
        %parallel_loop3A_1668 = vector.extract_strided_slice %parallel_loop3A_1247 {offsets = [14], sizes = [1], strides = [1]} : vector<16xf32> to vector<1xf32>
        %parallel_loop3A_1669 = vector.extract %parallel_loop3A_1668[0] : f32 from vector<1xf32>
        %parallel_loop3A_1670 = arith.constant 14 : i32
        %parallel_loop3A_1671 = arith.addi %parallel_loop3A_1241, %parallel_loop3A_1670 : i32
        %parallel_loop3A_1672 = arith.index_cast %rem3A_1162 : i32 to index
        %parallel_loop3A_1673 = arith.index_cast %parallel_loop3A_1671 : i32 to index
        %parallel_loop3A_1674 = arith.constant 0 : index
        %parallel_loop3A_1675 = tpu.vector_load %arg11[%parallel_loop3A_1672, %parallel_loop3A_1673, %parallel_loop3A_1674] {strides = array<i32>} : memref<5x128x32xf32, #tpu.memory_space<vmem>>, vector<16xf32>,
        %parallel_loop3A_1676 = vector.broadcast %parallel_loop3A_1669 : f32 to vector<16xf32>
        %parallel_loop3A_1677 = arith.mulf %parallel_loop3A_1675, %parallel_loop3A_1676 : vector<16xf32>
        %parallel_loop3A_1678 = arith.constant 14 : i32
        %parallel_loop3A_1679 = arith.addi %parallel_loop3A_1241, %parallel_loop3A_1678 : i32
        %parallel_loop3A_1680 = arith.index_cast %rem3A_1162 : i32 to index
        %parallel_loop3A_1681 = arith.index_cast %parallel_loop3A_1679 : i32 to index
        %parallel_loop3A_1682 = arith.constant 0 : index
        %parallel_loop3A_1683 = tpu.vector_load %arg11[%parallel_loop3A_1680, %parallel_loop3A_1681, %parallel_loop3A_1682] {strides = array<i32>} : memref<5x128x32xf32, #tpu.memory_space<vmem>>, vector<16xf32>,
        tpu.vector_store %arg11[%parallel_loop3A_1680, %parallel_loop3A_1681, %parallel_loop3A_1682], %parallel_loop3A_1677 {strides = array<i32>} : memref<5x128x32xf32, #tpu.memory_space<vmem>>, vector<16xf32>,
        %parallel_loop3A_1684 = arith.constant 14 : i32
        %parallel_loop3A_1685 = arith.addi %parallel_loop3A_1241, %parallel_loop3A_1684 : i32
        %parallel_loop3A_1686 = arith.index_cast %rem3A_1162 : i32 to index
        %parallel_loop3A_1687 = arith.index_cast %parallel_loop3A_1685 : i32 to index
        %parallel_loop3A_1688 = arith.constant 16 : index
        %parallel_loop3A_1689 = tpu.vector_load %arg11[%parallel_loop3A_1686, %parallel_loop3A_1687, %parallel_loop3A_1688] {strides = array<i32>} : memref<5x128x32xf32, #tpu.memory_space<vmem>>, vector<16xf32>,
        %parallel_loop3A_1690 = vector.broadcast %parallel_loop3A_1669 : f32 to vector<16xf32>
        %parallel_loop3A_1691 = arith.mulf %parallel_loop3A_1689, %parallel_loop3A_1690 : vector<16xf32>
        %parallel_loop3A_1692 = arith.constant 14 : i32
        %parallel_loop3A_1693 = arith.addi %parallel_loop3A_1241, %parallel_loop3A_1692 : i32
        %parallel_loop3A_1694 = arith.index_cast %rem3A_1162 : i32 to index
        %parallel_loop3A_1695 = arith.index_cast %parallel_loop3A_1693 : i32 to index
        %parallel_loop3A_1696 = arith.constant 16 : index
        %parallel_loop3A_1697 = tpu.vector_load %arg11[%parallel_loop3A_1694, %parallel_loop3A_1695, %parallel_loop3A_1696] {strides = array<i32>} : memref<5x128x32xf32, #tpu.memory_space<vmem>>, vector<16xf32>,
        tpu.vector_store %arg11[%parallel_loop3A_1694, %parallel_loop3A_1695, %parallel_loop3A_1696], %parallel_loop3A_1691 {strides = array<i32>} : memref<5x128x32xf32, #tpu.memory_space<vmem>>, vector<16xf32>,
        %parallel_loop3A_1698 = vector.extract_strided_slice %parallel_loop3A_1247 {offsets = [15], sizes = [1], strides = [1]} : vector<16xf32> to vector<1xf32>
        %parallel_loop3A_1699 = vector.extract %parallel_loop3A_1698[0] : f32 from vector<1xf32>
        %parallel_loop3A_1700 = arith.constant 15 : i32
        %parallel_loop3A_1701 = arith.addi %parallel_loop3A_1241, %parallel_loop3A_1700 : i32
        %parallel_loop3A_1702 = arith.index_cast %rem3A_1162 : i32 to index
        %parallel_loop3A_1703 = arith.index_cast %parallel_loop3A_1701 : i32 to index
        %parallel_loop3A_1704 = arith.constant 0 : index
        %parallel_loop3A_1705 = tpu.vector_load %arg11[%parallel_loop3A_1702, %parallel_loop3A_1703, %parallel_loop3A_1704] {strides = array<i32>} : memref<5x128x32xf32, #tpu.memory_space<vmem>>, vector<16xf32>,
        %parallel_loop3A_1706 = vector.broadcast %parallel_loop3A_1699 : f32 to vector<16xf32>
        %parallel_loop3A_1707 = arith.mulf %parallel_loop3A_1705, %parallel_loop3A_1706 : vector<16xf32>
        %parallel_loop3A_1708 = arith.constant 15 : i32
        %parallel_loop3A_1709 = arith.addi %parallel_loop3A_1241, %parallel_loop3A_1708 : i32
        %parallel_loop3A_1710 = arith.index_cast %rem3A_1162 : i32 to index
        %parallel_loop3A_1711 = arith.index_cast %parallel_loop3A_1709 : i32 to index
        %parallel_loop3A_1712 = arith.constant 0 : index
        %parallel_loop3A_1713 = tpu.vector_load %arg11[%parallel_loop3A_1710, %parallel_loop3A_1711, %parallel_loop3A_1712] {strides = array<i32>} : memref<5x128x32xf32, #tpu.memory_space<vmem>>, vector<16xf32>,
        tpu.vector_store %arg11[%parallel_loop3A_1710, %parallel_loop3A_1711, %parallel_loop3A_1712], %parallel_loop3A_1707 {strides = array<i32>} : memref<5x128x32xf32, #tpu.memory_space<vmem>>, vector<16xf32>,
        %parallel_loop3A_1714 = arith.constant 15 : i32
        %parallel_loop3A_1715 = arith.addi %parallel_loop3A_1241, %parallel_loop3A_1714 : i32
        %parallel_loop3A_1716 = arith.index_cast %rem3A_1162 : i32 to index
        %parallel_loop3A_1717 = arith.index_cast %parallel_loop3A_1715 : i32 to index
        %parallel_loop3A_1718 = arith.constant 16 : index
        %parallel_loop3A_1719 = tpu.vector_load %arg11[%parallel_loop3A_1716, %parallel_loop3A_1717, %parallel_loop3A_1718] {strides = array<i32>} : memref<5x128x32xf32, #tpu.memory_space<vmem>>, vector<16xf32>,
        %parallel_loop3A_1720 = vector.broadcast %parallel_loop3A_1699 : f32 to vector<16xf32>
        %parallel_loop3A_1721 = arith.mulf %parallel_loop3A_1719, %parallel_loop3A_1720 : vector<16xf32>
        %parallel_loop3A_1722 = arith.constant 15 : i32
        %parallel_loop3A_1723 = arith.addi %parallel_loop3A_1241, %parallel_loop3A_1722 : i32
        %parallel_loop3A_1724 = arith.index_cast %rem3A_1162 : i32 to index
        %parallel_loop3A_1725 = arith.index_cast %parallel_loop3A_1723 : i32 to index
        %parallel_loop3A_1726 = arith.constant 16 : index
        %parallel_loop3A_1727 = tpu.vector_load %arg11[%parallel_loop3A_1724, %parallel_loop3A_1725, %parallel_loop3A_1726] {strides = array<i32>} : memref<5x128x32xf32, #tpu.memory_space<vmem>>, vector<16xf32>,
        tpu.vector_store %arg11[%parallel_loop3A_1724, %parallel_loop3A_1725, %parallel_loop3A_1726], %parallel_loop3A_1721 {strides = array<i32>} : memref<5x128x32xf32, #tpu.memory_space<vmem>>, vector<16xf32>,
      } {sc.loop_unroll_factor = 1 : i64, sc.parallel_access}
      %dma_wait3A_1218 = arith.constant 0 : i32
      %dma_wait3A_1219 = arith.constant 0 : i32
      %dma_wait3A_1220 = tpu.memref_slice %arg10[%dma_wait3A_1218, %dma_wait3A_1219] : memref<8x128xi32, #tpu.memory_space<vmem>> -> memref<1x128xi32, #tpu.memory_space<vmem>>
      %dma_wait3A_1221 = tpu.memref_squeeze %dma_wait3A_1220 : memref<1x128xi32, #tpu.memory_space<vmem>> -> memref<128xi32, #tpu.memory_space<vmem>>
      %dma_wait3A_1222 = arith.constant 0 : i32
      %dma_wait3A_1223 = tpu.memref_slice %arg4[%dma_wait3A_1222] : memref<800000xi32, #tpu.memory_space<hbm>> -> memref<128xi32, #tpu.memory_space<hbm>>
      %dma_wait3A_1224 = arith.constant 0 : i32
      %dma_wait3A_1225 = tpu.memref_slice %arg10[%dma_wait3A_1218, %dma_wait3A_1224] : memref<8x128xi32, #tpu.memory_space<vmem>> -> memref<1x128xi32, #tpu.memory_space<vmem>>
      %dma_wait3A_1226 = tpu.memref_squeeze %dma_wait3A_1225 : memref<1x128xi32, #tpu.memory_space<vmem>> -> memref<128xi32, #tpu.memory_space<vmem>>
      %dma_wait3A_1227 = arith.constant 0 : i32
      %dma_wait3A_1228 = tpu.memref_slice %arg4[%dma_wait3A_1227] : memref<800000xi32, #tpu.memory_space<hbm>> -> memref<128xi32, #tpu.memory_space<hbm>>
      tpu.wait_dma2 semaphore(%arg15 : memref<!tpu.dma_semaphore, #tpu.memory_space<semaphore_mem>>) src(%dma_wait3A_1228 : memref<128xi32, #tpu.memory_space<hbm>>) dst(%dma_wait3A_1226 : memref<128xi32, #tpu.memory_space<vmem>>)
      %and3A_1229 = arith.constant 7 : i32
      %and3A_1230 = arith.andi %while3A_1156, %and3A_1229 : i32
      %dma_start3A_1231 = arith.constant 0 : i32
      %dma_start3A_1232 = arith.constant 0 : i32
      %dma_start3A_1233 = tpu.memref_slice %arg11[%rem3A_1162, %dma_start3A_1231, %dma_start3A_1232] : memref<5x128x32xf32, #tpu.memory_space<vmem>> -> memref<1x128x32xf32, #tpu.memory_space<vmem>>
      %dma_start3A_1234 = tpu.memref_squeeze %dma_start3A_1233 : memref<1x128x32xf32, #tpu.memory_space<vmem>> -> memref<128x32xf32, #tpu.memory_space<vmem>>
      %dma_start3A_1235 = arith.constant 0 : i32
      %dma_start3A_1236 = tpu.memref_slice %arg10[%and3A_1230, %dma_start3A_1235] : memref<8x128xi32, #tpu.memory_space<vmem>> -> memref<1x128xi32, #tpu.memory_space<vmem>>
      %dma_start3A_1237 = tpu.memref_squeeze %dma_start3A_1236 : memref<1x128xi32, #tpu.memory_space<vmem>> -> memref<128xi32, #tpu.memory_space<vmem>>
      %dma_start3A_1238 = arith.constant 0 : i32
      %dma_start3A_1239 = arith.constant 0 : i32
      %dma_start3A_1240 = tpu.memref_slice %arg7[%dma_start3A_1238, %dma_start3A_1239] : memref<50000x32xf32, #tpu.memory_space<vmem_shared>> -> memref<50000x32xf32, #tpu.memory_space<vmem_shared>>
      tpu.enqueue_indirect_dma source(%dma_start3A_1234 : memref<128x32xf32, #tpu.memory_space<vmem>>) target(%dma_start3A_1240 : memref<50000x32xf32, #tpu.memory_space<vmem_shared>>) offsets(%dma_start3A_1237 : memref<128xi32, #tpu.memory_space<vmem>>) semaphore(%arg16 : memref<!tpu.dma_semaphore, #tpu.memory_space<semaphore_mem>>) {add = true}
    }
    %dma_wait3A_1078 = arith.constant 0 : i32
    %dma_wait3A_1079 = arith.constant 0 : i32
    %dma_wait3A_1080 = arith.constant 0 : i32
    %dma_wait3A_1081 = tpu.memref_slice %arg11[%dma_wait3A_1078, %dma_wait3A_1079, %dma_wait3A_1080] : memref<5x128x32xf32, #tpu.memory_space<vmem>> -> memref<1x128x32xf32, #tpu.memory_space<vmem>>
    %dma_wait3A_1082 = tpu.memref_squeeze %dma_wait3A_1081 : memref<1x128x32xf32, #tpu.memory_space<vmem>> -> memref<128x32xf32, #tpu.memory_space<vmem>>
    %dma_wait3A_1083 = arith.constant 0 : i32
    %dma_wait3A_1084 = arith.constant 0 : i32
    %dma_wait3A_1085 = tpu.memref_slice %arg2[%dma_wait3A_1083, %dma_wait3A_1084] : memref<100000x32xf32, #tpu.memory_space<hbm>> -> memref<128x32xf32, #tpu.memory_space<hbm>>
    %dma_wait3A_1086 = arith.constant 0 : i32
    %dma_wait3A_1087 = arith.constant 0 : i32
    %dma_wait3A_1088 = tpu.memref_slice %arg11[%dma_wait3A_1078, %dma_wait3A_1086, %dma_wait3A_1087] : memref<5x128x32xf32, #tpu.memory_space<vmem>> -> memref<1x128x32xf32, #tpu.memory_space<vmem>>
    %dma_wait3A_1089 = tpu.memref_squeeze %dma_wait3A_1088 : memref<1x128x32xf32, #tpu.memory_space<vmem>> -> memref<128x32xf32, #tpu.memory_space<vmem>>
    %dma_wait3A_1090 = arith.constant 0 : i32
    %dma_wait3A_1091 = arith.constant 0 : i32
    %dma_wait3A_1092 = tpu.memref_slice %arg2[%dma_wait3A_1090, %dma_wait3A_1091] : memref<100000x32xf32, #tpu.memory_space<hbm>> -> memref<128x32xf32, #tpu.memory_space<hbm>>
    tpu.wait_dma2 semaphore(%arg16 : memref<!tpu.dma_semaphore, #tpu.memory_space<semaphore_mem>>) src(%dma_wait3A_1092 : memref<128x32xf32, #tpu.memory_space<hbm>>) dst(%dma_wait3A_1089 : memref<128x32xf32, #tpu.memory_space<vmem>>)
    %dma_wait3A_1093 = arith.constant 0 : i32
    %dma_wait3A_1094 = arith.constant 0 : i32
    %dma_wait3A_1095 = arith.constant 0 : i32
    %dma_wait3A_1096 = tpu.memref_slice %arg11[%dma_wait3A_1093, %dma_wait3A_1094, %dma_wait3A_1095] : memref<5x128x32xf32, #tpu.memory_space<vmem>> -> memref<1x128x32xf32, #tpu.memory_space<vmem>>
    %dma_wait3A_1097 = tpu.memref_squeeze %dma_wait3A_1096 : memref<1x128x32xf32, #tpu.memory_space<vmem>> -> memref<128x32xf32, #tpu.memory_space<vmem>>
    %dma_wait3A_1098 = arith.constant 0 : i32
    %dma_wait3A_1099 = arith.constant 0 : i32
    %dma_wait3A_1100 = tpu.memref_slice %arg2[%dma_wait3A_1098, %dma_wait3A_1099] : memref<100000x32xf32, #tpu.memory_space<hbm>> -> memref<128x32xf32, #tpu.memory_space<hbm>>
    %dma_wait3A_1101 = arith.constant 0 : i32
    %dma_wait3A_1102 = arith.constant 0 : i32
    %dma_wait3A_1103 = tpu.memref_slice %arg11[%dma_wait3A_1093, %dma_wait3A_1101, %dma_wait3A_1102] : memref<5x128x32xf32, #tpu.memory_space<vmem>> -> memref<1x128x32xf32, #tpu.memory_space<vmem>>
    %dma_wait3A_1104 = tpu.memref_squeeze %dma_wait3A_1103 : memref<1x128x32xf32, #tpu.memory_space<vmem>> -> memref<128x32xf32, #tpu.memory_space<vmem>>
    %dma_wait3A_1105 = arith.constant 0 : i32
    %dma_wait3A_1106 = arith.constant 0 : i32
    %dma_wait3A_1107 = tpu.memref_slice %arg2[%dma_wait3A_1105, %dma_wait3A_1106] : memref<100000x32xf32, #tpu.memory_space<hbm>> -> memref<128x32xf32, #tpu.memory_space<hbm>>
    tpu.wait_dma2 semaphore(%arg16 : memref<!tpu.dma_semaphore, #tpu.memory_space<semaphore_mem>>) src(%dma_wait3A_1107 : memref<128x32xf32, #tpu.memory_space<hbm>>) dst(%dma_wait3A_1104 : memref<128x32xf32, #tpu.memory_space<vmem>>)
    %dma_wait3A_1108 = arith.constant 0 : i32
    %dma_wait3A_1109 = arith.constant 0 : i32
    %dma_wait3A_1110 = arith.constant 0 : i32
    %dma_wait3A_1111 = tpu.memref_slice %arg11[%dma_wait3A_1108, %dma_wait3A_1109, %dma_wait3A_1110] : memref<5x128x32xf32, #tpu.memory_space<vmem>> -> memref<1x128x32xf32, #tpu.memory_space<vmem>>
    %dma_wait3A_1112 = tpu.memref_squeeze %dma_wait3A_1111 : memref<1x128x32xf32, #tpu.memory_space<vmem>> -> memref<128x32xf32, #tpu.memory_space<vmem>>
    %dma_wait3A_1113 = arith.constant 0 : i32
    %dma_wait3A_1114 = arith.constant 0 : i32
    %dma_wait3A_1115 = tpu.memref_slice %arg2[%dma_wait3A_1113, %dma_wait3A_1114] : memref<100000x32xf32, #tpu.memory_space<hbm>> -> memref<128x32xf32, #tpu.memory_space<hbm>>
    %dma_wait3A_1116 = arith.constant 0 : i32
    %dma_wait3A_1117 = arith.constant 0 : i32
    %dma_wait3A_1118 = tpu.memref_slice %arg11[%dma_wait3A_1108, %dma_wait3A_1116, %dma_wait3A_1117] : memref<5x128x32xf32, #tpu.memory_space<vmem>> -> memref<1x128x32xf32, #tpu.memory_space<vmem>>
    %dma_wait3A_1119 = tpu.memref_squeeze %dma_wait3A_1118 : memref<1x128x32xf32, #tpu.memory_space<vmem>> -> memref<128x32xf32, #tpu.memory_space<vmem>>
    %dma_wait3A_1120 = arith.constant 0 : i32
    %dma_wait3A_1121 = arith.constant 0 : i32
    %dma_wait3A_1122 = tpu.memref_slice %arg2[%dma_wait3A_1120, %dma_wait3A_1121] : memref<100000x32xf32, #tpu.memory_space<hbm>> -> memref<128x32xf32, #tpu.memory_space<hbm>>
    tpu.wait_dma2 semaphore(%arg16 : memref<!tpu.dma_semaphore, #tpu.memory_space<semaphore_mem>>) src(%dma_wait3A_1122 : memref<128x32xf32, #tpu.memory_space<hbm>>) dst(%dma_wait3A_1119 : memref<128x32xf32, #tpu.memory_space<vmem>>)
    %dma_wait3A_1123 = arith.constant 0 : i32
    %dma_wait3A_1124 = arith.constant 0 : i32
    %dma_wait3A_1125 = arith.constant 0 : i32
    %dma_wait3A_1126 = tpu.memref_slice %arg11[%dma_wait3A_1123, %dma_wait3A_1124, %dma_wait3A_1125] : memref<5x128x32xf32, #tpu.memory_space<vmem>> -> memref<1x128x32xf32, #tpu.memory_space<vmem>>
    %dma_wait3A_1127 = tpu.memref_squeeze %dma_wait3A_1126 : memref<1x128x32xf32, #tpu.memory_space<vmem>> -> memref<128x32xf32, #tpu.memory_space<vmem>>
    %dma_wait3A_1128 = arith.constant 0 : i32
    %dma_wait3A_1129 = arith.constant 0 : i32
    %dma_wait3A_1130 = tpu.memref_slice %arg2[%dma_wait3A_1128, %dma_wait3A_1129] : memref<100000x32xf32, #tpu.memory_space<hbm>> -> memref<128x32xf32, #tpu.memory_space<hbm>>
    %dma_wait3A_1131 = arith.constant 0 : i32
    %dma_wait3A_1132 = arith.constant 0 : i32
    %dma_wait3A_1133 = tpu.memref_slice %arg11[%dma_wait3A_1123, %dma_wait3A_1131, %dma_wait3A_1132] : memref<5x128x32xf32, #tpu.memory_space<vmem>> -> memref<1x128x32xf32, #tpu.memory_space<vmem>>
    %dma_wait3A_1134 = tpu.memref_squeeze %dma_wait3A_1133 : memref<1x128x32xf32, #tpu.memory_space<vmem>> -> memref<128x32xf32, #tpu.memory_space<vmem>>
    %dma_wait3A_1135 = arith.constant 0 : i32
    %dma_wait3A_1136 = arith.constant 0 : i32
    %dma_wait3A_1137 = tpu.memref_slice %arg2[%dma_wait3A_1135, %dma_wait3A_1136] : memref<100000x32xf32, #tpu.memory_space<hbm>> -> memref<128x32xf32, #tpu.memory_space<hbm>>
    tpu.wait_dma2 semaphore(%arg16 : memref<!tpu.dma_semaphore, #tpu.memory_space<semaphore_mem>>) src(%dma_wait3A_1137 : memref<128x32xf32, #tpu.memory_space<hbm>>) dst(%dma_wait3A_1134 : memref<128x32xf32, #tpu.memory_space<vmem>>)
    %dma_wait3A_1138 = arith.constant 0 : i32
    %dma_wait3A_1139 = arith.constant 0 : i32
    %dma_wait3A_1140 = arith.constant 0 : i32
    %dma_wait3A_1141 = tpu.memref_slice %arg11[%dma_wait3A_1138, %dma_wait3A_1139, %dma_wait3A_1140] : memref<5x128x32xf32, #tpu.memory_space<vmem>> -> memref<1x128x32xf32, #tpu.memory_space<vmem>>
    %dma_wait3A_1142 = tpu.memref_squeeze %dma_wait3A_1141 : memref<1x128x32xf32, #tpu.memory_space<vmem>> -> memref<128x32xf32, #tpu.memory_space<vmem>>
    %dma_wait3A_1143 = arith.constant 0 : i32
    %dma_wait3A_1144 = arith.constant 0 : i32
    %dma_wait3A_1145 = tpu.memref_slice %arg2[%dma_wait3A_1143, %dma_wait3A_1144] : memref<100000x32xf32, #tpu.memory_space<hbm>> -> memref<128x32xf32, #tpu.memory_space<hbm>>
    %dma_wait3A_1146 = arith.constant 0 : i32
    %dma_wait3A_1147 = arith.constant 0 : i32
    %dma_wait3A_1148 = tpu.memref_slice %arg11[%dma_wait3A_1138, %dma_wait3A_1146, %dma_wait3A_1147] : memref<5x128x32xf32, #tpu.memory_space<vmem>> -> memref<1x128x32xf32, #tpu.memory_space<vmem>>
    %dma_wait3A_1149 = tpu.memref_squeeze %dma_wait3A_1148 : memref<1x128x32xf32, #tpu.memory_space<vmem>> -> memref<128x32xf32, #tpu.memory_space<vmem>>
    %dma_wait3A_1150 = arith.constant 0 : i32
    %dma_wait3A_1151 = arith.constant 0 : i32
    %dma_wait3A_1152 = tpu.memref_slice %arg2[%dma_wait3A_1150, %dma_wait3A_1151] : memref<100000x32xf32, #tpu.memory_space<hbm>> -> memref<128x32xf32, #tpu.memory_space<hbm>>
    tpu.wait_dma2 semaphore(%arg16 : memref<!tpu.dma_semaphore, #tpu.memory_space<semaphore_mem>>) src(%dma_wait3A_1152 : memref<128x32xf32, #tpu.memory_space<hbm>>) dst(%dma_wait3A_1149 : memref<128x32xf32, #tpu.memory_space<vmem>>)
    %barrier3A_1153 = arith.constant 0 : index
    tpu.barrier barrier_id(%barrier3A_1153)
    %mul3A_1154 = arith.constant 32 : i32
    %mul3A_1155 = arith.muli %arg0, %mul3A_1154 : i32
    "tpu.region"() ({
      %run_scoped3A = tpu.sem_alloc : memref<!tpu.dma_semaphore, #tpu.memory_space<semaphore_mem>>
      %dma_start3A_1156 = tpu.memref_slice %arg6[%mul3A_0, %mul3A_1155] : memref<50000x64xf32, #tpu.memory_space<hbm>> -> memref<3125x32xf32, #tpu.memory_space<hbm>>
      %dma_start3A_1157 = arith.constant 0 : i32
      %dma_start3A_1158 = tpu.memref_slice %arg7[%mul3A_0, %dma_start3A_1157] : memref<50000x32xf32, #tpu.memory_space<vmem_shared>> -> memref<3125x32xf32, #tpu.memory_space<vmem_shared>>
      tpu.enqueue_dma source(%dma_start3A_1158 : memref<3125x32xf32, #tpu.memory_space<vmem_shared>>) target(%dma_start3A_1156 : memref<3125x32xf32, #tpu.memory_space<hbm>>) target_semaphore(%run_scoped3A : memref<!tpu.dma_semaphore, #tpu.memory_space<semaphore_mem>>)
      %dma_wait3A_1159 = tpu.memref_slice %arg6[%mul3A_0, %mul3A_1155] : memref<50000x64xf32, #tpu.memory_space<hbm>> -> memref<3125x32xf32, #tpu.memory_space<hbm>>
      %dma_wait3A_1160 = arith.constant 0 : i32
      %dma_wait3A_1161 = tpu.memref_slice %arg7[%mul3A_0, %dma_wait3A_1160] : memref<50000x32xf32, #tpu.memory_space<vmem_shared>> -> memref<3125x32xf32, #tpu.memory_space<vmem_shared>>
      tpu.wait_dma2 semaphore(%run_scoped3A : memref<!tpu.dma_semaphore, #tpu.memory_space<semaphore_mem>>) src(%dma_wait3A_1161 : memref<3125x32xf32, #tpu.memory_space<vmem_shared>>) dst(%dma_wait3A_1159 : memref<3125x32xf32, #tpu.memory_space<hbm>>)
      tpu.yield
    }) : () -> ()
    return
  }
}

module attributes {stable_mosaic.version = 14 : i64} {
  func.func @_tc_dense_body(%arg0: i32, %arg1: memref<2000x64xf32, #tpu.memory_space<vmem>>, %arg2: memref<2000x64xf32, #tpu.memory_space<vmem>>, %arg3: memref<64x64xf32, #tpu.memory_space<vmem>>, %arg4: memref<1x64xf32, #tpu.memory_space<vmem>>, %arg5: memref<64x64xf32, #tpu.memory_space<vmem>>, %arg6: memref<1x64xf32, #tpu.memory_space<vmem>>, %arg7: memref<2000x128xf32, #tpu.memory_space<vmem>>) attributes {dimension_semantics = [#tpu.dimension_semantics<arbitrary>], iteration_bounds = array<i64: 15>, scalar_prefetch = 0 : i64, scratch_operands = 0 : i64, tpu.core_type = #tpu.core_type<tc>, window_params = [{transform_indices = @transform_0, window_bounds = array<i64: 2000, 64>}, {transform_indices = @transform_1, window_bounds = array<i64: 2000, 64>}, {pipeline_mode = #tpu.pipeline_mode<synchronous>, transform_indices = @transform_2, window_bounds = array<i64: 64, 64>}, {pipeline_mode = #tpu.pipeline_mode<synchronous>, transform_indices = @transform_3, window_bounds = array<i64: 1, 64>}, {pipeline_mode = #tpu.pipeline_mode<synchronous>, transform_indices = @transform_4, window_bounds = array<i64: 64, 64>}, {pipeline_mode = #tpu.pipeline_mode<synchronous>, transform_indices = @transform_5, window_bounds = array<i64: 1, 64>}, {transform_indices = @transform_6, window_bounds = array<i64: 2000, 128>}]} {
    %get3A = arith.constant 0 : index
    %get3A_0 = arith.constant 0 : index
    %get3A_1 = vector.load %arg1[%get3A, %get3A_0] : memref<2000x64xf32, #tpu.memory_space<vmem>>, vector<2000x64xf32>
    %get3A_2 = arith.constant 0 : index
    %get3A_3 = arith.constant 0 : index
    %get3A_4 = vector.load %arg2[%get3A_2, %get3A_3] : memref<2000x64xf32, #tpu.memory_space<vmem>>, vector<2000x64xf32>
    %get3A_5 = arith.constant 0 : index
    %get3A_6 = arith.constant 0 : index
    %get3A_7 = vector.load %arg3[%get3A_5, %get3A_6] : memref<64x64xf32, #tpu.memory_space<vmem>>, vector<64x64xf32>
    %dot_general3A = arith.constant dense<0.000000e+00> : vector<2000x64xf32>
    %dot_general3A_8 = tpu.matmul %get3A_4, %get3A_7, %dot_general3A {dimension_numbers = #tpu.dot_dimension_numbers<[1], [0], [0], [1], [0, 0, 1, 1], [], []>, transpose_lhs_hint = false} : vector<2000x64xf32>, vector<64x64xf32>, vector<2000x64xf32> -> vector<2000x64xf32>
    %get3A_9 = arith.constant 0 : index
    %get3A_10 = arith.constant 0 : index
    %get3A_11 = vector.load %arg4[%get3A_9, %get3A_10] : memref<1x64xf32, #tpu.memory_space<vmem>>, vector<1x64xf32>
    %add3A = vector.broadcast %get3A_11 : vector<1x64xf32> to vector<2000x64xf32>
    %add3A_12 = arith.addf %dot_general3A_8, %add3A : vector<2000x64xf32>
    %ge3A = arith.constant 0.000000e+00 : f32
    %ge3A_13 = vector.broadcast %ge3A : f32 to vector<2000x64xf32>
    %ge3A_14 = arith.cmpf oge, %add3A_12, %ge3A_13 : vector<2000x64xf32>
    %mul3A = arith.constant 0.00999999977 : f32
    %mul3A_15 = vector.broadcast %mul3A : f32 to vector<2000x64xf32>
    %mul3A_16 = arith.mulf %mul3A_15, %add3A_12 : vector<2000x64xf32>
    %select_n3A = arith.select %ge3A_14, %add3A_12, %mul3A_16 : vector<2000x64xi1>, vector<2000x64xf32>
    %mul3A_17 = arith.mulf %get3A_1, %get3A_4 : vector<2000x64xf32>
    %get3A_18 = arith.constant 0 : index
    %get3A_19 = arith.constant 0 : index
    %get3A_20 = vector.load %arg5[%get3A_18, %get3A_19] : memref<64x64xf32, #tpu.memory_space<vmem>>, vector<64x64xf32>
    %dot_general3A_21 = arith.constant dense<0.000000e+00> : vector<2000x64xf32>
    %dot_general3A_22 = tpu.matmul %mul3A_17, %get3A_20, %dot_general3A_21 {dimension_numbers = #tpu.dot_dimension_numbers<[1], [0], [0], [1], [0, 0, 1, 1], [], []>, transpose_lhs_hint = false} : vector<2000x64xf32>, vector<64x64xf32>, vector<2000x64xf32> -> vector<2000x64xf32>
    %get3A_23 = arith.constant 0 : index
    %get3A_24 = arith.constant 0 : index
    %get3A_25 = vector.load %arg6[%get3A_23, %get3A_24] : memref<1x64xf32, #tpu.memory_space<vmem>>, vector<1x64xf32>
    %add3A_26 = vector.broadcast %get3A_25 : vector<1x64xf32> to vector<2000x64xf32>
    %add3A_27 = arith.addf %dot_general3A_22, %add3A_26 : vector<2000x64xf32>
    %ge3A_28 = arith.constant 0.000000e+00 : f32
    %ge3A_29 = vector.broadcast %ge3A_28 : f32 to vector<2000x64xf32>
    %ge3A_30 = arith.cmpf oge, %add3A_27, %ge3A_29 : vector<2000x64xf32>
    %mul3A_31 = arith.constant 0.00999999977 : f32
    %mul3A_32 = vector.broadcast %mul3A_31 : f32 to vector<2000x64xf32>
    %mul3A_33 = arith.mulf %mul3A_32, %add3A_27 : vector<2000x64xf32>
    %select_n3A_34 = arith.select %ge3A_30, %add3A_27, %mul3A_33 : vector<2000x64xi1>, vector<2000x64xf32>
    %add3A_35 = arith.addf %select_n3A, %select_n3A_34 : vector<2000x64xf32>
    %mul3A_36 = arith.mulf %add3A_35, %add3A_35 : vector<2000x64xf32>
    %broadcast_in_dim3A = arith.constant 1.000000e+00 : f32
    %broadcast_in_dim3A_37 = vector.broadcast %broadcast_in_dim3A : f32 to vector<64x1xf32>
    %dot_general3A_38 = arith.constant dense<0.000000e+00> : vector<2000x1xf32>
    %dot_general3A_39 = tpu.matmul %mul3A_36, %broadcast_in_dim3A_37, %dot_general3A_38 {dimension_numbers = #tpu.dot_dimension_numbers<[1], [0], [0], [1], [0, 0, 1, 1], [], []>, precision = #tpu.contract_precision<fp32>, transpose_lhs_hint = false} : vector<2000x64xf32>, vector<64x1xf32>, vector<2000x1xf32> -> vector<2000x1xf32>
    %sqrt3A = math.sqrt %dot_general3A_39 : vector<2000x1xf32>
    %max3A = arith.constant 9.99999996E-13 : f32
    %max3A_40 = vector.broadcast %max3A : f32 to vector<2000x1xf32>
    %max3A_41 = arith.maximumf %sqrt3A, %max3A_40 : vector<2000x1xf32>
    %div3A = arith.constant 1.000000e+00 : f32
    %div3A_42 = vector.broadcast %div3A : f32 to vector<2000x1xf32>
    %div3A_43 = arith.divf %div3A_42, %max3A_41 : vector<2000x1xf32>
    %mul3A_44 = vector.broadcast %div3A_43 : vector<2000x1xf32> to vector<2000x64xf32>
    %mul3A_45 = arith.mulf %add3A_35, %mul3A_44 : vector<2000x64xf32>
    %swap3A = arith.constant 0 : index
    %swap3A_46 = arith.constant 0 : index
    %swap3A_47 = vector.load %arg7[%swap3A, %swap3A_46] : memref<2000x128xf32, #tpu.memory_space<vmem>>, vector<2000x64xf32>
    tpu.vector_store %arg7[%swap3A, %swap3A_46], %get3A_1 {strides = array<i32>} : memref<2000x128xf32, #tpu.memory_space<vmem>>, vector<2000x64xf32>,
    %swap3A_48 = arith.constant 0 : index
    %swap3A_49 = arith.constant 64 : index
    %swap3A_50 = vector.load %arg7[%swap3A_48, %swap3A_49] : memref<2000x128xf32, #tpu.memory_space<vmem>>, vector<2000x64xf32>
    tpu.vector_store %arg7[%swap3A_48, %swap3A_49], %mul3A_45 {strides = array<i32>} : memref<2000x128xf32, #tpu.memory_space<vmem>>, vector<2000x64xf32>,
    return
  }
  func.func @transform_0(%arg0: i32) -> (i32, i32) {
    %c0_i32 = arith.constant 0 : i32
    %c0_i32_0 = arith.constant 0 : i32
    return %arg0, %c0_i32 : i32, i32
  }
  func.func @transform_1(%arg0: i32) -> (i32, i32) {
    %add3A = arith.constant 10 : i32
    %add3A_0 = arith.addi %arg0, %add3A : i32
    %c0_i32 = arith.constant 0 : i32
    %c0_i32_1 = arith.constant 0 : i32
    return %add3A_0, %c0_i32 : i32, i32
  }
  func.func @transform_2(%arg0: i32) -> (i32, i32) {
    %c0_i32 = arith.constant 0 : i32
    %c0_i32_0 = arith.constant 0 : i32
    %c0_i32_1 = arith.constant 0 : i32
    return %c0_i32, %c0_i32_0 : i32, i32
  }
  func.func @transform_3(%arg0: i32) -> (i32, i32) {
    %c0_i32 = arith.constant 0 : i32
    %c0_i32_0 = arith.constant 0 : i32
    %c0_i32_1 = arith.constant 0 : i32
    return %c0_i32, %c0_i32_0 : i32, i32
  }
  func.func @transform_4(%arg0: i32) -> (i32, i32) {
    %c0_i32 = arith.constant 0 : i32
    %c0_i32_0 = arith.constant 0 : i32
    %c0_i32_1 = arith.constant 0 : i32
    return %c0_i32, %c0_i32_0 : i32, i32
  }
  func.func @transform_5(%arg0: i32) -> (i32, i32) {
    %c0_i32 = arith.constant 0 : i32
    %c0_i32_0 = arith.constant 0 : i32
    %c0_i32_1 = arith.constant 0 : i32
    return %c0_i32, %c0_i32_0 : i32, i32
  }
  func.func @transform_6(%arg0: i32) -> (i32, i32) {
    %c0_i32 = arith.constant 0 : i32
    %c0_i32_0 = arith.constant 0 : i32
    return %arg0, %c0_i32 : i32, i32
  }
}

module attributes {stable_mosaic.version = 14 : i64} {
  func.func @_tc_dense_body(%arg0: i32, %arg1: memref<2000x64xf32, #tpu.memory_space<vmem>>, %arg2: memref<2000x64xf32, #tpu.memory_space<vmem>>, %arg3: memref<64x64xf32, #tpu.memory_space<vmem>>, %arg4: memref<1x64xf32, #tpu.memory_space<vmem>>, %arg5: memref<64x64xf32, #tpu.memory_space<vmem>>, %arg6: memref<1x64xf32, #tpu.memory_space<vmem>>, %arg7: memref<2000x128xf32, #tpu.memory_space<vmem>>) attributes {dimension_semantics = [#tpu.dimension_semantics<arbitrary>], iteration_bounds = array<i64: 10>, scalar_prefetch = 0 : i64, scratch_operands = 0 : i64, tpu.core_type = #tpu.core_type<tc>, window_params = [{transform_indices = @transform_0, window_bounds = array<i64: 2000, 64>}, {transform_indices = @transform_1, window_bounds = array<i64: 2000, 64>}, {pipeline_mode = #tpu.pipeline_mode<synchronous>, transform_indices = @transform_2, window_bounds = array<i64: 64, 64>}, {pipeline_mode = #tpu.pipeline_mode<synchronous>, transform_indices = @transform_3, window_bounds = array<i64: 1, 64>}, {pipeline_mode = #tpu.pipeline_mode<synchronous>, transform_indices = @transform_4, window_bounds = array<i64: 64, 64>}, {pipeline_mode = #tpu.pipeline_mode<synchronous>, transform_indices = @transform_5, window_bounds = array<i64: 1, 64>}, {transform_indices = @transform_6, window_bounds = array<i64: 2000, 128>}]} {
    %get3A = arith.constant 0 : index
    %get3A_0 = arith.constant 0 : index
    %get3A_1 = vector.load %arg1[%get3A, %get3A_0] : memref<2000x64xf32, #tpu.memory_space<vmem>>, vector<2000x64xf32>
    %get3A_2 = arith.constant 0 : index
    %get3A_3 = arith.constant 0 : index
    %get3A_4 = vector.load %arg2[%get3A_2, %get3A_3] : memref<2000x64xf32, #tpu.memory_space<vmem>>, vector<2000x64xf32>
    %get3A_5 = arith.constant 0 : index
    %get3A_6 = arith.constant 0 : index
    %get3A_7 = vector.load %arg3[%get3A_5, %get3A_6] : memref<64x64xf32, #tpu.memory_space<vmem>>, vector<64x64xf32>
    %dot_general3A = arith.constant dense<0.000000e+00> : vector<2000x64xf32>
    %dot_general3A_8 = tpu.matmul %get3A_4, %get3A_7, %dot_general3A {dimension_numbers = #tpu.dot_dimension_numbers<[1], [0], [0], [1], [0, 0, 1, 1], [], []>, transpose_lhs_hint = false} : vector<2000x64xf32>, vector<64x64xf32>, vector<2000x64xf32> -> vector<2000x64xf32>
    %get3A_9 = arith.constant 0 : index
    %get3A_10 = arith.constant 0 : index
    %get3A_11 = vector.load %arg4[%get3A_9, %get3A_10] : memref<1x64xf32, #tpu.memory_space<vmem>>, vector<1x64xf32>
    %add3A = vector.broadcast %get3A_11 : vector<1x64xf32> to vector<2000x64xf32>
    %add3A_12 = arith.addf %dot_general3A_8, %add3A : vector<2000x64xf32>
    %ge3A = arith.constant 0.000000e+00 : f32
    %ge3A_13 = vector.broadcast %ge3A : f32 to vector<2000x64xf32>
    %ge3A_14 = arith.cmpf oge, %add3A_12, %ge3A_13 : vector<2000x64xf32>
    %mul3A = arith.constant 0.00999999977 : f32
    %mul3A_15 = vector.broadcast %mul3A : f32 to vector<2000x64xf32>
    %mul3A_16 = arith.mulf %mul3A_15, %add3A_12 : vector<2000x64xf32>
    %select_n3A = arith.select %ge3A_14, %add3A_12, %mul3A_16 : vector<2000x64xi1>, vector<2000x64xf32>
    %mul3A_17 = arith.mulf %get3A_1, %get3A_4 : vector<2000x64xf32>
    %get3A_18 = arith.constant 0 : index
    %get3A_19 = arith.constant 0 : index
    %get3A_20 = vector.load %arg5[%get3A_18, %get3A_19] : memref<64x64xf32, #tpu.memory_space<vmem>>, vector<64x64xf32>
    %dot_general3A_21 = arith.constant dense<0.000000e+00> : vector<2000x64xf32>
    %dot_general3A_22 = tpu.matmul %mul3A_17, %get3A_20, %dot_general3A_21 {dimension_numbers = #tpu.dot_dimension_numbers<[1], [0], [0], [1], [0, 0, 1, 1], [], []>, transpose_lhs_hint = false} : vector<2000x64xf32>, vector<64x64xf32>, vector<2000x64xf32> -> vector<2000x64xf32>
    %get3A_23 = arith.constant 0 : index
    %get3A_24 = arith.constant 0 : index
    %get3A_25 = vector.load %arg6[%get3A_23, %get3A_24] : memref<1x64xf32, #tpu.memory_space<vmem>>, vector<1x64xf32>
    %add3A_26 = vector.broadcast %get3A_25 : vector<1x64xf32> to vector<2000x64xf32>
    %add3A_27 = arith.addf %dot_general3A_22, %add3A_26 : vector<2000x64xf32>
    %ge3A_28 = arith.constant 0.000000e+00 : f32
    %ge3A_29 = vector.broadcast %ge3A_28 : f32 to vector<2000x64xf32>
    %ge3A_30 = arith.cmpf oge, %add3A_27, %ge3A_29 : vector<2000x64xf32>
    %mul3A_31 = arith.constant 0.00999999977 : f32
    %mul3A_32 = vector.broadcast %mul3A_31 : f32 to vector<2000x64xf32>
    %mul3A_33 = arith.mulf %mul3A_32, %add3A_27 : vector<2000x64xf32>
    %select_n3A_34 = arith.select %ge3A_30, %add3A_27, %mul3A_33 : vector<2000x64xi1>, vector<2000x64xf32>
    %add3A_35 = arith.addf %select_n3A, %select_n3A_34 : vector<2000x64xf32>
    %mul3A_36 = arith.mulf %add3A_35, %add3A_35 : vector<2000x64xf32>
    %broadcast_in_dim3A = arith.constant 1.000000e+00 : f32
    %broadcast_in_dim3A_37 = vector.broadcast %broadcast_in_dim3A : f32 to vector<64x1xf32>
    %dot_general3A_38 = arith.constant dense<0.000000e+00> : vector<2000x1xf32>
    %dot_general3A_39 = tpu.matmul %mul3A_36, %broadcast_in_dim3A_37, %dot_general3A_38 {dimension_numbers = #tpu.dot_dimension_numbers<[1], [0], [0], [1], [0, 0, 1, 1], [], []>, precision = #tpu.contract_precision<fp32>, transpose_lhs_hint = false} : vector<2000x64xf32>, vector<64x1xf32>, vector<2000x1xf32> -> vector<2000x1xf32>
    %sqrt3A = math.sqrt %dot_general3A_39 : vector<2000x1xf32>
    %max3A = arith.constant 9.99999996E-13 : f32
    %max3A_40 = vector.broadcast %max3A : f32 to vector<2000x1xf32>
    %max3A_41 = arith.maximumf %sqrt3A, %max3A_40 : vector<2000x1xf32>
    %div3A = arith.constant 1.000000e+00 : f32
    %div3A_42 = vector.broadcast %div3A : f32 to vector<2000x1xf32>
    %div3A_43 = arith.divf %div3A_42, %max3A_41 : vector<2000x1xf32>
    %mul3A_44 = vector.broadcast %div3A_43 : vector<2000x1xf32> to vector<2000x64xf32>
    %mul3A_45 = arith.mulf %add3A_35, %mul3A_44 : vector<2000x64xf32>
    %swap3A = arith.constant 0 : index
    %swap3A_46 = arith.constant 0 : index
    %swap3A_47 = vector.load %arg7[%swap3A, %swap3A_46] : memref<2000x128xf32, #tpu.memory_space<vmem>>, vector<2000x64xf32>
    tpu.vector_store %arg7[%swap3A, %swap3A_46], %get3A_1 {strides = array<i32>} : memref<2000x128xf32, #tpu.memory_space<vmem>>, vector<2000x64xf32>,
    %swap3A_48 = arith.constant 0 : index
    %swap3A_49 = arith.constant 64 : index
    %swap3A_50 = vector.load %arg7[%swap3A_48, %swap3A_49] : memref<2000x128xf32, #tpu.memory_space<vmem>>, vector<2000x64xf32>
    tpu.vector_store %arg7[%swap3A_48, %swap3A_49], %mul3A_45 {strides = array<i32>} : memref<2000x128xf32, #tpu.memory_space<vmem>>, vector<2000x64xf32>,
    return
  }
  func.func @transform_0(%arg0: i32) -> (i32, i32) {
    %c0_i32 = arith.constant 0 : i32
    %c0_i32_0 = arith.constant 0 : i32
    return %arg0, %c0_i32 : i32, i32
  }
  func.func @transform_1(%arg0: i32) -> (i32, i32) {
    %add3A = arith.constant 0 : i32
    %add3A_0 = arith.addi %arg0, %add3A : i32
    %c0_i32 = arith.constant 0 : i32
    %c0_i32_1 = arith.constant 0 : i32
    return %add3A_0, %c0_i32 : i32, i32
  }
  func.func @transform_2(%arg0: i32) -> (i32, i32) {
    %c0_i32 = arith.constant 0 : i32
    %c0_i32_0 = arith.constant 0 : i32
    %c0_i32_1 = arith.constant 0 : i32
    return %c0_i32, %c0_i32_0 : i32, i32
  }
  func.func @transform_3(%arg0: i32) -> (i32, i32) {
    %c0_i32 = arith.constant 0 : i32
    %c0_i32_0 = arith.constant 0 : i32
    %c0_i32_1 = arith.constant 0 : i32
    return %c0_i32, %c0_i32_0 : i32, i32
  }
  func.func @transform_4(%arg0: i32) -> (i32, i32) {
    %c0_i32 = arith.constant 0 : i32
    %c0_i32_0 = arith.constant 0 : i32
    %c0_i32_1 = arith.constant 0 : i32
    return %c0_i32, %c0_i32_0 : i32, i32
  }
  func.func @transform_5(%arg0: i32) -> (i32, i32) {
    %c0_i32 = arith.constant 0 : i32
    %c0_i32_0 = arith.constant 0 : i32
    %c0_i32_1 = arith.constant 0 : i32
    return %c0_i32, %c0_i32_0 : i32, i32
  }
  func.func @transform_6(%arg0: i32) -> (i32, i32) {
    %c0_i32 = arith.constant 0 : i32
    %c0_i32_0 = arith.constant 0 : i32
    return %arg0, %c0_i32 : i32, i32
  }
}

</mosaic_0001>

<sc_bundles>
// kernel: kernel.5.cloned.1.call-start
scs
__scs_entry_jumppad:
0x0: {  	(pc) =	sbr.rel $0x88, $3  }
0x1: {  	(tag) =	ssettag $0x0;
	lr =	simm.s32 $0x1  }
0x2: {  	[smem:$0x3F98] =	sst lr;
	_ =	strace $0xD0000000  }
0x3: {  	_ = 	snop  }
0x4: {  	_ = 	snop  }
0x5: {  	_ = 	snop  }
0x6: {  	_ = 	snop  }
0x7: {  	_ = 	snop  }
__scs_overlays_trampoline_lowered:
0x8: {  	[smem:$0x3FA7] =	sst s0  }
0x9: {  	[smem:$0x3FA8] =	sst s1  }
0xa: {  	[smem:$0x3FA9] =	sst s2  }
0xb: {  	[smem:$0x3FAA] =	sst s3  }
0xc: {  	[smem:$0x3FAB] =	sst s4  }
0xd: {  	[smem:$0x3FAC] =	sst s5  }
0xe: {  	[smem:$0x3FAD] =	sst s6  }
0xf: {  	[smem:$0x3FAE] =	sst s7  }
0x10: {  	[smem:$0x3FAF] =	sst s8  }
0x11: {  	[smem:$0x3FB0] =	sst s9;
	s0 =	simm.s32 @!p0 $0x0  }
0x12: {  	s1 =	sld [smem:$0x3F96];
	s0 =	simm.s32 @p0 $0x1  }
0x13: {  	[smem:$0x3FB1] =	sst s0;
	s0 =	simm.s32 @!p1 $0x0  }
0x14: {  	s2 =	sld [smem:$0x3F95];
	s0 =	simm.s32 @p1 $0x1  }
0x15: {  	[smem:$0x3FB2] =	sst s0;
	s0 =	simm.s32 @!p2 $0x0  }
0x16: {  	s3 =	sld [smem:$0x3FDB];
	s0 =	simm.s32 @p2 $0x1  }
0x17: {  	s4 =	simm.s32 $0x1BF5;
	[smem:$0x3FB4] =	sst s0  }
0x18: {  	s0 =	sld [smem:$0x3F97];
	_ =	swait.ge [sflag:s4], $0x0  }
0x19: {  	s7 =	sld [smem:$0x3F98]  }
0x1a: {  	s8 =	sadd.s32 $0xFFFFE003, lr  }
0x1b: {  	s9 =	sadd.s32 $0xFFFFFEF7, lr;
	s5 =	simm.s32 $0xFFFFFFFF;
	p2 =	slt.u32 s8, $0xFFFFF086  }
0x1c: {  	p1 =	slt.u32 s9, $0xF7A;
	s5 =	simm.s32 @!p2 $0x0  }
0x1d: {  	s5 =	simm.s32 @p1 $0x1;
	p0 =	seq.s32 s7, s2  }
0x1e: {  	s7 =	smul.u32 @!p0 $0xF7A, s2;
	p2 =	seq.s32 @!p0 s5, $0x0  }
0x1f: {  	s9 =	smul.u32 $0xF7A, s1;
	s8 =	simm.s32 @!p0 $0x1BF5;
	p2 =	por !p2, p0  }
0x20: {  	[sflag:s8] =	ssyncset.s32 @!p0 $0xFFFFF086;
	s6 =	sadd.s32 @!p0 s3, s7;
	s7 =	simm.s32 @!p0 $0x108  }
0x21: {  	s3 =	sadd.s32 s3, s9;
	s6 =	sadd.s32 @!p0 $0x88, s6;
	s7 =	simm.s32 @p2 $0x1082  }
0x22: {  	[simem:s7], [sflag:s8] =	dma.local @!p0 [hbm:s6], $0xF7A  }
0x23: {  	s9 =	sor.u32 $0xD0000000, s2;
	s6 =	simm.s32 $0x108;
	_ =	swait.ge @!p0 [sflag:s8], $0x0  }
0x24: {  	s3 =	sadd.s32 $0x88, s3;
	s6 =	simm.s32 @!p1 $0x1082;
	[sflag:s4] =	ssyncset.s32 $0xFFFFF086  }
0x25: {  	[simem:s6], [sflag:s4] =	dma.local [hbm:s3], $0xF7A  }
0x26: {  	[smem:$0x3F98] =	sst s1;
	(tag) =	ssettag s2;
	_ =	strace s9  }
0x27: {  	s1 =	sld [smem:$0x3FA8]  }
0x28: {  	s2 =	sld [smem:$0x3FA9]  }
0x29: {  	s4 =	sld [smem:$0x3FAB]  }
0x2a: {  	p0 =	seq.s32 s5, $0x0;
	s5 =	sld [smem:$0x3FAC]  }
0x2b: {  	s6 =	sld [smem:$0x3FAD]  }
0x2c: {  	s7 =	sld [smem:$0x3FAE]  }
0x2d: {  	s3 =	simm.s32 $0x108;
	s8 =	sld [smem:$0x3FAF]  }
0x2e: {  	s3 =	simm.s32 @!p0 $0x1082;
	s9 =	sld [smem:$0x3FB0]  }
0x2f: {  	lr =	sadd.s32 s0, s3;
	s0 =	sld [smem:$0x3FA7]  }
0x30: {  	s3 =	sld [smem:$0x3FAA]  }
0x31: {  	[smem:$0x3FB3] =	sst s10  }
0x32: {  	s10 =	sld [smem:$0x3FB1];
	_ =	sdelay $0x3  }
0x33: {  	p0 =	seq.s32 s10, $0x1;
	s10 =	sld [smem:$0x3FB3];
	_ =	sdelay $0x3  }
0x34: {  	[smem:$0x3FB3] =	sst s10  }
0x35: {  	s10 =	sld [smem:$0x3FB2];
	_ =	sdelay $0x3  }
0x36: {  	p1 =	seq.s32 s10, $0x1;
	s10 =	sld [smem:$0x3FB3];
	_ =	sdelay $0x3  }
0x37: {  	[smem:$0x3FB3] =	sst s10  }
0x38: {  	s10 =	sld [smem:$0x3FB4]  }
0x39: {  	_ = 	snop;
	(pc) =	sbr.ind lr, $3  }
0x3a: {  	_ = 	snop  }
0x3b: {  	_ = 	snop  }
0x3c: {  	p2 =	seq.s32 s10, $0x1;
	s10 =	sld [smem:$0x3FB3]  }
0x3d: {  	_ =	shalt  }
0x3e: {  	_ =	shalt  }
0x3f: {  	_ =	shalt  }
0x40: {  	_ =	shalt  }
0x41: {  	_ =	shalt  }
0x42: {  	_ =	shalt  }
0x43: {  	_ =	shalt  }
0x44: {  	_ =	shalt  }
0x45: {  	_ =	shalt  }
0x46: {  	_ =	shalt  }
0x47: {  	_ =	shalt  }
0x48: {  	_ =	shalt  }
0x49: {  	_ =	shalt  }
0x4a: {  	_ =	shalt  }
0x4b: {  	_ =	shalt  }
0x4c: {  	_ =	shalt  }
0x4d: {  	_ =	shalt  }
0x4e: {  	_ =	shalt  }
0x4f: {  	_ =	shalt  }
0x50: {  	_ =	shalt  }
0x51: {  	_ =	shalt  }
0x52: {  	_ =	shalt  }
0x53: {  	_ =	shalt  }
0x54: {  	_ =	shalt  }
0x55: {  	_ =	shalt  }
0x56: {  	_ =	shalt  }
0x57: {  	_ =	shalt  }
0x58: {  	_ =	shalt  }
0x59: {  	_ =	shalt  }
0x5a: {  	_ =	shalt  }
0x5b: {  	_ =	shalt  }
0x5c: {  	_ =	shalt  }
0x5d: {  	_ =	shalt  }
0x5e: {  	_ =	shalt  }
0x5f: {  	_ =	shalt  }
0x60: {  	_ =	shalt  }
0x61: {  	_ =	shalt  }
0x62: {  	_ =	shalt  }
0x63: {  	_ =	shalt  }
0x64: {  	_ =	shalt  }
0x65: {  	_ =	shalt  }
0x66: {  	_ =	shalt  }
0x67: {  	_ =	shalt  }
0x68: {  	_ =	shalt  }
0x69: {  	_ =	shalt  }
0x6a: {  	_ =	shalt  }
0x6b: {  	_ =	shalt  }
0x6c: {  	_ =	shalt  }
0x6d: {  	_ =	shalt  }
0x6e: {  	_ =	shalt  }
0x6f: {  	_ =	shalt  }
0x70: {  	_ =	shalt  }
0x71: {  	_ =	shalt  }
0x72: {  	_ =	shalt  }
0x73: {  	_ =	shalt  }
0x74: {  	_ =	shalt  }
0x75: {  	_ =	shalt  }
0x76: {  	_ =	shalt  }
0x77: {  	_ =	shalt  }
0x78: {  	_ =	shalt  }
0x79: {  	_ =	shalt  }
0x7a: {  	_ =	shalt  }
0x7b: {  	_ =	shalt  }
0x7c: {  	_ =	shalt  }
0x7d: {  	_ =	shalt  }
0x7e: {  	_ =	shalt  }
0x7f: {  	_ =	shalt  }
0x80: {  	_ =	shalt  }
0x81: {  	_ =	shalt  }
0x82: {  	_ =	shalt  }
0x83: {  	_ =	shalt  }
0x84: {  	_ =	shalt  }
0x85: {  	_ =	shalt  }
0x86: {  	_ =	shalt  }
0x87: {  	_ =	shalt  }
.Lfunc_end0:
.L_simem_size_0:
called_computation_lowered:
.L_overlay_start_0:
0x88: {  	s2 =	sld [smem:$0x3FD9]  }
0x89: {  	s3 =	sld [smem:$0x3FFE];
	_ =	sdelay $0x1  }
0x8a: {  	s1 =	srdreg.scid  }
0x8b: {  	s0 =	sand.u32 $0x1, s1  }
0x8c: {  	s14 =	sshll.u32 s0, $0xA;
	s2 =	sadd.s32 s3, s2  }
0x8d: {  	s2 =	sadd.s32 s2, s14  }
0x8e: {  	[smem:$0x3FBF] =	sst s2  }
0x8f: {  	_ = 	snop  }
0x90: {  	s2 =	sld [smem:$0x3FD0]  }
0x91: {  	s15 =	sld [smem:$0x3FC7]  }
0x92: {  	s4 =	sld [smem:$0x3FC6]  }
0x93: {  	s6 =	simm.s32 $0xA;
	s7 =	simm.s32 $0x10;
	s5 =	sld [smem:$0x3FC5]  }
0x94: {  	[smem:s7], [sflag:s6] =	dma.local [hbm:s2], $0x1  }
0x95: {  	_ =	swait.eq [sflag:s6], $0x1  }
0x96: {  	[sflag:s6] =	ssyncset.done $0x0  }
0x97: {  	[sflag:s6] =	ssyncadd.s32 $0xFFFFFFFF  }
0x98: {  	s16 =	sld [smem:$0x11];
	(tm) =	ssettm $0x1  }
0x99: {  	s17 =	sld [smem:$0x3FFB];
	_ =	sdelay $0x3  }
0x9a: {  	_ =	strace s17  }
0x9b: {  	s6 =	sld [smem:$0x3FFC];
	_ =	sdelay $0x3  }
0x9c: {  	_ =	strace s6  }
0x9d: {  	s6 =	sld [smem:$0x3FFD];
	_ =	sdelay $0x3  }
0x9e: {  	_ =	strace s6  }
0x9f: {  	_ =	strace $0x8FFFFFFF  }
0xa0: {  	s18 =	sld [smem:$0x3FDB];
	_ =	sdelay $0x1  }
0xa1: {  	s19 =	simm.s32 $_scs_section_size  }
0xa2: {  	s8 =	simm.s32 $_size__tile_overlayer_lowered;
	s9 =	simm.s32 $_tile_overlayer_lowered  }
0xa3: {  	s22 =	simm.s32 $0x1BFF;
	s21 =	sshll.u32 s9, $0x1;
	s6 =	sadd.s32 s19, s18  }
0xa4: {  	s10 =	simm.s32 $0x0;
	s20 =	sshll.u32 s8, $0x1;
	s8 =	sadd.s32 s21, s6  }
0xa5: {  	[timem:s10], [sflag:s22] =	dma.local [hbm:s8], s20  }
0xa6: {  	_ =	swait.ge [sflag:s22], s20  }
0xa7: {  	s7 =	ssub.s32 $0x0, s20;
	[sflag:s22] =	ssyncset.done $0x0  }
0xa8: {  	[sflag:s22] =	ssyncadd.s32 s7;
	_ =	sdelay $0x1  }
0xa9: {  	s23 =	simm.s32 $0x1B8B  }
0xaa: {  	_ =	swait.ge [sflag:s23], $0x1  }
0xab: {  	[sflag:s23] =	ssyncset.done $0x0  }
0xac: {  	s25 =	simm.s32 $0x1B8E;
	s24 =	sld [smem:$0x3FFE];
	[sflag:s23] =	ssyncadd.s32 $0xFFFFFFFF  }
0xad: {  	s26 =	simm.s32 $execute0_lowered;
	[smem:$0x3FD2] =	sst s25  }
0xae: {  	s8 =	sshll.u32 s26, $0x1;
	_ =	strace $0x80000046;
	[dreg:$0x1] =	wrdreg $0xFFFFFFFF  }
0xaf: {  	s28 =	simm.s32 $_size_execute0_lowered;
	s6 =	sadd.s32 s6, s8;
	[dreg:$0x0] =	wrdreg $0x0  }
0xb0: {  	s8 =	sshll.u32 s28, $0x1;
	[dreg:$0x2] =	wrdreg s6  }
0xb1: {  	[dreg:$0x3] =	wrdreg s8  }
0xb2: {  	[dreg:$0x4] =	wrdreg $0xC0  }
0xb3: {  	_ =	task [dreg:s10], $0x5FFFF  }
0xb4: {  	[dreg:$0x1] =	wrdreg $0xFFFFFFFF  }
0xb5: {  	[dreg:$0x0] =	wrdreg $0x60  }
0xb6: {  	[dreg:$0x2] =	wrdreg s16  }
0xb7: {  	[dreg:$0x3] =	wrdreg s4  }
0xb8: {  	[dreg:$0x4] =	wrdreg s15  }
0xb9: {  	[dreg:$0x5] =	wrdreg s5  }
0xba: {  	[dreg:$0x6] =	wrdreg s24  }
0xbb: {  	[dreg:$0x7] =	wrdreg $0x0  }
0xbc: {  	[dreg:$0x8] =	wrdreg $0x9  }
0xbd: {  	_ =	task.clear_ibuf [dreg:s10], $0x9FFFF;
	_ =	strace $0x90000046  }
0xbe: {  	s29 =	simm.s32 $0x9;
	_ =	strace $0x80000048  }
0xbf: {  	_ =	swait.ge [sflag:s29], $0x1  }
0xc0: {  	[sflag:s29] =	ssyncadd.s32 $0xFFFFFFFF  }
0xc1: {  	_ =	strace $0x90000048  }
0xc2: {  	_ =	sfence  }
0xc3: {  	s30 =	sld [smem:$0x0];
	_ =	sdelay $0x2  }
0xc4: {  	s31 =	sshll.u32 s1, $0xD;
	s1 =	sshrl.u32 s1, $0x2  }
0xc5: {  	s3 =	sand.u32 $0x4000, s31;
	s1 =	sadd.s32 s1, s30  }
0xc6: {  	s0 =	sor.u32 s3, s0;
	s1 =	sshll.u32 s1, $0x11  }
0xc7: {  	s0 =	sor.u32 s1, s0  }
0xc8: {  	s0 =	sadd.s32 $0x8F2B, s0  }
0xc9: {  	[sflag:s0] =	ssyncadd.remote.s32 $0x1  }
0xca: {  	_ =	sfence.sel $0xFFFF  }
0xcb: {  	[dreg:$0x0] =	wrdreg $0xFFFFFFFF;
	(pc) =	sbr.abs _section_cstart, $3  }
0xcc: {  	[dreg:$0x1] =	wrdreg $0xFFFFFFFF  }
0xcd: {  	_ =	task.clear_ibuf [dreg:s10], $0x2FFFF;
	_ =	strace $0x9FFFFFFF  }
0xce: {  	(tm) =	ssettm $0x7FFFFFFF  }
0xcf: {  	_ =	shalt  }
tec
execute0_lowered:
.L_overlay_start_1:
0x0: {  	(tag) =	ssettag $0x1  }
0x1: {  	s0 =	rddreg [dreg:$0x0]  }
0x2: {  	s12 =	rddreg [dreg:$0x1]  }
0x3: {  	s3 =	rddreg [dreg:$0x2]  }
0x4: {  	s13 =	rddreg [dreg:$0x3];
	s1 =	srdreg.scid  }
0x5: {  	s10 =	stileid.u32;
	s2 =	rddreg [dreg:$0x4]  }
0x6: {  	s6 =	rddreg [dreg:$0x5];
	s7 =	simm.s32 $0x0;
	s4 =	smul.u32 $0x30D40, s10  }
0x7: {  	s15 =	simm.s32 $0x187;
	s1 =	sand.u32 $0x1, s1;
	s17 =	smul.u32 $0x61A80, s10  }
0x8: {  	[smem:$0x7FF] =	sst s7;
	s9 =	smul.u32 $0x186, s10;
	s5 =	sshll.u32 s1, $0x5  }
0x9: {  	s19 =	smin.u32 s10, $0xA;
	s4 =	sor.u32 s5, s4;
	s5 =	sshrl.u32 s17, $0x2  }
0xa: {  	_ =	strace $0x80000047;
	s18 =	ssub.s32 $0x2, s1;
	s16 =	sadd.s32 s5, s6  }
0xb: {  	s8 =	sshrl.u32 s18, $0x1;
	s20 =	sadd.s32 $0xFA0, s16;
	[dreg:$0x7] =	wrdreg s16  }
0xc: {  	s11 =	sadd.s32 s19, s9;
	s21 =	sadd.s32 $0x1F40, s16;
	[dreg:$0x8] =	wrdreg s20  }
0xd: {  	s4 =	sshrl.u32 s4, $0x3;
	s22 =	sadd.s32 $0x2EE0, s16;
	[dreg:$0x9] =	wrdreg s21  }
0xe: {  	s25 =	sshll.u32 s11, $0x4;
	s23 =	sadd.s32 $0x3E80, s16;
	[dreg:$0xa] =	wrdreg s22  }
0xf: {  	s2 =	sadd.s32 s4, s2;
	s17 =	sadd.s32 s12, s25;
	[dreg:$0xb] =	wrdreg s23  }
0x10: {  	s4 =	ssub.s32 s18, s8;
	s18 =	sadd.s32 s13, s25;
	[dreg:$0xc] =	wrdreg s17  }
0x11: {  	p0 =	slt.u32 s10, $0xA;
	s8 =	sadd.s32 s3, s25;
	[dreg:$0xd] =	wrdreg s18  }
0x12: {  	s15 =	simm.s32 @!p0 $0x186;
	s25 =	sadd.s32 $0x7D00, s16;
	[dreg:$0x10] =	wrdreg s8  }
0x13: {  	p0 =	sne.s32 s10, $0xF;
	s10 =	sadd.s32 $0xDAC0, s16;
	[dreg:$0x18] =	wrdreg s25  }
0x14: {  	s2 =	sadd.s32 $0x1400, s2;
	[dreg:$0x1e] =	wrdreg s10  }
0x15: {  	s14 =	sshll.u32 s11, $0x7;
	s21 =	smax.u32 s4, $0x1;
	[dreg:$0x13] =	wrdreg s2  }
0x16: {  	s24 =	sshrl.u32 s14, $0x3;
	s22 =	sadd.s32 $0x4E20, s16;
	[dreg:$0x14] =	wrdreg s21  }
0x17: {  	s26 =	sadd.s32 $0x80, s24;
	s23 =	sadd.s32 $0x5DC0, s16;
	[dreg:$0x15] =	wrdreg s22  }
0x18: {  	s5 =	sadd.s32 s3, s24;
	s24 =	sadd.s32 $0x6D60, s16;
	[dreg:$0x16] =	wrdreg s23  }
0x19: {  	s4 =	sadd.s32 $0x9C40, s16;
	[dreg:$0x17] =	wrdreg s24  }
0x1a: {  	s8 =	sadd.s32 $0xBB80, s16;
	[dreg:$0x1a] =	wrdreg s4  }
0x1b: {  	s17 =	sadd.s32 $0xEA60, s16;
	[dreg:$0x1c] =	wrdreg s8  }
0x1c: {  	s18 =	sadd.s32 $0xFA00, s16;
	[dreg:$0x1f] =	wrdreg s17  }
0x1d: {  	s25 =	sadd.s32 $0x16760, s16;
	[smem:$0x7F5] =	sst s18  }
0x1e: {  	s19 =	sadd.s32 s12, s26;
	[smem:$0x7FC] =	sst s25  }
0x1f: {  	s9 =	sadd.s32 s13, s26;
	[dreg:$0xe] =	wrdreg s19  }
0x20: {  	s20 =	sadd.s32 $0x10, s5;
	[dreg:$0xf] =	wrdreg s9  }
0x21: {  	s5 =	sadd.s32 $0x20, s5;
	[dreg:$0x11] =	wrdreg s20  }
0x22: {  	s26 =	sadd.s32 $0x8CA0, s16;
	[dreg:$0x12] =	wrdreg s5  }
0x23: {  	s21 =	sadd.s32 $0x128E0, s16;
	[dreg:$0x19] =	wrdreg s26  }
0x24: {  	s22 =	sadd.s32 $0x13880, s16;
	[smem:$0x7F8] =	sst s21  }
0x25: {  	s23 =	sadd.s32 $0x14820, s16;
	[smem:$0x7F9] =	sst s22  }
0x26: {  	s24 =	sadd.s32 $0x157C0, s16;
	[smem:$0x7FA] =	sst s23  }
0x27: {  	s5 =	sadd.s32 $0xABE0, s16;
	[smem:$0x7FB] =	sst s24  }
0x28: {  	s28 =	simm.s32 $0x186A0;
	s9 =	sadd.s32 $0xCB20, s16;
	[dreg:$0x1b] =	wrdreg s5  }
0x29: {  	s29 =	simm.s32 $0x18EA0;
	s19 =	sadd.s32 $0x109A0, s16;
	[dreg:$0x1d] =	wrdreg s9  }
0x2a: {  	s30 =	simm.s32 $0x1;
	s20 =	sadd.s32 $0x11940, s16;
	[smem:$0x7F6] =	sst s19  }
0x2b: {  	s31 =	simm.s32 $0x80;
	s26 =	sadd.s32 $0x17700, s16;
	[smem:$0x7F7] =	sst s20  }
0x2c: {  	s25 =	sadd.s32 $0x18640, s13;
	s24 =	sadd.s32 $0x18640, s12;
	[smem:$0x7FD] =	sst s26  }
0x2d: {  	v1 =	vimm.f32 $0.0e+00;
	v0 =	vmov s1;
	s26 =	simm.s32 $0x5;
	s5 =	simm.s32 $0x4;
	s9 =	simm.s32 $0x0  }
.LBB2_1:
0x2e: {  	s1 =	simm.s32 $0x80;
	s2 =	simm.s32 $0x0  }
.LBB2_2:
0x2f: {  	p1 =	sne.s32 s1, $0x3E00;
	[tilespmem:s2+$0x19AA0] =	vst v1;
	s4 =	smov.u32 s1;
	s1 =	sadd.s32 $0x80, s1  }
.Ltmp0:
0x30: {  	[tilespmem:s2+$0x19AB0] =	vst v1;
	(pc) =	sbr.rel @p1 .LBB2_2-.Ltmp0, $2  }
0x31: {  	_ =	sdelay $0x2  }
0x32: {  	s2 =	sshra.s32 s4, $0x2  }
0x33: {  	[tilespmem:s2+$0x19AA0] =	vst v1  }
0x34: {  	[tilespmem:s2+$0x19AB0] =	vst v1;
	s1 =	simm.s32 $0x19AA0;
	s23 =	rddreg [dreg:$0x8]  }
0x35: {  	[spmem:s16] =	stream.linear.scatter [tilespmem:s1], [sflag:$0x5], $0xFA0, $0x38;
	[tilespmem:$0x1EAA0] =	vst v63  }
0x36: {  	s4 =	rddreg [dreg:$0x9]  }
0x37: {  	[spmem:s23] =	stream.linear.scatter [tilespmem:s1], [sflag:$0x5], $0xFA0, $0x38;
	[tilespmem:$0x1EAA0] =	vst v63  }
0x38: {  	s8 =	rddreg [dreg:$0xa]  }
0x39: {  	[spmem:s4] =	stream.linear.scatter [tilespmem:s1], [sflag:$0x5], $0xFA0, $0x38;
	[tilespmem:$0x1EAA0] =	vst v63  }
0x3a: {  	s10 =	rddreg [dreg:$0xb]  }
0x3b: {  	[spmem:s8] =	stream.linear.scatter [tilespmem:s1], [sflag:$0x5], $0xFA0, $0x38;
	[tilespmem:$0x1EAA0] =	vst v63  }
0x3c: {  	s12 =	rddreg [dreg:$0x15]  }
0x3d: {  	[spmem:s10] =	stream.linear.scatter [tilespmem:s1], [sflag:$0x5], $0xFA0, $0x38;
	[tilespmem:$0x1EAA0] =	vst v63  }
0x3e: {  	s13 =	rddreg [dreg:$0x16]  }
0x3f: {  	[spmem:s12] =	stream.linear.scatter [tilespmem:s1], [sflag:$0x5], $0xFA0, $0x38;
	[tilespmem:$0x1EAA0] =	vst v63  }
0x40: {  	s17 =	rddreg [dreg:$0x18]  }
0x41: {  	[spmem:s13] =	stream.linear.scatter [tilespmem:s1], [sflag:$0x5], $0xFA0, $0x38;
	[tilespmem:$0x1EAA0] =	vst v63  }
0x42: {  	s16 =	rddreg [dreg:$0x17]  }
0x43: {  	[spmem:s16] =	stream.linear.scatter [tilespmem:s1], [sflag:$0x5], $0xFA0, $0x38;
	[tilespmem:$0x1EAA0] =	vst v63  }
0x44: {  	s18 =	rddreg [dreg:$0x19]  }
0x45: {  	[spmem:s17] =	stream.linear.scatter [tilespmem:s1], [sflag:$0x5], $0xFA0, $0x38;
	[tilespmem:$0x1EAA0] =	vst v63  }
0x46: {  	s19 =	rddreg [dreg:$0x1a]  }
0x47: {  	[spmem:s18] =	stream.linear.scatter [tilespmem:s1], [sflag:$0x5], $0xFA0, $0x38;
	[tilespmem:$0x1EAA0] =	vst v63  }
0x48: {  	s20 =	rddreg [dreg:$0x1b]  }
0x49: {  	[spmem:s19] =	stream.linear.scatter [tilespmem:s1], [sflag:$0x5], $0xFA0, $0x38;
	[tilespmem:$0x1EAA0] =	vst v63  }
0x4a: {  	s21 =	rddreg [dreg:$0x1c]  }
0x4b: {  	[spmem:s20] =	stream.linear.scatter [tilespmem:s1], [sflag:$0x5], $0xFA0, $0x38;
	[tilespmem:$0x1EAA0] =	vst v63  }
0x4c: {  	s22 =	rddreg [dreg:$0x1d]  }
0x4d: {  	[spmem:s21] =	stream.linear.scatter [tilespmem:s1], [sflag:$0x5], $0xFA0, $0x38;
	[tilespmem:$0x1EAA0] =	vst v63  }
0x4e: {  	s23 =	rddreg [dreg:$0x1e]  }
0x4f: {  	[spmem:s22] =	stream.linear.scatter [tilespmem:s1], [sflag:$0x5], $0xFA0, $0x38;
	[tilespmem:$0x1EAA0] =	vst v63  }
0x50: {  	s4 =	rddreg [dreg:$0x1f]  }
0x51: {  	[spmem:s23] =	stream.linear.scatter [tilespmem:s1], [sflag:$0x5], $0xFA0, $0x38;
	[tilespmem:$0x1EAA0] =	vst v63  }
0x52: {  	s8 =	sld [smem:$0x7F5]  }
0x53: {  	[spmem:s4] =	stream.linear.scatter [tilespmem:s1], [sflag:$0x5], $0xFA0, $0x38;
	[tilespmem:$0x1EAA0] =	vst v63  }
0x54: {  	s10 =	sld [smem:$0x7F6]  }
0x55: {  	[spmem:s8] =	stream.linear.scatter [tilespmem:s1], [sflag:$0x5], $0xFA0, $0x38;
	[tilespmem:$0x1EAA0] =	vst v63  }
0x56: {  	s12 =	sld [smem:$0x7F7]  }
0x57: {  	[spmem:s10] =	stream.linear.scatter [tilespmem:s1], [sflag:$0x5], $0xFA0, $0x38;
	[tilespmem:$0x1EAA0] =	vst v63  }
0x58: {  	s13 =	sld [smem:$0x7F8]  }
0x59: {  	[spmem:s12] =	stream.linear.scatter [tilespmem:s1], [sflag:$0x5], $0xFA0, $0x38;
	[tilespmem:$0x1EAA0] =	vst v63  }
0x5a: {  	s16 =	sld [smem:$0x7F9]  }
0x5b: {  	[spmem:s13] =	stream.linear.scatter [tilespmem:s1], [sflag:$0x5], $0xFA0, $0x38;
	[tilespmem:$0x1EAA0] =	vst v63  }
0x5c: {  	s17 =	sld [smem:$0x7FA]  }
0x5d: {  	[spmem:s16] =	stream.linear.scatter [tilespmem:s1], [sflag:$0x5], $0xFA0, $0x38;
	[tilespmem:$0x1EAA0] =	vst v63  }
0x5e: {  	s18 =	sld [smem:$0x7FB]  }
0x5f: {  	[spmem:s17] =	stream.linear.scatter [tilespmem:s1], [sflag:$0x5], $0xFA0, $0x38;
	[tilespmem:$0x1EAA0] =	vst v63  }
0x60: {  	s19 =	sld [smem:$0x7FC]  }
0x61: {  	[spmem:s18] =	stream.linear.scatter [tilespmem:s1], [sflag:$0x5], $0xFA0, $0x38;
	[tilespmem:$0x1EAA0] =	vst v63  }
0x62: {  	s20 =	sld [smem:$0x7FD]  }
0x63: {  	[spmem:s19] =	stream.linear.scatter [tilespmem:s1], [sflag:$0x5], $0xFA0, $0x38;
	[tilespmem:$0x1EAA0] =	vst v63  }
0x64: {  	_ = 	snop  }
0x65: {  	[spmem:s20] =	stream.linear.scatter [tilespmem:s1], [sflag:$0x5], $0xFA0, $0x38;
	[tilespmem:$0x1EAA0] =	vst v63  }
0x66: {  	_ =	swait.ge [sflag:s26], $0xFA0  }
0x67: {  	[sflag:s26] =	ssyncset.done $0x0  }
0x68: {  	[sflag:s26] =	ssyncadd.s32 $0xFFFFF060  }
0x69: {  	_ =	swait.ge [sflag:s26], $0xFA0  }
0x6a: {  	[sflag:s26] =	ssyncset.done $0x0  }
0x6b: {  	[sflag:s26] =	ssyncadd.s32 $0xFFFFF060  }
0x6c: {  	_ =	swait.ge [sflag:s26], $0xFA0  }
0x6d: {  	[sflag:s26] =	ssyncset.done $0x0  }
0x6e: {  	[sflag:s26] =	ssyncadd.s32 $0xFFFFF060  }
0x6f: {  	_ =	swait.ge [sflag:s26], $0xFA0  }
0x70: {  	[sflag:s26] =	ssyncset.done $0x0  }
0x71: {  	[sflag:s26] =	ssyncadd.s32 $0xFFFFF060  }
0x72: {  	_ =	swait.ge [sflag:s26], $0xFA0  }
0x73: {  	[sflag:s26] =	ssyncset.done $0x0  }
0x74: {  	[sflag:s26] =	ssyncadd.s32 $0xFFFFF060  }
0x75: {  	_ =	swait.ge [sflag:s26], $0xFA0  }
0x76: {  	[sflag:s26] =	ssyncset.done $0x0  }
0x77: {  	[sflag:s26] =	ssyncadd.s32 $0xFFFFF060  }
0x78: {  	_ =	swait.ge [sflag:s26], $0xFA0  }
0x79: {  	[sflag:s26] =	ssyncset.done $0x0  }
0x7a: {  	[sflag:s26] =	ssyncadd.s32 $0xFFFFF060  }
0x7b: {  	_ =	swait.ge [sflag:s26], $0xFA0  }
0x7c: {  	[sflag:s26] =	ssyncset.done $0x0  }
0x7d: {  	[sflag:s26] =	ssyncadd.s32 $0xFFFFF060  }
0x7e: {  	_ =	swait.ge [sflag:s26], $0xFA0  }
0x7f: {  	[sflag:s26] =	ssyncset.done $0x0  }
0x80: {  	[sflag:s26] =	ssyncadd.s32 $0xFFFFF060  }
0x81: {  	_ =	swait.ge [sflag:s26], $0xFA0  }
0x82: {  	[sflag:s26] =	ssyncset.done $0x0  }
0x83: {  	[sflag:s26] =	ssyncadd.s32 $0xFFFFF060  }
0x84: {  	_ =	swait.ge [sflag:s26], $0xFA0  }
0x85: {  	[sflag:s26] =	ssyncset.done $0x0  }
0x86: {  	[sflag:s26] =	ssyncadd.s32 $0xFFFFF060  }
0x87: {  	_ =	swait.ge [sflag:s26], $0xFA0  }
0x88: {  	[sflag:s26] =	ssyncset.done $0x0  }
0x89: {  	[sflag:s26] =	ssyncadd.s32 $0xFFFFF060  }
0x8a: {  	_ =	swait.ge [sflag:s26], $0xFA0  }
0x8b: {  	[sflag:s26] =	ssyncset.done $0x0  }
0x8c: {  	[sflag:s26] =	ssyncadd.s32 $0xFFFFF060  }
0x8d: {  	_ =	swait.ge [sflag:s26], $0xFA0  }
0x8e: {  	[sflag:s26] =	ssyncset.done $0x0  }
0x8f: {  	[sflag:s26] =	ssyncadd.s32 $0xFFFFF060  }
0x90: {  	_ =	swait.ge [sflag:s26], $0xFA0  }
0x91: {  	[sflag:s26] =	ssyncset.done $0x0  }
0x92: {  	[sflag:s26] =	ssyncadd.s32 $0xFFFFF060  }
0x93: {  	_ =	swait.ge [sflag:s26], $0xFA0  }
0x94: {  	[sflag:s26] =	ssyncset.done $0x0  }
0x95: {  	[sflag:s26] =	ssyncadd.s32 $0xFFFFF060  }
0x96: {  	_ =	swait.ge [sflag:s26], $0xFA0  }
0x97: {  	[sflag:s26] =	ssyncset.done $0x0  }
0x98: {  	[sflag:s26] =	ssyncadd.s32 $0xFFFFF060  }
0x99: {  	_ =	swait.ge [sflag:s26], $0xFA0  }
0x9a: {  	[sflag:s26] =	ssyncset.done $0x0  }
0x9b: {  	[sflag:s26] =	ssyncadd.s32 $0xFFFFF060  }
0x9c: {  	_ =	swait.ge [sflag:s26], $0xFA0  }
0x9d: {  	[sflag:s26] =	ssyncset.done $0x0  }
0x9e: {  	[sflag:s26] =	ssyncadd.s32 $0xFFFFF060  }
0x9f: {  	_ =	swait.ge [sflag:s26], $0xFA0  }
0xa0: {  	[sflag:s26] =	ssyncset.done $0x0  }
0xa1: {  	[sflag:s26] =	ssyncadd.s32 $0xFFFFF060  }
0xa2: {  	_ =	swait.ge [sflag:s26], $0xFA0  }
0xa3: {  	[sflag:s26] =	ssyncset.done $0x0  }
0xa4: {  	[sflag:s26] =	ssyncadd.s32 $0xFFFFF060  }
0xa5: {  	_ =	swait.ge [sflag:s26], $0xFA0  }
0xa6: {  	[sflag:s26] =	ssyncset.done $0x0  }
0xa7: {  	[sflag:s26] =	ssyncadd.s32 $0xFFFFF060  }
0xa8: {  	_ =	swait.ge [sflag:s26], $0xFA0  }
0xa9: {  	[sflag:s26] =	ssyncset.done $0x0  }
0xaa: {  	[sflag:s26] =	ssyncadd.s32 $0xFFFFF060  }
0xab: {  	_ =	swait.ge [sflag:s26], $0xFA0  }
0xac: {  	[sflag:s26] =	ssyncset.done $0x0  }
0xad: {  	[sflag:s26] =	ssyncadd.s32 $0xFFFFF060  }
0xae: {  	_ =	swait.ge [sflag:s26], $0xFA0  }
0xaf: {  	[sflag:s26] =	ssyncset.done $0x0  }
0xb0: {  	[sflag:s26] =	ssyncadd.s32 $0xFFFFF060  }
0xb1: {  	[bflag:$0x0] =	sbarrier.arrive $0xFFFF  }
0xb2: {  	s12 =	simm.s32 $0x0;
	s21 =	rddreg [dreg:$0xc]  }
0xb3: {  	[tilespmem:s28], [sflag:$0x1] =	stream.linear.gather [hbm4b:s21+s12], $0x400, $0x38;
	[tilespmem:$0x1EAA0] =	vst v63  }
0xb4: {  	s22 =	rddreg [dreg:$0xd]  }
0xb5: {  	[tilespmem:s29], [sflag:$0x1] =	stream.linear.gather [hbm4b:s22+s12], $0x400, $0x38;
	[tilespmem:$0x1EAA0] =	vst v63  }
0xb6: {  	_ =	swait.ge [sflag:s30], $0x400  }
0xb7: {  	[sflag:s30] =	ssyncset.done $0x0  }
0xb8: {  	[sflag:s30] =	ssyncadd.s32 $0xFFFFFC00  }
0xb9: {  	_ =	swait.ge [sflag:s30], $0x400  }
0xba: {  	[sflag:s30] =	ssyncset.done $0x0  }
0xbb: {  	s4 =	simm.s32 $0x18AA0;
	s23 =	rddreg [dreg:$0xe];
	[sflag:s30] =	ssyncadd.s32 $0xFFFFFC00  }
0xbc: {  	[tilespmem:s4], [sflag:$0x1] =	stream.linear.gather [hbm4b:s23+s12], $0x400, $0x38;
	[tilespmem:$0x1EAA0] =	vst v63  }
0xbd: {  	s8 =	simm.s32 $0x192A0;
	s4 =	rddreg [dreg:$0xf]  }
0xbe: {  	[tilespmem:s8], [sflag:$0x1] =	stream.linear.gather [hbm4b:s4+s12], $0x400, $0x38;
	[tilespmem:$0x1EAA0] =	vst v63  }
0xbf: {  	v2 =	vld [tilespmem:$0x186A0]  }
0xc0: {  	v3 =	vld [tilespmem:$0x186B0]  }
0xc1: {  	v4 =	vld [tilespmem:$0x186C0]  }
0xc2: {  	v5 =	vld [tilespmem:$0x186D0]  }
0xc3: {  	v6 =	vld [tilespmem:$0x186E0]  }
0xc4: {  	v7 =	vld [tilespmem:$0x186F0];
	v2 =	vshll.u32 v2, $0x1  }
0xc5: {  	v8 =	vld [tilespmem:$0x18700];
	v3 =	vshll.u32 v3, $0x1;
	v2 =	vor.u32 v0, v2  }
0xc6: {  	v51 =	vld [tilespmem:$0x18710];
	[tilespmem:$0x186A0] =	vst v2;
	v2 =	vor.u32 v0, v3;
	v3 =	vshll.u32 v4, $0x1  }
0xc7: {  	[tilespmem:$0x186B0] =	vst v2;
	v2 =	vor.u32 v0, v3;
	v3 =	vshll.u32 v5, $0x1  }
0xc8: {  	[tilespmem:$0x186C0] =	vst v2;
	v2 =	vor.u32 v0, v3;
	v3 =	vshll.u32 v6, $0x1  }
0xc9: {  	[tilespmem:$0x186D0] =	vst v2;
	v2 =	vor.u32 v0, v3;
	v3 =	vshll.u32 v7, $0x1  }
0xca: {  	[tilespmem:$0x186E0] =	vst v2;
	v2 =	vor.u32 v0, v3;
	v3 =	vshll.u32 v8, $0x1  }
0xcb: {  	[tilespmem:$0x186F0] =	vst v2;
	v2 =	vor.u32 v0, v3;
	v3 =	vshll.u32 v51, $0x1  }
0xcc: {  	[tilespmem:$0x18700] =	vst v2;
	v2 =	vor.u32 v0, v3  }
0xcd: {  	[tilespmem:$0x18710] =	vst v2  }
0xce: {  	[tilespmem:s1], [sflag:$0x2] =	stream.indirect.gather [hbm4b:s0+s31], $0x20, s28, s31, $0xb8;
	[tilespmem:$0x1EAA0] =	vst v63  }
0xcf: {  	s13 =	simm.s32 $0x196A0;
	s10 =	rddreg [dreg:$0x10]  }
0xd0: {  	[tilespmem:s13], [sflag:$0x4] =	stream.linear.gather [hbm4b:s10+s12], $0x80, $0x38;
	[tilespmem:$0x1EAA0] =	vst v63  }
0xd1: {  	v2 =	vld [tilespmem:$0x18720]  }
0xd2: {  	v3 =	vld [tilespmem:$0x18730]  }
0xd3: {  	v52 =	vld [tilespmem:$0x18740]  }
0xd4: {  	v53 =	vld [tilespmem:$0x18750]  }
0xd5: {  	v54 =	vld [tilespmem:$0x18760]  }
0xd6: {  	v55 =	vld [tilespmem:$0x18770];
	v2 =	vshll.u32 v2, $0x1  }
0xd7: {  	v56 =	vld [tilespmem:$0x18780];
	v3 =	vshll.u32 v3, $0x1;
	v2 =	vor.u32 v0, v2  }
0xd8: {  	v57 =	vld [tilespmem:$0x18790];
	[tilespmem:$0x18720] =	vst v2;
	v2 =	vor.u32 v0, v3;
	v3 =	vshll.u32 v52, $0x1  }
0xd9: {  	[tilespmem:$0x18730] =	vst v2;
	v2 =	vor.u32 v0, v3;
	v3 =	vshll.u32 v53, $0x1  }
0xda: {  	[tilespmem:$0x18740] =	vst v2;
	v2 =	vor.u32 v0, v3;
	v3 =	vshll.u32 v54, $0x1  }
0xdb: {  	[tilespmem:$0x18750] =	vst v2;
	v2 =	vor.u32 v0, v3;
	v3 =	vshll.u32 v55, $0x1  }
0xdc: {  	[tilespmem:$0x18760] =	vst v2;
	v2 =	vor.u32 v0, v3;
	v3 =	vshll.u32 v56, $0x1  }
0xdd: {  	[tilespmem:$0x18770] =	vst v2;
	v2 =	vor.u32 v0, v3;
	v3 =	vshll.u32 v57, $0x1  }
0xde: {  	[tilespmem:$0x18780] =	vst v2;
	v2 =	vor.u32 v0, v3  }
0xdf: {  	s16 =	simm.s32 $0x18720;
	s17 =	simm.s32 $0x1AAA0;
	[tilespmem:$0x18790] =	vst v2  }
0xe0: {  	[tilespmem:s17], [sflag:$0x3] =	stream.indirect.gather [hbm4b:s0+s31], $0x20, s16, s31, $0xb8;
	[tilespmem:$0x1EAA0] =	vst v63  }
0xe1: {  	s19 =	simm.s32 $0x19720;
	s18 =	rddreg [dreg:$0x11]  }
0xe2: {  	[tilespmem:s19], [sflag:$0x4] =	stream.linear.gather [hbm4b:s18+s12], $0x80, $0x38;
	[tilespmem:$0x1EAA0] =	vst v63  }
0xe3: {  	v2 =	vld [tilespmem:$0x187A0]  }
0xe4: {  	v3 =	vld [tilespmem:$0x187B0]  }
0xe5: {  	v58 =	vld [tilespmem:$0x187C0]  }
0xe6: {  	v59 =	vld [tilespmem:$0x187D0]  }
0xe7: {  	v60 =	vld [tilespmem:$0x187E0]  }
0xe8: {  	v61 =	vld [tilespmem:$0x187F0];
	v2 =	vshll.u32 v2, $0x1  }
0xe9: {  	v62 =	vld [tilespmem:$0x18800];
	v3 =	vshll.u32 v3, $0x1;
	v2 =	vor.u32 v0, v2  }
0xea: {  	v63 =	vld [tilespmem:$0x18810];
	[tilespmem:$0x187A0] =	vst v2;
	v2 =	vor.u32 v0, v3;
	v3 =	vshll.u32 v58, $0x1  }
0xeb: {  	[tilespmem:$0x187B0] =	vst v2;
	v2 =	vor.u32 v0, v3;
	v3 =	vshll.u32 v59, $0x1  }
0xec: {  	[tilespmem:$0x187C0] =	vst v2;
	v2 =	vor.u32 v0, v3;
	v3 =	vshll.u32 v60, $0x1  }
0xed: {  	[tilespmem:$0x187D0] =	vst v2;
	v2 =	vor.u32 v0, v3;
	v3 =	vshll.u32 v61, $0x1  }
0xee: {  	[tilespmem:$0x187E0] =	vst v2;
	v2 =	vor.u32 v0, v3;
	v3 =	vshll.u32 v62, $0x1  }
0xef: {  	[tilespmem:$0x187F0] =	vst v2;
	v2 =	vor.u32 v0, v3;
	v3 =	vshll.u32 v63, $0x1  }
0xf0: {  	[tilespmem:$0x18800] =	vst v2;
	v2 =	vor.u32 v0, v3  }
0xf1: {  	s20 =	simm.s32 $0x187A0;
	s21 =	simm.s32 $0x1BAA0;
	[tilespmem:$0x18810] =	vst v2  }
0xf2: {  	[tilespmem:s21], [sflag:$0x2] =	stream.indirect.gather [hbm4b:s0+s31], $0x20, s20, s31, $0xb8;
	[tilespmem:$0x1EAA0] =	vst v63  }
0xf3: {  	s22 =	rddreg [dreg:$0x12];
	s23 =	simm.s32 $0x197A0;
	s13 =	simm.s32 $0x0  }
0xf4: {  	[tilespmem:s23], [sflag:$0x4] =	stream.linear.gather [hbm4b:s22+s12], $0x80, $0x38;
	[tilespmem:$0x1EAA0] =	vst v63  }
.LBB2_4:
0xf5: {  	s22 =	sand.u32 $0x7, s13;
	p1 =	sgt.u32 s13, $0x17F  }
0xf6: {  	p2 =	sne.s32 @!p1 s22, $0x5  }
0xf7: {  	p2 =	por p1, p2  }
.Ltmp1:
0xf8: {  	_ = 	snop;
	(pc) =	sbr.rel @p2 .LBB2_6-.Ltmp1, $4  }
0xf9: {  	s4 =	sshrl.u32 s13, $0x3  }
0xfa: {  	s2 =	sadd.s32 $0x1, s4  }
0xfb: {  	p1 =	sne.s32 @!p0 s2, $0x30  }
0xfc: {  	p1 =	por p0, p1  }
0xfd: {  	_ =	swait.ge @p1 [sflag:s30], $0x400  }
0xfe: {  	[sflag:s30] =	ssyncset.done @p1 $0x0  }
0xff: {  	[sflag:s30] =	ssyncadd.s32 @p1 $0xFFFFFC00  }
0x100: {  	_ =	swait.ge @p1 [sflag:s30], $0x400  }
0x101: {  	[sflag:s30] =	ssyncset.done @p1 $0x0  }
0x102: {  	[sflag:s30] =	ssyncadd.s32 @p1 $0xFFFFFC00  }
0x103: {  	_ =	swait.ge @!p1 [sflag:s30], $0x300  }
0x104: {  	[sflag:s30] =	ssyncset.done @!p1 $0x0  }
0x105: {  	[sflag:s30] =	ssyncadd.s32 @!p1 $0xFFFFFD00  }
0x106: {  	_ =	swait.ge @!p1 [sflag:s30], $0x300  }
0x107: {  	[sflag:s30] =	ssyncset.done @!p1 $0x0  }
0x108: {  	[sflag:s30] =	ssyncadd.s32 @!p1 $0xFFFFFD00  }
.LBB2_6:
0x109: {  	p2 =	slt.u32 s13, $0x2;
	s8 =	sadd.s32 $0x3, s13  }
0x10a: {  	p3 =	sge.u32 @!p2 s8, s15  }
0x10b: {  	p2 =	por p2, p3  }
.Ltmp2:
0x10c: {  	_ = 	snop;
	(pc) =	sbr.rel @p2 .LBB2_8-.Ltmp2, $1  }
0x10d: {  	_ =	sdelay $0x3  }
0x10e: {  	_ =	swait.ge [sflag:s26], $0x1000  }
0x10f: {  	s10 =	sshll.u32 s8, $0x7;
	[sflag:s26] =	ssyncset.done $0x0  }
0x110: {  	s16 =	sand.u32 $0x780, s10;
	[sflag:s26] =	ssyncadd.s32 $0xFFFFF000  }
0x111: {  	v2 =	vld [tilespmem:s16+$0x186A0];
	_ =	sdelay $0x4  }
0x112: {  	v2 =	vshll.u32 v2, $0x1  }
0x113: {  	v2 =	vor.u32 v0, v2  }
0x114: {  	s17 =	sadd.s32 $0x186A0, s16;
	[tilespmem:s16+$0x186A0] =	vst v2  }
0x115: {  	v2 =	vld [tilespmem:s17+$0x10]  }
0x116: {  	v3 =	vld [tilespmem:s17+$0x20]  }
0x117: {  	v4 =	vld [tilespmem:s17+$0x30]  }
0x118: {  	v5 =	vld [tilespmem:s17+$0x40]  }
0x119: {  	v6 =	vld [tilespmem:s17+$0x50]  }
0x11a: {  	v7 =	vld [tilespmem:s17+$0x60];
	v2 =	vshll.u32 v2, $0x1  }
0x11b: {  	s21 =	smulhi.u32 $0xCCCCCCCD, s8;
	v8 =	vld [tilespmem:s17+$0x70];
	v3 =	vshll.u32 v3, $0x1;
	v2 =	vor.u32 v0, v2  }
0x11c: {  	[tilespmem:s17+$0x10] =	vst v2;
	v2 =	vor.u32 v0, v3;
	v3 =	vshll.u32 v4, $0x1  }
0x11d: {  	s16 =	sshrl.u32 s21, $0x2;
	[tilespmem:s17+$0x20] =	vst v2;
	v2 =	vor.u32 v0, v3;
	v3 =	vshll.u32 v5, $0x1  }
0x11e: {  	s16 =	smul.u32 $0x5, s16;
	[tilespmem:s17+$0x30] =	vst v2;
	v2 =	vor.u32 v0, v3;
	v3 =	vshll.u32 v6, $0x1  }
.Ltmp3:
0x11f: {  	s18 =	sand.u32 $0x1, s8;
	s23 =	sadd.s32 s11, s8;
	[tilespmem:s17+$0x40] =	vst v2;
	v2 =	vor.u32 v0, v3;
	v3 =	vshll.u32 v7, $0x1;
	(pc) =	sbr.rel .LBB2_10-.Ltmp3, $4  }
0x120: {  	p2 =	seq.s32 s18, $0x1;
	s18 =	simm.s32 $0x3;
	s16 =	ssub.s32 s8, s16;
	[tilespmem:s17+$0x50] =	vst v2;
	v2 =	vor.u32 v0, v3;
	v3 =	vshll.u32 v8, $0x1  }
0x121: {  	s10 =	sand.u32 $0x380, s10;
	s8 =	sshll.u32 s23, $0x4;
	s16 =	sshll.u32 s16, $0xC;
	[tilespmem:s17+$0x60] =	vst v2;
	v2 =	vor.u32 v0, v3  }
0x122: {  	s18 =	simm.s32 @!p2 $0x2;
	s8 =	sand.u32 $0x1FFFFFF0, s8;
	s16 =	sadd.s32 $0x19AA0, s16;
	[tilespmem:s17+$0x70] =	vst v2  }
0x123: {  	[tilespmem:s16], [sflag:s18] =	stream.indirect.gather [hbm4b:s0+s31], $0x20, s17, s31, $0xb8;
	[tilespmem:$0x1EAA0] =	vst v63  }
.LBB2_8:
0x124: {  	p2 =	sgt.u32 s13, $0x1  }
0x125: {  	p3 =	sge.u32 @!p2 s8, s15  }
0x126: {  	p2 =	por p2, p3  }
.Ltmp4:
0x127: {  	_ = 	snop;
	(pc) =	sbr.rel @p2 .LBB2_11-.Ltmp4, $1  }
0x128: {  	_ =	sdelay $0x3  }
0x129: {  	s10 =	sshll.u32 s8, $0x7  }
0x12a: {  	v2 =	vld [tilespmem:s10+$0x186A0];
	_ =	sdelay $0x4  }
0x12b: {  	v2 =	vshll.u32 v2, $0x1  }
0x12c: {  	v2 =	vor.u32 v0, v2  }
0x12d: {  	[tilespmem:s10+$0x186A0] =	vst v2;
	v2 =	vld [tilespmem:s10+$0x186B0];
	_ =	sdelay $0x4  }
0x12e: {  	v2 =	vshll.u32 v2, $0x1  }
0x12f: {  	v2 =	vor.u32 v0, v2  }
0x130: {  	[tilespmem:s10+$0x186B0] =	vst v2;
	v2 =	vld [tilespmem:s10+$0x186C0];
	_ =	sdelay $0x4  }
0x131: {  	v2 =	vshll.u32 v2, $0x1  }
0x132: {  	v2 =	vor.u32 v0, v2  }
0x133: {  	[tilespmem:s10+$0x186C0] =	vst v2;
	v2 =	vld [tilespmem:s10+$0x186D0];
	_ =	sdelay $0x4  }
0x134: {  	v2 =	vshll.u32 v2, $0x1  }
0x135: {  	v2 =	vor.u32 v0, v2  }
0x136: {  	[tilespmem:s10+$0x186D0] =	vst v2;
	v2 =	vld [tilespmem:s10+$0x186E0];
	_ =	sdelay $0x4  }
0x137: {  	v2 =	vshll.u32 v2, $0x1  }
0x138: {  	v2 =	vor.u32 v0, v2  }
0x139: {  	[tilespmem:s10+$0x186E0] =	vst v2;
	v2 =	vld [tilespmem:s10+$0x186F0];
	_ =	sdelay $0x4  }
0x13a: {  	v2 =	vshll.u32 v2, $0x1  }
0x13b: {  	v2 =	vor.u32 v0, v2  }
0x13c: {  	[tilespmem:s10+$0x186F0] =	vst v2;
	v2 =	vld [tilespmem:s10+$0x18700];
	_ =	sdelay $0x4  }
0x13d: {  	v2 =	vshll.u32 v2, $0x1  }
0x13e: {  	v2 =	vor.u32 v0, v2  }
0x13f: {  	[tilespmem:s10+$0x18700] =	vst v2;
	v2 =	vld [tilespmem:s10+$0x18710];
	_ =	sdelay $0x3  }
0x140: {  	s16 =	sand.u32 $0x1, s8  }
0x141: {  	s17 =	sshll.u32 s8, $0xC;
	s23 =	sadd.s32 s11, s8;
	p2 =	seq.s32 s16, $0x1;
	v2 =	vshll.u32 v2, $0x1  }
0x142: {  	s21 =	sand.u32 $0x3FFFF000, s17;
	s17 =	simm.s32 $0x3;
	s18 =	sadd.s32 $0x186A0, s10;
	v2 =	vor.u32 v0, v2  }
0x143: {  	s8 =	sshll.u32 s23, $0x4;
	s16 =	sadd.s32 $0x19AA0, s21;
	s17 =	simm.s32 @!p2 $0x2;
	[tilespmem:s10+$0x18710] =	vst v2  }
0x144: {  	[tilespmem:s16], [sflag:s17] =	stream.indirect.gather [hbm4b:s0+s31], $0x20, s18, s31, $0xb8;
	[tilespmem:$0x1EAA0] =	vst v63  }
.LBB2_10:
0x145: {  	s10 =	sadd.s32 $0x196A0, s10;
	s8 =	sadd.s32 s3, s8  }
0x146: {  	[tilespmem:s10], [sflag:$0x4] =	stream.linear.gather [hbm4b:s8+s7], $0x80, $0x38;
	[tilespmem:$0x1EAA0] =	vst v63  }
.LBB2_11:
0x147: {  	s8 =	sand.u32 $0x1, s13  }
0x148: {  	p2 =	seq.s32 s8, $0x1;
	s8 =	simm.s32 $0x3  }
0x149: {  	s4 =	sadd.s32 $0xFFFFFFFF, s4;
	s8 =	simm.s32 @!p2 $0x2;
	p2 =	sne.s32 s22, $0x2  }
0x14a: {  	p3 =	sgt.u32 @!p2 s4, $0x2E  }
0x14b: {  	p2 =	por p2, p3  }
.Ltmp5:
0x14c: {  	_ = 	snop;
	(pc) =	sbr.rel @p2 .LBB2_13-.Ltmp5, $4  }
0x14d: {  	_ = 	snop  }
0x14e: {  	_ =	swait.ge [sflag:s8], $0x1000  }
0x14f: {  	[sflag:s8] =	ssyncset.done $0x0  }
0x150: {  	[sflag:s8] =	ssyncadd.s32 $0xFFFFF000  }
0x151: {  	[tilespmem:s28], [sflag:$0x1] =	stream.linear.gather @!p1 [hbm4b:s24+s7], $0x300, $0x38;
	[tilespmem:$0x1EAA0] =	vst v63  }
0x152: {  	s2 =	sshll.u32 @p1 s2, $0xA  }
0x153: {  	s4 =	sadd.s32 @p1 s14, s2  }
0x154: {  	[tilespmem:s29], [sflag:$0x1] =	stream.linear.gather @!p1 [hbm4b:s25+s7], $0x300, $0x38;
	[tilespmem:$0x1EAA0] =	vst v63  }
0x155: {  	s10 =	rddreg @p1 [dreg:$0x1];
	s2 =	sand.u32 @p1 $0x400, s2;
	s4 =	sshrl.u32 @p1 s4, $0x3  }
0x156: {  	s8 =	sadd.s32 @p1 $0x186A0, s2;
	s10 =	sadd.s32 @p1 s10, s4  }
0x157: {  	[tilespmem:s8], [sflag:$0x1] =	stream.linear.gather @p1 [hbm4b:s10+s7], $0x400, $0x38;
	[tilespmem:$0x1EAA0] =	vst v63  }
0x158: {  	s8 =	rddreg @p1 [dreg:$0x3]  }
0x159: {  	s2 =	sadd.s32 @p1 $0x18EA0, s2;
	s4 =	sadd.s32 @p1 s8, s4  }
0x15a: {  	[tilespmem:s2], [sflag:$0x1] =	stream.linear.gather @p1 [hbm4b:s4+s7], $0x400, $0x38;
	[tilespmem:$0x1EAA0] =	vst v63  }
.LBB2_13:
0x15b: {  	s2 =	smulhi.u32 $0xCCCCCCCD, s13;
	_ =	sdelay $0x1  }
0x15c: {  	s10 =	sshrl.u32 s2, $0x2  }
0x15d: {  	s2 =	smul.u32 $0xFFFEC000, s10  }
0x15e: {  	s4 =	sshll.u32 s13, $0x9;
	s8 =	sand.u32 $0x7, s12  }
0x15f: {  	s4 =	sand.u32 $0x1000, s4;
	s8 =	sshll.u32 s8, $0x9;
	s2 =	sshra.s32 s2, $0x2  }
0x160: {  	s4 =	sor.u32 s8, s4;
	v2 =	vmov s2  }
0x161: {  	s21 =	sshrl.u32 s4, $0x2  }
0x162: {  	s2 =	sadd.s32 $0x18EA0, s21  }
0x163: {  	v3 =	vld [tilespmem:s2+$0x0];
	_ =	sdelay $0x1  }
0x164: {  	v4 =	vld.idx.msk [tilespmem:v2+s1+$0x0 ss:$0x1], $0xffff;
	_ =	sdelay $0x2  }
0x165: {  	v5 =	vbroadcast v3, $0x0;
	_ =	sdelay $0x1  }
0x166: {  	v4 =	vmul.f32 v5, v4;
	_ =	sdelay $0x1  }
0x167: {  	[tilespmem:v2+s1+$0x0 ss:$0x1] =	vst.idx.msk $0xffff, v4  }
0x168: {  	v4 =	vld.idx.msk [tilespmem:v2+s1+$0x10 ss:$0x1], $0xffff;
	_ =	sdelay $0x4  }
0x169: {  	v4 =	vmul.f32 v4, v5;
	_ =	sdelay $0x1  }
0x16a: {  	[tilespmem:v2+s1+$0x10 ss:$0x1] =	vst.idx.msk $0xffff, v4  }
0x16b: {  	v4 =	vld.idx.msk [tilespmem:v2+s1+$0x20 ss:$0x1], $0xffff;
	_ =	sdelay $0x2  }
0x16c: {  	v5 =	vbroadcast v3, $0x1;
	_ =	sdelay $0x1  }
0x16d: {  	v4 =	vmul.f32 v4, v5;
	_ =	sdelay $0x1  }
0x16e: {  	[tilespmem:v2+s1+$0x20 ss:$0x1] =	vst.idx.msk $0xffff, v4  }
0x16f: {  	v4 =	vld.idx.msk [tilespmem:v2+s1+$0x30 ss:$0x1], $0xffff;
	_ =	sdelay $0x4  }
0x170: {  	v5 =	vmul.f32 v4, v5  }
0x171: {  	s2 =	sadd.s32 $0x10, s2  }
0x172: {  	v4 =	vld [tilespmem:s2+$0x0];
	[tilespmem:v2+s1+$0x30 ss:$0x1] =	vst.idx.msk $0xffff, v5  }
0x173: {  	s16 =	sadd.s32 $0x200, s1;
	v5 =	vld.idx.msk [tilespmem:v2+s1+$0x40 ss:$0x1], $0xffff  }
0x174: {  	v6 =	vld.idx.msk [tilespmem:v2+s16+$0x0 ss:$0x1], $0xffff;
	_ =	sdelay $0x1  }
0x175: {  	v7 =	vbroadcast v3, $0x2  }
0x176: {  	v8 =	vbroadcast v4, $0x0  }
0x177: {  	v5 =	vmul.f32 v5, v7  }
0x178: {  	v6 =	vmul.f32 v8, v6  }
0x179: {  	[tilespmem:v2+s1+$0x40 ss:$0x1] =	vst.idx.msk $0xffff, v5  }
0x17a: {  	[tilespmem:v2+s16+$0x0 ss:$0x1] =	vst.idx.msk $0xffff, v6;
	v5 =	vld.idx.msk [tilespmem:v2+s1+$0x50 ss:$0x1], $0xffff  }
0x17b: {  	v6 =	vld.idx.msk [tilespmem:v2+s16+$0x10 ss:$0x1], $0xffff;
	_ =	sdelay $0x3  }
0x17c: {  	v5 =	vmul.f32 v5, v7  }
0x17d: {  	v6 =	vmul.f32 v6, v8  }
0x17e: {  	[tilespmem:v2+s1+$0x50 ss:$0x1] =	vst.idx.msk $0xffff, v5  }
0x17f: {  	[tilespmem:v2+s16+$0x10 ss:$0x1] =	vst.idx.msk $0xffff, v6;
	v5 =	vld.idx.msk [tilespmem:v2+s1+$0x60 ss:$0x1], $0xffff  }
0x180: {  	v6 =	vld.idx.msk [tilespmem:v2+s16+$0x20 ss:$0x1], $0xffff;
	_ =	sdelay $0x1  }
0x181: {  	v7 =	vbroadcast v3, $0x3  }
0x182: {  	v8 =	vbroadcast v4, $0x1  }
0x183: {  	v5 =	vmul.f32 v5, v7  }
0x184: {  	v6 =	vmul.f32 v6, v8  }
0x185: {  	[tilespmem:v2+s1+$0x60 ss:$0x1] =	vst.idx.msk $0xffff, v5  }
0x186: {  	[tilespmem:v2+s16+$0x20 ss:$0x1] =	vst.idx.msk $0xffff, v6;
	v5 =	vld.idx.msk [tilespmem:v2+s1+$0x70 ss:$0x1], $0xffff  }
0x187: {  	v6 =	vld.idx.msk [tilespmem:v2+s16+$0x30 ss:$0x1], $0xffff;
	_ =	sdelay $0x3  }
0x188: {  	v7 =	vmul.f32 v5, v7  }
0x189: {  	s2 =	sadd.s32 $0x10, s2;
	v6 =	vmul.f32 v6, v8  }
0x18a: {  	v5 =	vld [tilespmem:s2+$0x0];
	[tilespmem:v2+s1+$0x70 ss:$0x1] =	vst.idx.msk $0xffff, v7  }
0x18b: {  	[tilespmem:v2+s16+$0x30 ss:$0x1] =	vst.idx.msk $0xffff, v6;
	v6 =	vld.idx.msk [tilespmem:v2+s1+$0x80 ss:$0x1], $0xffff  }
0x18c: {  	s17 =	sadd.s32 $0x200, s16;
	v7 =	vld.idx.msk [tilespmem:v2+s16+$0x40 ss:$0x1], $0xffff  }
0x18d: {  	v8 =	vld.idx.msk [tilespmem:v2+s17+$0x0 ss:$0x1], $0xffff  }
0x18e: {  	v9 =	vbroadcast v3, $0x4  }
0x18f: {  	v10 =	vbroadcast v4, $0x2  }
0x190: {  	v11 =	vbroadcast v5, $0x0;
	v6 =	vmul.f32 v6, v9  }
0x191: {  	v7 =	vmul.f32 v7, v10  }
0x192: {  	v8 =	vmul.f32 v11, v8;
	[tilespmem:v2+s1+$0x80 ss:$0x1] =	vst.idx.msk $0xffff, v6  }
0x193: {  	[tilespmem:v2+s16+$0x40 ss:$0x1] =	vst.idx.msk $0xffff, v7;
	v6 =	vld.idx.msk [tilespmem:v2+s1+$0x90 ss:$0x1], $0xffff  }
0x194: {  	[tilespmem:v2+s17+$0x0 ss:$0x1] =	vst.idx.msk $0xffff, v8;
	v7 =	vld.idx.msk [tilespmem:v2+s16+$0x50 ss:$0x1], $0xffff  }
0x195: {  	v8 =	vld.idx.msk [tilespmem:v2+s17+$0x10 ss:$0x1], $0xffff;
	_ =	sdelay $0x2  }
0x196: {  	v6 =	vmul.f32 v6, v9  }
0x197: {  	v7 =	vmul.f32 v7, v10  }
0x198: {  	v8 =	vmul.f32 v8, v11;
	[tilespmem:v2+s1+$0x90 ss:$0x1] =	vst.idx.msk $0xffff, v6  }
0x199: {  	[tilespmem:v2+s16+$0x50 ss:$0x1] =	vst.idx.msk $0xffff, v7;
	v6 =	vld.idx.msk [tilespmem:v2+s1+$0xA0 ss:$0x1], $0xffff  }
0x19a: {  	[tilespmem:v2+s17+$0x10 ss:$0x1] =	vst.idx.msk $0xffff, v8;
	v7 =	vld.idx.msk [tilespmem:v2+s16+$0x60 ss:$0x1], $0xffff  }
0x19b: {  	v8 =	vld.idx.msk [tilespmem:v2+s17+$0x20 ss:$0x1], $0xffff  }
0x19c: {  	v9 =	vbroadcast v3, $0x5  }
0x19d: {  	v10 =	vbroadcast v4, $0x3  }
0x19e: {  	v11 =	vbroadcast v5, $0x1;
	v6 =	vmul.f32 v6, v9  }
0x19f: {  	v7 =	vmul.f32 v7, v10  }
0x1a0: {  	v8 =	vmul.f32 v8, v11;
	[tilespmem:v2+s1+$0xA0 ss:$0x1] =	vst.idx.msk $0xffff, v6  }
0x1a1: {  	[tilespmem:v2+s16+$0x60 ss:$0x1] =	vst.idx.msk $0xffff, v7;
	v6 =	vld.idx.msk [tilespmem:v2+s1+$0xB0 ss:$0x1], $0xffff  }
0x1a2: {  	[tilespmem:v2+s17+$0x20 ss:$0x1] =	vst.idx.msk $0xffff, v8;
	v7 =	vld.idx.msk [tilespmem:v2+s16+$0x70 ss:$0x1], $0xffff  }
0x1a3: {  	v8 =	vld.idx.msk [tilespmem:v2+s17+$0x30 ss:$0x1], $0xffff;
	_ =	sdelay $0x2  }
0x1a4: {  	v9 =	vmul.f32 v6, v9  }
0x1a5: {  	s2 =	sadd.s32 $0x10, s2;
	v7 =	vmul.f32 v7, v10  }
0x1a6: {  	v8 =	vmul.f32 v8, v11;
	v6 =	vld [tilespmem:s2+$0x0];
	[tilespmem:v2+s1+$0xB0 ss:$0x1] =	vst.idx.msk $0xffff, v9  }
0x1a7: {  	[tilespmem:v2+s16+$0x70 ss:$0x1] =	vst.idx.msk $0xffff, v7;
	v7 =	vld.idx.msk [tilespmem:v2+s1+$0xC0 ss:$0x1], $0xffff  }
0x1a8: {  	[tilespmem:v2+s17+$0x30 ss:$0x1] =	vst.idx.msk $0xffff, v8;
	v8 =	vld.idx.msk [tilespmem:v2+s16+$0x80 ss:$0x1], $0xffff  }
0x1a9: {  	s18 =	sadd.s32 $0x200, s17;
	v9 =	vld.idx.msk [tilespmem:v2+s17+$0x40 ss:$0x1], $0xffff  }
0x1aa: {  	v10 =	vld.idx.msk [tilespmem:v2+s18+$0x0 ss:$0x1], $0xffff;
	v11 =	vbroadcast v3, $0x6  }
0x1ab: {  	v12 =	vbroadcast v4, $0x4  }
0x1ac: {  	v13 =	vbroadcast v5, $0x2;
	v7 =	vmul.f32 v7, v11  }
0x1ad: {  	v14 =	vbroadcast v6, $0x0;
	v8 =	vmul.f32 v8, v12  }
0x1ae: {  	v9 =	vmul.f32 v9, v13;
	[tilespmem:v2+s1+$0xC0 ss:$0x1] =	vst.idx.msk $0xffff, v7  }
0x1af: {  	[tilespmem:v2+s16+$0x80 ss:$0x1] =	vst.idx.msk $0xffff, v8;
	v7 =	vmul.f32 v14, v10;
	v8 =	vld.idx.msk [tilespmem:v2+s1+$0xD0 ss:$0x1], $0xffff  }
0x1b0: {  	[tilespmem:v2+s17+$0x40 ss:$0x1] =	vst.idx.msk $0xffff, v9;
	v9 =	vld.idx.msk [tilespmem:v2+s16+$0x90 ss:$0x1], $0xffff  }
0x1b1: {  	[tilespmem:v2+s18+$0x0 ss:$0x1] =	vst.idx.msk $0xffff, v7;
	v7 =	vld.idx.msk [tilespmem:v2+s17+$0x50 ss:$0x1], $0xffff  }
0x1b2: {  	v10 =	vld.idx.msk [tilespmem:v2+s18+$0x10 ss:$0x1], $0xffff;
	_ =	sdelay $0x1  }
0x1b3: {  	v8 =	vmul.f32 v8, v11  }
0x1b4: {  	v9 =	vmul.f32 v9, v12  }
0x1b5: {  	v7 =	vmul.f32 v7, v13;
	[tilespmem:v2+s1+$0xD0 ss:$0x1] =	vst.idx.msk $0xffff, v8  }
0x1b6: {  	[tilespmem:v2+s16+$0x90 ss:$0x1] =	vst.idx.msk $0xffff, v9;
	v8 =	vmul.f32 v10, v14;
	v9 =	vld.idx.msk [tilespmem:v2+s1+$0xE0 ss:$0x1], $0xffff  }
0x1b7: {  	[tilespmem:v2+s17+$0x50 ss:$0x1] =	vst.idx.msk $0xffff, v7;
	v7 =	vld.idx.msk [tilespmem:v2+s16+$0xA0 ss:$0x1], $0xffff  }
0x1b8: {  	[tilespmem:v2+s18+$0x10 ss:$0x1] =	vst.idx.msk $0xffff, v8;
	v8 =	vld.idx.msk [tilespmem:v2+s17+$0x60 ss:$0x1], $0xffff  }
0x1b9: {  	v11 =	vbroadcast v3, $0x7;
	v10 =	vld.idx.msk [tilespmem:v2+s18+$0x20 ss:$0x1], $0xffff  }
0x1ba: {  	v12 =	vbroadcast v4, $0x5  }
0x1bb: {  	v13 =	vbroadcast v5, $0x3;
	v9 =	vmul.f32 v9, v11  }
0x1bc: {  	v14 =	vbroadcast v6, $0x1;
	v7 =	vmul.f32 v7, v12  }
0x1bd: {  	v8 =	vmul.f32 v8, v13;
	[tilespmem:v2+s1+$0xE0 ss:$0x1] =	vst.idx.msk $0xffff, v9  }
0x1be: {  	v9 =	vmul.f32 v10, v14;
	[tilespmem:v2+s16+$0xA0 ss:$0x1] =	vst.idx.msk $0xffff, v7;
	v7 =	vld.idx.msk [tilespmem:v2+s1+$0xF0 ss:$0x1], $0xffff  }
0x1bf: {  	[tilespmem:v2+s17+$0x60 ss:$0x1] =	vst.idx.msk $0xffff, v8;
	v8 =	vld.idx.msk [tilespmem:v2+s16+$0xB0 ss:$0x1], $0xffff  }
0x1c0: {  	[tilespmem:v2+s18+$0x20 ss:$0x1] =	vst.idx.msk $0xffff, v9;
	v9 =	vld.idx.msk [tilespmem:v2+s17+$0x70 ss:$0x1], $0xffff  }
0x1c1: {  	v10 =	vld.idx.msk [tilespmem:v2+s18+$0x30 ss:$0x1], $0xffff;
	_ =	sdelay $0x1  }
0x1c2: {  	v11 =	vmul.f32 v7, v11  }
0x1c3: {  	s2 =	sadd.s32 $0x10, s2;
	v8 =	vmul.f32 v8, v12  }
0x1c4: {  	v7 =	vld [tilespmem:s2+$0x0];
	v9 =	vmul.f32 v9, v13;
	[tilespmem:v2+s1+$0xF0 ss:$0x1] =	vst.idx.msk $0xffff, v11  }
0x1c5: {  	v10 =	vmul.f32 v10, v14;
	[tilespmem:v2+s16+$0xB0 ss:$0x1] =	vst.idx.msk $0xffff, v8;
	v8 =	vld.idx.msk [tilespmem:v2+s1+$0x100 ss:$0x1], $0xffff  }
0x1c6: {  	[tilespmem:v2+s17+$0x70 ss:$0x1] =	vst.idx.msk $0xffff, v9;
	v9 =	vld.idx.msk [tilespmem:v2+s16+$0xC0 ss:$0x1], $0xffff  }
0x1c7: {  	[tilespmem:v2+s18+$0x30 ss:$0x1] =	vst.idx.msk $0xffff, v10;
	v10 =	vld.idx.msk [tilespmem:v2+s17+$0x80 ss:$0x1], $0xffff  }
0x1c8: {  	s19 =	sadd.s32 $0x200, s18;
	v12 =	vbroadcast v3, $0x8;
	v11 =	vld.idx.msk [tilespmem:v2+s18+$0x40 ss:$0x1], $0xffff  }
0x1c9: {  	v13 =	vld.idx.msk [tilespmem:v2+s19+$0x0 ss:$0x1], $0xffff;
	v14 =	vbroadcast v4, $0x6  }
0x1ca: {  	v15 =	vbroadcast v5, $0x4;
	v8 =	vmul.f32 v8, v12  }
0x1cb: {  	v16 =	vbroadcast v6, $0x2;
	v9 =	vmul.f32 v9, v14  }
0x1cc: {  	v17 =	vbroadcast v7, $0x0;
	v10 =	vmul.f32 v10, v15;
	[tilespmem:v2+s1+$0x100 ss:$0x1] =	vst.idx.msk $0xffff, v8  }
0x1cd: {  	v8 =	vmul.f32 v11, v16;
	[tilespmem:v2+s16+$0xC0 ss:$0x1] =	vst.idx.msk $0xffff, v9;
	v9 =	vld.idx.msk [tilespmem:v2+s1+$0x110 ss:$0x1], $0xffff  }
0x1ce: {  	v11 =	vmul.f32 v17, v13;
	[tilespmem:v2+s17+$0x80 ss:$0x1] =	vst.idx.msk $0xffff, v10;
	v10 =	vld.idx.msk [tilespmem:v2+s16+$0xD0 ss:$0x1], $0xffff  }
0x1cf: {  	[tilespmem:v2+s18+$0x40 ss:$0x1] =	vst.idx.msk $0xffff, v8;
	v8 =	vld.idx.msk [tilespmem:v2+s17+$0x90 ss:$0x1], $0xffff  }
0x1d0: {  	[tilespmem:v2+s19+$0x0 ss:$0x1] =	vst.idx.msk $0xffff, v11;
	v11 =	vld.idx.msk [tilespmem:v2+s18+$0x50 ss:$0x1], $0xffff  }
0x1d1: {  	v13 =	vld.idx.msk [tilespmem:v2+s19+$0x10 ss:$0x1], $0xffff  }
0x1d2: {  	v9 =	vmul.f32 v9, v12  }
0x1d3: {  	v10 =	vmul.f32 v10, v14  }
0x1d4: {  	v8 =	vmul.f32 v8, v15;
	[tilespmem:v2+s1+$0x110 ss:$0x1] =	vst.idx.msk $0xffff, v9  }
0x1d5: {  	v9 =	vmul.f32 v11, v16;
	[tilespmem:v2+s16+$0xD0 ss:$0x1] =	vst.idx.msk $0xffff, v10;
	v10 =	vld.idx.msk [tilespmem:v2+s1+$0x120 ss:$0x1], $0xffff  }
0x1d6: {  	v11 =	vmul.f32 v13, v17;
	[tilespmem:v2+s17+$0x90 ss:$0x1] =	vst.idx.msk $0xffff, v8;
	v8 =	vld.idx.msk [tilespmem:v2+s16+$0xE0 ss:$0x1], $0xffff  }
0x1d7: {  	[tilespmem:v2+s18+$0x50 ss:$0x1] =	vst.idx.msk $0xffff, v9;
	v9 =	vld.idx.msk [tilespmem:v2+s17+$0xA0 ss:$0x1], $0xffff  }
0x1d8: {  	v12 =	vbroadcast v3, $0x9;
	[tilespmem:v2+s19+$0x10 ss:$0x1] =	vst.idx.msk $0xffff, v11;
	v11 =	vld.idx.msk [tilespmem:v2+s18+$0x60 ss:$0x1], $0xffff  }
0x1d9: {  	v14 =	vbroadcast v4, $0x7;
	v13 =	vld.idx.msk [tilespmem:v2+s19+$0x20 ss:$0x1], $0xffff  }
0x1da: {  	v15 =	vbroadcast v5, $0x5;
	v10 =	vmul.f32 v10, v12  }
0x1db: {  	v16 =	vbroadcast v6, $0x3;
	v8 =	vmul.f32 v8, v14  }
0x1dc: {  	v17 =	vbroadcast v7, $0x1;
	v9 =	vmul.f32 v9, v15;
	[tilespmem:v2+s1+$0x120 ss:$0x1] =	vst.idx.msk $0xffff, v10  }
0x1dd: {  	v10 =	vmul.f32 v11, v16;
	[tilespmem:v2+s16+$0xE0 ss:$0x1] =	vst.idx.msk $0xffff, v8;
	v8 =	vld.idx.msk [tilespmem:v2+s1+$0x130 ss:$0x1], $0xffff  }
0x1de: {  	v11 =	vmul.f32 v13, v17;
	[tilespmem:v2+s17+$0xA0 ss:$0x1] =	vst.idx.msk $0xffff, v9;
	v9 =	vld.idx.msk [tilespmem:v2+s16+$0xF0 ss:$0x1], $0xffff  }
0x1df: {  	[tilespmem:v2+s18+$0x60 ss:$0x1] =	vst.idx.msk $0xffff, v10;
	v10 =	vld.idx.msk [tilespmem:v2+s17+$0xB0 ss:$0x1], $0xffff  }
0x1e0: {  	[tilespmem:v2+s19+$0x20 ss:$0x1] =	vst.idx.msk $0xffff, v11;
	v11 =	vld.idx.msk [tilespmem:v2+s18+$0x70 ss:$0x1], $0xffff  }
0x1e1: {  	v13 =	vld.idx.msk [tilespmem:v2+s19+$0x30 ss:$0x1], $0xffff  }
0x1e2: {  	v12 =	vmul.f32 v8, v12  }
0x1e3: {  	s2 =	sadd.s32 $0x10, s2;
	v9 =	vmul.f32 v9, v14  }
0x1e4: {  	v8 =	vld [tilespmem:s2+$0x0];
	v10 =	vmul.f32 v10, v15;
	[tilespmem:v2+s1+$0x130 ss:$0x1] =	vst.idx.msk $0xffff, v12  }
0x1e5: {  	v11 =	vmul.f32 v11, v16;
	[tilespmem:v2+s16+$0xF0 ss:$0x1] =	vst.idx.msk $0xffff, v9;
	v9 =	vld.idx.msk [tilespmem:v2+s1+$0x140 ss:$0x1], $0xffff  }
0x1e6: {  	v12 =	vmul.f32 v13, v17;
	[tilespmem:v2+s17+$0xB0 ss:$0x1] =	vst.idx.msk $0xffff, v10;
	v10 =	vld.idx.msk [tilespmem:v2+s16+$0x100 ss:$0x1], $0xffff  }
0x1e7: {  	[tilespmem:v2+s18+$0x70 ss:$0x1] =	vst.idx.msk $0xffff, v11;
	v11 =	vld.idx.msk [tilespmem:v2+s17+$0xC0 ss:$0x1], $0xffff  }
0x1e8: {  	v13 =	vbroadcast v3, $0xA;
	[tilespmem:v2+s19+$0x30 ss:$0x1] =	vst.idx.msk $0xffff, v12;
	v12 =	vld.idx.msk [tilespmem:v2+s18+$0x80 ss:$0x1], $0xffff  }
0x1e9: {  	s20 =	sadd.s32 $0x200, s19;
	v15 =	vbroadcast v4, $0x8;
	v14 =	vld.idx.msk [tilespmem:v2+s19+$0x40 ss:$0x1], $0xffff  }
0x1ea: {  	v16 =	vld.idx.msk [tilespmem:v2+s20+$0x0 ss:$0x1], $0xffff;
	v17 =	vbroadcast v5, $0x6;
	v9 =	vmul.f32 v9, v13  }
0x1eb: {  	v18 =	vbroadcast v6, $0x4;
	v10 =	vmul.f32 v10, v15  }
0x1ec: {  	v19 =	vbroadcast v7, $0x2;
	v11 =	vmul.f32 v11, v17;
	[tilespmem:v2+s1+$0x140 ss:$0x1] =	vst.idx.msk $0xffff, v9  }
0x1ed: {  	v9 =	vbroadcast v8, $0x0;
	v12 =	vmul.f32 v12, v18;
	[tilespmem:v2+s16+$0x100 ss:$0x1] =	vst.idx.msk $0xffff, v10;
	v10 =	vld.idx.msk [tilespmem:v2+s1+$0x150 ss:$0x1], $0xffff  }
0x1ee: {  	v14 =	vmul.f32 v14, v19;
	[tilespmem:v2+s17+$0xC0 ss:$0x1] =	vst.idx.msk $0xffff, v11;
	v11 =	vld.idx.msk [tilespmem:v2+s16+$0x110 ss:$0x1], $0xffff  }
0x1ef: {  	v16 =	vmul.f32 v9, v16;
	[tilespmem:v2+s18+$0x80 ss:$0x1] =	vst.idx.msk $0xffff, v12;
	v12 =	vld.idx.msk [tilespmem:v2+s17+$0xD0 ss:$0x1], $0xffff  }
0x1f0: {  	[tilespmem:v2+s19+$0x40 ss:$0x1] =	vst.idx.msk $0xffff, v14;
	v14 =	vld.idx.msk [tilespmem:v2+s18+$0x90 ss:$0x1], $0xffff  }
0x1f1: {  	[tilespmem:v2+s20+$0x0 ss:$0x1] =	vst.idx.msk $0xffff, v16;
	v16 =	vld.idx.msk [tilespmem:v2+s19+$0x50 ss:$0x1], $0xffff  }
0x1f2: {  	v20 =	vld.idx.msk [tilespmem:v2+s20+$0x10 ss:$0x1], $0xffff;
	v10 =	vmul.f32 v10, v13  }
0x1f3: {  	v11 =	vmul.f32 v11, v15  }
0x1f4: {  	v12 =	vmul.f32 v12, v17;
	[tilespmem:v2+s1+$0x150 ss:$0x1] =	vst.idx.msk $0xffff, v10  }
0x1f5: {  	v10 =	vmul.f32 v14, v18;
	[tilespmem:v2+s16+$0x110 ss:$0x1] =	vst.idx.msk $0xffff, v11;
	v11 =	vld.idx.msk [tilespmem:v2+s1+$0x160 ss:$0x1], $0xffff  }
0x1f6: {  	v13 =	vmul.f32 v16, v19;
	[tilespmem:v2+s17+$0xD0 ss:$0x1] =	vst.idx.msk $0xffff, v12;
	v12 =	vld.idx.msk [tilespmem:v2+s16+$0x120 ss:$0x1], $0xffff  }
0x1f7: {  	v9 =	vmul.f32 v20, v9;
	[tilespmem:v2+s18+$0x90 ss:$0x1] =	vst.idx.msk $0xffff, v10;
	v10 =	vld.idx.msk [tilespmem:v2+s17+$0xE0 ss:$0x1], $0xffff  }
0x1f8: {  	v14 =	vbroadcast v3, $0xB;
	[tilespmem:v2+s19+$0x50 ss:$0x1] =	vst.idx.msk $0xffff, v13;
	v13 =	vld.idx.msk [tilespmem:v2+s18+$0xA0 ss:$0x1], $0xffff  }
0x1f9: {  	v15 =	vbroadcast v4, $0x9;
	[tilespmem:v2+s20+$0x10 ss:$0x1] =	vst.idx.msk $0xffff, v9;
	v9 =	vld.idx.msk [tilespmem:v2+s19+$0x60 ss:$0x1], $0xffff  }
0x1fa: {  	v17 =	vbroadcast v5, $0x7;
	v16 =	vld.idx.msk [tilespmem:v2+s20+$0x20 ss:$0x1], $0xffff;
	v11 =	vmul.f32 v11, v14  }
0x1fb: {  	v18 =	vbroadcast v6, $0x5;
	v12 =	vmul.f32 v12, v15  }
0x1fc: {  	v19 =	vbroadcast v7, $0x3;
	v10 =	vmul.f32 v10, v17;
	[tilespmem:v2+s1+$0x160 ss:$0x1] =	vst.idx.msk $0xffff, v11  }
0x1fd: {  	v11 =	vbroadcast v8, $0x1;
	v13 =	vmul.f32 v13, v18;
	[tilespmem:v2+s16+$0x120 ss:$0x1] =	vst.idx.msk $0xffff, v12;
	v12 =	vld.idx.msk [tilespmem:v2+s1+$0x170 ss:$0x1], $0xffff  }
0x1fe: {  	v9 =	vmul.f32 v9, v19;
	[tilespmem:v2+s17+$0xE0 ss:$0x1] =	vst.idx.msk $0xffff, v10;
	v10 =	vld.idx.msk [tilespmem:v2+s16+$0x130 ss:$0x1], $0xffff  }
0x1ff: {  	v16 =	vmul.f32 v16, v11;
	[tilespmem:v2+s18+$0xA0 ss:$0x1] =	vst.idx.msk $0xffff, v13;
	v13 =	vld.idx.msk [tilespmem:v2+s17+$0xF0 ss:$0x1], $0xffff  }
0x200: {  	[tilespmem:v2+s19+$0x60 ss:$0x1] =	vst.idx.msk $0xffff, v9;
	v20 =	vld.idx.msk [tilespmem:v2+s18+$0xB0 ss:$0x1], $0xffff  }
0x201: {  	[tilespmem:v2+s20+$0x20 ss:$0x1] =	vst.idx.msk $0xffff, v16;
	v16 =	vld.idx.msk [tilespmem:v2+s19+$0x70 ss:$0x1], $0xffff  }
0x202: {  	v21 =	vld.idx.msk [tilespmem:v2+s20+$0x30 ss:$0x1], $0xffff;
	v12 =	vmul.f32 v12, v14  }
0x203: {  	s2 =	sadd.s32 $0x10, s2;
	v10 =	vmul.f32 v10, v15  }
0x204: {  	v9 =	vld [tilespmem:s2+$0x0];
	v13 =	vmul.f32 v13, v17;
	[tilespmem:v2+s1+$0x170 ss:$0x1] =	vst.idx.msk $0xffff, v12  }
0x205: {  	v12 =	vmul.f32 v20, v18;
	[tilespmem:v2+s16+$0x130 ss:$0x1] =	vst.idx.msk $0xffff, v10;
	v10 =	vld.idx.msk [tilespmem:v2+s1+$0x180 ss:$0x1], $0xffff  }
0x206: {  	v14 =	vmul.f32 v16, v19;
	[tilespmem:v2+s17+$0xF0 ss:$0x1] =	vst.idx.msk $0xffff, v13;
	v13 =	vld.idx.msk [tilespmem:v2+s16+$0x140 ss:$0x1], $0xffff  }
0x207: {  	v11 =	vmul.f32 v21, v11;
	[tilespmem:v2+s18+$0xB0 ss:$0x1] =	vst.idx.msk $0xffff, v12;
	v12 =	vld.idx.msk [tilespmem:v2+s17+$0x100 ss:$0x1], $0xffff  }
0x208: {  	v15 =	vbroadcast v3, $0xC;
	[tilespmem:v2+s19+$0x70 ss:$0x1] =	vst.idx.msk $0xffff, v14;
	v14 =	vld.idx.msk [tilespmem:v2+s18+$0xC0 ss:$0x1], $0xffff  }
0x209: {  	v16 =	vbroadcast v4, $0xA;
	[tilespmem:v2+s20+$0x30 ss:$0x1] =	vst.idx.msk $0xffff, v11;
	v11 =	vld.idx.msk [tilespmem:v2+s19+$0x80 ss:$0x1], $0xffff  }
0x20a: {  	s21 =	sadd.s32 $0x200, s20;
	v18 =	vbroadcast v5, $0x8;
	v17 =	vld.idx.msk [tilespmem:v2+s20+$0x40 ss:$0x1], $0xffff;
	v10 =	vmul.f32 v10, v15  }
0x20b: {  	v20 =	vbroadcast v6, $0x6;
	v19 =	vld.idx.msk [tilespmem:v2+s21+$0x0 ss:$0x1], $0xffff;
	v13 =	vmul.f32 v13, v16  }
0x20c: {  	v21 =	vbroadcast v7, $0x4;
	v12 =	vmul.f32 v12, v18;
	[tilespmem:v2+s1+$0x180 ss:$0x1] =	vst.idx.msk $0xffff, v10  }
0x20d: {  	v10 =	vbroadcast v8, $0x2;
	v14 =	vmul.f32 v14, v20;
	[tilespmem:v2+s16+$0x140 ss:$0x1] =	vst.idx.msk $0xffff, v13;
	v13 =	vld.idx.msk [tilespmem:v2+s1+$0x190 ss:$0x1], $0xffff  }
0x20e: {  	v22 =	vbroadcast v9, $0x0;
	v11 =	vmul.f32 v11, v21;
	[tilespmem:v2+s17+$0x100 ss:$0x1] =	vst.idx.msk $0xffff, v12;
	v12 =	vld.idx.msk [tilespmem:v2+s16+$0x150 ss:$0x1], $0xffff  }
0x20f: {  	v17 =	vmul.f32 v17, v10;
	[tilespmem:v2+s18+$0xC0 ss:$0x1] =	vst.idx.msk $0xffff, v14;
	v14 =	vld.idx.msk [tilespmem:v2+s17+$0x110 ss:$0x1], $0xffff  }
0x210: {  	v19 =	vmul.f32 v22, v19;
	[tilespmem:v2+s19+$0x80 ss:$0x1] =	vst.idx.msk $0xffff, v11;
	v11 =	vld.idx.msk [tilespmem:v2+s18+$0xD0 ss:$0x1], $0xffff  }
0x211: {  	[tilespmem:v2+s20+$0x40 ss:$0x1] =	vst.idx.msk $0xffff, v17;
	v17 =	vld.idx.msk [tilespmem:v2+s19+$0x90 ss:$0x1], $0xffff  }
0x212: {  	[tilespmem:v2+s21+$0x0 ss:$0x1] =	vst.idx.msk $0xffff, v19;
	v19 =	vld.idx.msk [tilespmem:v2+s20+$0x50 ss:$0x1], $0xffff;
	v13 =	vmul.f32 v13, v15  }
0x213: {  	v15 =	vld.idx.msk [tilespmem:v2+s21+$0x10 ss:$0x1], $0xffff;
	v12 =	vmul.f32 v12, v16  }
0x214: {  	v14 =	vmul.f32 v14, v18;
	[tilespmem:v2+s1+$0x190 ss:$0x1] =	vst.idx.msk $0xffff, v13  }
0x215: {  	v11 =	vmul.f32 v11, v20;
	[tilespmem:v2+s16+$0x150 ss:$0x1] =	vst.idx.msk $0xffff, v12;
	v12 =	vld.idx.msk [tilespmem:v2+s1+$0x1A0 ss:$0x1], $0xffff  }
0x216: {  	v13 =	vmul.f32 v17, v21;
	[tilespmem:v2+s17+$0x110 ss:$0x1] =	vst.idx.msk $0xffff, v14;
	v16 =	vld.idx.msk [tilespmem:v2+s16+$0x160 ss:$0x1], $0xffff  }
0x217: {  	v10 =	vmul.f32 v19, v10;
	[tilespmem:v2+s18+$0xD0 ss:$0x1] =	vst.idx.msk $0xffff, v11;
	v17 =	vld.idx.msk [tilespmem:v2+s17+$0x120 ss:$0x1], $0xffff  }
0x218: {  	v11 =	vmul.f32 v15, v22;
	[tilespmem:v2+s19+$0x90 ss:$0x1] =	vst.idx.msk $0xffff, v13;
	v13 =	vld.idx.msk [tilespmem:v2+s18+$0xE0 ss:$0x1], $0xffff;
	v22 =	vbroadcast v3, $0xD  }
0x219: {  	v23 =	vbroadcast v4, $0xB;
	[tilespmem:v2+s20+$0x50 ss:$0x1] =	vst.idx.msk $0xffff, v10;
	v10 =	vld.idx.msk [tilespmem:v2+s19+$0xA0 ss:$0x1], $0xffff  }
0x21a: {  	[tilespmem:v2+s21+$0x10 ss:$0x1] =	vst.idx.msk $0xffff, v11;
	v18 =	vld.idx.msk [tilespmem:v2+s20+$0x60 ss:$0x1], $0xffff;
	v11 =	vbroadcast v5, $0x9;
	v12 =	vmul.f32 v12, v22  }
0x21b: {  	v14 =	vbroadcast v6, $0x7;
	v20 =	vld.idx.msk [tilespmem:v2+s21+$0x20 ss:$0x1], $0xffff;
	v16 =	vmul.f32 v16, v23  }
0x21c: {  	v15 =	vbroadcast v7, $0x5;
	v21 =	vmul.f32 v17, v11;
	[tilespmem:v2+s1+$0x1A0 ss:$0x1] =	vst.idx.msk $0xffff, v12  }
0x21d: {  	v17 =	vbroadcast v8, $0x3;
	v12 =	vmul.f32 v13, v14;
	[tilespmem:v2+s16+$0x160 ss:$0x1] =	vst.idx.msk $0xffff, v16;
	v24 =	vld.idx.msk [tilespmem:v2+s1+$0x1B0 ss:$0x1], $0xffff  }
0x21e: {  	s23 =	smul.u32 $0x5, s10;
	v19 =	vbroadcast v9, $0x1;
	v10 =	vmul.f32 v10, v15;
	[tilespmem:v2+s17+$0x120 ss:$0x1] =	vst.idx.msk $0xffff, v21;
	v25 =	vld.idx.msk [tilespmem:v2+s16+$0x170 ss:$0x1], $0xffff  }
0x21f: {  	v18 =	vmul.f32 v18, v17;
	[tilespmem:v2+s18+$0xE0 ss:$0x1] =	vst.idx.msk $0xffff, v12;
	v13 =	vld.idx.msk [tilespmem:v2+s17+$0x130 ss:$0x1], $0xffff  }
0x220: {  	s4 =	ssub.s32 s13, s23;
	v12 =	vmul.f32 v20, v19;
	[tilespmem:v2+s19+$0xA0 ss:$0x1] =	vst.idx.msk $0xffff, v10;
	v16 =	vld.idx.msk [tilespmem:v2+s18+$0xF0 ss:$0x1], $0xffff  }
0x221: {  	s4 =	sshll.u32 s4, $0xC;
	[tilespmem:v2+s20+$0x60 ss:$0x1] =	vst.idx.msk $0xffff, v18;
	v18 =	vld.idx.msk [tilespmem:v2+s19+$0xB0 ss:$0x1], $0xffff  }
0x222: {  	s22 =	sshll.u32 s22, $0x9;
	s8 =	simm.s32 $0x60;
	s4 =	sand.u32 $0x3FFFF000, s4;
	[tilespmem:v2+s21+$0x20 ss:$0x1] =	vst.idx.msk $0xffff, v12;
	v20 =	vld.idx.msk [tilespmem:v2+s20+$0x70 ss:$0x1], $0xffff;
	v10 =	vmul.f32 v24, v22  }
0x223: {  	s10 =	smov.u32 s1;
	s23 =	sadd.s32 $0x19AA0, s4;
	s2 =	sadd.s32 $0x10, s2;
	v21 =	vld.idx.msk [tilespmem:v2+s21+$0x30 ss:$0x1], $0xffff;
	v12 =	vmul.f32 v25, v23  }
.LBB2_14:
0x224: {  	v22 =	vld [tilespmem:s2+$0x0];
	v11 =	vmul.f32 v13, v11;
	[tilespmem:v2+s10+$0x1B0 ss:$0x1] =	vst.idx.msk $0xffff, v10;
	s4 =	smov.u32 s17;
	s17 =	smov.u32 s18;
	s18 =	smov.u32 s19  }
0x225: {  	v10 =	vmul.f32 v16, v14;
	s19 =	smov.u32 s20;
	s20 =	smov.u32 s21;
	[tilespmem:v2+s16+$0x170 ss:$0x1] =	vst.idx.msk $0xffff, v12;
	v12 =	vld.idx.msk [tilespmem:v2+s10+$0x1C0 ss:$0x1], $0xffff  }
0x226: {  	v13 =	vmul.f32 v18, v15;
	[tilespmem:v2+s4+$0x130 ss:$0x1] =	vst.idx.msk $0xffff, v11;
	v11 =	vld.idx.msk [tilespmem:v2+s16+$0x180 ss:$0x1], $0xffff  }
0x227: {  	v14 =	vmul.f32 v20, v17;
	[tilespmem:v2+s17+$0xF0 ss:$0x1] =	vst.idx.msk $0xffff, v10;
	v10 =	vld.idx.msk [tilespmem:v2+s4+$0x140 ss:$0x1], $0xffff  }
0x228: {  	v15 =	vmul.f32 v21, v19;
	[tilespmem:v2+s18+$0xB0 ss:$0x1] =	vst.idx.msk $0xffff, v13;
	v13 =	vld.idx.msk [tilespmem:v2+s17+$0x100 ss:$0x1], $0xffff  }
0x229: {  	v16 =	vbroadcast v3, $0xE;
	[tilespmem:v2+s19+$0x70 ss:$0x1] =	vst.idx.msk $0xffff, v14;
	v14 =	vld.idx.msk [tilespmem:v2+s18+$0xC0 ss:$0x1], $0xffff  }
0x22a: {  	v17 =	vbroadcast v4, $0xC;
	[tilespmem:v2+s21+$0x30 ss:$0x1] =	vst.idx.msk $0xffff, v15;
	v15 =	vld.idx.msk [tilespmem:v2+s19+$0x80 ss:$0x1], $0xffff  }
0x22b: {  	s8 =	sadd.s32 $0x10, s8;
	v19 =	vbroadcast v5, $0xA;
	s21 =	sadd.s32 $0x200, s21;
	v12 =	vmul.f32 v12, v16;
	v18 =	vld.idx.msk [tilespmem:v2+s20+$0x40 ss:$0x1], $0xffff  }
0x22c: {  	p1 =	slt.u32 s8, $0x70;
	v21 =	vbroadcast v6, $0x8;
	v11 =	vmul.f32 v11, v17;
	v20 =	vld.idx.msk [tilespmem:v2+s21+$0x0 ss:$0x1], $0xffff  }
0x22d: {  	v23 =	vbroadcast v7, $0x6;
	v10 =	vmul.f32 v10, v19;
	[tilespmem:v2+s10+$0x1C0 ss:$0x1] =	vst.idx.msk $0xffff, v12  }
0x22e: {  	v12 =	vbroadcast v8, $0x4;
	v13 =	vmul.f32 v13, v21;
	[tilespmem:v2+s16+$0x180 ss:$0x1] =	vst.idx.msk $0xffff, v11;
	v11 =	vld.idx.msk [tilespmem:v2+s10+$0x1D0 ss:$0x1], $0xffff  }
0x22f: {  	v24 =	vbroadcast v9, $0x2;
	v14 =	vmul.f32 v14, v23;
	[tilespmem:v2+s4+$0x140 ss:$0x1] =	vst.idx.msk $0xffff, v10;
	v10 =	vld.idx.msk [tilespmem:v2+s16+$0x190 ss:$0x1], $0xffff  }
0x230: {  	v25 =	vbroadcast v22, $0x0;
	v15 =	vmul.f32 v15, v12;
	[tilespmem:v2+s17+$0x100 ss:$0x1] =	vst.idx.msk $0xffff, v13;
	v13 =	vld.idx.msk [tilespmem:v2+s4+$0x150 ss:$0x1], $0xffff  }
0x231: {  	v18 =	vmul.f32 v18, v24;
	[tilespmem:v2+s18+$0xC0 ss:$0x1] =	vst.idx.msk $0xffff, v14;
	v14 =	vld.idx.msk [tilespmem:v2+s17+$0x110 ss:$0x1], $0xffff  }
0x232: {  	v20 =	vmul.f32 v25, v20;
	[tilespmem:v2+s19+$0x80 ss:$0x1] =	vst.idx.msk $0xffff, v15;
	v15 =	vld.idx.msk [tilespmem:v2+s18+$0xD0 ss:$0x1], $0xffff  }
0x233: {  	[tilespmem:v2+s20+$0x40 ss:$0x1] =	vst.idx.msk $0xffff, v18;
	v18 =	vld.idx.msk [tilespmem:v2+s19+$0x90 ss:$0x1], $0xffff  }
0x234: {  	v11 =	vmul.f32 v11, v16;
	[tilespmem:v2+s21+$0x0 ss:$0x1] =	vst.idx.msk $0xffff, v20;
	v20 =	vld.idx.msk [tilespmem:v2+s20+$0x50 ss:$0x1], $0xffff  }
0x235: {  	v10 =	vmul.f32 v10, v17;
	v16 =	vld.idx.msk [tilespmem:v2+s21+$0x10 ss:$0x1], $0xffff  }
0x236: {  	v13 =	vmul.f32 v13, v19;
	[tilespmem:v2+s10+$0x1D0 ss:$0x1] =	vst.idx.msk $0xffff, v11  }
0x237: {  	v11 =	vmul.f32 v14, v21;
	[tilespmem:v2+s16+$0x190 ss:$0x1] =	vst.idx.msk $0xffff, v10;
	v10 =	vld.idx.msk [tilespmem:v2+s10+$0x1E0 ss:$0x1], $0xffff  }
0x238: {  	v14 =	vmul.f32 v15, v23;
	[tilespmem:v2+s4+$0x150 ss:$0x1] =	vst.idx.msk $0xffff, v13;
	v13 =	vld.idx.msk [tilespmem:v2+s16+$0x1A0 ss:$0x1], $0xffff  }
0x239: {  	v12 =	vmul.f32 v18, v12;
	[tilespmem:v2+s17+$0x110 ss:$0x1] =	vst.idx.msk $0xffff, v11;
	v15 =	vld.idx.msk [tilespmem:v2+s4+$0x160 ss:$0x1], $0xffff  }
0x23a: {  	v11 =	vmul.f32 v20, v24;
	[tilespmem:v2+s18+$0xD0 ss:$0x1] =	vst.idx.msk $0xffff, v14;
	v17 =	vld.idx.msk [tilespmem:v2+s17+$0x120 ss:$0x1], $0xffff  }
0x23b: {  	v21 =	vbroadcast v3, $0xF;
	v3 =	vmov v4;
	v14 =	vmul.f32 v16, v25;
	[tilespmem:v2+s19+$0x90 ss:$0x1] =	vst.idx.msk $0xffff, v12;
	v12 =	vld.idx.msk [tilespmem:v2+s18+$0xE0 ss:$0x1], $0xffff  }
0x23c: {  	v4 =	vmovc v5;
	v5 =	vmov v6;
	v6 =	vmov v7;
	v23 =	vbroadcast v3, $0xD;
	[tilespmem:v2+s20+$0x50 ss:$0x1] =	vst.idx.msk $0xffff, v11;
	v16 =	vld.idx.msk [tilespmem:v2+s19+$0xA0 ss:$0x1], $0xffff  }
0x23d: {  	v7 =	vmov v8;
	v24 =	vbroadcast v4, $0xB;
	v10 =	vmul.f32 v10, v21;
	[tilespmem:v2+s21+$0x10 ss:$0x1] =	vst.idx.msk $0xffff, v14;
	v18 =	vld.idx.msk [tilespmem:v2+s20+$0x60 ss:$0x1], $0xffff  }
0x23e: {  	v8 =	vmovc v9;
	v9 =	vmov v22;
	v11 =	vbroadcast v5, $0x9;
	v13 =	vmul.f32 v13, v23;
	v20 =	vld.idx.msk [tilespmem:v2+s21+$0x20 ss:$0x1], $0xffff  }
0x23f: {  	v14 =	vbroadcast v6, $0x7;
	v19 =	vmul.f32 v15, v24;
	[tilespmem:v2+s10+$0x1E0 ss:$0x1] =	vst.idx.msk $0xffff, v10  }
0x240: {  	v15 =	vbroadcast v7, $0x5;
	v10 =	vmul.f32 v17, v11;
	[tilespmem:v2+s16+$0x1A0 ss:$0x1] =	vst.idx.msk $0xffff, v13;
	v22 =	vld.idx.msk [tilespmem:v2+s10+$0x1F0 ss:$0x1], $0xffff  }
0x241: {  	v17 =	vbroadcast v8, $0x3;
	v12 =	vmul.f32 v12, v14;
	[tilespmem:v2+s4+$0x160 ss:$0x1] =	vst.idx.msk $0xffff, v19;
	v25 =	vld.idx.msk [tilespmem:v2+s16+$0x1B0 ss:$0x1], $0xffff  }
0x242: {  	v19 =	vbroadcast v9, $0x1;
	v16 =	vmul.f32 v16, v15;
	[tilespmem:v2+s17+$0x120 ss:$0x1] =	vst.idx.msk $0xffff, v10;
	v26 =	vld.idx.msk [tilespmem:v2+s4+$0x170 ss:$0x1], $0xffff  }
0x243: {  	v10 =	vmul.f32 v18, v17;
	[tilespmem:v2+s18+$0xE0 ss:$0x1] =	vst.idx.msk $0xffff, v12;
	v13 =	vld.idx.msk [tilespmem:v2+s17+$0x130 ss:$0x1], $0xffff  }
.Ltmp6:
0x244: {  	v12 =	vmul.f32 v20, v19;
	[tilespmem:v2+s19+$0xA0 ss:$0x1] =	vst.idx.msk $0xffff, v16;
	v16 =	vld.idx.msk [tilespmem:v2+s18+$0xF0 ss:$0x1], $0xffff;
	(pc) =	sbr.rel @p1 .LBB2_14-.Ltmp6, $4  }
0x245: {  	[tilespmem:v2+s20+$0x60 ss:$0x1] =	vst.idx.msk $0xffff, v10;
	v18 =	vld.idx.msk [tilespmem:v2+s19+$0xB0 ss:$0x1], $0xffff  }
0x246: {  	v22 =	vmul.f32 v22, v21;
	[tilespmem:v2+s21+$0x20 ss:$0x1] =	vst.idx.msk $0xffff, v12;
	v20 =	vld.idx.msk [tilespmem:v2+s20+$0x70 ss:$0x1], $0xffff  }
0x247: {  	v10 =	vmul.f32 v25, v23;
	v21 =	vld.idx.msk [tilespmem:v2+s21+$0x30 ss:$0x1], $0xffff  }
0x248: {  	s2 =	sadd.s32 $0x10, s2;
	v12 =	vmul.f32 v26, v24;
	[tilespmem:v2+s10+$0x1F0 ss:$0x1] =	vst.idx.msk $0xffff, v22;
	s10 =	smov.u32 s16;
	s16 =	smov.u32 s4  }
0x249: {  	_ =	sdelay $0x2  }
0x24a: {  	v19 =	vmul.f32 v21, v19;
	_ =	sdelay $0x1  }
0x24b: {  	[tilespmem:v2+s21+$0x30 ss:$0x1] =	vst.idx.msk $0xffff, v19  }
0x24c: {  	v19 =	vld.idx.msk [tilespmem:v2+s21+$0x40 ss:$0x1], $0xffff;
	_ =	sdelay $0x2  }
0x24d: {  	v52 =	vbroadcast v9, $0x2;
	_ =	sdelay $0x1  }
0x24e: {  	v19 =	vmul.f32 v19, v52;
	_ =	sdelay $0x1  }
0x24f: {  	[tilespmem:v2+s21+$0x40 ss:$0x1] =	vst.idx.msk $0xffff, v19  }
0x250: {  	v19 =	vld.idx.msk [tilespmem:v2+s21+$0x50 ss:$0x1], $0xffff;
	_ =	sdelay $0x4  }
0x251: {  	v19 =	vmul.f32 v19, v52;
	_ =	sdelay $0x1  }
0x252: {  	[tilespmem:v2+s21+$0x50 ss:$0x1] =	vst.idx.msk $0xffff, v19  }
0x253: {  	v19 =	vld.idx.msk [tilespmem:v2+s21+$0x60 ss:$0x1], $0xffff;
	_ =	sdelay $0x2  }
0x254: {  	v53 =	vbroadcast v9, $0x3;
	_ =	sdelay $0x1  }
0x255: {  	v19 =	vmul.f32 v19, v53;
	_ =	sdelay $0x1  }
0x256: {  	[tilespmem:v2+s21+$0x60 ss:$0x1] =	vst.idx.msk $0xffff, v19  }
0x257: {  	v19 =	vld.idx.msk [tilespmem:v2+s21+$0x70 ss:$0x1], $0xffff  }
0x258: {  	v17 =	vmul.f32 v20, v17;
	_ =	sdelay $0x1  }
0x259: {  	[tilespmem:v2+s20+$0x70 ss:$0x1] =	vst.idx.msk $0xffff, v17  }
0x25a: {  	v17 =	vld.idx.msk [tilespmem:v2+s20+$0x80 ss:$0x1], $0xffff  }
0x25b: {  	v19 =	vmul.f32 v19, v53;
	_ =	sdelay $0x1  }
0x25c: {  	v54 =	vbroadcast v8, $0x4;
	[tilespmem:v2+s21+$0x70 ss:$0x1] =	vst.idx.msk $0xffff, v19  }
0x25d: {  	v19 =	vld.idx.msk [tilespmem:v2+s21+$0x80 ss:$0x1], $0xffff  }
0x25e: {  	v17 =	vmul.f32 v17, v54;
	_ =	sdelay $0x1  }
0x25f: {  	v55 =	vbroadcast v9, $0x4;
	[tilespmem:v2+s20+$0x80 ss:$0x1] =	vst.idx.msk $0xffff, v17  }
0x260: {  	v17 =	vld.idx.msk [tilespmem:v2+s20+$0x90 ss:$0x1], $0xffff  }
0x261: {  	v19 =	vmul.f32 v19, v55;
	_ =	sdelay $0x1  }
0x262: {  	[tilespmem:v2+s21+$0x80 ss:$0x1] =	vst.idx.msk $0xffff, v19  }
0x263: {  	v19 =	vld.idx.msk [tilespmem:v2+s21+$0x90 ss:$0x1], $0xffff  }
0x264: {  	v17 =	vmul.f32 v17, v54;
	_ =	sdelay $0x1  }
0x265: {  	[tilespmem:v2+s20+$0x90 ss:$0x1] =	vst.idx.msk $0xffff, v17  }
0x266: {  	v17 =	vld.idx.msk [tilespmem:v2+s20+$0xA0 ss:$0x1], $0xffff  }
0x267: {  	v19 =	vmul.f32 v19, v55;
	_ =	sdelay $0x1  }
0x268: {  	v56 =	vbroadcast v8, $0x5;
	[tilespmem:v2+s21+$0x90 ss:$0x1] =	vst.idx.msk $0xffff, v19  }
0x269: {  	v19 =	vld.idx.msk [tilespmem:v2+s21+$0xA0 ss:$0x1], $0xffff  }
0x26a: {  	v17 =	vmul.f32 v17, v56;
	_ =	sdelay $0x1  }
0x26b: {  	v57 =	vbroadcast v9, $0x5;
	[tilespmem:v2+s20+$0xA0 ss:$0x1] =	vst.idx.msk $0xffff, v17  }
0x26c: {  	v17 =	vld.idx.msk [tilespmem:v2+s20+$0xB0 ss:$0x1], $0xffff  }
0x26d: {  	v19 =	vmul.f32 v19, v57;
	_ =	sdelay $0x1  }
0x26e: {  	[tilespmem:v2+s21+$0xA0 ss:$0x1] =	vst.idx.msk $0xffff, v19  }
0x26f: {  	v19 =	vld.idx.msk [tilespmem:v2+s21+$0xB0 ss:$0x1], $0xffff  }
0x270: {  	v17 =	vmul.f32 v17, v56;
	_ =	sdelay $0x1  }
0x271: {  	v15 =	vmul.f32 v18, v15;
	[tilespmem:v2+s20+$0xB0 ss:$0x1] =	vst.idx.msk $0xffff, v17  }
0x272: {  	v17 =	vld.idx.msk [tilespmem:v2+s20+$0xC0 ss:$0x1], $0xffff  }
0x273: {  	[tilespmem:v2+s19+$0xB0 ss:$0x1] =	vst.idx.msk $0xffff, v15;
	v58 =	vmul.f32 v19, v57  }
0x274: {  	v59 =	vld.idx.msk [tilespmem:v2+s19+$0xC0 ss:$0x1], $0xffff  }
0x275: {  	v61 =	vbroadcast v8, $0x6;
	[tilespmem:v2+s21+$0xB0 ss:$0x1] =	vst.idx.msk $0xffff, v58  }
0x276: {  	v15 =	vld.idx.msk [tilespmem:v2+s21+$0xC0 ss:$0x1], $0xffff  }
0x277: {  	v60 =	vbroadcast v7, $0x6;
	v17 =	vmul.f32 v17, v61;
	_ =	sdelay $0x1  }
0x278: {  	v62 =	vbroadcast v9, $0x6;
	v18 =	vmul.f32 v59, v60;
	[tilespmem:v2+s20+$0xC0 ss:$0x1] =	vst.idx.msk $0xffff, v17  }
0x279: {  	v17 =	vld.idx.msk [tilespmem:v2+s20+$0xD0 ss:$0x1], $0xffff  }
0x27a: {  	[tilespmem:v2+s19+$0xC0 ss:$0x1] =	vst.idx.msk $0xffff, v18;
	v15 =	vmul.f32 v15, v62  }
0x27b: {  	v18 =	vld.idx.msk [tilespmem:v2+s19+$0xD0 ss:$0x1], $0xffff  }
0x27c: {  	[tilespmem:v2+s21+$0xC0 ss:$0x1] =	vst.idx.msk $0xffff, v15  }
0x27d: {  	v15 =	vld.idx.msk [tilespmem:v2+s21+$0xD0 ss:$0x1], $0xffff  }
0x27e: {  	v17 =	vmul.f32 v17, v61;
	_ =	sdelay $0x1  }
0x27f: {  	v18 =	vmul.f32 v18, v60;
	[tilespmem:v2+s20+$0xD0 ss:$0x1] =	vst.idx.msk $0xffff, v17  }
0x280: {  	v17 =	vld.idx.msk [tilespmem:v2+s20+$0xE0 ss:$0x1], $0xffff  }
0x281: {  	[tilespmem:v2+s19+$0xD0 ss:$0x1] =	vst.idx.msk $0xffff, v18;
	v15 =	vmul.f32 v15, v62  }
0x282: {  	v18 =	vld.idx.msk [tilespmem:v2+s19+$0xE0 ss:$0x1], $0xffff  }
0x283: {  	v24 =	vbroadcast v8, $0x7;
	[tilespmem:v2+s21+$0xD0 ss:$0x1] =	vst.idx.msk $0xffff, v15  }
0x284: {  	v15 =	vld.idx.msk [tilespmem:v2+s21+$0xE0 ss:$0x1], $0xffff  }
0x285: {  	v63 =	vbroadcast v7, $0x7;
	v17 =	vmul.f32 v17, v24;
	_ =	sdelay $0x1  }
0x286: {  	v25 =	vbroadcast v9, $0x7;
	v18 =	vmul.f32 v18, v63;
	[tilespmem:v2+s20+$0xE0 ss:$0x1] =	vst.idx.msk $0xffff, v17  }
0x287: {  	v17 =	vld.idx.msk [tilespmem:v2+s20+$0xF0 ss:$0x1], $0xffff  }
0x288: {  	[tilespmem:v2+s19+$0xE0 ss:$0x1] =	vst.idx.msk $0xffff, v18;
	v15 =	vmul.f32 v15, v25  }
0x289: {  	v18 =	vld.idx.msk [tilespmem:v2+s19+$0xF0 ss:$0x1], $0xffff  }
0x28a: {  	[tilespmem:v2+s21+$0xE0 ss:$0x1] =	vst.idx.msk $0xffff, v15  }
0x28b: {  	v15 =	vld.idx.msk [tilespmem:v2+s21+$0xF0 ss:$0x1], $0xffff  }
0x28c: {  	v27 =	vmul.f32 v17, v24  }
0x28d: {  	v14 =	vmul.f32 v16, v14  }
0x28e: {  	v26 =	vmul.f32 v18, v63;
	[tilespmem:v2+s20+$0xF0 ss:$0x1] =	vst.idx.msk $0xffff, v27  }
0x28f: {  	[tilespmem:v2+s18+$0xF0 ss:$0x1] =	vst.idx.msk $0xffff, v14;
	v14 =	vld.idx.msk [tilespmem:v2+s20+$0x100 ss:$0x1], $0xffff  }
0x290: {  	v28 =	vld.idx.msk [tilespmem:v2+s18+$0x100 ss:$0x1], $0xffff;
	[tilespmem:v2+s19+$0xF0 ss:$0x1] =	vst.idx.msk $0xffff, v26;
	v15 =	vmul.f32 v15, v25  }
0x291: {  	v16 =	vld.idx.msk [tilespmem:v2+s19+$0x100 ss:$0x1], $0xffff  }
0x292: {  	v32 =	vbroadcast v8, $0x8;
	[tilespmem:v2+s21+$0xF0 ss:$0x1] =	vst.idx.msk $0xffff, v15  }
0x293: {  	v29 =	vbroadcast v6, $0x8;
	v30 =	vld.idx.msk [tilespmem:v2+s21+$0x100 ss:$0x1], $0xffff  }
0x294: {  	v31 =	vbroadcast v7, $0x8;
	v14 =	vmul.f32 v14, v32  }
0x295: {  	v17 =	vmul.f32 v28, v29  }
0x296: {  	v33 =	vbroadcast v9, $0x8;
	v16 =	vmul.f32 v16, v31;
	[tilespmem:v2+s20+$0x100 ss:$0x1] =	vst.idx.msk $0xffff, v14  }
0x297: {  	[tilespmem:v2+s18+$0x100 ss:$0x1] =	vst.idx.msk $0xffff, v17;
	v14 =	vld.idx.msk [tilespmem:v2+s20+$0x110 ss:$0x1], $0xffff  }
0x298: {  	[tilespmem:v2+s19+$0x100 ss:$0x1] =	vst.idx.msk $0xffff, v16;
	v17 =	vld.idx.msk [tilespmem:v2+s18+$0x110 ss:$0x1], $0xffff;
	v34 =	vmul.f32 v30, v33  }
0x299: {  	v35 =	vld.idx.msk [tilespmem:v2+s19+$0x110 ss:$0x1], $0xffff  }
0x29a: {  	[tilespmem:v2+s21+$0x100 ss:$0x1] =	vst.idx.msk $0xffff, v34  }
0x29b: {  	v16 =	vld.idx.msk [tilespmem:v2+s21+$0x110 ss:$0x1], $0xffff  }
0x29c: {  	v14 =	vmul.f32 v14, v32  }
0x29d: {  	v15 =	vmul.f32 v17, v29  }
0x29e: {  	v36 =	vmul.f32 v35, v31;
	[tilespmem:v2+s20+$0x110 ss:$0x1] =	vst.idx.msk $0xffff, v14  }
0x29f: {  	v14 =	vld.idx.msk [tilespmem:v2+s20+$0x120 ss:$0x1], $0xffff;
	[tilespmem:v2+s18+$0x110 ss:$0x1] =	vst.idx.msk $0xffff, v15  }
0x2a0: {  	[tilespmem:v2+s19+$0x110 ss:$0x1] =	vst.idx.msk $0xffff, v36;
	v15 =	vld.idx.msk [tilespmem:v2+s18+$0x120 ss:$0x1], $0xffff;
	v16 =	vmul.f32 v16, v33  }
0x2a1: {  	v17 =	vld.idx.msk [tilespmem:v2+s19+$0x120 ss:$0x1], $0xffff  }
0x2a2: {  	v40 =	vbroadcast v8, $0x9;
	[tilespmem:v2+s21+$0x110 ss:$0x1] =	vst.idx.msk $0xffff, v16  }
0x2a3: {  	v37 =	vbroadcast v6, $0x9;
	v38 =	vld.idx.msk [tilespmem:v2+s21+$0x120 ss:$0x1], $0xffff  }
0x2a4: {  	v39 =	vbroadcast v7, $0x9;
	v14 =	vmul.f32 v14, v40  }
0x2a5: {  	v15 =	vmul.f32 v15, v37  }
0x2a6: {  	v41 =	vbroadcast v9, $0x9;
	[tilespmem:v2+s20+$0x120 ss:$0x1] =	vst.idx.msk $0xffff, v14;
	v17 =	vmul.f32 v17, v39  }
0x2a7: {  	v14 =	vld.idx.msk [tilespmem:v2+s20+$0x130 ss:$0x1], $0xffff;
	[tilespmem:v2+s18+$0x120 ss:$0x1] =	vst.idx.msk $0xffff, v15  }
0x2a8: {  	[tilespmem:v2+s19+$0x120 ss:$0x1] =	vst.idx.msk $0xffff, v17;
	v15 =	vld.idx.msk [tilespmem:v2+s18+$0x130 ss:$0x1], $0xffff;
	v42 =	vmul.f32 v38, v41  }
0x2a9: {  	v43 =	vld.idx.msk [tilespmem:v2+s19+$0x130 ss:$0x1], $0xffff  }
0x2aa: {  	[tilespmem:v2+s21+$0x120 ss:$0x1] =	vst.idx.msk $0xffff, v42  }
0x2ab: {  	v11 =	vmul.f32 v13, v11;
	v17 =	vld.idx.msk [tilespmem:v2+s21+$0x130 ss:$0x1], $0xffff  }
0x2ac: {  	v47 =	vmul.f32 v14, v40  }
0x2ad: {  	[tilespmem:v2+s17+$0x130 ss:$0x1] =	vst.idx.msk $0xffff, v11;
	v44 =	vmul.f32 v15, v37  }
0x2ae: {  	v46 =	vld.idx.msk [tilespmem:v2+s17+$0x140 ss:$0x1], $0xffff;
	[tilespmem:v2+s20+$0x130 ss:$0x1] =	vst.idx.msk $0xffff, v47;
	v45 =	vmul.f32 v43, v39  }
0x2af: {  	v52 =	vld.idx.msk [tilespmem:v2+s20+$0x140 ss:$0x1], $0xffff;
	[tilespmem:v2+s18+$0x130 ss:$0x1] =	vst.idx.msk $0xffff, v44  }
0x2b0: {  	[tilespmem:v2+s19+$0x130 ss:$0x1] =	vst.idx.msk $0xffff, v45;
	v48 =	vld.idx.msk [tilespmem:v2+s18+$0x140 ss:$0x1], $0xffff;
	v49 =	vmul.f32 v17, v41  }
0x2b1: {  	v51 =	vbroadcast v5, $0xA;
	v50 =	vld.idx.msk [tilespmem:v2+s19+$0x140 ss:$0x1], $0xffff  }
0x2b2: {  	v56 =	vbroadcast v8, $0xA;
	[tilespmem:v2+s21+$0x130 ss:$0x1] =	vst.idx.msk $0xffff, v49  }
0x2b3: {  	v53 =	vbroadcast v6, $0xA;
	v15 =	vmul.f32 v46, v51;
	v54 =	vld.idx.msk [tilespmem:v2+s21+$0x140 ss:$0x1], $0xffff  }
0x2b4: {  	v55 =	vbroadcast v7, $0xA;
	v60 =	vmul.f32 v52, v56  }
0x2b5: {  	[tilespmem:v2+s17+$0x140 ss:$0x1] =	vst.idx.msk $0xffff, v15;
	v14 =	vmul.f32 v48, v53  }
0x2b6: {  	v58 =	vbroadcast v9, $0xA;
	[tilespmem:v2+s20+$0x140 ss:$0x1] =	vst.idx.msk $0xffff, v60;
	v59 =	vld.idx.msk [tilespmem:v2+s17+$0x150 ss:$0x1], $0xffff;
	v57 =	vmul.f32 v50, v55  }
0x2b7: {  	[tilespmem:v2+s18+$0x140 ss:$0x1] =	vst.idx.msk $0xffff, v14;
	v14 =	vld.idx.msk [tilespmem:v2+s20+$0x150 ss:$0x1], $0xffff  }
0x2b8: {  	[tilespmem:v2+s19+$0x140 ss:$0x1] =	vst.idx.msk $0xffff, v57;
	v61 =	vld.idx.msk [tilespmem:v2+s18+$0x150 ss:$0x1], $0xffff;
	v62 =	vmul.f32 v54, v58  }
0x2b9: {  	v63 =	vld.idx.msk [tilespmem:v2+s19+$0x150 ss:$0x1], $0xffff  }
0x2ba: {  	[tilespmem:v2+s21+$0x140 ss:$0x1] =	vst.idx.msk $0xffff, v62  }
0x2bb: {  	v13 =	vmul.f32 v59, v51;
	v15 =	vld.idx.msk [tilespmem:v2+s21+$0x150 ss:$0x1], $0xffff  }
0x2bc: {  	v24 =	vmul.f32 v14, v56  }
0x2bd: {  	[tilespmem:v2+s17+$0x150 ss:$0x1] =	vst.idx.msk $0xffff, v13;
	v11 =	vmul.f32 v61, v53  }
0x2be: {  	v23 =	vld.idx.msk [tilespmem:v2+s17+$0x160 ss:$0x1], $0xffff;
	v22 =	vmul.f32 v63, v55;
	[tilespmem:v2+s20+$0x150 ss:$0x1] =	vst.idx.msk $0xffff, v24  }
0x2bf: {  	[tilespmem:v2+s18+$0x150 ss:$0x1] =	vst.idx.msk $0xffff, v11;
	v29 =	vld.idx.msk [tilespmem:v2+s20+$0x160 ss:$0x1], $0xffff  }
0x2c0: {  	[tilespmem:v2+s19+$0x150 ss:$0x1] =	vst.idx.msk $0xffff, v22;
	v25 =	vld.idx.msk [tilespmem:v2+s18+$0x160 ss:$0x1], $0xffff;
	v26 =	vmul.f32 v15, v58  }
0x2c1: {  	v28 =	vbroadcast v5, $0xB;
	v27 =	vld.idx.msk [tilespmem:v2+s19+$0x160 ss:$0x1], $0xffff  }
0x2c2: {  	v33 =	vbroadcast v8, $0xB;
	[tilespmem:v2+s21+$0x150 ss:$0x1] =	vst.idx.msk $0xffff, v26  }
0x2c3: {  	v30 =	vbroadcast v6, $0xB;
	v17 =	vmul.f32 v23, v28;
	v31 =	vld.idx.msk [tilespmem:v2+s21+$0x160 ss:$0x1], $0xffff  }
0x2c4: {  	v32 =	vbroadcast v7, $0xB;
	v36 =	vmul.f32 v29, v33  }
0x2c5: {  	[tilespmem:v2+s17+$0x160 ss:$0x1] =	vst.idx.msk $0xffff, v17;
	v14 =	vmul.f32 v25, v30  }
0x2c6: {  	v34 =	vbroadcast v9, $0xB;
	v35 =	vld.idx.msk [tilespmem:v2+s17+$0x170 ss:$0x1], $0xffff;
	[tilespmem:v2+s20+$0x160 ss:$0x1] =	vst.idx.msk $0xffff, v36;
	v15 =	vmul.f32 v27, v32  }
0x2c7: {  	[tilespmem:v2+s18+$0x160 ss:$0x1] =	vst.idx.msk $0xffff, v14  }
0x2c8: {  	v14 =	vld.idx.msk [tilespmem:v2+s20+$0x170 ss:$0x1], $0xffff;
	[tilespmem:v2+s19+$0x160 ss:$0x1] =	vst.idx.msk $0xffff, v15;
	v38 =	vmul.f32 v31, v34  }
0x2c9: {  	v39 =	vld.idx.msk [tilespmem:v2+s19+$0x170 ss:$0x1], $0xffff  }
0x2ca: {  	v37 =	vld.idx.msk [tilespmem:v2+s18+$0x170 ss:$0x1], $0xffff;
	[tilespmem:v2+s21+$0x160 ss:$0x1] =	vst.idx.msk $0xffff, v38  }
0x2cb: {  	v11 =	vmul.f32 v35, v28;
	v15 =	vld.idx.msk [tilespmem:v2+s21+$0x170 ss:$0x1], $0xffff;
	_ =	sdelay $0x1  }
0x2cc: {  	[tilespmem:v2+s17+$0x170 ss:$0x1] =	vst.idx.msk $0xffff, v11;
	v44 =	vmul.f32 v14, v33  }
0x2cd: {  	[tilespmem:v2+s16+$0x170 ss:$0x1] =	vst.idx.msk $0xffff, v12;
	v43 =	vld.idx.msk [tilespmem:v2+s17+$0x180 ss:$0x1], $0xffff;
	v42 =	vmul.f32 v39, v32  }
0x2ce: {  	v41 =	vld.idx.msk [tilespmem:v2+s16+$0x180 ss:$0x1], $0xffff;
	v40 =	vmul.f32 v37, v30;
	[tilespmem:v2+s20+$0x170 ss:$0x1] =	vst.idx.msk $0xffff, v44  }
0x2cf: {  	v50 =	vld.idx.msk [tilespmem:v2+s20+$0x180 ss:$0x1], $0xffff;
	[tilespmem:v2+s19+$0x170 ss:$0x1] =	vst.idx.msk $0xffff, v42;
	v46 =	vmul.f32 v15, v34  }
0x2d0: {  	v49 =	vbroadcast v5, $0xC;
	[tilespmem:v2+s18+$0x170 ss:$0x1] =	vst.idx.msk $0xffff, v40;
	v48 =	vld.idx.msk [tilespmem:v2+s19+$0x180 ss:$0x1], $0xffff  }
0x2d1: {  	v47 =	vbroadcast v4, $0xC;
	v45 =	vld.idx.msk [tilespmem:v2+s18+$0x180 ss:$0x1], $0xffff;
	[tilespmem:v2+s21+$0x170 ss:$0x1] =	vst.idx.msk $0xffff, v46  }
0x2d2: {  	v56 =	vbroadcast v8, $0xC;
	v16 =	vmul.f32 v43, v49;
	v53 =	vld.idx.msk [tilespmem:v2+s21+$0x180 ss:$0x1], $0xffff  }
0x2d3: {  	v51 =	vmul.f32 v41, v47;
	v54 =	vbroadcast v7, $0xC  }
0x2d4: {  	v52 =	vbroadcast v6, $0xC;
	[tilespmem:v2+s17+$0x180 ss:$0x1] =	vst.idx.msk $0xffff, v16;
	v60 =	vmul.f32 v50, v56  }
0x2d5: {  	v59 =	vbroadcast v9, $0xC;
	[tilespmem:v2+s16+$0x180 ss:$0x1] =	vst.idx.msk $0xffff, v51;
	v22 =	vld.idx.msk [tilespmem:v2+s17+$0x190 ss:$0x1], $0xffff;
	v58 =	vmul.f32 v48, v54  }
0x2d6: {  	v57 =	vld.idx.msk [tilespmem:v2+s16+$0x190 ss:$0x1], $0xffff;
	v55 =	vmul.f32 v45, v52;
	[tilespmem:v2+s20+$0x180 ss:$0x1] =	vst.idx.msk $0xffff, v60  }
0x2d7: {  	v11 =	vld.idx.msk [tilespmem:v2+s20+$0x190 ss:$0x1], $0xffff;
	[tilespmem:v2+s19+$0x180 ss:$0x1] =	vst.idx.msk $0xffff, v58;
	v62 =	vmul.f32 v53, v59  }
0x2d8: {  	[tilespmem:v2+s18+$0x180 ss:$0x1] =	vst.idx.msk $0xffff, v55;
	v63 =	vld.idx.msk [tilespmem:v2+s19+$0x190 ss:$0x1], $0xffff  }
0x2d9: {  	v61 =	vld.idx.msk [tilespmem:v2+s18+$0x190 ss:$0x1], $0xffff;
	[tilespmem:v2+s21+$0x180 ss:$0x1] =	vst.idx.msk $0xffff, v62  }
0x2da: {  	v12 =	vmul.f32 v22, v49;
	v16 =	vld.idx.msk [tilespmem:v2+s21+$0x190 ss:$0x1], $0xffff  }
0x2db: {  	v15 =	vmul.f32 v57, v47  }
0x2dc: {  	[tilespmem:v2+s17+$0x190 ss:$0x1] =	vst.idx.msk $0xffff, v12;
	v11 =	vmul.f32 v11, v56  }
0x2dd: {  	v22 =	vld.idx.msk [tilespmem:v2+s17+$0x1A0 ss:$0x1], $0xffff;
	[tilespmem:v2+s16+$0x190 ss:$0x1] =	vst.idx.msk $0xffff, v15;
	v21 =	vmul.f32 v63, v54  }
0x2de: {  	v13 =	vmul.f32 v61, v52;
	v15 =	vld.idx.msk [tilespmem:v2+s16+$0x1A0 ss:$0x1], $0xffff;
	[tilespmem:v2+s20+$0x190 ss:$0x1] =	vst.idx.msk $0xffff, v11  }
0x2df: {  	v27 =	vld.idx.msk [tilespmem:v2+s20+$0x1A0 ss:$0x1], $0xffff;
	[tilespmem:v2+s19+$0x190 ss:$0x1] =	vst.idx.msk $0xffff, v21;
	v23 =	vmul.f32 v16, v59  }
0x2e0: {  	v26 =	vbroadcast v5, $0xD;
	[tilespmem:v2+s18+$0x190 ss:$0x1] =	vst.idx.msk $0xffff, v13;
	v25 =	vld.idx.msk [tilespmem:v2+s19+$0x1A0 ss:$0x1], $0xffff  }
0x2e1: {  	v24 =	vbroadcast v4, $0xD;
	v13 =	vld.idx.msk [tilespmem:v2+s18+$0x1A0 ss:$0x1], $0xffff;
	[tilespmem:v2+s21+$0x190 ss:$0x1] =	vst.idx.msk $0xffff, v23  }
0x2e2: {  	v33 =	vbroadcast v8, $0xD;
	v18 =	vmul.f32 v22, v26;
	v30 =	vld.idx.msk [tilespmem:v2+s21+$0x1A0 ss:$0x1], $0xffff  }
0x2e3: {  	v31 =	vbroadcast v7, $0xD;
	v28 =	vmul.f32 v15, v24  }
0x2e4: {  	v29 =	vbroadcast v6, $0xD;
	[tilespmem:v2+s17+$0x1A0 ss:$0x1] =	vst.idx.msk $0xffff, v18;
	v37 =	vmul.f32 v27, v33  }
0x2e5: {  	v35 =	vbroadcast v9, $0xD;
	v36 =	vld.idx.msk [tilespmem:v2+s17+$0x1B0 ss:$0x1], $0xffff;
	[tilespmem:v2+s16+$0x1A0 ss:$0x1] =	vst.idx.msk $0xffff, v28;
	v16 =	vmul.f32 v25, v31  }
0x2e6: {  	v32 =	vmul.f32 v13, v29;
	v34 =	vld.idx.msk [tilespmem:v2+s16+$0x1B0 ss:$0x1], $0xffff;
	[tilespmem:v2+s20+$0x1A0 ss:$0x1] =	vst.idx.msk $0xffff, v37  }
0x2e7: {  	v12 =	vld.idx.msk [tilespmem:v2+s20+$0x1B0 ss:$0x1], $0xffff;
	[tilespmem:v2+s19+$0x1A0 ss:$0x1] =	vst.idx.msk $0xffff, v16;
	v39 =	vmul.f32 v30, v35  }
0x2e8: {  	[tilespmem:v2+s18+$0x1A0 ss:$0x1] =	vst.idx.msk $0xffff, v32;
	v40 =	vld.idx.msk [tilespmem:v2+s19+$0x1B0 ss:$0x1], $0xffff  }
0x2e9: {  	v38 =	vld.idx.msk [tilespmem:v2+s18+$0x1B0 ss:$0x1], $0xffff;
	[tilespmem:v2+s21+$0x1A0 ss:$0x1] =	vst.idx.msk $0xffff, v39  }
0x2ea: {  	[tilespmem:v2+s10+$0x1B0 ss:$0x1] =	vst.idx.msk $0xffff, v10;
	v41 =	vmul.f32 v36, v26;
	v16 =	vld.idx.msk [tilespmem:v2+s21+$0x1B0 ss:$0x1], $0xffff  }
0x2eb: {  	v42 =	vld.idx.msk [tilespmem:v2+s10+$0x1C0 ss:$0x1], $0xffff;
	v14 =	vmul.f32 v34, v24  }
0x2ec: {  	[tilespmem:v2+s17+$0x1B0 ss:$0x1] =	vst.idx.msk $0xffff, v41;
	v12 =	vmul.f32 v12, v33  }
0x2ed: {  	v46 =	vld.idx.msk [tilespmem:v2+s17+$0x1C0 ss:$0x1], $0xffff;
	[tilespmem:v2+s16+$0x1B0 ss:$0x1] =	vst.idx.msk $0xffff, v14;
	v45 =	vmul.f32 v40, v31  }
0x2ee: {  	v47 =	vbroadcast v3, $0xE;
	v43 =	vmul.f32 v38, v29;
	v44 =	vld.idx.msk [tilespmem:v2+s16+$0x1C0 ss:$0x1], $0xffff;
	[tilespmem:v2+s20+$0x1B0 ss:$0x1] =	vst.idx.msk $0xffff, v12  }
0x2ef: {  	v52 =	vld.idx.msk [tilespmem:v2+s20+$0x1C0 ss:$0x1], $0xffff;
	[tilespmem:v2+s19+$0x1B0 ss:$0x1] =	vst.idx.msk $0xffff, v45;
	v48 =	vmul.f32 v16, v35  }
0x2f0: {  	v51 =	vbroadcast v5, $0xE;
	v11 =	vmul.f32 v42, v47;
	[tilespmem:v2+s18+$0x1B0 ss:$0x1] =	vst.idx.msk $0xffff, v43;
	v50 =	vld.idx.msk [tilespmem:v2+s19+$0x1C0 ss:$0x1], $0xffff  }
0x2f1: {  	v49 =	vbroadcast v4, $0xE;
	v14 =	vld.idx.msk [tilespmem:v2+s18+$0x1C0 ss:$0x1], $0xffff;
	[tilespmem:v2+s21+$0x1B0 ss:$0x1] =	vst.idx.msk $0xffff, v48  }
0x2f2: {  	v60 =	vbroadcast v8, $0xE;
	[tilespmem:v2+s10+$0x1C0 ss:$0x1] =	vst.idx.msk $0xffff, v11;
	v56 =	vmul.f32 v46, v51;
	v55 =	vld.idx.msk [tilespmem:v2+s21+$0x1C0 ss:$0x1], $0xffff  }
0x2f3: {  	v57 =	vbroadcast v7, $0xE;
	v58 =	vld.idx.msk [tilespmem:v2+s10+$0x1D0 ss:$0x1], $0xffff;
	v53 =	vmul.f32 v44, v49  }
0x2f4: {  	v54 =	vbroadcast v6, $0xE;
	[tilespmem:v2+s17+$0x1C0 ss:$0x1] =	vst.idx.msk $0xffff, v56;
	v24 =	vmul.f32 v52, v60  }
0x2f5: {  	v63 =	vbroadcast v9, $0xE;
	v23 =	vld.idx.msk [tilespmem:v2+s17+$0x1D0 ss:$0x1], $0xffff;
	[tilespmem:v2+s16+$0x1C0 ss:$0x1] =	vst.idx.msk $0xffff, v53;
	v62 =	vmul.f32 v50, v57  }
0x2f6: {  	v59 =	vmul.f32 v14, v54;
	v61 =	vld.idx.msk [tilespmem:v2+s16+$0x1D0 ss:$0x1], $0xffff;
	[tilespmem:v2+s20+$0x1C0 ss:$0x1] =	vst.idx.msk $0xffff, v24  }
0x2f7: {  	v29 =	vld.idx.msk [tilespmem:v2+s20+$0x1D0 ss:$0x1], $0xffff;
	[tilespmem:v2+s19+$0x1C0 ss:$0x1] =	vst.idx.msk $0xffff, v62;
	v26 =	vmul.f32 v55, v63  }
0x2f8: {  	v28 =	vmul.f32 v58, v47;
	[tilespmem:v2+s18+$0x1C0 ss:$0x1] =	vst.idx.msk $0xffff, v59;
	v27 =	vld.idx.msk [tilespmem:v2+s19+$0x1D0 ss:$0x1], $0xffff  }
0x2f9: {  	v25 =	vld.idx.msk [tilespmem:v2+s18+$0x1D0 ss:$0x1], $0xffff;
	[tilespmem:v2+s21+$0x1C0 ss:$0x1] =	vst.idx.msk $0xffff, v26  }
0x2fa: {  	[tilespmem:v2+s10+$0x1D0 ss:$0x1] =	vst.idx.msk $0xffff, v28;
	v32 =	vmul.f32 v23, v51;
	v31 =	vld.idx.msk [tilespmem:v2+s21+$0x1D0 ss:$0x1], $0xffff  }
0x2fb: {  	v33 =	vld.idx.msk [tilespmem:v2+s10+$0x1E0 ss:$0x1], $0xffff;
	v30 =	vmul.f32 v61, v49  }
0x2fc: {  	[tilespmem:v2+s17+$0x1D0 ss:$0x1] =	vst.idx.msk $0xffff, v32;
	v38 =	vmul.f32 v29, v60  }
0x2fd: {  	v37 =	vld.idx.msk [tilespmem:v2+s17+$0x1E0 ss:$0x1], $0xffff;
	[tilespmem:v2+s16+$0x1D0 ss:$0x1] =	vst.idx.msk $0xffff, v30;
	v36 =	vmul.f32 v27, v57  }
0x2fe: {  	v3 =	vbroadcast v3, $0xF;
	v34 =	vmul.f32 v25, v54;
	v35 =	vld.idx.msk [tilespmem:v2+s16+$0x1E0 ss:$0x1], $0xffff;
	[tilespmem:v2+s20+$0x1D0 ss:$0x1] =	vst.idx.msk $0xffff, v38  }
0x2ff: {  	v45 =	vld.idx.msk [tilespmem:v2+s20+$0x1E0 ss:$0x1], $0xffff;
	[tilespmem:v2+s19+$0x1D0 ss:$0x1] =	vst.idx.msk $0xffff, v36;
	v40 =	vmul.f32 v31, v63  }
0x300: {  	v43 =	vmul.f32 v33, v3;
	v44 =	vbroadcast v5, $0xF;
	[tilespmem:v2+s18+$0x1D0 ss:$0x1] =	vst.idx.msk $0xffff, v34;
	v42 =	vld.idx.msk [tilespmem:v2+s19+$0x1E0 ss:$0x1], $0xffff  }
0x301: {  	v41 =	vbroadcast v4, $0xF;
	v39 =	vld.idx.msk [tilespmem:v2+s18+$0x1E0 ss:$0x1], $0xffff;
	[tilespmem:v2+s21+$0x1D0 ss:$0x1] =	vst.idx.msk $0xffff, v40  }
0x302: {  	[tilespmem:v2+s10+$0x1E0 ss:$0x1] =	vst.idx.msk $0xffff, v43;
	v53 =	vbroadcast v8, $0xF;
	v49 =	vmul.f32 v37, v44;
	v48 =	vld.idx.msk [tilespmem:v2+s21+$0x1E0 ss:$0x1], $0xffff  }
0x303: {  	v51 =	vld.idx.msk [tilespmem:v2+s10+$0x1F0 ss:$0x1], $0xffff;
	v50 =	vbroadcast v7, $0xF;
	v46 =	vmul.f32 v35, v41  }
0x304: {  	v47 =	vbroadcast v6, $0xF;
	[tilespmem:v2+s17+$0x1E0 ss:$0x1] =	vst.idx.msk $0xffff, v49;
	v58 =	vmul.f32 v45, v53  }
0x305: {  	v56 =	vbroadcast v9, $0xF;
	v57 =	vld.idx.msk [tilespmem:v2+s17+$0x1F0 ss:$0x1], $0xffff;
	[tilespmem:v2+s16+$0x1E0 ss:$0x1] =	vst.idx.msk $0xffff, v46;
	v55 =	vmul.f32 v42, v50  }
0x306: {  	v52 =	vmul.f32 v39, v47;
	v54 =	vld.idx.msk [tilespmem:v2+s16+$0x1F0 ss:$0x1], $0xffff;
	[tilespmem:v2+s20+$0x1E0 ss:$0x1] =	vst.idx.msk $0xffff, v58  }
0x307: {  	v10 =	vld.idx.msk [tilespmem:v2+s20+$0x1F0 ss:$0x1], $0xffff;
	[tilespmem:v2+s19+$0x1E0 ss:$0x1] =	vst.idx.msk $0xffff, v55;
	v60 =	vmul.f32 v48, v56  }
0x308: {  	v3 =	vmul.f32 v51, v3;
	[tilespmem:v2+s18+$0x1E0 ss:$0x1] =	vst.idx.msk $0xffff, v52;
	v61 =	vld.idx.msk [tilespmem:v2+s19+$0x1F0 ss:$0x1], $0xffff  }
0x309: {  	v59 =	vld.idx.msk [tilespmem:v2+s18+$0x1F0 ss:$0x1], $0xffff;
	[tilespmem:v2+s21+$0x1E0 ss:$0x1] =	vst.idx.msk $0xffff, v60  }
0x30a: {  	[tilespmem:v2+s10+$0x1F0 ss:$0x1] =	vst.idx.msk $0xffff, v3;
	v3 =	vmul.f32 v57, v44;
	v11 =	vld.idx.msk [tilespmem:v2+s21+$0x1F0 ss:$0x1], $0xffff  }
0x30b: {  	v4 =	vmul.f32 v54, v41  }
0x30c: {  	[tilespmem:v2+s17+$0x1F0 ss:$0x1] =	vst.idx.msk $0xffff, v3;
	v63 =	vmul.f32 v10, v53  }
0x30d: {  	[tilespmem:v2+s16+$0x1F0 ss:$0x1] =	vst.idx.msk $0xffff, v4;
	v3 =	vmul.f32 v61, v50  }
0x30e: {  	v62 =	vmul.f32 v59, v47;
	[tilespmem:v2+s20+$0x1F0 ss:$0x1] =	vst.idx.msk $0xffff, v63  }
0x30f: {  	s13 =	sadd.s32 $0x1, s13;
	[tilespmem:v2+s19+$0x1F0 ss:$0x1] =	vst.idx.msk $0xffff, v3;
	v3 =	vmul.f32 v11, v56  }
0x310: {  	p1 =	sne.s32 s13, s15;
	[tilespmem:v2+s18+$0x1F0 ss:$0x1] =	vst.idx.msk $0xffff, v62  }
.Ltmp7:
0x311: {  	[tilespmem:v2+s21+$0x1F0 ss:$0x1] =	vst.idx.msk $0xffff, v3;
	(pc) =	sbr.rel @p1 .LBB2_4-.Ltmp7, $4  }
0x312: {  	_ =	swait.ge [sflag:s5], $0x80  }
0x313: {  	s2 =	sshrl.u32 s22, $0x2;
	s12 =	sadd.s32 $0x1, s12;
	[sflag:s5] =	ssyncset.done $0x0  }
0x314: {  	s1 =	sadd.s32 $0x1000, s1;
	s2 =	sadd.s32 $0x196A0, s2;
	[sflag:s5] =	ssyncadd.s32 $0xFFFFFF80  }
0x315: {  	[spmem:s6] =	stream.indirect.scatter.add.f32 [tilespmem:s23], [sflag:$0x5], $0x20, s2, s31, $0xb8;
	[tilespmem:$0x1EAA0] =	vst v63  }
0x316: {  	_ =	swait.ge [sflag:s26], $0x1000  }
0x317: {  	[sflag:s26] =	ssyncset.done $0x0  }
0x318: {  	[sflag:s26] =	ssyncadd.s32 $0xFFFFF000  }
0x319: {  	_ =	swait.ge [sflag:s26], $0x1000  }
0x31a: {  	[sflag:s26] =	ssyncset.done $0x0  }
0x31b: {  	[sflag:s26] =	ssyncadd.s32 $0xFFFFF000  }
0x31c: {  	_ =	swait.ge [sflag:s26], $0x1000  }
0x31d: {  	[sflag:s26] =	ssyncset.done $0x0  }
0x31e: {  	[sflag:s26] =	ssyncadd.s32 $0xFFFFF000  }
0x31f: {  	_ =	swait.ge [sflag:s26], $0x1000  }
0x320: {  	[sflag:s26] =	ssyncset.done $0x0  }
0x321: {  	[sflag:s26] =	ssyncadd.s32 $0xFFFFF000  }
0x322: {  	_ =	swait.ge [sflag:s26], $0x1000  }
0x323: {  	[sflag:s26] =	ssyncset.done $0x0  }
0x324: {  	[sflag:s26] =	ssyncadd.s32 $0xFFFFF000  }
0x325: {  	s1 =	stileid.u32;
	s8 =	simm.s32 $0x8;
	[bflag:$0x0] =	sbarrier.arrive $0xFFFF  }
0x326: {  	s22 =	simm.s32 $0x6;
	s1 =	sshll.u32 s1, $0x6;
	s16 =	rddreg [dreg:$0x7]  }
0x327: {  	s1 =	sor.u32 $0x1C06, s1;
	s4 =	rddreg [dreg:$0x13];
	s2 =	sshrl.u32 s16, $0x3  }
0x328: {  	[hbm:s4@s8], [sflag:s1] =	dma.strided [spmem:s2@s5], $0x30D4, s30, $0x4   }
0x329: {  	_ =	swait.ge [sflag:s22], $0x30D4  }
0x32a: {  	s9 =	sadd.s32 $0x1, s9;
	s23 =	rddreg [dreg:$0x14]  }
0x32b: {  	p1 =	sne.s32 s9, s23  }
.Ltmp8:
0x32c: {  	_ = 	snop;
	(pc) =	sbr.rel @p1 .LBB2_1-.Ltmp8, $3  }
0x32d: {  	_ =	sdelay $0x1  }
0x32e: {  	[sflag:s22] =	ssyncset.done $0x0  }
0x32f: {  	[sflag:s22] =	ssyncadd.s32 $0xFFFFCF2C  }
0x330: {  	_ =	sfence.sel $0x180000  }
0x331: {  	[bflag:$0x0] =	sbarrier.arrive $0xFFFF  }
0x332: {  	_ =	strace $0x90000047  }
0x333: {  	s0 =	stileid.u32;
	[bflag:$0x2] =	sbarrier.arrive $0xFFFF  }
0x334: {  	p0 =	sne.s32 s0, $0x0;
	s0 =	rddreg [dreg:$0x6]  }
0x335: {  	s0 =	sadd.s32 @!p0 $0x100000, s0  }
0x336: {  	[sflag:s0] =	ssyncadd.tile.s32 @!p0 $0x1;
	_ =	shalt  }
.Lfunc_end2:
_tile_overlayer_lowered:
.L_overlay_start_2:
0x337: {  	(tag) =	ssettag $0x2  }
0x338: {  	s0 =	rddreg [dreg:$0x0];
	s2 =	stileid.u32  }
0x339: {  	s1 =	rddreg [dreg:$0x1];
	p0 =	sne.s32 s2, $0x0  }
0x33a: {  	s3 =	rddreg [dreg:$0x2];
	[bflag:$0x3] =	sbarrier.arrive $0xFFFF;
	s2 =	simm.s32 @!p0 $0x1C06  }
0x33b: {  	[timem:s3], [sflag:s2] =	dma.local @!p0 [hbm:s0], s1  }
0x33c: {  	s0 =	simm.s32 @!p0 $0x6  }
0x33d: {  	_ =	swait.ge @!p0 [sflag:s0], s1  }
0x33e: {  	s1 =	ssub.s32 @!p0 $0x0, s1;
	[sflag:s0] =	ssyncset.done @!p0 $0x0  }
0x33f: {  	[sflag:s0] =	ssyncadd.s32 @!p0 s1  }
0x340: {  	[bflag:$0x3] =	sbarrier.arrive $0xFFFF  }
0x341: {  	_ =	shalt  }

</sc_bundles>
